<compile_context>
chip_gen: v7x
topology: tpu7x:2x2x1
jax: 0.10.2.dev20260603
libtpu: 0.0.44.dev20260713+nightly
codegen_flags: <defaults>
</compile_context>

<pallas_src>
import functools

import jax
import jax.numpy as jnp
from jax import lax
from jax.experimental import pallas as pl
from jax.experimental.pallas import tpu as pltpu
from jax.experimental.pallas import tpu_sc as plsc

NC = 2
NS = 16
NW = NC * NS
CHUNK = 128
WIN = 8
SC1_FRAC = 0.5


def _make_sc_segsum(n_nodes, n_pad_rows, c_feat, ca, cb):
    rpt = n_pad_rows // NS
    last_out = n_nodes - (NS - 1) * rpt
    n_parts = 1 if cb == 0 else NC
    mesh = plsc.VectorSubcoreMesh(
        core_axis_name="c", subcore_axis_name="s", num_cores=NC, num_subcores=NS
    )

    @functools.partial(
        pl.kernel,
        mesh=mesh,
        out_type=jax.ShapeDtypeStruct((n_parts, n_nodes, c_feat), jnp.float32),
        scratch_types=[
            pltpu.VMEM_SHARED((n_pad_rows, c_feat), jnp.float32),
            pltpu.VMEM((2, WIN * CHUNK), jnp.int32),
            pltpu.VMEM((2 * WIN, CHUNK), jnp.int32),
            pltpu.VMEM((CHUNK, c_feat), jnp.float32),
            pltpu.VMEM((CHUNK, c_feat), jnp.float32),
            pltpu.SemaphoreType.DMA,
            pltpu.SemaphoreType.DMA,
            pltpu.SemaphoreType.DMA,
            pltpu.SemaphoreType.DMA,
            pltpu.SemaphoreType.DMA,
            pltpu.SemaphoreType.DMA,
        ],
    )
    def segsum(table, src2, dst2, zeros, out, acc, sidx, didx, rows0, rows1,
               gs0, gs1, ss0, ss1, is_a, is_b):
        c = lax.axis_index("c")
        s = lax.axis_index("s")
        chunk_base = jnp.where(c == 0, s * ca, NS * ca + s * cb)
        n_win = jnp.where(c == 0, ca // WIN, cb // WIN)

        rows = (rows0, rows1)
        gsem = (gs0, gs1)
        ssem = (ss0, ss1)
        isem = (is_a, is_b)

        def fetch_idx(t, half):
            wc = chunk_base + t * WIN
            pltpu.async_copy(
                src2.at[pl.ds(wc * CHUNK, WIN * CHUNK)], sidx.at[half],
                isem[half],
            )
            pltpu.async_copy(
                dst2.at[pl.ds(wc, WIN)],
                didx.at[pl.ds(half * WIN, WIN)], isem[half],
            )

        def wait_idx(half):
            pltpu.make_async_copy(
                src2.at[pl.ds(0, WIN * CHUNK)], sidx.at[half], isem[half]
            ).wait()
            pltpu.make_async_copy(
                dst2.at[pl.ds(0, WIN)], didx.at[pl.ds(half * WIN, WIN)],
                isem[half],
            ).wait()

        def gather(half, j):
            b = j % 2
            pltpu.async_copy(
                table.at[sidx.at[half].at[pl.ds(j * CHUNK, CHUNK)]],
                rows[b], gsem[b],
            )

        def wait_gather(b):
            pltpu.make_async_copy(
                table.at[sidx.at[0].at[pl.ds(0, CHUNK)]], rows[b], gsem[b]
            ).wait()

        def scatter(half, j):
            b = j % 2
            pltpu.async_copy(rows[b], acc.at[didx.at[half * WIN + j]],
                             ssem[b], add=True)

        def wait_scatter(b):
            pltpu.make_async_copy(
                rows[b], acc.at[didx.at[0]], ssem[b]
            ).wait()

        z0 = s * rpt

        @pl.when(n_win > 0)
        def _():
            fetch_idx(0, 0)

        @pl.when((c == 0) | (n_parts > 1))
        def _():
            pltpu.sync_copy(zeros.at[pl.ds(z0, rpt)], acc.at[pl.ds(z0, rpt)])

        plsc.subcore_barrier()

        def window_pair(t2, carry):
            t = 2 * t2
            for half in (0, 1):
                @pl.when(t + half + 1 < n_win)
                def _():
                    fetch_idx(t + half + 1, 1 - half)
                wait_idx(half)
                gather(half, 0)
                gather(half, 1)
                for j in range(WIN):
                    b = j % 2
                    wait_gather(b)
                    scatter(half, j)
                    if j + 2 < WIN:
                        wait_scatter(b)
                        gather(half, j + 2)
                wait_scatter(0)
                wait_scatter(1)
            return carry

        lax.fori_loop(0, n_win // 2, window_pair, 0)
        plsc.subcore_barrier()

        o0 = s * rpt

        @pl.when((c == 0) | (n_parts > 1))
        def _():
            oc = jnp.where(c < n_parts, c, 0)

            @pl.when(s < NS - 1)
            def _():
                pltpu.sync_copy(
                    acc.at[pl.ds(o0, rpt)], out.at[oc].at[pl.ds(o0, rpt)]
                )

            @pl.when(s == NS - 1)
            def _():
                base = (NS - 1) * rpt
                pltpu.sync_copy(
                    acc.at[pl.ds(base, last_out)],
                    out.at[oc].at[pl.ds(base, last_out)],
                )

    return segsum


def _tc1_body(n_parts, x_ref, p_ref, w_ref, o_ref, stats_ref, acc_ref):
    i = pl.program_id(0)
    sv = x_ref[...] + p_ref[0]
    if n_parts > 1:
        sv = sv + p_ref[1]
    o = jnp.dot(sv, w_ref[...], preferred_element_type=jnp.float32,
                precision=lax.Precision.HIGHEST)
    o_ref[...] = o
    y = jnp.maximum(o, 0.0)

    @pl.when(i == 0)
    def _():
        acc_ref[...] = jnp.zeros_like(acc_ref)

    acc_ref[0:1] += jnp.sum(y, axis=0, keepdims=True)
    acc_ref[1:2] += jnp.sum(y * y, axis=0, keepdims=True)

    @pl.when(i == pl.num_programs(0) - 1)
    def _():
        stats_ref[...] = acc_ref[...]


def _tcbn_body(n_total, o0_ref, stats_ref, g_ref, b_ref, h_ref):
    inv_n = 1.0 / n_total
    mean = stats_ref[0:1] * inv_n
    var = stats_ref[1:2] * inv_n - mean * mean
    a = g_ref[...] * lax.rsqrt(var + 1e-5)
    bb = b_ref[...] - mean * a
    y = jnp.maximum(o0_ref[...], 0.0)
    h_ref[...] = y * a + bb


def _tc3_body(n_parts, h_ref, q_ref, w_ref, o0_ref, out_ref):
    sv = h_ref[...] + q_ref[0]
    if n_parts > 1:
        sv = sv + q_ref[1]
    o = jnp.dot(sv, w_ref[...], preferred_element_type=jnp.float32,
                precision=lax.Precision.HIGHEST)
    out_ref[...] = jnp.maximum(o + o0_ref[...], 0.0)


def kernel(x, mesh, W0, W1, gamma1, beta1):
    n = x.shape[2]
    c_feat = x.shape[1]
    n_edges = mesh.shape[1]

    X = x[0, :, :, 0].T
    src = mesh[0].astype(jnp.int32)
    dst = mesh[1].astype(jnp.int32)

    tot = -(-n_edges // (NS * CHUNK))
    gran = 2 * WIN
    cb = int(round(tot * SC1_FRAC / gran)) * gran
    ca = -(-max(tot - cb, 0) // gran) * gran
    n_parts = 1 if cb == 0 else NC
    e_pad = NS * (ca + cb) * CHUNK
    pad = e_pad - n_edges
    n_pad_rows = -(-(n + 1) // (NS * 8)) * (NS * 8)
    spare = n_pad_rows - n
    pad_iota = jnp.arange(pad, dtype=jnp.int32)
    src_p = jnp.concatenate([src, (pad_iota * 79) % n])
    dst_p = jnp.concatenate([dst, n + (pad_iota % spare)])
    dst2 = dst_p.reshape(e_pad // CHUNK, CHUNK)
    zeros = jnp.zeros((n_pad_rows, c_feat), jnp.float32)

    segsum = _make_sc_segsum(n, n_pad_rows, c_feat, ca, cb)

    bn = 2000 if n % 2000 == 0 else 1000
    grid = (n // bn,)
    blk = lambda i: (i, 0)
    p_spec = pl.BlockSpec((n_parts, bn, c_feat), lambda i: (0, i, 0))
    w_spec = pl.BlockSpec((c_feat, c_feat), lambda i: (0, 0))
    full_spec = pl.BlockSpec((bn, c_feat), blk)

    P = segsum(X, src_p, dst2, zeros)
    out0, stats = pl.pallas_call(
        functools.partial(_tc1_body, n_parts),
        grid=grid,
        in_specs=[full_spec, p_spec, w_spec],
        out_specs=[full_spec, pl.BlockSpec((2, c_feat), lambda i: (0, 0))],
        out_shape=[
            jax.ShapeDtypeStruct((n, c_feat), jnp.float32),
            jax.ShapeDtypeStruct((2, c_feat), jnp.float32),
        ],
        scratch_shapes=[pltpu.VMEM((2, c_feat), jnp.float32)],
    )(X, P, W0.T)

    H = pl.pallas_call(
        functools.partial(_tcbn_body, float(n)),
        grid=grid,
        in_specs=[
            full_spec,
            pl.BlockSpec((2, c_feat), lambda i: (0, 0)),
            pl.BlockSpec((1, c_feat), lambda i: (0, 0)),
            pl.BlockSpec((1, c_feat), lambda i: (0, 0)),
        ],
        out_specs=full_spec,
        out_shape=jax.ShapeDtypeStruct((n, c_feat), jnp.float32),
    )(out0, stats, gamma1.reshape(1, -1), beta1.reshape(1, -1))

    Q = segsum(H, src_p, dst2, zeros)
    F = pl.pallas_call(
        functools.partial(_tc3_body, n_parts),
        grid=grid,
        in_specs=[full_spec, p_spec, w_spec, full_spec],
        out_specs=full_spec,
        out_shape=jax.ShapeDtypeStruct((n, c_feat), jnp.float32),
    )(H, Q, W1.T, out0)

    return F.T[None, :, :, None]

# --- scband reference (transcript-rebuilt; emitter-appended) ---
"""Pipeline reference for scband-mres-conv-49383533969434 (READ-ONLY COPY).

The authoritative reference and input builder live on the scoring server;
editing this copy changes nothing except your own understanding.
"""

import jax, jax.numpy as jnp
import numpy as np

N_NODES = 10000
N_EDGES = 320000
C_IN = 128
C_OUT = 128

def setup_inputs(seed: int = 0) -> dict:
    key = jax.random.key(seed)
    k1, k2, k3, k4, k5, k6 = jax.random.split(key, 6)
    x = jax.random.normal(k1, (1, C_IN, N_NODES, 1), dtype=jnp.float32)
    mesh = jax.random.randint(k2, (2, N_EDGES), 0, N_NODES, dtype=jnp.int64)
    W0 = jax.random.normal(k3, (C_OUT, C_IN), dtype=jnp.float32) * (1.0 / np.sqrt(C_IN))
    W1 = jax.random.normal(k4, (C_OUT, C_OUT), dtype=jnp.float32) * (1.0 / np.sqrt(C_OUT))
    gamma1 = jnp.ones((C_OUT,), dtype=jnp.float32)
    beta1 = jnp.zeros((C_OUT,), dtype=jnp.float32)
    return {"x": x, "mesh": mesh, "W0": W0, "W1": W1, "gamma1": gamma1, "beta1": beta1}

def _mesh_conv(h, W, src, dst, n_nodes):
    # h: [B, C, N, 1]; gather neighbor features along edges and scatter-add to dst nodes,
    # then apply 1x1 conv (linear, bias=False) over (self + aggregated) features.
    hm = h[:, :, :, 0]                      # [B, C, N]
    msgs = hm[:, :, src]                    # gather -> [B, C, E]
    msgs_t = jnp.transpose(msgs, (2, 0, 1)) # [E, B, C]
    agg = jax.ops.segment_sum(msgs_t, dst, num_segments=n_nodes)  # [N, B, C]
    agg = jnp.transpose(agg, (1, 2, 0))     # [B, C, N]
    out = jnp.einsum('oc,bcn->bon', W, hm + agg)
    return out[..., None]                   # [B, C_out, N, 1]

def _batchnorm2d(h, gamma, beta, eps=1e-5):
    mean = jnp.mean(h, axis=(0, 2, 3), keepdims=True)
    var = jnp.var(h, axis=(0, 2, 3), keepdims=True)
    hn = (h - mean) / jnp.sqrt(var + eps)
    return hn * gamma[None, :, None, None] + beta[None, :, None, None]

def reference(x, mesh, W0, W1, gamma1, beta1):
    src = mesh[0]
    dst = mesh[1]
    n_nodes = x.shape[2]
    x = _mesh_conv(x, W0, src, dst, n_nodes)   # conv0
    x1 = x
    h = jax.nn.relu(x)                          # F.relu
    h = _batchnorm2d(h, gamma1, beta1)          # bn1
    x = _mesh_conv(h, W1, src, dst, n_nodes)    # conv1
    x = x + x1                                  # residual skip
    x = jax.nn.relu(x)
    return x

if __name__ == "__main__":
    import jax
    _d = setup_inputs()
    print(jax.jit(kernel)(*tuple(_d.values())))

</pallas_src>

<mosaic_0001>
#map = affine_map<(d0, d1) -> (0, 0)>
#map1 = affine_map<(d0, d1) -> (0)>
#map2 = affine_map<(d0, d1) -> (0, 0, 0)>
module attributes {stable_mosaic.version = 14 : i64} {
  func.func @segsum(%arg0: i32, %arg1: i32, %arg2: memref<10000x128xf32, #tpu.memory_space<hbm>>, %arg3: memref<327680xi32, #tpu.memory_space<hbm>>, %arg4: memref<2560x128xi32, #tpu.memory_space<hbm>>, %arg5: memref<10112x128xf32, #tpu.memory_space<hbm>>, %arg6: memref<2x10000x128xf32, #tpu.memory_space<hbm>>, %arg7: memref<10112x128xf32, #tpu.memory_space<vmem_shared>>, %arg8: memref<2x1024xi32, #tpu.memory_space<vmem>>, %arg9: memref<16x128xi32, #tpu.memory_space<vmem>>, %arg10: memref<128x128xf32, #tpu.memory_space<vmem>>, %arg11: memref<128x128xf32, #tpu.memory_space<vmem>>, %arg12: memref<!tpu.dma_semaphore, #tpu.memory_space<semaphore_mem>>, %arg13: memref<!tpu.dma_semaphore, #tpu.memory_space<semaphore_mem>>, %arg14: memref<!tpu.dma_semaphore, #tpu.memory_space<semaphore_mem>>, %arg15: memref<!tpu.dma_semaphore, #tpu.memory_space<semaphore_mem>>, %arg16: memref<!tpu.dma_semaphore, #tpu.memory_space<semaphore_mem>>, %arg17: memref<!tpu.dma_semaphore, #tpu.memory_space<semaphore_mem>>) attributes {dimension_semantics = [#tpu.dimension_semantics<core_parallel>, #tpu.dimension_semantics<subcore_parallel>], iteration_bounds = array<i64: 2, 16>, scalar_prefetch = 0 : i64, scratch_operands = 11 : i64, tpu.core_type = #tpu.core_type<sc_vector_subcore>, window_params = [{transform_indices = #map}, {transform_indices = #map1}, {transform_indices = #map}, {transform_indices = #map}, {transform_indices = #map2}]} {
    %eq3A = arith.constant 0 : i32
    %eq3A_0 = arith.cmpi eq, %arg0, %eq3A : i32
    %mul3A = arith.constant 80 : i32
    %mul3A_1 = arith.muli %arg1, %mul3A : i32
    %mul3A_2 = arith.constant 80 : i32
    %mul3A_3 = arith.muli %arg1, %mul3A_2 : i32
    %add3A = arith.constant 1280 : i32
    %add3A_4 = arith.addi %add3A, %mul3A_3 : i32
    %select_n3A = arith.select %eq3A_0, %mul3A_1, %add3A_4 : i32
    %eq3A_5 = arith.constant 0 : i32
    %eq3A_6 = arith.cmpi eq, %arg0, %eq3A_5 : i32
    %jit3A = arith.constant 10 : i32
    %jit3A_7 = arith.constant 10 : i32
    %select_n3A_8 = arith.select %eq3A_6, %jit3A, %jit3A_7 : i32
    %mul3A_9 = arith.constant 632 : i32
    %mul3A_10 = arith.muli %arg1, %mul3A_9 : i32
    %gt3A = arith.constant 0 : i32
    %gt3A_11 = arith.cmpi sgt, %select_n3A_8, %gt3A : i32
    %convert_element_type3A = arith.extui %gt3A_11 : i1 to i32
    %cond3A = arith.constant 0 : i32
    %cond3A_12 = arith.cmpi ne, %convert_element_type3A, %cond3A : i32
    scf.if %cond3A_12 {
      %add3A_56 = arith.constant 0 : i32
      %add3A_57 = arith.addi %select_n3A, %add3A_56 : i32
      %mul3A_58 = arith.constant 128 : i32
      %mul3A_59 = arith.muli %add3A_57, %mul3A_58 : i32
      %dma_start3A = arith.constant 0 : i32
      %dma_start3A_60 = arith.constant 0 : i32
      %dma_start3A_61 = tpu.memref_slice %arg8[%dma_start3A, %dma_start3A_60] : memref<2x1024xi32, #tpu.memory_space<vmem>> -> memref<1x1024xi32, #tpu.memory_space<vmem>>
      %dma_start3A_62 = tpu.memref_squeeze %dma_start3A_61 : memref<1x1024xi32, #tpu.memory_space<vmem>> -> memref<1024xi32, #tpu.memory_space<vmem>>
      %dma_start3A_63 = tpu.memref_slice %arg3[%mul3A_59] : memref<327680xi32, #tpu.memory_space<hbm>> -> memref<1024xi32, #tpu.memory_space<hbm>>
      %dma_start3A_64 = arith.constant 0 : i32
      %dma_start3A_65 = tpu.memref_slice %arg8[%dma_start3A, %dma_start3A_64] : memref<2x1024xi32, #tpu.memory_space<vmem>> -> memref<1x1024xi32, #tpu.memory_space<vmem>>
      %dma_start3A_66 = tpu.memref_squeeze %dma_start3A_65 : memref<1x1024xi32, #tpu.memory_space<vmem>> -> memref<1024xi32, #tpu.memory_space<vmem>>
      %dma_start3A_67 = tpu.memref_slice %arg3[%mul3A_59] : memref<327680xi32, #tpu.memory_space<hbm>> -> memref<1024xi32, #tpu.memory_space<hbm>>
      tpu.enqueue_dma source(%dma_start3A_67 : memref<1024xi32, #tpu.memory_space<hbm>>) target(%dma_start3A_66 : memref<1024xi32, #tpu.memory_space<vmem>>) target_semaphore(%arg16 : memref<!tpu.dma_semaphore, #tpu.memory_space<semaphore_mem>>)
      %dma_start3A_68 = arith.constant 0 : i32
      %dma_start3A_69 = arith.constant 0 : i32
      %dma_start3A_70 = tpu.memref_slice %arg9[%dma_start3A_68, %dma_start3A_69] : memref<16x128xi32, #tpu.memory_space<vmem>> -> memref<8x128xi32, #tpu.memory_space<vmem>>
      %dma_start3A_71 = arith.constant 0 : i32
      %dma_start3A_72 = tpu.memref_slice %arg4[%add3A_57, %dma_start3A_71] : memref<2560x128xi32, #tpu.memory_space<hbm>> -> memref<8x128xi32, #tpu.memory_space<hbm>>
      %dma_start3A_73 = arith.constant 0 : i32
      %dma_start3A_74 = arith.constant 0 : i32
      %dma_start3A_75 = tpu.memref_slice %arg9[%dma_start3A_73, %dma_start3A_74] : memref<16x128xi32, #tpu.memory_space<vmem>> -> memref<8x128xi32, #tpu.memory_space<vmem>>
      %dma_start3A_76 = arith.constant 0 : i32
      %dma_start3A_77 = tpu.memref_slice %arg4[%add3A_57, %dma_start3A_76] : memref<2560x128xi32, #tpu.memory_space<hbm>> -> memref<8x128xi32, #tpu.memory_space<hbm>>
      tpu.enqueue_dma source(%dma_start3A_77 : memref<8x128xi32, #tpu.memory_space<hbm>>) target(%dma_start3A_75 : memref<8x128xi32, #tpu.memory_space<vmem>>) target_semaphore(%arg16 : memref<!tpu.dma_semaphore, #tpu.memory_space<semaphore_mem>>)
    } else {
    }
    %eq3A_13 = arith.constant 0 : i32
    %eq3A_14 = arith.cmpi eq, %arg0, %eq3A_13 : i32
    %or3A = arith.constant true
    %or3A_15 = arith.ori %eq3A_14, %or3A : i1
    %convert_element_type3A_16 = arith.extui %or3A_15 : i1 to i32
    %cond3A_17 = arith.constant 0 : i32
    %cond3A_18 = arith.cmpi ne, %convert_element_type3A_16, %cond3A_17 : i32
    scf.if %cond3A_18 {
      "tpu.region"() ({
        %run_scoped3A = tpu.sem_alloc : memref<!tpu.dma_semaphore, #tpu.memory_space<semaphore_mem>>
        %dma_start3A = arith.constant 0 : i32
        %dma_start3A_56 = tpu.memref_slice %arg7[%mul3A_10, %dma_start3A] : memref<10112x128xf32, #tpu.memory_space<vmem_shared>> -> memref<632x128xf32, #tpu.memory_space<vmem_shared>>
        %dma_start3A_57 = arith.constant 0 : i32
        %dma_start3A_58 = tpu.memref_slice %arg5[%mul3A_10, %dma_start3A_57] : memref<10112x128xf32, #tpu.memory_space<hbm>> -> memref<632x128xf32, #tpu.memory_space<hbm>>
        tpu.enqueue_dma source(%dma_start3A_58 : memref<632x128xf32, #tpu.memory_space<hbm>>) target(%dma_start3A_56 : memref<632x128xf32, #tpu.memory_space<vmem_shared>>) target_semaphore(%run_scoped3A : memref<!tpu.dma_semaphore, #tpu.memory_space<semaphore_mem>>)
        %dma_wait3A = arith.constant 0 : i32
        %dma_wait3A_59 = tpu.memref_slice %arg7[%mul3A_10, %dma_wait3A] : memref<10112x128xf32, #tpu.memory_space<vmem_shared>> -> memref<632x128xf32, #tpu.memory_space<vmem_shared>>
        %dma_wait3A_60 = arith.constant 0 : i32
        %dma_wait3A_61 = tpu.memref_slice %arg5[%mul3A_10, %dma_wait3A_60] : memref<10112x128xf32, #tpu.memory_space<hbm>> -> memref<632x128xf32, #tpu.memory_space<hbm>>
        tpu.wait_dma2 semaphore(%run_scoped3A : memref<!tpu.dma_semaphore, #tpu.memory_space<semaphore_mem>>) src(%dma_wait3A_61 : memref<632x128xf32, #tpu.memory_space<hbm>>) dst(%dma_wait3A_59 : memref<632x128xf32, #tpu.memory_space<vmem_shared>>)
        tpu.yield
      }) : () -> ()
    } else {
    }
    %barrier3A = arith.constant 0 : index
    tpu.barrier barrier_id(%barrier3A)
    %jit3A_19 = arith.constant 2 : i32
    %div3A = arith.divsi %select_n3A_8, %jit3A_19 : i32
    %sign3A = arith.constant 0 : i32
    %sign3A_20 = arith.cmpi sgt, %select_n3A_8, %sign3A : i32
    %sign3A_21 = arith.extui %sign3A_20 : i1 to i32
    %sign3A_22 = arith.constant 0 : i32
    %sign3A_23 = arith.cmpi slt, %select_n3A_8, %sign3A_22 : i32
    %sign3A_24 = arith.extui %sign3A_23 : i1 to i32
    %sign3A_25 = arith.subi %sign3A_21, %sign3A_24 : i32
    %sign3A_26 = arith.constant 0 : i32
    %sign3A_27 = arith.cmpi sgt, %jit3A_19, %sign3A_26 : i32
    %sign3A_28 = arith.extui %sign3A_27 : i1 to i32
    %sign3A_29 = arith.constant 0 : i32
    %sign3A_30 = arith.cmpi slt, %jit3A_19, %sign3A_29 : i32
    %sign3A_31 = arith.extui %sign3A_30 : i1 to i32
    %sign3A_32 = arith.subi %sign3A_28, %sign3A_31 : i32
    %ne3A = arith.cmpi ne, %sign3A_25, %sign3A_32 : i32
    %rem3A = arith.remsi %select_n3A_8, %jit3A_19 : i32
    %ne3A_33 = arith.constant 0 : i32
    %ne3A_34 = arith.cmpi ne, %rem3A, %ne3A_33 : i32
    %and3A = arith.andi %ne3A, %ne3A_34 : i1
    %sub3A = arith.constant 1 : i32
    %sub3A_35 = arith.subi %div3A, %sub3A : i32
    %select_n3A_36 = arith.select %and3A, %sub3A_35, %div3A : i32
    %while3A = arith.constant 0 : i32
    %while3A_37 = arith.constant 0 : i32
    %while3A_38 = arith.subi %select_n3A_36, %while3A_37 : i32
    %while3A_39 = arith.addi %while3A_37, %while3A_38 : i32
    %while3A_40 = arith.constant 1 : i32
    %while3A_41 = arith.divsi %while3A_38, %while3A_40 : i32
    %while3A_42 = arith.muli %while3A_41, %while3A_40 : i32
    %while3A_43 = arith.addi %while3A_37, %while3A_42 : i32
    %while3A_44 = arith.constant 1 : i32
    scf.for %while3A_56 = %while3A_37 to %while3A_43 step %while3A_44  : i32 {
      %mul3A_57 = arith.constant 2 : i32
      %mul3A_58 = arith.muli %mul3A_57, %while3A_56 : i32
      %add3A_59 = arith.constant 0 : i32
      %add3A_60 = arith.addi %mul3A_58, %add3A_59 : i32
      %add3A_61 = arith.constant 1 : i32
      %add3A_62 = arith.addi %add3A_60, %add3A_61 : i32
      %lt3A = arith.cmpi slt, %add3A_62, %select_n3A_8 : i32
      %convert_element_type3A_63 = arith.extui %lt3A : i1 to i32
      %cond3A_64 = arith.constant 0 : i32
      %cond3A_65 = arith.cmpi ne, %convert_element_type3A_63, %cond3A_64 : i32
      scf.if %cond3A_65 {
        %add3A_630 = arith.constant 0 : i32
        %add3A_631 = arith.addi %mul3A_58, %add3A_630 : i32
        %add3A_632 = arith.constant 1 : i32
        %add3A_633 = arith.addi %add3A_631, %add3A_632 : i32
        %mul3A_634 = arith.constant 8 : i32
        %mul3A_635 = arith.muli %add3A_633, %mul3A_634 : i32
        %add3A_636 = arith.addi %select_n3A, %mul3A_635 : i32
        %mul3A_637 = arith.constant 128 : i32
        %mul3A_638 = arith.muli %add3A_636, %mul3A_637 : i32
        %dma_start3A_639 = arith.constant 1 : i32
        %dma_start3A_640 = arith.constant 0 : i32
        %dma_start3A_641 = tpu.memref_slice %arg8[%dma_start3A_639, %dma_start3A_640] : memref<2x1024xi32, #tpu.memory_space<vmem>> -> memref<1x1024xi32, #tpu.memory_space<vmem>>
        %dma_start3A_642 = tpu.memref_squeeze %dma_start3A_641 : memref<1x1024xi32, #tpu.memory_space<vmem>> -> memref<1024xi32, #tpu.memory_space<vmem>>
        %dma_start3A_643 = tpu.memref_slice %arg3[%mul3A_638] : memref<327680xi32, #tpu.memory_space<hbm>> -> memref<1024xi32, #tpu.memory_space<hbm>>
        %dma_start3A_644 = arith.constant 0 : i32
        %dma_start3A_645 = tpu.memref_slice %arg8[%dma_start3A_639, %dma_start3A_644] : memref<2x1024xi32, #tpu.memory_space<vmem>> -> memref<1x1024xi32, #tpu.memory_space<vmem>>
        %dma_start3A_646 = tpu.memref_squeeze %dma_start3A_645 : memref<1x1024xi32, #tpu.memory_space<vmem>> -> memref<1024xi32, #tpu.memory_space<vmem>>
        %dma_start3A_647 = tpu.memref_slice %arg3[%mul3A_638] : memref<327680xi32, #tpu.memory_space<hbm>> -> memref<1024xi32, #tpu.memory_space<hbm>>
        tpu.enqueue_dma source(%dma_start3A_647 : memref<1024xi32, #tpu.memory_space<hbm>>) target(%dma_start3A_646 : memref<1024xi32, #tpu.memory_space<vmem>>) target_semaphore(%arg17 : memref<!tpu.dma_semaphore, #tpu.memory_space<semaphore_mem>>)
        %dma_start3A_648 = arith.constant 8 : i32
        %dma_start3A_649 = arith.constant 0 : i32
        %dma_start3A_650 = tpu.memref_slice %arg9[%dma_start3A_648, %dma_start3A_649] : memref<16x128xi32, #tpu.memory_space<vmem>> -> memref<8x128xi32, #tpu.memory_space<vmem>>
        %dma_start3A_651 = arith.constant 0 : i32
        %dma_start3A_652 = tpu.memref_slice %arg4[%add3A_636, %dma_start3A_651] : memref<2560x128xi32, #tpu.memory_space<hbm>> -> memref<8x128xi32, #tpu.memory_space<hbm>>
        %dma_start3A_653 = arith.constant 8 : i32
        %dma_start3A_654 = arith.constant 0 : i32
        %dma_start3A_655 = tpu.memref_slice %arg9[%dma_start3A_653, %dma_start3A_654] : memref<16x128xi32, #tpu.memory_space<vmem>> -> memref<8x128xi32, #tpu.memory_space<vmem>>
        %dma_start3A_656 = arith.constant 0 : i32
        %dma_start3A_657 = tpu.memref_slice %arg4[%add3A_636, %dma_start3A_656] : memref<2560x128xi32, #tpu.memory_space<hbm>> -> memref<8x128xi32, #tpu.memory_space<hbm>>
        tpu.enqueue_dma source(%dma_start3A_657 : memref<8x128xi32, #tpu.memory_space<hbm>>) target(%dma_start3A_655 : memref<8x128xi32, #tpu.memory_space<vmem>>) target_semaphore(%arg17 : memref<!tpu.dma_semaphore, #tpu.memory_space<semaphore_mem>>)
      } else {
      }
      %dma_wait3A = arith.constant 0 : i32
      %dma_wait3A_66 = arith.constant 0 : i32
      %dma_wait3A_67 = tpu.memref_slice %arg8[%dma_wait3A, %dma_wait3A_66] : memref<2x1024xi32, #tpu.memory_space<vmem>> -> memref<1x1024xi32, #tpu.memory_space<vmem>>
      %dma_wait3A_68 = tpu.memref_squeeze %dma_wait3A_67 : memref<1x1024xi32, #tpu.memory_space<vmem>> -> memref<1024xi32, #tpu.memory_space<vmem>>
      %dma_wait3A_69 = arith.constant 0 : i32
      %dma_wait3A_70 = tpu.memref_slice %arg3[%dma_wait3A_69] : memref<327680xi32, #tpu.memory_space<hbm>> -> memref<1024xi32, #tpu.memory_space<hbm>>
      %dma_wait3A_71 = arith.constant 0 : i32
      %dma_wait3A_72 = tpu.memref_slice %arg8[%dma_wait3A, %dma_wait3A_71] : memref<2x1024xi32, #tpu.memory_space<vmem>> -> memref<1x1024xi32, #tpu.memory_space<vmem>>
      %dma_wait3A_73 = tpu.memref_squeeze %dma_wait3A_72 : memref<1x1024xi32, #tpu.memory_space<vmem>> -> memref<1024xi32, #tpu.memory_space<vmem>>
      %dma_wait3A_74 = arith.constant 0 : i32
      %dma_wait3A_75 = tpu.memref_slice %arg3[%dma_wait3A_74] : memref<327680xi32, #tpu.memory_space<hbm>> -> memref<1024xi32, #tpu.memory_space<hbm>>
      tpu.wait_dma2 semaphore(%arg16 : memref<!tpu.dma_semaphore, #tpu.memory_space<semaphore_mem>>) src(%dma_wait3A_75 : memref<1024xi32, #tpu.memory_space<hbm>>) dst(%dma_wait3A_73 : memref<1024xi32, #tpu.memory_space<vmem>>)
      %dma_wait3A_76 = arith.constant 0 : i32
      %dma_wait3A_77 = arith.constant 0 : i32
      %dma_wait3A_78 = tpu.memref_slice %arg9[%dma_wait3A_76, %dma_wait3A_77] : memref<16x128xi32, #tpu.memory_space<vmem>> -> memref<8x128xi32, #tpu.memory_space<vmem>>
      %dma_wait3A_79 = arith.constant 0 : i32
      %dma_wait3A_80 = arith.constant 0 : i32
      %dma_wait3A_81 = tpu.memref_slice %arg4[%dma_wait3A_79, %dma_wait3A_80] : memref<2560x128xi32, #tpu.memory_space<hbm>> -> memref<8x128xi32, #tpu.memory_space<hbm>>
      %dma_wait3A_82 = arith.constant 0 : i32
      %dma_wait3A_83 = arith.constant 0 : i32
      %dma_wait3A_84 = tpu.memref_slice %arg9[%dma_wait3A_82, %dma_wait3A_83] : memref<16x128xi32, #tpu.memory_space<vmem>> -> memref<8x128xi32, #tpu.memory_space<vmem>>
      %dma_wait3A_85 = arith.constant 0 : i32
      %dma_wait3A_86 = arith.constant 0 : i32
      %dma_wait3A_87 = tpu.memref_slice %arg4[%dma_wait3A_85, %dma_wait3A_86] : memref<2560x128xi32, #tpu.memory_space<hbm>> -> memref<8x128xi32, #tpu.memory_space<hbm>>
      tpu.wait_dma2 semaphore(%arg16 : memref<!tpu.dma_semaphore, #tpu.memory_space<semaphore_mem>>) src(%dma_wait3A_87 : memref<8x128xi32, #tpu.memory_space<hbm>>) dst(%dma_wait3A_84 : memref<8x128xi32, #tpu.memory_space<vmem>>)
      %dma_start3A = arith.constant 0 : i32
      %dma_start3A_88 = arith.constant 0 : i32
      %dma_start3A_89 = tpu.memref_slice %arg8[%dma_start3A, %dma_start3A_88] : memref<2x1024xi32, #tpu.memory_space<vmem>> -> memref<1x1024xi32, #tpu.memory_space<vmem>>
      %dma_start3A_90 = tpu.memref_squeeze %dma_start3A_89 : memref<1x1024xi32, #tpu.memory_space<vmem>> -> memref<1024xi32, #tpu.memory_space<vmem>>
      %dma_start3A_91 = arith.constant 0 : i32
      %dma_start3A_92 = tpu.memref_slice %dma_start3A_90[%dma_start3A_91] : memref<1024xi32, #tpu.memory_space<vmem>> -> memref<128xi32, #tpu.memory_space<vmem>>
      %dma_start3A_93 = arith.constant 0 : i32
      %dma_start3A_94 = arith.constant 0 : i32
      %dma_start3A_95 = tpu.memref_slice %arg2[%dma_start3A_93, %dma_start3A_94] : memref<10000x128xf32, #tpu.memory_space<hbm>> -> memref<10000x128xf32, #tpu.memory_space<hbm>>
      tpu.enqueue_indirect_dma source(%dma_start3A_95 : memref<10000x128xf32, #tpu.memory_space<hbm>>) target(%arg10 : memref<128x128xf32, #tpu.memory_space<vmem>>) offsets(%dma_start3A_92 : memref<128xi32, #tpu.memory_space<vmem>>) semaphore(%arg12 : memref<!tpu.dma_semaphore, #tpu.memory_space<semaphore_mem>>)
      %dma_start3A_96 = arith.constant 0 : i32
      %dma_start3A_97 = arith.constant 0 : i32
      %dma_start3A_98 = tpu.memref_slice %arg8[%dma_start3A_96, %dma_start3A_97] : memref<2x1024xi32, #tpu.memory_space<vmem>> -> memref<1x1024xi32, #tpu.memory_space<vmem>>
      %dma_start3A_99 = tpu.memref_squeeze %dma_start3A_98 : memref<1x1024xi32, #tpu.memory_space<vmem>> -> memref<1024xi32, #tpu.memory_space<vmem>>
      %dma_start3A_100 = arith.constant 128 : i32
      %dma_start3A_101 = tpu.memref_slice %dma_start3A_99[%dma_start3A_100] : memref<1024xi32, #tpu.memory_space<vmem>> -> memref<128xi32, #tpu.memory_space<vmem>>
      %dma_start3A_102 = arith.constant 0 : i32
      %dma_start3A_103 = arith.constant 0 : i32
      %dma_start3A_104 = tpu.memref_slice %arg2[%dma_start3A_102, %dma_start3A_103] : memref<10000x128xf32, #tpu.memory_space<hbm>> -> memref<10000x128xf32, #tpu.memory_space<hbm>>
      tpu.enqueue_indirect_dma source(%dma_start3A_104 : memref<10000x128xf32, #tpu.memory_space<hbm>>) target(%arg11 : memref<128x128xf32, #tpu.memory_space<vmem>>) offsets(%dma_start3A_101 : memref<128xi32, #tpu.memory_space<vmem>>) semaphore(%arg13 : memref<!tpu.dma_semaphore, #tpu.memory_space<semaphore_mem>>)
      %dma_wait3A_105 = arith.constant 0 : i32
      %dma_wait3A_106 = arith.constant 0 : i32
      %dma_wait3A_107 = tpu.memref_slice %arg8[%dma_wait3A_105, %dma_wait3A_106] : memref<2x1024xi32, #tpu.memory_space<vmem>> -> memref<1x1024xi32, #tpu.memory_space<vmem>>
      %dma_wait3A_108 = tpu.memref_squeeze %dma_wait3A_107 : memref<1x1024xi32, #tpu.memory_space<vmem>> -> memref<1024xi32, #tpu.memory_space<vmem>>
      %dma_wait3A_109 = arith.constant 0 : i32
      %dma_wait3A_110 = tpu.memref_slice %dma_wait3A_108[%dma_wait3A_109] : memref<1024xi32, #tpu.memory_space<vmem>> -> memref<128xi32, #tpu.memory_space<vmem>>
      %dma_wait3A_111 = arith.constant 0 : i32
      %dma_wait3A_112 = arith.constant 0 : i32
      %dma_wait3A_113 = tpu.memref_slice %arg2[%dma_wait3A_111, %dma_wait3A_112] : memref<10000x128xf32, #tpu.memory_space<hbm>> -> memref<10000x128xf32, #tpu.memory_space<hbm>>
      tpu.wait_indirect_dma semaphore(%arg12 : memref<!tpu.dma_semaphore, #tpu.memory_space<semaphore_mem>>) src(%dma_wait3A_113 : memref<10000x128xf32, #tpu.memory_space<hbm>>) dst(%arg10 : memref<128x128xf32, #tpu.memory_space<vmem>>)
      %dma_start3A_114 = arith.constant 0 : i32
      %dma_start3A_115 = arith.constant 0 : i32
      %dma_start3A_116 = tpu.memref_slice %arg9[%dma_start3A_114, %dma_start3A_115] : memref<16x128xi32, #tpu.memory_space<vmem>> -> memref<1x128xi32, #tpu.memory_space<vmem>>
      %dma_start3A_117 = tpu.memref_squeeze %dma_start3A_116 : memref<1x128xi32, #tpu.memory_space<vmem>> -> memref<128xi32, #tpu.memory_space<vmem>>
      %dma_start3A_118 = arith.constant 0 : i32
      %dma_start3A_119 = arith.constant 0 : i32
      %dma_start3A_120 = tpu.memref_slice %arg7[%dma_start3A_118, %dma_start3A_119] : memref<10112x128xf32, #tpu.memory_space<vmem_shared>> -> memref<10112x128xf32, #tpu.memory_space<vmem_shared>>
      tpu.enqueue_indirect_dma source(%arg10 : memref<128x128xf32, #tpu.memory_space<vmem>>) target(%dma_start3A_120 : memref<10112x128xf32, #tpu.memory_space<vmem_shared>>) offsets(%dma_start3A_117 : memref<128xi32, #tpu.memory_space<vmem>>) semaphore(%arg14 : memref<!tpu.dma_semaphore, #tpu.memory_space<semaphore_mem>>) {add = true}
      %dma_wait3A_121 = arith.constant 0 : i32
      %dma_wait3A_122 = arith.constant 0 : i32
      %dma_wait3A_123 = tpu.memref_slice %arg9[%dma_wait3A_121, %dma_wait3A_122] : memref<16x128xi32, #tpu.memory_space<vmem>> -> memref<1x128xi32, #tpu.memory_space<vmem>>
      %dma_wait3A_124 = tpu.memref_squeeze %dma_wait3A_123 : memref<1x128xi32, #tpu.memory_space<vmem>> -> memref<128xi32, #tpu.memory_space<vmem>>
      %dma_wait3A_125 = arith.constant 0 : i32
      %dma_wait3A_126 = arith.constant 0 : i32
      %dma_wait3A_127 = tpu.memref_slice %arg7[%dma_wait3A_125, %dma_wait3A_126] : memref<10112x128xf32, #tpu.memory_space<vmem_shared>> -> memref<10112x128xf32, #tpu.memory_space<vmem_shared>>
      tpu.wait_indirect_dma semaphore(%arg14 : memref<!tpu.dma_semaphore, #tpu.memory_space<semaphore_mem>>) src(%arg10 : memref<128x128xf32, #tpu.memory_space<vmem>>) dst(%dma_wait3A_127 : memref<10112x128xf32, #tpu.memory_space<vmem_shared>>)
      %dma_start3A_128 = arith.constant 0 : i32
      %dma_start3A_129 = arith.constant 0 : i32
      %dma_start3A_130 = tpu.memref_slice %arg8[%dma_start3A_128, %dma_start3A_129] : memref<2x1024xi32, #tpu.memory_space<vmem>> -> memref<1x1024xi32, #tpu.memory_space<vmem>>
      %dma_start3A_131 = tpu.memref_squeeze %dma_start3A_130 : memref<1x1024xi32, #tpu.memory_space<vmem>> -> memref<1024xi32, #tpu.memory_space<vmem>>
      %dma_start3A_132 = arith.constant 256 : i32
      %dma_start3A_133 = tpu.memref_slice %dma_start3A_131[%dma_start3A_132] : memref<1024xi32, #tpu.memory_space<vmem>> -> memref<128xi32, #tpu.memory_space<vmem>>
      %dma_start3A_134 = arith.constant 0 : i32
      %dma_start3A_135 = arith.constant 0 : i32
      %dma_start3A_136 = tpu.memref_slice %arg2[%dma_start3A_134, %dma_start3A_135] : memref<10000x128xf32, #tpu.memory_space<hbm>> -> memref<10000x128xf32, #tpu.memory_space<hbm>>
      tpu.enqueue_indirect_dma source(%dma_start3A_136 : memref<10000x128xf32, #tpu.memory_space<hbm>>) target(%arg10 : memref<128x128xf32, #tpu.memory_space<vmem>>) offsets(%dma_start3A_133 : memref<128xi32, #tpu.memory_space<vmem>>) semaphore(%arg12 : memref<!tpu.dma_semaphore, #tpu.memory_space<semaphore_mem>>)
      %dma_wait3A_137 = arith.constant 0 : i32
      %dma_wait3A_138 = arith.constant 0 : i32
      %dma_wait3A_139 = tpu.memref_slice %arg8[%dma_wait3A_137, %dma_wait3A_138] : memref<2x1024xi32, #tpu.memory_space<vmem>> -> memref<1x1024xi32, #tpu.memory_space<vmem>>
      %dma_wait3A_140 = tpu.memref_squeeze %dma_wait3A_139 : memref<1x1024xi32, #tpu.memory_space<vmem>> -> memref<1024xi32, #tpu.memory_space<vmem>>
      %dma_wait3A_141 = arith.constant 0 : i32
      %dma_wait3A_142 = tpu.memref_slice %dma_wait3A_140[%dma_wait3A_141] : memref<1024xi32, #tpu.memory_space<vmem>> -> memref<128xi32, #tpu.memory_space<vmem>>
      %dma_wait3A_143 = arith.constant 0 : i32
      %dma_wait3A_144 = arith.constant 0 : i32
      %dma_wait3A_145 = tpu.memref_slice %arg2[%dma_wait3A_143, %dma_wait3A_144] : memref<10000x128xf32, #tpu.memory_space<hbm>> -> memref<10000x128xf32, #tpu.memory_space<hbm>>
      tpu.wait_indirect_dma semaphore(%arg13 : memref<!tpu.dma_semaphore, #tpu.memory_space<semaphore_mem>>) src(%dma_wait3A_145 : memref<10000x128xf32, #tpu.memory_space<hbm>>) dst(%arg11 : memref<128x128xf32, #tpu.memory_space<vmem>>)
      %dma_start3A_146 = arith.constant 1 : i32
      %dma_start3A_147 = arith.constant 0 : i32
      %dma_start3A_148 = tpu.memref_slice %arg9[%dma_start3A_146, %dma_start3A_147] : memref<16x128xi32, #tpu.memory_space<vmem>> -> memref<1x128xi32, #tpu.memory_space<vmem>>
      %dma_start3A_149 = tpu.memref_squeeze %dma_start3A_148 : memref<1x128xi32, #tpu.memory_space<vmem>> -> memref<128xi32, #tpu.memory_space<vmem>>
      %dma_start3A_150 = arith.constant 0 : i32
      %dma_start3A_151 = arith.constant 0 : i32
      %dma_start3A_152 = tpu.memref_slice %arg7[%dma_start3A_150, %dma_start3A_151] : memref<10112x128xf32, #tpu.memory_space<vmem_shared>> -> memref<10112x128xf32, #tpu.memory_space<vmem_shared>>
      tpu.enqueue_indirect_dma source(%arg11 : memref<128x128xf32, #tpu.memory_space<vmem>>) target(%dma_start3A_152 : memref<10112x128xf32, #tpu.memory_space<vmem_shared>>) offsets(%dma_start3A_149 : memref<128xi32, #tpu.memory_space<vmem>>) semaphore(%arg15 : memref<!tpu.dma_semaphore, #tpu.memory_space<semaphore_mem>>) {add = true}
      %dma_wait3A_153 = arith.constant 0 : i32
      %dma_wait3A_154 = arith.constant 0 : i32
      %dma_wait3A_155 = tpu.memref_slice %arg9[%dma_wait3A_153, %dma_wait3A_154] : memref<16x128xi32, #tpu.memory_space<vmem>> -> memref<1x128xi32, #tpu.memory_space<vmem>>
      %dma_wait3A_156 = tpu.memref_squeeze %dma_wait3A_155 : memref<1x128xi32, #tpu.memory_space<vmem>> -> memref<128xi32, #tpu.memory_space<vmem>>
      %dma_wait3A_157 = arith.constant 0 : i32
      %dma_wait3A_158 = arith.constant 0 : i32
      %dma_wait3A_159 = tpu.memref_slice %arg7[%dma_wait3A_157, %dma_wait3A_158] : memref<10112x128xf32, #tpu.memory_space<vmem_shared>> -> memref<10112x128xf32, #tpu.memory_space<vmem_shared>>
      tpu.wait_indirect_dma semaphore(%arg15 : memref<!tpu.dma_semaphore, #tpu.memory_space<semaphore_mem>>) src(%arg11 : memref<128x128xf32, #tpu.memory_space<vmem>>) dst(%dma_wait3A_159 : memref<10112x128xf32, #tpu.memory_space<vmem_shared>>)
      %dma_start3A_160 = arith.constant 0 : i32
      %dma_start3A_161 = arith.constant 0 : i32
      %dma_start3A_162 = tpu.memref_slice %arg8[%dma_start3A_160, %dma_start3A_161] : memref<2x1024xi32, #tpu.memory_space<vmem>> -> memref<1x1024xi32, #tpu.memory_space<vmem>>
      %dma_start3A_163 = tpu.memref_squeeze %dma_start3A_162 : memref<1x1024xi32, #tpu.memory_space<vmem>> -> memref<1024xi32, #tpu.memory_space<vmem>>
      %dma_start3A_164 = arith.constant 384 : i32
      %dma_start3A_165 = tpu.memref_slice %dma_start3A_163[%dma_start3A_164] : memref<1024xi32, #tpu.memory_space<vmem>> -> memref<128xi32, #tpu.memory_space<vmem>>
      %dma_start3A_166 = arith.constant 0 : i32
      %dma_start3A_167 = arith.constant 0 : i32
      %dma_start3A_168 = tpu.memref_slice %arg2[%dma_start3A_166, %dma_start3A_167] : memref<10000x128xf32, #tpu.memory_space<hbm>> -> memref<10000x128xf32, #tpu.memory_space<hbm>>
      tpu.enqueue_indirect_dma source(%dma_start3A_168 : memref<10000x128xf32, #tpu.memory_space<hbm>>) target(%arg11 : memref<128x128xf32, #tpu.memory_space<vmem>>) offsets(%dma_start3A_165 : memref<128xi32, #tpu.memory_space<vmem>>) semaphore(%arg13 : memref<!tpu.dma_semaphore, #tpu.memory_space<semaphore_mem>>)
      %dma_wait3A_169 = arith.constant 0 : i32
      %dma_wait3A_170 = arith.constant 0 : i32
      %dma_wait3A_171 = tpu.memref_slice %arg8[%dma_wait3A_169, %dma_wait3A_170] : memref<2x1024xi32, #tpu.memory_space<vmem>> -> memref<1x1024xi32, #tpu.memory_space<vmem>>
      %dma_wait3A_172 = tpu.memref_squeeze %dma_wait3A_171 : memref<1x1024xi32, #tpu.memory_space<vmem>> -> memref<1024xi32, #tpu.memory_space<vmem>>
      %dma_wait3A_173 = arith.constant 0 : i32
      %dma_wait3A_174 = tpu.memref_slice %dma_wait3A_172[%dma_wait3A_173] : memref<1024xi32, #tpu.memory_space<vmem>> -> memref<128xi32, #tpu.memory_space<vmem>>
      %dma_wait3A_175 = arith.constant 0 : i32
      %dma_wait3A_176 = arith.constant 0 : i32
      %dma_wait3A_177 = tpu.memref_slice %arg2[%dma_wait3A_175, %dma_wait3A_176] : memref<10000x128xf32, #tpu.memory_space<hbm>> -> memref<10000x128xf32, #tpu.memory_space<hbm>>
      tpu.wait_indirect_dma semaphore(%arg12 : memref<!tpu.dma_semaphore, #tpu.memory_space<semaphore_mem>>) src(%dma_wait3A_177 : memref<10000x128xf32, #tpu.memory_space<hbm>>) dst(%arg10 : memref<128x128xf32, #tpu.memory_space<vmem>>)
      %dma_start3A_178 = arith.constant 2 : i32
      %dma_start3A_179 = arith.constant 0 : i32
      %dma_start3A_180 = tpu.memref_slice %arg9[%dma_start3A_178, %dma_start3A_179] : memref<16x128xi32, #tpu.memory_space<vmem>> -> memref<1x128xi32, #tpu.memory_space<vmem>>
      %dma_start3A_181 = tpu.memref_squeeze %dma_start3A_180 : memref<1x128xi32, #tpu.memory_space<vmem>> -> memref<128xi32, #tpu.memory_space<vmem>>
      %dma_start3A_182 = arith.constant 0 : i32
      %dma_start3A_183 = arith.constant 0 : i32
      %dma_start3A_184 = tpu.memref_slice %arg7[%dma_start3A_182, %dma_start3A_183] : memref<10112x128xf32, #tpu.memory_space<vmem_shared>> -> memref<10112x128xf32, #tpu.memory_space<vmem_shared>>
      tpu.enqueue_indirect_dma source(%arg10 : memref<128x128xf32, #tpu.memory_space<vmem>>) target(%dma_start3A_184 : memref<10112x128xf32, #tpu.memory_space<vmem_shared>>) offsets(%dma_start3A_181 : memref<128xi32, #tpu.memory_space<vmem>>) semaphore(%arg14 : memref<!tpu.dma_semaphore, #tpu.memory_space<semaphore_mem>>) {add = true}
      %dma_wait3A_185 = arith.constant 0 : i32
      %dma_wait3A_186 = arith.constant 0 : i32
      %dma_wait3A_187 = tpu.memref_slice %arg9[%dma_wait3A_185, %dma_wait3A_186] : memref<16x128xi32, #tpu.memory_space<vmem>> -> memref<1x128xi32, #tpu.memory_space<vmem>>
      %dma_wait3A_188 = tpu.memref_squeeze %dma_wait3A_187 : memref<1x128xi32, #tpu.memory_space<vmem>> -> memref<128xi32, #tpu.memory_space<vmem>>
      %dma_wait3A_189 = arith.constant 0 : i32
      %dma_wait3A_190 = arith.constant 0 : i32
      %dma_wait3A_191 = tpu.memref_slice %arg7[%dma_wait3A_189, %dma_wait3A_190] : memref<10112x128xf32, #tpu.memory_space<vmem_shared>> -> memref<10112x128xf32, #tpu.memory_space<vmem_shared>>
      tpu.wait_indirect_dma semaphore(%arg14 : memref<!tpu.dma_semaphore, #tpu.memory_space<semaphore_mem>>) src(%arg10 : memref<128x128xf32, #tpu.memory_space<vmem>>) dst(%dma_wait3A_191 : memref<10112x128xf32, #tpu.memory_space<vmem_shared>>)
      %dma_start3A_192 = arith.constant 0 : i32
      %dma_start3A_193 = arith.constant 0 : i32
      %dma_start3A_194 = tpu.memref_slice %arg8[%dma_start3A_192, %dma_start3A_193] : memref<2x1024xi32, #tpu.memory_space<vmem>> -> memref<1x1024xi32, #tpu.memory_space<vmem>>
      %dma_start3A_195 = tpu.memref_squeeze %dma_start3A_194 : memref<1x1024xi32, #tpu.memory_space<vmem>> -> memref<1024xi32, #tpu.memory_space<vmem>>
      %dma_start3A_196 = arith.constant 512 : i32
      %dma_start3A_197 = tpu.memref_slice %dma_start3A_195[%dma_start3A_196] : memref<1024xi32, #tpu.memory_space<vmem>> -> memref<128xi32, #tpu.memory_space<vmem>>
      %dma_start3A_198 = arith.constant 0 : i32
      %dma_start3A_199 = arith.constant 0 : i32
      %dma_start3A_200 = tpu.memref_slice %arg2[%dma_start3A_198, %dma_start3A_199] : memref<10000x128xf32, #tpu.memory_space<hbm>> -> memref<10000x128xf32, #tpu.memory_space<hbm>>
      tpu.enqueue_indirect_dma source(%dma_start3A_200 : memref<10000x128xf32, #tpu.memory_space<hbm>>) target(%arg10 : memref<128x128xf32, #tpu.memory_space<vmem>>) offsets(%dma_start3A_197 : memref<128xi32, #tpu.memory_space<vmem>>) semaphore(%arg12 : memref<!tpu.dma_semaphore, #tpu.memory_space<semaphore_mem>>)
      %dma_wait3A_201 = arith.constant 0 : i32
      %dma_wait3A_202 = arith.constant 0 : i32
      %dma_wait3A_203 = tpu.memref_slice %arg8[%dma_wait3A_201, %dma_wait3A_202] : memref<2x1024xi32, #tpu.memory_space<vmem>> -> memref<1x1024xi32, #tpu.memory_space<vmem>>
      %dma_wait3A_204 = tpu.memref_squeeze %dma_wait3A_203 : memref<1x1024xi32, #tpu.memory_space<vmem>> -> memref<1024xi32, #tpu.memory_space<vmem>>
      %dma_wait3A_205 = arith.constant 0 : i32
      %dma_wait3A_206 = tpu.memref_slice %dma_wait3A_204[%dma_wait3A_205] : memref<1024xi32, #tpu.memory_space<vmem>> -> memref<128xi32, #tpu.memory_space<vmem>>
      %dma_wait3A_207 = arith.constant 0 : i32
      %dma_wait3A_208 = arith.constant 0 : i32
      %dma_wait3A_209 = tpu.memref_slice %arg2[%dma_wait3A_207, %dma_wait3A_208] : memref<10000x128xf32, #tpu.memory_space<hbm>> -> memref<10000x128xf32, #tpu.memory_space<hbm>>
      tpu.wait_indirect_dma semaphore(%arg13 : memref<!tpu.dma_semaphore, #tpu.memory_space<semaphore_mem>>) src(%dma_wait3A_209 : memref<10000x128xf32, #tpu.memory_space<hbm>>) dst(%arg11 : memref<128x128xf32, #tpu.memory_space<vmem>>)
      %dma_start3A_210 = arith.constant 3 : i32
      %dma_start3A_211 = arith.constant 0 : i32
      %dma_start3A_212 = tpu.memref_slice %arg9[%dma_start3A_210, %dma_start3A_211] : memref<16x128xi32, #tpu.memory_space<vmem>> -> memref<1x128xi32, #tpu.memory_space<vmem>>
      %dma_start3A_213 = tpu.memref_squeeze %dma_start3A_212 : memref<1x128xi32, #tpu.memory_space<vmem>> -> memref<128xi32, #tpu.memory_space<vmem>>
      %dma_start3A_214 = arith.constant 0 : i32
      %dma_start3A_215 = arith.constant 0 : i32
      %dma_start3A_216 = tpu.memref_slice %arg7[%dma_start3A_214, %dma_start3A_215] : memref<10112x128xf32, #tpu.memory_space<vmem_shared>> -> memref<10112x128xf32, #tpu.memory_space<vmem_shared>>
      tpu.enqueue_indirect_dma source(%arg11 : memref<128x128xf32, #tpu.memory_space<vmem>>) target(%dma_start3A_216 : memref<10112x128xf32, #tpu.memory_space<vmem_shared>>) offsets(%dma_start3A_213 : memref<128xi32, #tpu.memory_space<vmem>>) semaphore(%arg15 : memref<!tpu.dma_semaphore, #tpu.memory_space<semaphore_mem>>) {add = true}
      %dma_wait3A_217 = arith.constant 0 : i32
      %dma_wait3A_218 = arith.constant 0 : i32
      %dma_wait3A_219 = tpu.memref_slice %arg9[%dma_wait3A_217, %dma_wait3A_218] : memref<16x128xi32, #tpu.memory_space<vmem>> -> memref<1x128xi32, #tpu.memory_space<vmem>>
      %dma_wait3A_220 = tpu.memref_squeeze %dma_wait3A_219 : memref<1x128xi32, #tpu.memory_space<vmem>> -> memref<128xi32, #tpu.memory_space<vmem>>
      %dma_wait3A_221 = arith.constant 0 : i32
      %dma_wait3A_222 = arith.constant 0 : i32
      %dma_wait3A_223 = tpu.memref_slice %arg7[%dma_wait3A_221, %dma_wait3A_222] : memref<10112x128xf32, #tpu.memory_space<vmem_shared>> -> memref<10112x128xf32, #tpu.memory_space<vmem_shared>>
      tpu.wait_indirect_dma semaphore(%arg15 : memref<!tpu.dma_semaphore, #tpu.memory_space<semaphore_mem>>) src(%arg11 : memref<128x128xf32, #tpu.memory_space<vmem>>) dst(%dma_wait3A_223 : memref<10112x128xf32, #tpu.memory_space<vmem_shared>>)
      %dma_start3A_224 = arith.constant 0 : i32
      %dma_start3A_225 = arith.constant 0 : i32
      %dma_start3A_226 = tpu.memref_slice %arg8[%dma_start3A_224, %dma_start3A_225] : memref<2x1024xi32, #tpu.memory_space<vmem>> -> memref<1x1024xi32, #tpu.memory_space<vmem>>
      %dma_start3A_227 = tpu.memref_squeeze %dma_start3A_226 : memref<1x1024xi32, #tpu.memory_space<vmem>> -> memref<1024xi32, #tpu.memory_space<vmem>>
      %dma_start3A_228 = arith.constant 640 : i32
      %dma_start3A_229 = tpu.memref_slice %dma_start3A_227[%dma_start3A_228] : memref<1024xi32, #tpu.memory_space<vmem>> -> memref<128xi32, #tpu.memory_space<vmem>>
      %dma_start3A_230 = arith.constant 0 : i32
      %dma_start3A_231 = arith.constant 0 : i32
      %dma_start3A_232 = tpu.memref_slice %arg2[%dma_start3A_230, %dma_start3A_231] : memref<10000x128xf32, #tpu.memory_space<hbm>> -> memref<10000x128xf32, #tpu.memory_space<hbm>>
      tpu.enqueue_indirect_dma source(%dma_start3A_232 : memref<10000x128xf32, #tpu.memory_space<hbm>>) target(%arg11 : memref<128x128xf32, #tpu.memory_space<vmem>>) offsets(%dma_start3A_229 : memref<128xi32, #tpu.memory_space<vmem>>) semaphore(%arg13 : memref<!tpu.dma_semaphore, #tpu.memory_space<semaphore_mem>>)
      %dma_wait3A_233 = arith.constant 0 : i32
      %dma_wait3A_234 = arith.constant 0 : i32
      %dma_wait3A_235 = tpu.memref_slice %arg8[%dma_wait3A_233, %dma_wait3A_234] : memref<2x1024xi32, #tpu.memory_space<vmem>> -> memref<1x1024xi32, #tpu.memory_space<vmem>>
      %dma_wait3A_236 = tpu.memref_squeeze %dma_wait3A_235 : memref<1x1024xi32, #tpu.memory_space<vmem>> -> memref<1024xi32, #tpu.memory_space<vmem>>
      %dma_wait3A_237 = arith.constant 0 : i32
      %dma_wait3A_238 = tpu.memref_slice %dma_wait3A_236[%dma_wait3A_237] : memref<1024xi32, #tpu.memory_space<vmem>> -> memref<128xi32, #tpu.memory_space<vmem>>
      %dma_wait3A_239 = arith.constant 0 : i32
      %dma_wait3A_240 = arith.constant 0 : i32
      %dma_wait3A_241 = tpu.memref_slice %arg2[%dma_wait3A_239, %dma_wait3A_240] : memref<10000x128xf32, #tpu.memory_space<hbm>> -> memref<10000x128xf32, #tpu.memory_space<hbm>>
      tpu.wait_indirect_dma semaphore(%arg12 : memref<!tpu.dma_semaphore, #tpu.memory_space<semaphore_mem>>) src(%dma_wait3A_241 : memref<10000x128xf32, #tpu.memory_space<hbm>>) dst(%arg10 : memref<128x128xf32, #tpu.memory_space<vmem>>)
      %dma_start3A_242 = arith.constant 4 : i32
      %dma_start3A_243 = arith.constant 0 : i32
      %dma_start3A_244 = tpu.memref_slice %arg9[%dma_start3A_242, %dma_start3A_243] : memref<16x128xi32, #tpu.memory_space<vmem>> -> memref<1x128xi32, #tpu.memory_space<vmem>>
      %dma_start3A_245 = tpu.memref_squeeze %dma_start3A_244 : memref<1x128xi32, #tpu.memory_space<vmem>> -> memref<128xi32, #tpu.memory_space<vmem>>
      %dma_start3A_246 = arith.constant 0 : i32
      %dma_start3A_247 = arith.constant 0 : i32
      %dma_start3A_248 = tpu.memref_slice %arg7[%dma_start3A_246, %dma_start3A_247] : memref<10112x128xf32, #tpu.memory_space<vmem_shared>> -> memref<10112x128xf32, #tpu.memory_space<vmem_shared>>
      tpu.enqueue_indirect_dma source(%arg10 : memref<128x128xf32, #tpu.memory_space<vmem>>) target(%dma_start3A_248 : memref<10112x128xf32, #tpu.memory_space<vmem_shared>>) offsets(%dma_start3A_245 : memref<128xi32, #tpu.memory_space<vmem>>) semaphore(%arg14 : memref<!tpu.dma_semaphore, #tpu.memory_space<semaphore_mem>>) {add = true}
      %dma_wait3A_249 = arith.constant 0 : i32
      %dma_wait3A_250 = arith.constant 0 : i32
      %dma_wait3A_251 = tpu.memref_slice %arg9[%dma_wait3A_249, %dma_wait3A_250] : memref<16x128xi32, #tpu.memory_space<vmem>> -> memref<1x128xi32, #tpu.memory_space<vmem>>
      %dma_wait3A_252 = tpu.memref_squeeze %dma_wait3A_251 : memref<1x128xi32, #tpu.memory_space<vmem>> -> memref<128xi32, #tpu.memory_space<vmem>>
      %dma_wait3A_253 = arith.constant 0 : i32
      %dma_wait3A_254 = arith.constant 0 : i32
      %dma_wait3A_255 = tpu.memref_slice %arg7[%dma_wait3A_253, %dma_wait3A_254] : memref<10112x128xf32, #tpu.memory_space<vmem_shared>> -> memref<10112x128xf32, #tpu.memory_space<vmem_shared>>
      tpu.wait_indirect_dma semaphore(%arg14 : memref<!tpu.dma_semaphore, #tpu.memory_space<semaphore_mem>>) src(%arg10 : memref<128x128xf32, #tpu.memory_space<vmem>>) dst(%dma_wait3A_255 : memref<10112x128xf32, #tpu.memory_space<vmem_shared>>)
      %dma_start3A_256 = arith.constant 0 : i32
      %dma_start3A_257 = arith.constant 0 : i32
      %dma_start3A_258 = tpu.memref_slice %arg8[%dma_start3A_256, %dma_start3A_257] : memref<2x1024xi32, #tpu.memory_space<vmem>> -> memref<1x1024xi32, #tpu.memory_space<vmem>>
      %dma_start3A_259 = tpu.memref_squeeze %dma_start3A_258 : memref<1x1024xi32, #tpu.memory_space<vmem>> -> memref<1024xi32, #tpu.memory_space<vmem>>
      %dma_start3A_260 = arith.constant 768 : i32
      %dma_start3A_261 = tpu.memref_slice %dma_start3A_259[%dma_start3A_260] : memref<1024xi32, #tpu.memory_space<vmem>> -> memref<128xi32, #tpu.memory_space<vmem>>
      %dma_start3A_262 = arith.constant 0 : i32
      %dma_start3A_263 = arith.constant 0 : i32
      %dma_start3A_264 = tpu.memref_slice %arg2[%dma_start3A_262, %dma_start3A_263] : memref<10000x128xf32, #tpu.memory_space<hbm>> -> memref<10000x128xf32, #tpu.memory_space<hbm>>
      tpu.enqueue_indirect_dma source(%dma_start3A_264 : memref<10000x128xf32, #tpu.memory_space<hbm>>) target(%arg10 : memref<128x128xf32, #tpu.memory_space<vmem>>) offsets(%dma_start3A_261 : memref<128xi32, #tpu.memory_space<vmem>>) semaphore(%arg12 : memref<!tpu.dma_semaphore, #tpu.memory_space<semaphore_mem>>)
      %dma_wait3A_265 = arith.constant 0 : i32
      %dma_wait3A_266 = arith.constant 0 : i32
      %dma_wait3A_267 = tpu.memref_slice %arg8[%dma_wait3A_265, %dma_wait3A_266] : memref<2x1024xi32, #tpu.memory_space<vmem>> -> memref<1x1024xi32, #tpu.memory_space<vmem>>
      %dma_wait3A_268 = tpu.memref_squeeze %dma_wait3A_267 : memref<1x1024xi32, #tpu.memory_space<vmem>> -> memref<1024xi32, #tpu.memory_space<vmem>>
      %dma_wait3A_269 = arith.constant 0 : i32
      %dma_wait3A_270 = tpu.memref_slice %dma_wait3A_268[%dma_wait3A_269] : memref<1024xi32, #tpu.memory_space<vmem>> -> memref<128xi32, #tpu.memory_space<vmem>>
      %dma_wait3A_271 = arith.constant 0 : i32
      %dma_wait3A_272 = arith.constant 0 : i32
      %dma_wait3A_273 = tpu.memref_slice %arg2[%dma_wait3A_271, %dma_wait3A_272] : memref<10000x128xf32, #tpu.memory_space<hbm>> -> memref<10000x128xf32, #tpu.memory_space<hbm>>
      tpu.wait_indirect_dma semaphore(%arg13 : memref<!tpu.dma_semaphore, #tpu.memory_space<semaphore_mem>>) src(%dma_wait3A_273 : memref<10000x128xf32, #tpu.memory_space<hbm>>) dst(%arg11 : memref<128x128xf32, #tpu.memory_space<vmem>>)
      %dma_start3A_274 = arith.constant 5 : i32
      %dma_start3A_275 = arith.constant 0 : i32
      %dma_start3A_276 = tpu.memref_slice %arg9[%dma_start3A_274, %dma_start3A_275] : memref<16x128xi32, #tpu.memory_space<vmem>> -> memref<1x128xi32, #tpu.memory_space<vmem>>
      %dma_start3A_277 = tpu.memref_squeeze %dma_start3A_276 : memref<1x128xi32, #tpu.memory_space<vmem>> -> memref<128xi32, #tpu.memory_space<vmem>>
      %dma_start3A_278 = arith.constant 0 : i32
      %dma_start3A_279 = arith.constant 0 : i32
      %dma_start3A_280 = tpu.memref_slice %arg7[%dma_start3A_278, %dma_start3A_279] : memref<10112x128xf32, #tpu.memory_space<vmem_shared>> -> memref<10112x128xf32, #tpu.memory_space<vmem_shared>>
      tpu.enqueue_indirect_dma source(%arg11 : memref<128x128xf32, #tpu.memory_space<vmem>>) target(%dma_start3A_280 : memref<10112x128xf32, #tpu.memory_space<vmem_shared>>) offsets(%dma_start3A_277 : memref<128xi32, #tpu.memory_space<vmem>>) semaphore(%arg15 : memref<!tpu.dma_semaphore, #tpu.memory_space<semaphore_mem>>) {add = true}
      %dma_wait3A_281 = arith.constant 0 : i32
      %dma_wait3A_282 = arith.constant 0 : i32
      %dma_wait3A_283 = tpu.memref_slice %arg9[%dma_wait3A_281, %dma_wait3A_282] : memref<16x128xi32, #tpu.memory_space<vmem>> -> memref<1x128xi32, #tpu.memory_space<vmem>>
      %dma_wait3A_284 = tpu.memref_squeeze %dma_wait3A_283 : memref<1x128xi32, #tpu.memory_space<vmem>> -> memref<128xi32, #tpu.memory_space<vmem>>
      %dma_wait3A_285 = arith.constant 0 : i32
      %dma_wait3A_286 = arith.constant 0 : i32
      %dma_wait3A_287 = tpu.memref_slice %arg7[%dma_wait3A_285, %dma_wait3A_286] : memref<10112x128xf32, #tpu.memory_space<vmem_shared>> -> memref<10112x128xf32, #tpu.memory_space<vmem_shared>>
      tpu.wait_indirect_dma semaphore(%arg15 : memref<!tpu.dma_semaphore, #tpu.memory_space<semaphore_mem>>) src(%arg11 : memref<128x128xf32, #tpu.memory_space<vmem>>) dst(%dma_wait3A_287 : memref<10112x128xf32, #tpu.memory_space<vmem_shared>>)
      %dma_start3A_288 = arith.constant 0 : i32
      %dma_start3A_289 = arith.constant 0 : i32
      %dma_start3A_290 = tpu.memref_slice %arg8[%dma_start3A_288, %dma_start3A_289] : memref<2x1024xi32, #tpu.memory_space<vmem>> -> memref<1x1024xi32, #tpu.memory_space<vmem>>
      %dma_start3A_291 = tpu.memref_squeeze %dma_start3A_290 : memref<1x1024xi32, #tpu.memory_space<vmem>> -> memref<1024xi32, #tpu.memory_space<vmem>>
      %dma_start3A_292 = arith.constant 896 : i32
      %dma_start3A_293 = tpu.memref_slice %dma_start3A_291[%dma_start3A_292] : memref<1024xi32, #tpu.memory_space<vmem>> -> memref<128xi32, #tpu.memory_space<vmem>>
      %dma_start3A_294 = arith.constant 0 : i32
      %dma_start3A_295 = arith.constant 0 : i32
      %dma_start3A_296 = tpu.memref_slice %arg2[%dma_start3A_294, %dma_start3A_295] : memref<10000x128xf32, #tpu.memory_space<hbm>> -> memref<10000x128xf32, #tpu.memory_space<hbm>>
      tpu.enqueue_indirect_dma source(%dma_start3A_296 : memref<10000x128xf32, #tpu.memory_space<hbm>>) target(%arg11 : memref<128x128xf32, #tpu.memory_space<vmem>>) offsets(%dma_start3A_293 : memref<128xi32, #tpu.memory_space<vmem>>) semaphore(%arg13 : memref<!tpu.dma_semaphore, #tpu.memory_space<semaphore_mem>>)
      %dma_wait3A_297 = arith.constant 0 : i32
      %dma_wait3A_298 = arith.constant 0 : i32
      %dma_wait3A_299 = tpu.memref_slice %arg8[%dma_wait3A_297, %dma_wait3A_298] : memref<2x1024xi32, #tpu.memory_space<vmem>> -> memref<1x1024xi32, #tpu.memory_space<vmem>>
      %dma_wait3A_300 = tpu.memref_squeeze %dma_wait3A_299 : memref<1x1024xi32, #tpu.memory_space<vmem>> -> memref<1024xi32, #tpu.memory_space<vmem>>
      %dma_wait3A_301 = arith.constant 0 : i32
      %dma_wait3A_302 = tpu.memref_slice %dma_wait3A_300[%dma_wait3A_301] : memref<1024xi32, #tpu.memory_space<vmem>> -> memref<128xi32, #tpu.memory_space<vmem>>
      %dma_wait3A_303 = arith.constant 0 : i32
      %dma_wait3A_304 = arith.constant 0 : i32
      %dma_wait3A_305 = tpu.memref_slice %arg2[%dma_wait3A_303, %dma_wait3A_304] : memref<10000x128xf32, #tpu.memory_space<hbm>> -> memref<10000x128xf32, #tpu.memory_space<hbm>>
      tpu.wait_indirect_dma semaphore(%arg12 : memref<!tpu.dma_semaphore, #tpu.memory_space<semaphore_mem>>) src(%dma_wait3A_305 : memref<10000x128xf32, #tpu.memory_space<hbm>>) dst(%arg10 : memref<128x128xf32, #tpu.memory_space<vmem>>)
      %dma_start3A_306 = arith.constant 6 : i32
      %dma_start3A_307 = arith.constant 0 : i32
      %dma_start3A_308 = tpu.memref_slice %arg9[%dma_start3A_306, %dma_start3A_307] : memref<16x128xi32, #tpu.memory_space<vmem>> -> memref<1x128xi32, #tpu.memory_space<vmem>>
      %dma_start3A_309 = tpu.memref_squeeze %dma_start3A_308 : memref<1x128xi32, #tpu.memory_space<vmem>> -> memref<128xi32, #tpu.memory_space<vmem>>
      %dma_start3A_310 = arith.constant 0 : i32
      %dma_start3A_311 = arith.constant 0 : i32
      %dma_start3A_312 = tpu.memref_slice %arg7[%dma_start3A_310, %dma_start3A_311] : memref<10112x128xf32, #tpu.memory_space<vmem_shared>> -> memref<10112x128xf32, #tpu.memory_space<vmem_shared>>
      tpu.enqueue_indirect_dma source(%arg10 : memref<128x128xf32, #tpu.memory_space<vmem>>) target(%dma_start3A_312 : memref<10112x128xf32, #tpu.memory_space<vmem_shared>>) offsets(%dma_start3A_309 : memref<128xi32, #tpu.memory_space<vmem>>) semaphore(%arg14 : memref<!tpu.dma_semaphore, #tpu.memory_space<semaphore_mem>>) {add = true}
      %dma_wait3A_313 = arith.constant 0 : i32
      %dma_wait3A_314 = arith.constant 0 : i32
      %dma_wait3A_315 = tpu.memref_slice %arg8[%dma_wait3A_313, %dma_wait3A_314] : memref<2x1024xi32, #tpu.memory_space<vmem>> -> memref<1x1024xi32, #tpu.memory_space<vmem>>
      %dma_wait3A_316 = tpu.memref_squeeze %dma_wait3A_315 : memref<1x1024xi32, #tpu.memory_space<vmem>> -> memref<1024xi32, #tpu.memory_space<vmem>>
      %dma_wait3A_317 = arith.constant 0 : i32
      %dma_wait3A_318 = tpu.memref_slice %dma_wait3A_316[%dma_wait3A_317] : memref<1024xi32, #tpu.memory_space<vmem>> -> memref<128xi32, #tpu.memory_space<vmem>>
      %dma_wait3A_319 = arith.constant 0 : i32
      %dma_wait3A_320 = arith.constant 0 : i32
      %dma_wait3A_321 = tpu.memref_slice %arg2[%dma_wait3A_319, %dma_wait3A_320] : memref<10000x128xf32, #tpu.memory_space<hbm>> -> memref<10000x128xf32, #tpu.memory_space<hbm>>
      tpu.wait_indirect_dma semaphore(%arg13 : memref<!tpu.dma_semaphore, #tpu.memory_space<semaphore_mem>>) src(%dma_wait3A_321 : memref<10000x128xf32, #tpu.memory_space<hbm>>) dst(%arg11 : memref<128x128xf32, #tpu.memory_space<vmem>>)
      %dma_start3A_322 = arith.constant 7 : i32
      %dma_start3A_323 = arith.constant 0 : i32
      %dma_start3A_324 = tpu.memref_slice %arg9[%dma_start3A_322, %dma_start3A_323] : memref<16x128xi32, #tpu.memory_space<vmem>> -> memref<1x128xi32, #tpu.memory_space<vmem>>
      %dma_start3A_325 = tpu.memref_squeeze %dma_start3A_324 : memref<1x128xi32, #tpu.memory_space<vmem>> -> memref<128xi32, #tpu.memory_space<vmem>>
      %dma_start3A_326 = arith.constant 0 : i32
      %dma_start3A_327 = arith.constant 0 : i32
      %dma_start3A_328 = tpu.memref_slice %arg7[%dma_start3A_326, %dma_start3A_327] : memref<10112x128xf32, #tpu.memory_space<vmem_shared>> -> memref<10112x128xf32, #tpu.memory_space<vmem_shared>>
      tpu.enqueue_indirect_dma source(%arg11 : memref<128x128xf32, #tpu.memory_space<vmem>>) target(%dma_start3A_328 : memref<10112x128xf32, #tpu.memory_space<vmem_shared>>) offsets(%dma_start3A_325 : memref<128xi32, #tpu.memory_space<vmem>>) semaphore(%arg15 : memref<!tpu.dma_semaphore, #tpu.memory_space<semaphore_mem>>) {add = true}
      %dma_wait3A_329 = arith.constant 0 : i32
      %dma_wait3A_330 = arith.constant 0 : i32
      %dma_wait3A_331 = tpu.memref_slice %arg9[%dma_wait3A_329, %dma_wait3A_330] : memref<16x128xi32, #tpu.memory_space<vmem>> -> memref<1x128xi32, #tpu.memory_space<vmem>>
      %dma_wait3A_332 = tpu.memref_squeeze %dma_wait3A_331 : memref<1x128xi32, #tpu.memory_space<vmem>> -> memref<128xi32, #tpu.memory_space<vmem>>
      %dma_wait3A_333 = arith.constant 0 : i32
      %dma_wait3A_334 = arith.constant 0 : i32
      %dma_wait3A_335 = tpu.memref_slice %arg7[%dma_wait3A_333, %dma_wait3A_334] : memref<10112x128xf32, #tpu.memory_space<vmem_shared>> -> memref<10112x128xf32, #tpu.memory_space<vmem_shared>>
      tpu.wait_indirect_dma semaphore(%arg14 : memref<!tpu.dma_semaphore, #tpu.memory_space<semaphore_mem>>) src(%arg10 : memref<128x128xf32, #tpu.memory_space<vmem>>) dst(%dma_wait3A_335 : memref<10112x128xf32, #tpu.memory_space<vmem_shared>>)
      %dma_wait3A_336 = arith.constant 0 : i32
      %dma_wait3A_337 = arith.constant 0 : i32
      %dma_wait3A_338 = tpu.memref_slice %arg9[%dma_wait3A_336, %dma_wait3A_337] : memref<16x128xi32, #tpu.memory_space<vmem>> -> memref<1x128xi32, #tpu.memory_space<vmem>>
      %dma_wait3A_339 = tpu.memref_squeeze %dma_wait3A_338 : memref<1x128xi32, #tpu.memory_space<vmem>> -> memref<128xi32, #tpu.memory_space<vmem>>
      %dma_wait3A_340 = arith.constant 0 : i32
      %dma_wait3A_341 = arith.constant 0 : i32
      %dma_wait3A_342 = tpu.memref_slice %arg7[%dma_wait3A_340, %dma_wait3A_341] : memref<10112x128xf32, #tpu.memory_space<vmem_shared>> -> memref<10112x128xf32, #tpu.memory_space<vmem_shared>>
      tpu.wait_indirect_dma semaphore(%arg15 : memref<!tpu.dma_semaphore, #tpu.memory_space<semaphore_mem>>) src(%arg11 : memref<128x128xf32, #tpu.memory_space<vmem>>) dst(%dma_wait3A_342 : memref<10112x128xf32, #tpu.memory_space<vmem_shared>>)
      %add3A_343 = arith.constant 1 : i32
      %add3A_344 = arith.addi %mul3A_58, %add3A_343 : i32
      %add3A_345 = arith.constant 1 : i32
      %add3A_346 = arith.addi %add3A_344, %add3A_345 : i32
      %lt3A_347 = arith.cmpi slt, %add3A_346, %select_n3A_8 : i32
      %convert_element_type3A_348 = arith.extui %lt3A_347 : i1 to i32
      %cond3A_349 = arith.constant 0 : i32
      %cond3A_350 = arith.cmpi ne, %convert_element_type3A_348, %cond3A_349 : i32
      scf.if %cond3A_350 {
        %add3A_630 = arith.constant 1 : i32
        %add3A_631 = arith.addi %mul3A_58, %add3A_630 : i32
        %add3A_632 = arith.constant 1 : i32
        %add3A_633 = arith.addi %add3A_631, %add3A_632 : i32
        %mul3A_634 = arith.constant 8 : i32
        %mul3A_635 = arith.muli %add3A_633, %mul3A_634 : i32
        %add3A_636 = arith.addi %select_n3A, %mul3A_635 : i32
        %mul3A_637 = arith.constant 128 : i32
        %mul3A_638 = arith.muli %add3A_636, %mul3A_637 : i32
        %dma_start3A_639 = arith.constant 0 : i32
        %dma_start3A_640 = arith.constant 0 : i32
        %dma_start3A_641 = tpu.memref_slice %arg8[%dma_start3A_639, %dma_start3A_640] : memref<2x1024xi32, #tpu.memory_space<vmem>> -> memref<1x1024xi32, #tpu.memory_space<vmem>>
        %dma_start3A_642 = tpu.memref_squeeze %dma_start3A_641 : memref<1x1024xi32, #tpu.memory_space<vmem>> -> memref<1024xi32, #tpu.memory_space<vmem>>
        %dma_start3A_643 = tpu.memref_slice %arg3[%mul3A_638] : memref<327680xi32, #tpu.memory_space<hbm>> -> memref<1024xi32, #tpu.memory_space<hbm>>
        %dma_start3A_644 = arith.constant 0 : i32
        %dma_start3A_645 = tpu.memref_slice %arg8[%dma_start3A_639, %dma_start3A_644] : memref<2x1024xi32, #tpu.memory_space<vmem>> -> memref<1x1024xi32, #tpu.memory_space<vmem>>
        %dma_start3A_646 = tpu.memref_squeeze %dma_start3A_645 : memref<1x1024xi32, #tpu.memory_space<vmem>> -> memref<1024xi32, #tpu.memory_space<vmem>>
        %dma_start3A_647 = tpu.memref_slice %arg3[%mul3A_638] : memref<327680xi32, #tpu.memory_space<hbm>> -> memref<1024xi32, #tpu.memory_space<hbm>>
        tpu.enqueue_dma source(%dma_start3A_647 : memref<1024xi32, #tpu.memory_space<hbm>>) target(%dma_start3A_646 : memref<1024xi32, #tpu.memory_space<vmem>>) target_semaphore(%arg16 : memref<!tpu.dma_semaphore, #tpu.memory_space<semaphore_mem>>)
        %dma_start3A_648 = arith.constant 0 : i32
        %dma_start3A_649 = arith.constant 0 : i32
        %dma_start3A_650 = tpu.memref_slice %arg9[%dma_start3A_648, %dma_start3A_649] : memref<16x128xi32, #tpu.memory_space<vmem>> -> memref<8x128xi32, #tpu.memory_space<vmem>>
        %dma_start3A_651 = arith.constant 0 : i32
        %dma_start3A_652 = tpu.memref_slice %arg4[%add3A_636, %dma_start3A_651] : memref<2560x128xi32, #tpu.memory_space<hbm>> -> memref<8x128xi32, #tpu.memory_space<hbm>>
        %dma_start3A_653 = arith.constant 0 : i32
        %dma_start3A_654 = arith.constant 0 : i32
        %dma_start3A_655 = tpu.memref_slice %arg9[%dma_start3A_653, %dma_start3A_654] : memref<16x128xi32, #tpu.memory_space<vmem>> -> memref<8x128xi32, #tpu.memory_space<vmem>>
        %dma_start3A_656 = arith.constant 0 : i32
        %dma_start3A_657 = tpu.memref_slice %arg4[%add3A_636, %dma_start3A_656] : memref<2560x128xi32, #tpu.memory_space<hbm>> -> memref<8x128xi32, #tpu.memory_space<hbm>>
        tpu.enqueue_dma source(%dma_start3A_657 : memref<8x128xi32, #tpu.memory_space<hbm>>) target(%dma_start3A_655 : memref<8x128xi32, #tpu.memory_space<vmem>>) target_semaphore(%arg16 : memref<!tpu.dma_semaphore, #tpu.memory_space<semaphore_mem>>)
      } else {
      }
      %dma_wait3A_351 = arith.constant 1 : i32
      %dma_wait3A_352 = arith.constant 0 : i32
      %dma_wait3A_353 = tpu.memref_slice %arg8[%dma_wait3A_351, %dma_wait3A_352] : memref<2x1024xi32, #tpu.memory_space<vmem>> -> memref<1x1024xi32, #tpu.memory_space<vmem>>
      %dma_wait3A_354 = tpu.memref_squeeze %dma_wait3A_353 : memref<1x1024xi32, #tpu.memory_space<vmem>> -> memref<1024xi32, #tpu.memory_space<vmem>>
      %dma_wait3A_355 = arith.constant 0 : i32
      %dma_wait3A_356 = tpu.memref_slice %arg3[%dma_wait3A_355] : memref<327680xi32, #tpu.memory_space<hbm>> -> memref<1024xi32, #tpu.memory_space<hbm>>
      %dma_wait3A_357 = arith.constant 0 : i32
      %dma_wait3A_358 = tpu.memref_slice %arg8[%dma_wait3A_351, %dma_wait3A_357] : memref<2x1024xi32, #tpu.memory_space<vmem>> -> memref<1x1024xi32, #tpu.memory_space<vmem>>
      %dma_wait3A_359 = tpu.memref_squeeze %dma_wait3A_358 : memref<1x1024xi32, #tpu.memory_space<vmem>> -> memref<1024xi32, #tpu.memory_space<vmem>>
      %dma_wait3A_360 = arith.constant 0 : i32
      %dma_wait3A_361 = tpu.memref_slice %arg3[%dma_wait3A_360] : memref<327680xi32, #tpu.memory_space<hbm>> -> memref<1024xi32, #tpu.memory_space<hbm>>
      tpu.wait_dma2 semaphore(%arg17 : memref<!tpu.dma_semaphore, #tpu.memory_space<semaphore_mem>>) src(%dma_wait3A_361 : memref<1024xi32, #tpu.memory_space<hbm>>) dst(%dma_wait3A_359 : memref<1024xi32, #tpu.memory_space<vmem>>)
      %dma_wait3A_362 = arith.constant 8 : i32
      %dma_wait3A_363 = arith.constant 0 : i32
      %dma_wait3A_364 = tpu.memref_slice %arg9[%dma_wait3A_362, %dma_wait3A_363] : memref<16x128xi32, #tpu.memory_space<vmem>> -> memref<8x128xi32, #tpu.memory_space<vmem>>
      %dma_wait3A_365 = arith.constant 0 : i32
      %dma_wait3A_366 = arith.constant 0 : i32
      %dma_wait3A_367 = tpu.memref_slice %arg4[%dma_wait3A_365, %dma_wait3A_366] : memref<2560x128xi32, #tpu.memory_space<hbm>> -> memref<8x128xi32, #tpu.memory_space<hbm>>
      %dma_wait3A_368 = arith.constant 8 : i32
      %dma_wait3A_369 = arith.constant 0 : i32
      %dma_wait3A_370 = tpu.memref_slice %arg9[%dma_wait3A_368, %dma_wait3A_369] : memref<16x128xi32, #tpu.memory_space<vmem>> -> memref<8x128xi32, #tpu.memory_space<vmem>>
      %dma_wait3A_371 = arith.constant 0 : i32
      %dma_wait3A_372 = arith.constant 0 : i32
      %dma_wait3A_373 = tpu.memref_slice %arg4[%dma_wait3A_371, %dma_wait3A_372] : memref<2560x128xi32, #tpu.memory_space<hbm>> -> memref<8x128xi32, #tpu.memory_space<hbm>>
      tpu.wait_dma2 semaphore(%arg17 : memref<!tpu.dma_semaphore, #tpu.memory_space<semaphore_mem>>) src(%dma_wait3A_373 : memref<8x128xi32, #tpu.memory_space<hbm>>) dst(%dma_wait3A_370 : memref<8x128xi32, #tpu.memory_space<vmem>>)
      %dma_start3A_374 = arith.constant 1 : i32
      %dma_start3A_375 = arith.constant 0 : i32
      %dma_start3A_376 = tpu.memref_slice %arg8[%dma_start3A_374, %dma_start3A_375] : memref<2x1024xi32, #tpu.memory_space<vmem>> -> memref<1x1024xi32, #tpu.memory_space<vmem>>
      %dma_start3A_377 = tpu.memref_squeeze %dma_start3A_376 : memref<1x1024xi32, #tpu.memory_space<vmem>> -> memref<1024xi32, #tpu.memory_space<vmem>>
      %dma_start3A_378 = arith.constant 0 : i32
      %dma_start3A_379 = tpu.memref_slice %dma_start3A_377[%dma_start3A_378] : memref<1024xi32, #tpu.memory_space<vmem>> -> memref<128xi32, #tpu.memory_space<vmem>>
      %dma_start3A_380 = arith.constant 0 : i32
      %dma_start3A_381 = arith.constant 0 : i32
      %dma_start3A_382 = tpu.memref_slice %arg2[%dma_start3A_380, %dma_start3A_381] : memref<10000x128xf32, #tpu.memory_space<hbm>> -> memref<10000x128xf32, #tpu.memory_space<hbm>>
      tpu.enqueue_indirect_dma source(%dma_start3A_382 : memref<10000x128xf32, #tpu.memory_space<hbm>>) target(%arg10 : memref<128x128xf32, #tpu.memory_space<vmem>>) offsets(%dma_start3A_379 : memref<128xi32, #tpu.memory_space<vmem>>) semaphore(%arg12 : memref<!tpu.dma_semaphore, #tpu.memory_space<semaphore_mem>>)
      %dma_start3A_383 = arith.constant 1 : i32
      %dma_start3A_384 = arith.constant 0 : i32
      %dma_start3A_385 = tpu.memref_slice %arg8[%dma_start3A_383, %dma_start3A_384] : memref<2x1024xi32, #tpu.memory_space<vmem>> -> memref<1x1024xi32, #tpu.memory_space<vmem>>
      %dma_start3A_386 = tpu.memref_squeeze %dma_start3A_385 : memref<1x1024xi32, #tpu.memory_space<vmem>> -> memref<1024xi32, #tpu.memory_space<vmem>>
      %dma_start3A_387 = arith.constant 128 : i32
      %dma_start3A_388 = tpu.memref_slice %dma_start3A_386[%dma_start3A_387] : memref<1024xi32, #tpu.memory_space<vmem>> -> memref<128xi32, #tpu.memory_space<vmem>>
      %dma_start3A_389 = arith.constant 0 : i32
      %dma_start3A_390 = arith.constant 0 : i32
      %dma_start3A_391 = tpu.memref_slice %arg2[%dma_start3A_389, %dma_start3A_390] : memref<10000x128xf32, #tpu.memory_space<hbm>> -> memref<10000x128xf32, #tpu.memory_space<hbm>>
      tpu.enqueue_indirect_dma source(%dma_start3A_391 : memref<10000x128xf32, #tpu.memory_space<hbm>>) target(%arg11 : memref<128x128xf32, #tpu.memory_space<vmem>>) offsets(%dma_start3A_388 : memref<128xi32, #tpu.memory_space<vmem>>) semaphore(%arg13 : memref<!tpu.dma_semaphore, #tpu.memory_space<semaphore_mem>>)
      %dma_wait3A_392 = arith.constant 0 : i32
      %dma_wait3A_393 = arith.constant 0 : i32
      %dma_wait3A_394 = tpu.memref_slice %arg8[%dma_wait3A_392, %dma_wait3A_393] : memref<2x1024xi32, #tpu.memory_space<vmem>> -> memref<1x1024xi32, #tpu.memory_space<vmem>>
      %dma_wait3A_395 = tpu.memref_squeeze %dma_wait3A_394 : memref<1x1024xi32, #tpu.memory_space<vmem>> -> memref<1024xi32, #tpu.memory_space<vmem>>
      %dma_wait3A_396 = arith.constant 0 : i32
      %dma_wait3A_397 = tpu.memref_slice %dma_wait3A_395[%dma_wait3A_396] : memref<1024xi32, #tpu.memory_space<vmem>> -> memref<128xi32, #tpu.memory_space<vmem>>
      %dma_wait3A_398 = arith.constant 0 : i32
      %dma_wait3A_399 = arith.constant 0 : i32
      %dma_wait3A_400 = tpu.memref_slice %arg2[%dma_wait3A_398, %dma_wait3A_399] : memref<10000x128xf32, #tpu.memory_space<hbm>> -> memref<10000x128xf32, #tpu.memory_space<hbm>>
      tpu.wait_indirect_dma semaphore(%arg12 : memref<!tpu.dma_semaphore, #tpu.memory_space<semaphore_mem>>) src(%dma_wait3A_400 : memref<10000x128xf32, #tpu.memory_space<hbm>>) dst(%arg10 : memref<128x128xf32, #tpu.memory_space<vmem>>)
      %dma_start3A_401 = arith.constant 8 : i32
      %dma_start3A_402 = arith.constant 0 : i32
      %dma_start3A_403 = tpu.memref_slice %arg9[%dma_start3A_401, %dma_start3A_402] : memref<16x128xi32, #tpu.memory_space<vmem>> -> memref<1x128xi32, #tpu.memory_space<vmem>>
      %dma_start3A_404 = tpu.memref_squeeze %dma_start3A_403 : memref<1x128xi32, #tpu.memory_space<vmem>> -> memref<128xi32, #tpu.memory_space<vmem>>
      %dma_start3A_405 = arith.constant 0 : i32
      %dma_start3A_406 = arith.constant 0 : i32
      %dma_start3A_407 = tpu.memref_slice %arg7[%dma_start3A_405, %dma_start3A_406] : memref<10112x128xf32, #tpu.memory_space<vmem_shared>> -> memref<10112x128xf32, #tpu.memory_space<vmem_shared>>
      tpu.enqueue_indirect_dma source(%arg10 : memref<128x128xf32, #tpu.memory_space<vmem>>) target(%dma_start3A_407 : memref<10112x128xf32, #tpu.memory_space<vmem_shared>>) offsets(%dma_start3A_404 : memref<128xi32, #tpu.memory_space<vmem>>) semaphore(%arg14 : memref<!tpu.dma_semaphore, #tpu.memory_space<semaphore_mem>>) {add = true}
      %dma_wait3A_408 = arith.constant 0 : i32
      %dma_wait3A_409 = arith.constant 0 : i32
      %dma_wait3A_410 = tpu.memref_slice %arg9[%dma_wait3A_408, %dma_wait3A_409] : memref<16x128xi32, #tpu.memory_space<vmem>> -> memref<1x128xi32, #tpu.memory_space<vmem>>
      %dma_wait3A_411 = tpu.memref_squeeze %dma_wait3A_410 : memref<1x128xi32, #tpu.memory_space<vmem>> -> memref<128xi32, #tpu.memory_space<vmem>>
      %dma_wait3A_412 = arith.constant 0 : i32
      %dma_wait3A_413 = arith.constant 0 : i32
      %dma_wait3A_414 = tpu.memref_slice %arg7[%dma_wait3A_412, %dma_wait3A_413] : memref<10112x128xf32, #tpu.memory_space<vmem_shared>> -> memref<10112x128xf32, #tpu.memory_space<vmem_shared>>
      tpu.wait_indirect_dma semaphore(%arg14 : memref<!tpu.dma_semaphore, #tpu.memory_space<semaphore_mem>>) src(%arg10 : memref<128x128xf32, #tpu.memory_space<vmem>>) dst(%dma_wait3A_414 : memref<10112x128xf32, #tpu.memory_space<vmem_shared>>)
      %dma_start3A_415 = arith.constant 1 : i32
      %dma_start3A_416 = arith.constant 0 : i32
      %dma_start3A_417 = tpu.memref_slice %arg8[%dma_start3A_415, %dma_start3A_416] : memref<2x1024xi32, #tpu.memory_space<vmem>> -> memref<1x1024xi32, #tpu.memory_space<vmem>>
      %dma_start3A_418 = tpu.memref_squeeze %dma_start3A_417 : memref<1x1024xi32, #tpu.memory_space<vmem>> -> memref<1024xi32, #tpu.memory_space<vmem>>
      %dma_start3A_419 = arith.constant 256 : i32
      %dma_start3A_420 = tpu.memref_slice %dma_start3A_418[%dma_start3A_419] : memref<1024xi32, #tpu.memory_space<vmem>> -> memref<128xi32, #tpu.memory_space<vmem>>
      %dma_start3A_421 = arith.constant 0 : i32
      %dma_start3A_422 = arith.constant 0 : i32
      %dma_start3A_423 = tpu.memref_slice %arg2[%dma_start3A_421, %dma_start3A_422] : memref<10000x128xf32, #tpu.memory_space<hbm>> -> memref<10000x128xf32, #tpu.memory_space<hbm>>
      tpu.enqueue_indirect_dma source(%dma_start3A_423 : memref<10000x128xf32, #tpu.memory_space<hbm>>) target(%arg10 : memref<128x128xf32, #tpu.memory_space<vmem>>) offsets(%dma_start3A_420 : memref<128xi32, #tpu.memory_space<vmem>>) semaphore(%arg12 : memref<!tpu.dma_semaphore, #tpu.memory_space<semaphore_mem>>)
      %dma_wait3A_424 = arith.constant 0 : i32
      %dma_wait3A_425 = arith.constant 0 : i32
      %dma_wait3A_426 = tpu.memref_slice %arg8[%dma_wait3A_424, %dma_wait3A_425] : memref<2x1024xi32, #tpu.memory_space<vmem>> -> memref<1x1024xi32, #tpu.memory_space<vmem>>
      %dma_wait3A_427 = tpu.memref_squeeze %dma_wait3A_426 : memref<1x1024xi32, #tpu.memory_space<vmem>> -> memref<1024xi32, #tpu.memory_space<vmem>>
      %dma_wait3A_428 = arith.constant 0 : i32
      %dma_wait3A_429 = tpu.memref_slice %dma_wait3A_427[%dma_wait3A_428] : memref<1024xi32, #tpu.memory_space<vmem>> -> memref<128xi32, #tpu.memory_space<vmem>>
      %dma_wait3A_430 = arith.constant 0 : i32
      %dma_wait3A_431 = arith.constant 0 : i32
      %dma_wait3A_432 = tpu.memref_slice %arg2[%dma_wait3A_430, %dma_wait3A_431] : memref<10000x128xf32, #tpu.memory_space<hbm>> -> memref<10000x128xf32, #tpu.memory_space<hbm>>
      tpu.wait_indirect_dma semaphore(%arg13 : memref<!tpu.dma_semaphore, #tpu.memory_space<semaphore_mem>>) src(%dma_wait3A_432 : memref<10000x128xf32, #tpu.memory_space<hbm>>) dst(%arg11 : memref<128x128xf32, #tpu.memory_space<vmem>>)
      %dma_start3A_433 = arith.constant 9 : i32
      %dma_start3A_434 = arith.constant 0 : i32
      %dma_start3A_435 = tpu.memref_slice %arg9[%dma_start3A_433, %dma_start3A_434] : memref<16x128xi32, #tpu.memory_space<vmem>> -> memref<1x128xi32, #tpu.memory_space<vmem>>
      %dma_start3A_436 = tpu.memref_squeeze %dma_start3A_435 : memref<1x128xi32, #tpu.memory_space<vmem>> -> memref<128xi32, #tpu.memory_space<vmem>>
      %dma_start3A_437 = arith.constant 0 : i32
      %dma_start3A_438 = arith.constant 0 : i32
      %dma_start3A_439 = tpu.memref_slice %arg7[%dma_start3A_437, %dma_start3A_438] : memref<10112x128xf32, #tpu.memory_space<vmem_shared>> -> memref<10112x128xf32, #tpu.memory_space<vmem_shared>>
      tpu.enqueue_indirect_dma source(%arg11 : memref<128x128xf32, #tpu.memory_space<vmem>>) target(%dma_start3A_439 : memref<10112x128xf32, #tpu.memory_space<vmem_shared>>) offsets(%dma_start3A_436 : memref<128xi32, #tpu.memory_space<vmem>>) semaphore(%arg15 : memref<!tpu.dma_semaphore, #tpu.memory_space<semaphore_mem>>) {add = true}
      %dma_wait3A_440 = arith.constant 0 : i32
      %dma_wait3A_441 = arith.constant 0 : i32
      %dma_wait3A_442 = tpu.memref_slice %arg9[%dma_wait3A_440, %dma_wait3A_441] : memref<16x128xi32, #tpu.memory_space<vmem>> -> memref<1x128xi32, #tpu.memory_space<vmem>>
      %dma_wait3A_443 = tpu.memref_squeeze %dma_wait3A_442 : memref<1x128xi32, #tpu.memory_space<vmem>> -> memref<128xi32, #tpu.memory_space<vmem>>
      %dma_wait3A_444 = arith.constant 0 : i32
      %dma_wait3A_445 = arith.constant 0 : i32
      %dma_wait3A_446 = tpu.memref_slice %arg7[%dma_wait3A_444, %dma_wait3A_445] : memref<10112x128xf32, #tpu.memory_space<vmem_shared>> -> memref<10112x128xf32, #tpu.memory_space<vmem_shared>>
      tpu.wait_indirect_dma semaphore(%arg15 : memref<!tpu.dma_semaphore, #tpu.memory_space<semaphore_mem>>) src(%arg11 : memref<128x128xf32, #tpu.memory_space<vmem>>) dst(%dma_wait3A_446 : memref<10112x128xf32, #tpu.memory_space<vmem_shared>>)
      %dma_start3A_447 = arith.constant 1 : i32
      %dma_start3A_448 = arith.constant 0 : i32
      %dma_start3A_449 = tpu.memref_slice %arg8[%dma_start3A_447, %dma_start3A_448] : memref<2x1024xi32, #tpu.memory_space<vmem>> -> memref<1x1024xi32, #tpu.memory_space<vmem>>
      %dma_start3A_450 = tpu.memref_squeeze %dma_start3A_449 : memref<1x1024xi32, #tpu.memory_space<vmem>> -> memref<1024xi32, #tpu.memory_space<vmem>>
      %dma_start3A_451 = arith.constant 384 : i32
      %dma_start3A_452 = tpu.memref_slice %dma_start3A_450[%dma_start3A_451] : memref<1024xi32, #tpu.memory_space<vmem>> -> memref<128xi32, #tpu.memory_space<vmem>>
      %dma_start3A_453 = arith.constant 0 : i32
      %dma_start3A_454 = arith.constant 0 : i32
      %dma_start3A_455 = tpu.memref_slice %arg2[%dma_start3A_453, %dma_start3A_454] : memref<10000x128xf32, #tpu.memory_space<hbm>> -> memref<10000x128xf32, #tpu.memory_space<hbm>>
      tpu.enqueue_indirect_dma source(%dma_start3A_455 : memref<10000x128xf32, #tpu.memory_space<hbm>>) target(%arg11 : memref<128x128xf32, #tpu.memory_space<vmem>>) offsets(%dma_start3A_452 : memref<128xi32, #tpu.memory_space<vmem>>) semaphore(%arg13 : memref<!tpu.dma_semaphore, #tpu.memory_space<semaphore_mem>>)
      %dma_wait3A_456 = arith.constant 0 : i32
      %dma_wait3A_457 = arith.constant 0 : i32
      %dma_wait3A_458 = tpu.memref_slice %arg8[%dma_wait3A_456, %dma_wait3A_457] : memref<2x1024xi32, #tpu.memory_space<vmem>> -> memref<1x1024xi32, #tpu.memory_space<vmem>>
      %dma_wait3A_459 = tpu.memref_squeeze %dma_wait3A_458 : memref<1x1024xi32, #tpu.memory_space<vmem>> -> memref<1024xi32, #tpu.memory_space<vmem>>
      %dma_wait3A_460 = arith.constant 0 : i32
      %dma_wait3A_461 = tpu.memref_slice %dma_wait3A_459[%dma_wait3A_460] : memref<1024xi32, #tpu.memory_space<vmem>> -> memref<128xi32, #tpu.memory_space<vmem>>
      %dma_wait3A_462 = arith.constant 0 : i32
      %dma_wait3A_463 = arith.constant 0 : i32
      %dma_wait3A_464 = tpu.memref_slice %arg2[%dma_wait3A_462, %dma_wait3A_463] : memref<10000x128xf32, #tpu.memory_space<hbm>> -> memref<10000x128xf32, #tpu.memory_space<hbm>>
      tpu.wait_indirect_dma semaphore(%arg12 : memref<!tpu.dma_semaphore, #tpu.memory_space<semaphore_mem>>) src(%dma_wait3A_464 : memref<10000x128xf32, #tpu.memory_space<hbm>>) dst(%arg10 : memref<128x128xf32, #tpu.memory_space<vmem>>)
      %dma_start3A_465 = arith.constant 10 : i32
      %dma_start3A_466 = arith.constant 0 : i32
      %dma_start3A_467 = tpu.memref_slice %arg9[%dma_start3A_465, %dma_start3A_466] : memref<16x128xi32, #tpu.memory_space<vmem>> -> memref<1x128xi32, #tpu.memory_space<vmem>>
      %dma_start3A_468 = tpu.memref_squeeze %dma_start3A_467 : memref<1x128xi32, #tpu.memory_space<vmem>> -> memref<128xi32, #tpu.memory_space<vmem>>
      %dma_start3A_469 = arith.constant 0 : i32
      %dma_start3A_470 = arith.constant 0 : i32
      %dma_start3A_471 = tpu.memref_slice %arg7[%dma_start3A_469, %dma_start3A_470] : memref<10112x128xf32, #tpu.memory_space<vmem_shared>> -> memref<10112x128xf32, #tpu.memory_space<vmem_shared>>
      tpu.enqueue_indirect_dma source(%arg10 : memref<128x128xf32, #tpu.memory_space<vmem>>) target(%dma_start3A_471 : memref<10112x128xf32, #tpu.memory_space<vmem_shared>>) offsets(%dma_start3A_468 : memref<128xi32, #tpu.memory_space<vmem>>) semaphore(%arg14 : memref<!tpu.dma_semaphore, #tpu.memory_space<semaphore_mem>>) {add = true}
      %dma_wait3A_472 = arith.constant 0 : i32
      %dma_wait3A_473 = arith.constant 0 : i32
      %dma_wait3A_474 = tpu.memref_slice %arg9[%dma_wait3A_472, %dma_wait3A_473] : memref<16x128xi32, #tpu.memory_space<vmem>> -> memref<1x128xi32, #tpu.memory_space<vmem>>
      %dma_wait3A_475 = tpu.memref_squeeze %dma_wait3A_474 : memref<1x128xi32, #tpu.memory_space<vmem>> -> memref<128xi32, #tpu.memory_space<vmem>>
      %dma_wait3A_476 = arith.constant 0 : i32
      %dma_wait3A_477 = arith.constant 0 : i32
      %dma_wait3A_478 = tpu.memref_slice %arg7[%dma_wait3A_476, %dma_wait3A_477] : memref<10112x128xf32, #tpu.memory_space<vmem_shared>> -> memref<10112x128xf32, #tpu.memory_space<vmem_shared>>
      tpu.wait_indirect_dma semaphore(%arg14 : memref<!tpu.dma_semaphore, #tpu.memory_space<semaphore_mem>>) src(%arg10 : memref<128x128xf32, #tpu.memory_space<vmem>>) dst(%dma_wait3A_478 : memref<10112x128xf32, #tpu.memory_space<vmem_shared>>)
      %dma_start3A_479 = arith.constant 1 : i32
      %dma_start3A_480 = arith.constant 0 : i32
      %dma_start3A_481 = tpu.memref_slice %arg8[%dma_start3A_479, %dma_start3A_480] : memref<2x1024xi32, #tpu.memory_space<vmem>> -> memref<1x1024xi32, #tpu.memory_space<vmem>>
      %dma_start3A_482 = tpu.memref_squeeze %dma_start3A_481 : memref<1x1024xi32, #tpu.memory_space<vmem>> -> memref<1024xi32, #tpu.memory_space<vmem>>
      %dma_start3A_483 = arith.constant 512 : i32
      %dma_start3A_484 = tpu.memref_slice %dma_start3A_482[%dma_start3A_483] : memref<1024xi32, #tpu.memory_space<vmem>> -> memref<128xi32, #tpu.memory_space<vmem>>
      %dma_start3A_485 = arith.constant 0 : i32
      %dma_start3A_486 = arith.constant 0 : i32
      %dma_start3A_487 = tpu.memref_slice %arg2[%dma_start3A_485, %dma_start3A_486] : memref<10000x128xf32, #tpu.memory_space<hbm>> -> memref<10000x128xf32, #tpu.memory_space<hbm>>
      tpu.enqueue_indirect_dma source(%dma_start3A_487 : memref<10000x128xf32, #tpu.memory_space<hbm>>) target(%arg10 : memref<128x128xf32, #tpu.memory_space<vmem>>) offsets(%dma_start3A_484 : memref<128xi32, #tpu.memory_space<vmem>>) semaphore(%arg12 : memref<!tpu.dma_semaphore, #tpu.memory_space<semaphore_mem>>)
      %dma_wait3A_488 = arith.constant 0 : i32
      %dma_wait3A_489 = arith.constant 0 : i32
      %dma_wait3A_490 = tpu.memref_slice %arg8[%dma_wait3A_488, %dma_wait3A_489] : memref<2x1024xi32, #tpu.memory_space<vmem>> -> memref<1x1024xi32, #tpu.memory_space<vmem>>
      %dma_wait3A_491 = tpu.memref_squeeze %dma_wait3A_490 : memref<1x1024xi32, #tpu.memory_space<vmem>> -> memref<1024xi32, #tpu.memory_space<vmem>>
      %dma_wait3A_492 = arith.constant 0 : i32
      %dma_wait3A_493 = tpu.memref_slice %dma_wait3A_491[%dma_wait3A_492] : memref<1024xi32, #tpu.memory_space<vmem>> -> memref<128xi32, #tpu.memory_space<vmem>>
      %dma_wait3A_494 = arith.constant 0 : i32
      %dma_wait3A_495 = arith.constant 0 : i32
      %dma_wait3A_496 = tpu.memref_slice %arg2[%dma_wait3A_494, %dma_wait3A_495] : memref<10000x128xf32, #tpu.memory_space<hbm>> -> memref<10000x128xf32, #tpu.memory_space<hbm>>
      tpu.wait_indirect_dma semaphore(%arg13 : memref<!tpu.dma_semaphore, #tpu.memory_space<semaphore_mem>>) src(%dma_wait3A_496 : memref<10000x128xf32, #tpu.memory_space<hbm>>) dst(%arg11 : memref<128x128xf32, #tpu.memory_space<vmem>>)
      %dma_start3A_497 = arith.constant 11 : i32
      %dma_start3A_498 = arith.constant 0 : i32
      %dma_start3A_499 = tpu.memref_slice %arg9[%dma_start3A_497, %dma_start3A_498] : memref<16x128xi32, #tpu.memory_space<vmem>> -> memref<1x128xi32, #tpu.memory_space<vmem>>
      %dma_start3A_500 = tpu.memref_squeeze %dma_start3A_499 : memref<1x128xi32, #tpu.memory_space<vmem>> -> memref<128xi32, #tpu.memory_space<vmem>>
      %dma_start3A_501 = arith.constant 0 : i32
      %dma_start3A_502 = arith.constant 0 : i32
      %dma_start3A_503 = tpu.memref_slice %arg7[%dma_start3A_501, %dma_start3A_502] : memref<10112x128xf32, #tpu.memory_space<vmem_shared>> -> memref<10112x128xf32, #tpu.memory_space<vmem_shared>>
      tpu.enqueue_indirect_dma source(%arg11 : memref<128x128xf32, #tpu.memory_space<vmem>>) target(%dma_start3A_503 : memref<10112x128xf32, #tpu.memory_space<vmem_shared>>) offsets(%dma_start3A_500 : memref<128xi32, #tpu.memory_space<vmem>>) semaphore(%arg15 : memref<!tpu.dma_semaphore, #tpu.memory_space<semaphore_mem>>) {add = true}
      %dma_wait3A_504 = arith.constant 0 : i32
      %dma_wait3A_505 = arith.constant 0 : i32
      %dma_wait3A_506 = tpu.memref_slice %arg9[%dma_wait3A_504, %dma_wait3A_505] : memref<16x128xi32, #tpu.memory_space<vmem>> -> memref<1x128xi32, #tpu.memory_space<vmem>>
      %dma_wait3A_507 = tpu.memref_squeeze %dma_wait3A_506 : memref<1x128xi32, #tpu.memory_space<vmem>> -> memref<128xi32, #tpu.memory_space<vmem>>
      %dma_wait3A_508 = arith.constant 0 : i32
      %dma_wait3A_509 = arith.constant 0 : i32
      %dma_wait3A_510 = tpu.memref_slice %arg7[%dma_wait3A_508, %dma_wait3A_509] : memref<10112x128xf32, #tpu.memory_space<vmem_shared>> -> memref<10112x128xf32, #tpu.memory_space<vmem_shared>>
      tpu.wait_indirect_dma semaphore(%arg15 : memref<!tpu.dma_semaphore, #tpu.memory_space<semaphore_mem>>) src(%arg11 : memref<128x128xf32, #tpu.memory_space<vmem>>) dst(%dma_wait3A_510 : memref<10112x128xf32, #tpu.memory_space<vmem_shared>>)
      %dma_start3A_511 = arith.constant 1 : i32
      %dma_start3A_512 = arith.constant 0 : i32
      %dma_start3A_513 = tpu.memref_slice %arg8[%dma_start3A_511, %dma_start3A_512] : memref<2x1024xi32, #tpu.memory_space<vmem>> -> memref<1x1024xi32, #tpu.memory_space<vmem>>
      %dma_start3A_514 = tpu.memref_squeeze %dma_start3A_513 : memref<1x1024xi32, #tpu.memory_space<vmem>> -> memref<1024xi32, #tpu.memory_space<vmem>>
      %dma_start3A_515 = arith.constant 640 : i32
      %dma_start3A_516 = tpu.memref_slice %dma_start3A_514[%dma_start3A_515] : memref<1024xi32, #tpu.memory_space<vmem>> -> memref<128xi32, #tpu.memory_space<vmem>>
      %dma_start3A_517 = arith.constant 0 : i32
      %dma_start3A_518 = arith.constant 0 : i32
      %dma_start3A_519 = tpu.memref_slice %arg2[%dma_start3A_517, %dma_start3A_518] : memref<10000x128xf32, #tpu.memory_space<hbm>> -> memref<10000x128xf32, #tpu.memory_space<hbm>>
      tpu.enqueue_indirect_dma source(%dma_start3A_519 : memref<10000x128xf32, #tpu.memory_space<hbm>>) target(%arg11 : memref<128x128xf32, #tpu.memory_space<vmem>>) offsets(%dma_start3A_516 : memref<128xi32, #tpu.memory_space<vmem>>) semaphore(%arg13 : memref<!tpu.dma_semaphore, #tpu.memory_space<semaphore_mem>>)
      %dma_wait3A_520 = arith.constant 0 : i32
      %dma_wait3A_521 = arith.constant 0 : i32
      %dma_wait3A_522 = tpu.memref_slice %arg8[%dma_wait3A_520, %dma_wait3A_521] : memref<2x1024xi32, #tpu.memory_space<vmem>> -> memref<1x1024xi32, #tpu.memory_space<vmem>>
      %dma_wait3A_523 = tpu.memref_squeeze %dma_wait3A_522 : memref<1x1024xi32, #tpu.memory_space<vmem>> -> memref<1024xi32, #tpu.memory_space<vmem>>
      %dma_wait3A_524 = arith.constant 0 : i32
      %dma_wait3A_525 = tpu.memref_slice %dma_wait3A_523[%dma_wait3A_524] : memref<1024xi32, #tpu.memory_space<vmem>> -> memref<128xi32, #tpu.memory_space<vmem>>
      %dma_wait3A_526 = arith.constant 0 : i32
      %dma_wait3A_527 = arith.constant 0 : i32
      %dma_wait3A_528 = tpu.memref_slice %arg2[%dma_wait3A_526, %dma_wait3A_527] : memref<10000x128xf32, #tpu.memory_space<hbm>> -> memref<10000x128xf32, #tpu.memory_space<hbm>>
      tpu.wait_indirect_dma semaphore(%arg12 : memref<!tpu.dma_semaphore, #tpu.memory_space<semaphore_mem>>) src(%dma_wait3A_528 : memref<10000x128xf32, #tpu.memory_space<hbm>>) dst(%arg10 : memref<128x128xf32, #tpu.memory_space<vmem>>)
      %dma_start3A_529 = arith.constant 12 : i32
      %dma_start3A_530 = arith.constant 0 : i32
      %dma_start3A_531 = tpu.memref_slice %arg9[%dma_start3A_529, %dma_start3A_530] : memref<16x128xi32, #tpu.memory_space<vmem>> -> memref<1x128xi32, #tpu.memory_space<vmem>>
      %dma_start3A_532 = tpu.memref_squeeze %dma_start3A_531 : memref<1x128xi32, #tpu.memory_space<vmem>> -> memref<128xi32, #tpu.memory_space<vmem>>
      %dma_start3A_533 = arith.constant 0 : i32
      %dma_start3A_534 = arith.constant 0 : i32
      %dma_start3A_535 = tpu.memref_slice %arg7[%dma_start3A_533, %dma_start3A_534] : memref<10112x128xf32, #tpu.memory_space<vmem_shared>> -> memref<10112x128xf32, #tpu.memory_space<vmem_shared>>
      tpu.enqueue_indirect_dma source(%arg10 : memref<128x128xf32, #tpu.memory_space<vmem>>) target(%dma_start3A_535 : memref<10112x128xf32, #tpu.memory_space<vmem_shared>>) offsets(%dma_start3A_532 : memref<128xi32, #tpu.memory_space<vmem>>) semaphore(%arg14 : memref<!tpu.dma_semaphore, #tpu.memory_space<semaphore_mem>>) {add = true}
      %dma_wait3A_536 = arith.constant 0 : i32
      %dma_wait3A_537 = arith.constant 0 : i32
      %dma_wait3A_538 = tpu.memref_slice %arg9[%dma_wait3A_536, %dma_wait3A_537] : memref<16x128xi32, #tpu.memory_space<vmem>> -> memref<1x128xi32, #tpu.memory_space<vmem>>
      %dma_wait3A_539 = tpu.memref_squeeze %dma_wait3A_538 : memref<1x128xi32, #tpu.memory_space<vmem>> -> memref<128xi32, #tpu.memory_space<vmem>>
      %dma_wait3A_540 = arith.constant 0 : i32
      %dma_wait3A_541 = arith.constant 0 : i32
      %dma_wait3A_542 = tpu.memref_slice %arg7[%dma_wait3A_540, %dma_wait3A_541] : memref<10112x128xf32, #tpu.memory_space<vmem_shared>> -> memref<10112x128xf32, #tpu.memory_space<vmem_shared>>
      tpu.wait_indirect_dma semaphore(%arg14 : memref<!tpu.dma_semaphore, #tpu.memory_space<semaphore_mem>>) src(%arg10 : memref<128x128xf32, #tpu.memory_space<vmem>>) dst(%dma_wait3A_542 : memref<10112x128xf32, #tpu.memory_space<vmem_shared>>)
      %dma_start3A_543 = arith.constant 1 : i32
      %dma_start3A_544 = arith.constant 0 : i32
      %dma_start3A_545 = tpu.memref_slice %arg8[%dma_start3A_543, %dma_start3A_544] : memref<2x1024xi32, #tpu.memory_space<vmem>> -> memref<1x1024xi32, #tpu.memory_space<vmem>>
      %dma_start3A_546 = tpu.memref_squeeze %dma_start3A_545 : memref<1x1024xi32, #tpu.memory_space<vmem>> -> memref<1024xi32, #tpu.memory_space<vmem>>
      %dma_start3A_547 = arith.constant 768 : i32
      %dma_start3A_548 = tpu.memref_slice %dma_start3A_546[%dma_start3A_547] : memref<1024xi32, #tpu.memory_space<vmem>> -> memref<128xi32, #tpu.memory_space<vmem>>
      %dma_start3A_549 = arith.constant 0 : i32
      %dma_start3A_550 = arith.constant 0 : i32
      %dma_start3A_551 = tpu.memref_slice %arg2[%dma_start3A_549, %dma_start3A_550] : memref<10000x128xf32, #tpu.memory_space<hbm>> -> memref<10000x128xf32, #tpu.memory_space<hbm>>
      tpu.enqueue_indirect_dma source(%dma_start3A_551 : memref<10000x128xf32, #tpu.memory_space<hbm>>) target(%arg10 : memref<128x128xf32, #tpu.memory_space<vmem>>) offsets(%dma_start3A_548 : memref<128xi32, #tpu.memory_space<vmem>>) semaphore(%arg12 : memref<!tpu.dma_semaphore, #tpu.memory_space<semaphore_mem>>)
      %dma_wait3A_552 = arith.constant 0 : i32
      %dma_wait3A_553 = arith.constant 0 : i32
      %dma_wait3A_554 = tpu.memref_slice %arg8[%dma_wait3A_552, %dma_wait3A_553] : memref<2x1024xi32, #tpu.memory_space<vmem>> -> memref<1x1024xi32, #tpu.memory_space<vmem>>
      %dma_wait3A_555 = tpu.memref_squeeze %dma_wait3A_554 : memref<1x1024xi32, #tpu.memory_space<vmem>> -> memref<1024xi32, #tpu.memory_space<vmem>>
      %dma_wait3A_556 = arith.constant 0 : i32
      %dma_wait3A_557 = tpu.memref_slice %dma_wait3A_555[%dma_wait3A_556] : memref<1024xi32, #tpu.memory_space<vmem>> -> memref<128xi32, #tpu.memory_space<vmem>>
      %dma_wait3A_558 = arith.constant 0 : i32
      %dma_wait3A_559 = arith.constant 0 : i32
      %dma_wait3A_560 = tpu.memref_slice %arg2[%dma_wait3A_558, %dma_wait3A_559] : memref<10000x128xf32, #tpu.memory_space<hbm>> -> memref<10000x128xf32, #tpu.memory_space<hbm>>
      tpu.wait_indirect_dma semaphore(%arg13 : memref<!tpu.dma_semaphore, #tpu.memory_space<semaphore_mem>>) src(%dma_wait3A_560 : memref<10000x128xf32, #tpu.memory_space<hbm>>) dst(%arg11 : memref<128x128xf32, #tpu.memory_space<vmem>>)
      %dma_start3A_561 = arith.constant 13 : i32
      %dma_start3A_562 = arith.constant 0 : i32
      %dma_start3A_563 = tpu.memref_slice %arg9[%dma_start3A_561, %dma_start3A_562] : memref<16x128xi32, #tpu.memory_space<vmem>> -> memref<1x128xi32, #tpu.memory_space<vmem>>
      %dma_start3A_564 = tpu.memref_squeeze %dma_start3A_563 : memref<1x128xi32, #tpu.memory_space<vmem>> -> memref<128xi32, #tpu.memory_space<vmem>>
      %dma_start3A_565 = arith.constant 0 : i32
      %dma_start3A_566 = arith.constant 0 : i32
      %dma_start3A_567 = tpu.memref_slice %arg7[%dma_start3A_565, %dma_start3A_566] : memref<10112x128xf32, #tpu.memory_space<vmem_shared>> -> memref<10112x128xf32, #tpu.memory_space<vmem_shared>>
      tpu.enqueue_indirect_dma source(%arg11 : memref<128x128xf32, #tpu.memory_space<vmem>>) target(%dma_start3A_567 : memref<10112x128xf32, #tpu.memory_space<vmem_shared>>) offsets(%dma_start3A_564 : memref<128xi32, #tpu.memory_space<vmem>>) semaphore(%arg15 : memref<!tpu.dma_semaphore, #tpu.memory_space<semaphore_mem>>) {add = true}
      %dma_wait3A_568 = arith.constant 0 : i32
      %dma_wait3A_569 = arith.constant 0 : i32
      %dma_wait3A_570 = tpu.memref_slice %arg9[%dma_wait3A_568, %dma_wait3A_569] : memref<16x128xi32, #tpu.memory_space<vmem>> -> memref<1x128xi32, #tpu.memory_space<vmem>>
      %dma_wait3A_571 = tpu.memref_squeeze %dma_wait3A_570 : memref<1x128xi32, #tpu.memory_space<vmem>> -> memref<128xi32, #tpu.memory_space<vmem>>
      %dma_wait3A_572 = arith.constant 0 : i32
      %dma_wait3A_573 = arith.constant 0 : i32
      %dma_wait3A_574 = tpu.memref_slice %arg7[%dma_wait3A_572, %dma_wait3A_573] : memref<10112x128xf32, #tpu.memory_space<vmem_shared>> -> memref<10112x128xf32, #tpu.memory_space<vmem_shared>>
      tpu.wait_indirect_dma semaphore(%arg15 : memref<!tpu.dma_semaphore, #tpu.memory_space<semaphore_mem>>) src(%arg11 : memref<128x128xf32, #tpu.memory_space<vmem>>) dst(%dma_wait3A_574 : memref<10112x128xf32, #tpu.memory_space<vmem_shared>>)
      %dma_start3A_575 = arith.constant 1 : i32
      %dma_start3A_576 = arith.constant 0 : i32
      %dma_start3A_577 = tpu.memref_slice %arg8[%dma_start3A_575, %dma_start3A_576] : memref<2x1024xi32, #tpu.memory_space<vmem>> -> memref<1x1024xi32, #tpu.memory_space<vmem>>
      %dma_start3A_578 = tpu.memref_squeeze %dma_start3A_577 : memref<1x1024xi32, #tpu.memory_space<vmem>> -> memref<1024xi32, #tpu.memory_space<vmem>>
      %dma_start3A_579 = arith.constant 896 : i32
      %dma_start3A_580 = tpu.memref_slice %dma_start3A_578[%dma_start3A_579] : memref<1024xi32, #tpu.memory_space<vmem>> -> memref<128xi32, #tpu.memory_space<vmem>>
      %dma_start3A_581 = arith.constant 0 : i32
      %dma_start3A_582 = arith.constant 0 : i32
      %dma_start3A_583 = tpu.memref_slice %arg2[%dma_start3A_581, %dma_start3A_582] : memref<10000x128xf32, #tpu.memory_space<hbm>> -> memref<10000x128xf32, #tpu.memory_space<hbm>>
      tpu.enqueue_indirect_dma source(%dma_start3A_583 : memref<10000x128xf32, #tpu.memory_space<hbm>>) target(%arg11 : memref<128x128xf32, #tpu.memory_space<vmem>>) offsets(%dma_start3A_580 : memref<128xi32, #tpu.memory_space<vmem>>) semaphore(%arg13 : memref<!tpu.dma_semaphore, #tpu.memory_space<semaphore_mem>>)
      %dma_wait3A_584 = arith.constant 0 : i32
      %dma_wait3A_585 = arith.constant 0 : i32
      %dma_wait3A_586 = tpu.memref_slice %arg8[%dma_wait3A_584, %dma_wait3A_585] : memref<2x1024xi32, #tpu.memory_space<vmem>> -> memref<1x1024xi32, #tpu.memory_space<vmem>>
      %dma_wait3A_587 = tpu.memref_squeeze %dma_wait3A_586 : memref<1x1024xi32, #tpu.memory_space<vmem>> -> memref<1024xi32, #tpu.memory_space<vmem>>
      %dma_wait3A_588 = arith.constant 0 : i32
      %dma_wait3A_589 = tpu.memref_slice %dma_wait3A_587[%dma_wait3A_588] : memref<1024xi32, #tpu.memory_space<vmem>> -> memref<128xi32, #tpu.memory_space<vmem>>
      %dma_wait3A_590 = arith.constant 0 : i32
      %dma_wait3A_591 = arith.constant 0 : i32
      %dma_wait3A_592 = tpu.memref_slice %arg2[%dma_wait3A_590, %dma_wait3A_591] : memref<10000x128xf32, #tpu.memory_space<hbm>> -> memref<10000x128xf32, #tpu.memory_space<hbm>>
      tpu.wait_indirect_dma semaphore(%arg12 : memref<!tpu.dma_semaphore, #tpu.memory_space<semaphore_mem>>) src(%dma_wait3A_592 : memref<10000x128xf32, #tpu.memory_space<hbm>>) dst(%arg10 : memref<128x128xf32, #tpu.memory_space<vmem>>)
      %dma_start3A_593 = arith.constant 14 : i32
      %dma_start3A_594 = arith.constant 0 : i32
      %dma_start3A_595 = tpu.memref_slice %arg9[%dma_start3A_593, %dma_start3A_594] : memref<16x128xi32, #tpu.memory_space<vmem>> -> memref<1x128xi32, #tpu.memory_space<vmem>>
      %dma_start3A_596 = tpu.memref_squeeze %dma_start3A_595 : memref<1x128xi32, #tpu.memory_space<vmem>> -> memref<128xi32, #tpu.memory_space<vmem>>
      %dma_start3A_597 = arith.constant 0 : i32
      %dma_start3A_598 = arith.constant 0 : i32
      %dma_start3A_599 = tpu.memref_slice %arg7[%dma_start3A_597, %dma_start3A_598] : memref<10112x128xf32, #tpu.memory_space<vmem_shared>> -> memref<10112x128xf32, #tpu.memory_space<vmem_shared>>
      tpu.enqueue_indirect_dma source(%arg10 : memref<128x128xf32, #tpu.memory_space<vmem>>) target(%dma_start3A_599 : memref<10112x128xf32, #tpu.memory_space<vmem_shared>>) offsets(%dma_start3A_596 : memref<128xi32, #tpu.memory_space<vmem>>) semaphore(%arg14 : memref<!tpu.dma_semaphore, #tpu.memory_space<semaphore_mem>>) {add = true}
      %dma_wait3A_600 = arith.constant 0 : i32
      %dma_wait3A_601 = arith.constant 0 : i32
      %dma_wait3A_602 = tpu.memref_slice %arg8[%dma_wait3A_600, %dma_wait3A_601] : memref<2x1024xi32, #tpu.memory_space<vmem>> -> memref<1x1024xi32, #tpu.memory_space<vmem>>
      %dma_wait3A_603 = tpu.memref_squeeze %dma_wait3A_602 : memref<1x1024xi32, #tpu.memory_space<vmem>> -> memref<1024xi32, #tpu.memory_space<vmem>>
      %dma_wait3A_604 = arith.constant 0 : i32
      %dma_wait3A_605 = tpu.memref_slice %dma_wait3A_603[%dma_wait3A_604] : memref<1024xi32, #tpu.memory_space<vmem>> -> memref<128xi32, #tpu.memory_space<vmem>>
      %dma_wait3A_606 = arith.constant 0 : i32
      %dma_wait3A_607 = arith.constant 0 : i32
      %dma_wait3A_608 = tpu.memref_slice %arg2[%dma_wait3A_606, %dma_wait3A_607] : memref<10000x128xf32, #tpu.memory_space<hbm>> -> memref<10000x128xf32, #tpu.memory_space<hbm>>
      tpu.wait_indirect_dma semaphore(%arg13 : memref<!tpu.dma_semaphore, #tpu.memory_space<semaphore_mem>>) src(%dma_wait3A_608 : memref<10000x128xf32, #tpu.memory_space<hbm>>) dst(%arg11 : memref<128x128xf32, #tpu.memory_space<vmem>>)
      %dma_start3A_609 = arith.constant 15 : i32
      %dma_start3A_610 = arith.constant 0 : i32
      %dma_start3A_611 = tpu.memref_slice %arg9[%dma_start3A_609, %dma_start3A_610] : memref<16x128xi32, #tpu.memory_space<vmem>> -> memref<1x128xi32, #tpu.memory_space<vmem>>
      %dma_start3A_612 = tpu.memref_squeeze %dma_start3A_611 : memref<1x128xi32, #tpu.memory_space<vmem>> -> memref<128xi32, #tpu.memory_space<vmem>>
      %dma_start3A_613 = arith.constant 0 : i32
      %dma_start3A_614 = arith.constant 0 : i32
      %dma_start3A_615 = tpu.memref_slice %arg7[%dma_start3A_613, %dma_start3A_614] : memref<10112x128xf32, #tpu.memory_space<vmem_shared>> -> memref<10112x128xf32, #tpu.memory_space<vmem_shared>>
      tpu.enqueue_indirect_dma source(%arg11 : memref<128x128xf32, #tpu.memory_space<vmem>>) target(%dma_start3A_615 : memref<10112x128xf32, #tpu.memory_space<vmem_shared>>) offsets(%dma_start3A_612 : memref<128xi32, #tpu.memory_space<vmem>>) semaphore(%arg15 : memref<!tpu.dma_semaphore, #tpu.memory_space<semaphore_mem>>) {add = true}
      %dma_wait3A_616 = arith.constant 0 : i32
      %dma_wait3A_617 = arith.constant 0 : i32
      %dma_wait3A_618 = tpu.memref_slice %arg9[%dma_wait3A_616, %dma_wait3A_617] : memref<16x128xi32, #tpu.memory_space<vmem>> -> memref<1x128xi32, #tpu.memory_space<vmem>>
      %dma_wait3A_619 = tpu.memref_squeeze %dma_wait3A_618 : memref<1x128xi32, #tpu.memory_space<vmem>> -> memref<128xi32, #tpu.memory_space<vmem>>
      %dma_wait3A_620 = arith.constant 0 : i32
      %dma_wait3A_621 = arith.constant 0 : i32
      %dma_wait3A_622 = tpu.memref_slice %arg7[%dma_wait3A_620, %dma_wait3A_621] : memref<10112x128xf32, #tpu.memory_space<vmem_shared>> -> memref<10112x128xf32, #tpu.memory_space<vmem_shared>>
      tpu.wait_indirect_dma semaphore(%arg14 : memref<!tpu.dma_semaphore, #tpu.memory_space<semaphore_mem>>) src(%arg10 : memref<128x128xf32, #tpu.memory_space<vmem>>) dst(%dma_wait3A_622 : memref<10112x128xf32, #tpu.memory_space<vmem_shared>>)
      %dma_wait3A_623 = arith.constant 0 : i32
      %dma_wait3A_624 = arith.constant 0 : i32
      %dma_wait3A_625 = tpu.memref_slice %arg9[%dma_wait3A_623, %dma_wait3A_624] : memref<16x128xi32, #tpu.memory_space<vmem>> -> memref<1x128xi32, #tpu.memory_space<vmem>>
      %dma_wait3A_626 = tpu.memref_squeeze %dma_wait3A_625 : memref<1x128xi32, #tpu.memory_space<vmem>> -> memref<128xi32, #tpu.memory_space<vmem>>
      %dma_wait3A_627 = arith.constant 0 : i32
      %dma_wait3A_628 = arith.constant 0 : i32
      %dma_wait3A_629 = tpu.memref_slice %arg7[%dma_wait3A_627, %dma_wait3A_628] : memref<10112x128xf32, #tpu.memory_space<vmem_shared>> -> memref<10112x128xf32, #tpu.memory_space<vmem_shared>>
      tpu.wait_indirect_dma semaphore(%arg15 : memref<!tpu.dma_semaphore, #tpu.memory_space<semaphore_mem>>) src(%arg11 : memref<128x128xf32, #tpu.memory_space<vmem>>) dst(%dma_wait3A_629 : memref<10112x128xf32, #tpu.memory_space<vmem_shared>>)
    }
    %while3A_45 = arith.constant 1 : i32
    scf.for %while3A_56 = %while3A_43 to %while3A_39 step %while3A_45  : i32 {
      %mul3A_57 = arith.constant 2 : i32
      %mul3A_58 = arith.muli %mul3A_57, %while3A_56 : i32
      %add3A_59 = arith.constant 0 : i32
      %add3A_60 = arith.addi %mul3A_58, %add3A_59 : i32
      %add3A_61 = arith.constant 1 : i32
      %add3A_62 = arith.addi %add3A_60, %add3A_61 : i32
      %lt3A = arith.cmpi slt, %add3A_62, %select_n3A_8 : i32
      %convert_element_type3A_63 = arith.extui %lt3A : i1 to i32
      %cond3A_64 = arith.constant 0 : i32
      %cond3A_65 = arith.cmpi ne, %convert_element_type3A_63, %cond3A_64 : i32
      scf.if %cond3A_65 {
        %add3A_630 = arith.constant 0 : i32
        %add3A_631 = arith.addi %mul3A_58, %add3A_630 : i32
        %add3A_632 = arith.constant 1 : i32
        %add3A_633 = arith.addi %add3A_631, %add3A_632 : i32
        %mul3A_634 = arith.constant 8 : i32
        %mul3A_635 = arith.muli %add3A_633, %mul3A_634 : i32
        %add3A_636 = arith.addi %select_n3A, %mul3A_635 : i32
        %mul3A_637 = arith.constant 128 : i32
        %mul3A_638 = arith.muli %add3A_636, %mul3A_637 : i32
        %dma_start3A_639 = arith.constant 1 : i32
        %dma_start3A_640 = arith.constant 0 : i32
        %dma_start3A_641 = tpu.memref_slice %arg8[%dma_start3A_639, %dma_start3A_640] : memref<2x1024xi32, #tpu.memory_space<vmem>> -> memref<1x1024xi32, #tpu.memory_space<vmem>>
        %dma_start3A_642 = tpu.memref_squeeze %dma_start3A_641 : memref<1x1024xi32, #tpu.memory_space<vmem>> -> memref<1024xi32, #tpu.memory_space<vmem>>
        %dma_start3A_643 = tpu.memref_slice %arg3[%mul3A_638] : memref<327680xi32, #tpu.memory_space<hbm>> -> memref<1024xi32, #tpu.memory_space<hbm>>
        %dma_start3A_644 = arith.constant 0 : i32
        %dma_start3A_645 = tpu.memref_slice %arg8[%dma_start3A_639, %dma_start3A_644] : memref<2x1024xi32, #tpu.memory_space<vmem>> -> memref<1x1024xi32, #tpu.memory_space<vmem>>
        %dma_start3A_646 = tpu.memref_squeeze %dma_start3A_645 : memref<1x1024xi32, #tpu.memory_space<vmem>> -> memref<1024xi32, #tpu.memory_space<vmem>>
        %dma_start3A_647 = tpu.memref_slice %arg3[%mul3A_638] : memref<327680xi32, #tpu.memory_space<hbm>> -> memref<1024xi32, #tpu.memory_space<hbm>>
        tpu.enqueue_dma source(%dma_start3A_647 : memref<1024xi32, #tpu.memory_space<hbm>>) target(%dma_start3A_646 : memref<1024xi32, #tpu.memory_space<vmem>>) target_semaphore(%arg17 : memref<!tpu.dma_semaphore, #tpu.memory_space<semaphore_mem>>)
        %dma_start3A_648 = arith.constant 8 : i32
        %dma_start3A_649 = arith.constant 0 : i32
        %dma_start3A_650 = tpu.memref_slice %arg9[%dma_start3A_648, %dma_start3A_649] : memref<16x128xi32, #tpu.memory_space<vmem>> -> memref<8x128xi32, #tpu.memory_space<vmem>>
        %dma_start3A_651 = arith.constant 0 : i32
        %dma_start3A_652 = tpu.memref_slice %arg4[%add3A_636, %dma_start3A_651] : memref<2560x128xi32, #tpu.memory_space<hbm>> -> memref<8x128xi32, #tpu.memory_space<hbm>>
        %dma_start3A_653 = arith.constant 8 : i32
        %dma_start3A_654 = arith.constant 0 : i32
        %dma_start3A_655 = tpu.memref_slice %arg9[%dma_start3A_653, %dma_start3A_654] : memref<16x128xi32, #tpu.memory_space<vmem>> -> memref<8x128xi32, #tpu.memory_space<vmem>>
        %dma_start3A_656 = arith.constant 0 : i32
        %dma_start3A_657 = tpu.memref_slice %arg4[%add3A_636, %dma_start3A_656] : memref<2560x128xi32, #tpu.memory_space<hbm>> -> memref<8x128xi32, #tpu.memory_space<hbm>>
        tpu.enqueue_dma source(%dma_start3A_657 : memref<8x128xi32, #tpu.memory_space<hbm>>) target(%dma_start3A_655 : memref<8x128xi32, #tpu.memory_space<vmem>>) target_semaphore(%arg17 : memref<!tpu.dma_semaphore, #tpu.memory_space<semaphore_mem>>)
      } else {
      }
      %dma_wait3A = arith.constant 0 : i32
      %dma_wait3A_66 = arith.constant 0 : i32
      %dma_wait3A_67 = tpu.memref_slice %arg8[%dma_wait3A, %dma_wait3A_66] : memref<2x1024xi32, #tpu.memory_space<vmem>> -> memref<1x1024xi32, #tpu.memory_space<vmem>>
      %dma_wait3A_68 = tpu.memref_squeeze %dma_wait3A_67 : memref<1x1024xi32, #tpu.memory_space<vmem>> -> memref<1024xi32, #tpu.memory_space<vmem>>
      %dma_wait3A_69 = arith.constant 0 : i32
      %dma_wait3A_70 = tpu.memref_slice %arg3[%dma_wait3A_69] : memref<327680xi32, #tpu.memory_space<hbm>> -> memref<1024xi32, #tpu.memory_space<hbm>>
      %dma_wait3A_71 = arith.constant 0 : i32
      %dma_wait3A_72 = tpu.memref_slice %arg8[%dma_wait3A, %dma_wait3A_71] : memref<2x1024xi32, #tpu.memory_space<vmem>> -> memref<1x1024xi32, #tpu.memory_space<vmem>>
      %dma_wait3A_73 = tpu.memref_squeeze %dma_wait3A_72 : memref<1x1024xi32, #tpu.memory_space<vmem>> -> memref<1024xi32, #tpu.memory_space<vmem>>
      %dma_wait3A_74 = arith.constant 0 : i32
      %dma_wait3A_75 = tpu.memref_slice %arg3[%dma_wait3A_74] : memref<327680xi32, #tpu.memory_space<hbm>> -> memref<1024xi32, #tpu.memory_space<hbm>>
      tpu.wait_dma2 semaphore(%arg16 : memref<!tpu.dma_semaphore, #tpu.memory_space<semaphore_mem>>) src(%dma_wait3A_75 : memref<1024xi32, #tpu.memory_space<hbm>>) dst(%dma_wait3A_73 : memref<1024xi32, #tpu.memory_space<vmem>>)
      %dma_wait3A_76 = arith.constant 0 : i32
      %dma_wait3A_77 = arith.constant 0 : i32
      %dma_wait3A_78 = tpu.memref_slice %arg9[%dma_wait3A_76, %dma_wait3A_77] : memref<16x128xi32, #tpu.memory_space<vmem>> -> memref<8x128xi32, #tpu.memory_space<vmem>>
      %dma_wait3A_79 = arith.constant 0 : i32
      %dma_wait3A_80 = arith.constant 0 : i32
      %dma_wait3A_81 = tpu.memref_slice %arg4[%dma_wait3A_79, %dma_wait3A_80] : memref<2560x128xi32, #tpu.memory_space<hbm>> -> memref<8x128xi32, #tpu.memory_space<hbm>>
      %dma_wait3A_82 = arith.constant 0 : i32
      %dma_wait3A_83 = arith.constant 0 : i32
      %dma_wait3A_84 = tpu.memref_slice %arg9[%dma_wait3A_82, %dma_wait3A_83] : memref<16x128xi32, #tpu.memory_space<vmem>> -> memref<8x128xi32, #tpu.memory_space<vmem>>
      %dma_wait3A_85 = arith.constant 0 : i32
      %dma_wait3A_86 = arith.constant 0 : i32
      %dma_wait3A_87 = tpu.memref_slice %arg4[%dma_wait3A_85, %dma_wait3A_86] : memref<2560x128xi32, #tpu.memory_space<hbm>> -> memref<8x128xi32, #tpu.memory_space<hbm>>
      tpu.wait_dma2 semaphore(%arg16 : memref<!tpu.dma_semaphore, #tpu.memory_space<semaphore_mem>>) src(%dma_wait3A_87 : memref<8x128xi32, #tpu.memory_space<hbm>>) dst(%dma_wait3A_84 : memref<8x128xi32, #tpu.memory_space<vmem>>)
      %dma_start3A = arith.constant 0 : i32
      %dma_start3A_88 = arith.constant 0 : i32
      %dma_start3A_89 = tpu.memref_slice %arg8[%dma_start3A, %dma_start3A_88] : memref<2x1024xi32, #tpu.memory_space<vmem>> -> memref<1x1024xi32, #tpu.memory_space<vmem>>
      %dma_start3A_90 = tpu.memref_squeeze %dma_start3A_89 : memref<1x1024xi32, #tpu.memory_space<vmem>> -> memref<1024xi32, #tpu.memory_space<vmem>>
      %dma_start3A_91 = arith.constant 0 : i32
      %dma_start3A_92 = tpu.memref_slice %dma_start3A_90[%dma_start3A_91] : memref<1024xi32, #tpu.memory_space<vmem>> -> memref<128xi32, #tpu.memory_space<vmem>>
      %dma_start3A_93 = arith.constant 0 : i32
      %dma_start3A_94 = arith.constant 0 : i32
      %dma_start3A_95 = tpu.memref_slice %arg2[%dma_start3A_93, %dma_start3A_94] : memref<10000x128xf32, #tpu.memory_space<hbm>> -> memref<10000x128xf32, #tpu.memory_space<hbm>>
      tpu.enqueue_indirect_dma source(%dma_start3A_95 : memref<10000x128xf32, #tpu.memory_space<hbm>>) target(%arg10 : memref<128x128xf32, #tpu.memory_space<vmem>>) offsets(%dma_start3A_92 : memref<128xi32, #tpu.memory_space<vmem>>) semaphore(%arg12 : memref<!tpu.dma_semaphore, #tpu.memory_space<semaphore_mem>>)
      %dma_start3A_96 = arith.constant 0 : i32
      %dma_start3A_97 = arith.constant 0 : i32
      %dma_start3A_98 = tpu.memref_slice %arg8[%dma_start3A_96, %dma_start3A_97] : memref<2x1024xi32, #tpu.memory_space<vmem>> -> memref<1x1024xi32, #tpu.memory_space<vmem>>
      %dma_start3A_99 = tpu.memref_squeeze %dma_start3A_98 : memref<1x1024xi32, #tpu.memory_space<vmem>> -> memref<1024xi32, #tpu.memory_space<vmem>>
      %dma_start3A_100 = arith.constant 128 : i32
      %dma_start3A_101 = tpu.memref_slice %dma_start3A_99[%dma_start3A_100] : memref<1024xi32, #tpu.memory_space<vmem>> -> memref<128xi32, #tpu.memory_space<vmem>>
      %dma_start3A_102 = arith.constant 0 : i32
      %dma_start3A_103 = arith.constant 0 : i32
      %dma_start3A_104 = tpu.memref_slice %arg2[%dma_start3A_102, %dma_start3A_103] : memref<10000x128xf32, #tpu.memory_space<hbm>> -> memref<10000x128xf32, #tpu.memory_space<hbm>>
      tpu.enqueue_indirect_dma source(%dma_start3A_104 : memref<10000x128xf32, #tpu.memory_space<hbm>>) target(%arg11 : memref<128x128xf32, #tpu.memory_space<vmem>>) offsets(%dma_start3A_101 : memref<128xi32, #tpu.memory_space<vmem>>) semaphore(%arg13 : memref<!tpu.dma_semaphore, #tpu.memory_space<semaphore_mem>>)
      %dma_wait3A_105 = arith.constant 0 : i32
      %dma_wait3A_106 = arith.constant 0 : i32
      %dma_wait3A_107 = tpu.memref_slice %arg8[%dma_wait3A_105, %dma_wait3A_106] : memref<2x1024xi32, #tpu.memory_space<vmem>> -> memref<1x1024xi32, #tpu.memory_space<vmem>>
      %dma_wait3A_108 = tpu.memref_squeeze %dma_wait3A_107 : memref<1x1024xi32, #tpu.memory_space<vmem>> -> memref<1024xi32, #tpu.memory_space<vmem>>
      %dma_wait3A_109 = arith.constant 0 : i32
      %dma_wait3A_110 = tpu.memref_slice %dma_wait3A_108[%dma_wait3A_109] : memref<1024xi32, #tpu.memory_space<vmem>> -> memref<128xi32, #tpu.memory_space<vmem>>
      %dma_wait3A_111 = arith.constant 0 : i32
      %dma_wait3A_112 = arith.constant 0 : i32
      %dma_wait3A_113 = tpu.memref_slice %arg2[%dma_wait3A_111, %dma_wait3A_112] : memref<10000x128xf32, #tpu.memory_space<hbm>> -> memref<10000x128xf32, #tpu.memory_space<hbm>>
      tpu.wait_indirect_dma semaphore(%arg12 : memref<!tpu.dma_semaphore, #tpu.memory_space<semaphore_mem>>) src(%dma_wait3A_113 : memref<10000x128xf32, #tpu.memory_space<hbm>>) dst(%arg10 : memref<128x128xf32, #tpu.memory_space<vmem>>)
      %dma_start3A_114 = arith.constant 0 : i32
      %dma_start3A_115 = arith.constant 0 : i32
      %dma_start3A_116 = tpu.memref_slice %arg9[%dma_start3A_114, %dma_start3A_115] : memref<16x128xi32, #tpu.memory_space<vmem>> -> memref<1x128xi32, #tpu.memory_space<vmem>>
      %dma_start3A_117 = tpu.memref_squeeze %dma_start3A_116 : memref<1x128xi32, #tpu.memory_space<vmem>> -> memref<128xi32, #tpu.memory_space<vmem>>
      %dma_start3A_118 = arith.constant 0 : i32
      %dma_start3A_119 = arith.constant 0 : i32
      %dma_start3A_120 = tpu.memref_slice %arg7[%dma_start3A_118, %dma_start3A_119] : memref<10112x128xf32, #tpu.memory_space<vmem_shared>> -> memref<10112x128xf32, #tpu.memory_space<vmem_shared>>
      tpu.enqueue_indirect_dma source(%arg10 : memref<128x128xf32, #tpu.memory_space<vmem>>) target(%dma_start3A_120 : memref<10112x128xf32, #tpu.memory_space<vmem_shared>>) offsets(%dma_start3A_117 : memref<128xi32, #tpu.memory_space<vmem>>) semaphore(%arg14 : memref<!tpu.dma_semaphore, #tpu.memory_space<semaphore_mem>>) {add = true}
      %dma_wait3A_121 = arith.constant 0 : i32
      %dma_wait3A_122 = arith.constant 0 : i32
      %dma_wait3A_123 = tpu.memref_slice %arg9[%dma_wait3A_121, %dma_wait3A_122] : memref<16x128xi32, #tpu.memory_space<vmem>> -> memref<1x128xi32, #tpu.memory_space<vmem>>
      %dma_wait3A_124 = tpu.memref_squeeze %dma_wait3A_123 : memref<1x128xi32, #tpu.memory_space<vmem>> -> memref<128xi32, #tpu.memory_space<vmem>>
      %dma_wait3A_125 = arith.constant 0 : i32
      %dma_wait3A_126 = arith.constant 0 : i32
      %dma_wait3A_127 = tpu.memref_slice %arg7[%dma_wait3A_125, %dma_wait3A_126] : memref<10112x128xf32, #tpu.memory_space<vmem_shared>> -> memref<10112x128xf32, #tpu.memory_space<vmem_shared>>
      tpu.wait_indirect_dma semaphore(%arg14 : memref<!tpu.dma_semaphore, #tpu.memory_space<semaphore_mem>>) src(%arg10 : memref<128x128xf32, #tpu.memory_space<vmem>>) dst(%dma_wait3A_127 : memref<10112x128xf32, #tpu.memory_space<vmem_shared>>)
      %dma_start3A_128 = arith.constant 0 : i32
      %dma_start3A_129 = arith.constant 0 : i32
      %dma_start3A_130 = tpu.memref_slice %arg8[%dma_start3A_128, %dma_start3A_129] : memref<2x1024xi32, #tpu.memory_space<vmem>> -> memref<1x1024xi32, #tpu.memory_space<vmem>>
      %dma_start3A_131 = tpu.memref_squeeze %dma_start3A_130 : memref<1x1024xi32, #tpu.memory_space<vmem>> -> memref<1024xi32, #tpu.memory_space<vmem>>
      %dma_start3A_132 = arith.constant 256 : i32
      %dma_start3A_133 = tpu.memref_slice %dma_start3A_131[%dma_start3A_132] : memref<1024xi32, #tpu.memory_space<vmem>> -> memref<128xi32, #tpu.memory_space<vmem>>
      %dma_start3A_134 = arith.constant 0 : i32
      %dma_start3A_135 = arith.constant 0 : i32
      %dma_start3A_136 = tpu.memref_slice %arg2[%dma_start3A_134, %dma_start3A_135] : memref<10000x128xf32, #tpu.memory_space<hbm>> -> memref<10000x128xf32, #tpu.memory_space<hbm>>
      tpu.enqueue_indirect_dma source(%dma_start3A_136 : memref<10000x128xf32, #tpu.memory_space<hbm>>) target(%arg10 : memref<128x128xf32, #tpu.memory_space<vmem>>) offsets(%dma_start3A_133 : memref<128xi32, #tpu.memory_space<vmem>>) semaphore(%arg12 : memref<!tpu.dma_semaphore, #tpu.memory_space<semaphore_mem>>)
      %dma_wait3A_137 = arith.constant 0 : i32
      %dma_wait3A_138 = arith.constant 0 : i32
      %dma_wait3A_139 = tpu.memref_slice %arg8[%dma_wait3A_137, %dma_wait3A_138] : memref<2x1024xi32, #tpu.memory_space<vmem>> -> memref<1x1024xi32, #tpu.memory_space<vmem>>
      %dma_wait3A_140 = tpu.memref_squeeze %dma_wait3A_139 : memref<1x1024xi32, #tpu.memory_space<vmem>> -> memref<1024xi32, #tpu.memory_space<vmem>>
      %dma_wait3A_141 = arith.constant 0 : i32
      %dma_wait3A_142 = tpu.memref_slice %dma_wait3A_140[%dma_wait3A_141] : memref<1024xi32, #tpu.memory_space<vmem>> -> memref<128xi32, #tpu.memory_space<vmem>>
      %dma_wait3A_143 = arith.constant 0 : i32
      %dma_wait3A_144 = arith.constant 0 : i32
      %dma_wait3A_145 = tpu.memref_slice %arg2[%dma_wait3A_143, %dma_wait3A_144] : memref<10000x128xf32, #tpu.memory_space<hbm>> -> memref<10000x128xf32, #tpu.memory_space<hbm>>
      tpu.wait_indirect_dma semaphore(%arg13 : memref<!tpu.dma_semaphore, #tpu.memory_space<semaphore_mem>>) src(%dma_wait3A_145 : memref<10000x128xf32, #tpu.memory_space<hbm>>) dst(%arg11 : memref<128x128xf32, #tpu.memory_space<vmem>>)
      %dma_start3A_146 = arith.constant 1 : i32
      %dma_start3A_147 = arith.constant 0 : i32
      %dma_start3A_148 = tpu.memref_slice %arg9[%dma_start3A_146, %dma_start3A_147] : memref<16x128xi32, #tpu.memory_space<vmem>> -> memref<1x128xi32, #tpu.memory_space<vmem>>
      %dma_start3A_149 = tpu.memref_squeeze %dma_start3A_148 : memref<1x128xi32, #tpu.memory_space<vmem>> -> memref<128xi32, #tpu.memory_space<vmem>>
      %dma_start3A_150 = arith.constant 0 : i32
      %dma_start3A_151 = arith.constant 0 : i32
      %dma_start3A_152 = tpu.memref_slice %arg7[%dma_start3A_150, %dma_start3A_151] : memref<10112x128xf32, #tpu.memory_space<vmem_shared>> -> memref<10112x128xf32, #tpu.memory_space<vmem_shared>>
      tpu.enqueue_indirect_dma source(%arg11 : memref<128x128xf32, #tpu.memory_space<vmem>>) target(%dma_start3A_152 : memref<10112x128xf32, #tpu.memory_space<vmem_shared>>) offsets(%dma_start3A_149 : memref<128xi32, #tpu.memory_space<vmem>>) semaphore(%arg15 : memref<!tpu.dma_semaphore, #tpu.memory_space<semaphore_mem>>) {add = true}
      %dma_wait3A_153 = arith.constant 0 : i32
      %dma_wait3A_154 = arith.constant 0 : i32
      %dma_wait3A_155 = tpu.memref_slice %arg9[%dma_wait3A_153, %dma_wait3A_154] : memref<16x128xi32, #tpu.memory_space<vmem>> -> memref<1x128xi32, #tpu.memory_space<vmem>>
      %dma_wait3A_156 = tpu.memref_squeeze %dma_wait3A_155 : memref<1x128xi32, #tpu.memory_space<vmem>> -> memref<128xi32, #tpu.memory_space<vmem>>
      %dma_wait3A_157 = arith.constant 0 : i32
      %dma_wait3A_158 = arith.constant 0 : i32
      %dma_wait3A_159 = tpu.memref_slice %arg7[%dma_wait3A_157, %dma_wait3A_158] : memref<10112x128xf32, #tpu.memory_space<vmem_shared>> -> memref<10112x128xf32, #tpu.memory_space<vmem_shared>>
      tpu.wait_indirect_dma semaphore(%arg15 : memref<!tpu.dma_semaphore, #tpu.memory_space<semaphore_mem>>) src(%arg11 : memref<128x128xf32, #tpu.memory_space<vmem>>) dst(%dma_wait3A_159 : memref<10112x128xf32, #tpu.memory_space<vmem_shared>>)
      %dma_start3A_160 = arith.constant 0 : i32
      %dma_start3A_161 = arith.constant 0 : i32
      %dma_start3A_162 = tpu.memref_slice %arg8[%dma_start3A_160, %dma_start3A_161] : memref<2x1024xi32, #tpu.memory_space<vmem>> -> memref<1x1024xi32, #tpu.memory_space<vmem>>
      %dma_start3A_163 = tpu.memref_squeeze %dma_start3A_162 : memref<1x1024xi32, #tpu.memory_space<vmem>> -> memref<1024xi32, #tpu.memory_space<vmem>>
      %dma_start3A_164 = arith.constant 384 : i32
      %dma_start3A_165 = tpu.memref_slice %dma_start3A_163[%dma_start3A_164] : memref<1024xi32, #tpu.memory_space<vmem>> -> memref<128xi32, #tpu.memory_space<vmem>>
      %dma_start3A_166 = arith.constant 0 : i32
      %dma_start3A_167 = arith.constant 0 : i32
      %dma_start3A_168 = tpu.memref_slice %arg2[%dma_start3A_166, %dma_start3A_167] : memref<10000x128xf32, #tpu.memory_space<hbm>> -> memref<10000x128xf32, #tpu.memory_space<hbm>>
      tpu.enqueue_indirect_dma source(%dma_start3A_168 : memref<10000x128xf32, #tpu.memory_space<hbm>>) target(%arg11 : memref<128x128xf32, #tpu.memory_space<vmem>>) offsets(%dma_start3A_165 : memref<128xi32, #tpu.memory_space<vmem>>) semaphore(%arg13 : memref<!tpu.dma_semaphore, #tpu.memory_space<semaphore_mem>>)
      %dma_wait3A_169 = arith.constant 0 : i32
      %dma_wait3A_170 = arith.constant 0 : i32
      %dma_wait3A_171 = tpu.memref_slice %arg8[%dma_wait3A_169, %dma_wait3A_170] : memref<2x1024xi32, #tpu.memory_space<vmem>> -> memref<1x1024xi32, #tpu.memory_space<vmem>>
      %dma_wait3A_172 = tpu.memref_squeeze %dma_wait3A_171 : memref<1x1024xi32, #tpu.memory_space<vmem>> -> memref<1024xi32, #tpu.memory_space<vmem>>
      %dma_wait3A_173 = arith.constant 0 : i32
      %dma_wait3A_174 = tpu.memref_slice %dma_wait3A_172[%dma_wait3A_173] : memref<1024xi32, #tpu.memory_space<vmem>> -> memref<128xi32, #tpu.memory_space<vmem>>
      %dma_wait3A_175 = arith.constant 0 : i32
      %dma_wait3A_176 = arith.constant 0 : i32
      %dma_wait3A_177 = tpu.memref_slice %arg2[%dma_wait3A_175, %dma_wait3A_176] : memref<10000x128xf32, #tpu.memory_space<hbm>> -> memref<10000x128xf32, #tpu.memory_space<hbm>>
      tpu.wait_indirect_dma semaphore(%arg12 : memref<!tpu.dma_semaphore, #tpu.memory_space<semaphore_mem>>) src(%dma_wait3A_177 : memref<10000x128xf32, #tpu.memory_space<hbm>>) dst(%arg10 : memref<128x128xf32, #tpu.memory_space<vmem>>)
      %dma_start3A_178 = arith.constant 2 : i32
      %dma_start3A_179 = arith.constant 0 : i32
      %dma_start3A_180 = tpu.memref_slice %arg9[%dma_start3A_178, %dma_start3A_179] : memref<16x128xi32, #tpu.memory_space<vmem>> -> memref<1x128xi32, #tpu.memory_space<vmem>>
      %dma_start3A_181 = tpu.memref_squeeze %dma_start3A_180 : memref<1x128xi32, #tpu.memory_space<vmem>> -> memref<128xi32, #tpu.memory_space<vmem>>
      %dma_start3A_182 = arith.constant 0 : i32
      %dma_start3A_183 = arith.constant 0 : i32
      %dma_start3A_184 = tpu.memref_slice %arg7[%dma_start3A_182, %dma_start3A_183] : memref<10112x128xf32, #tpu.memory_space<vmem_shared>> -> memref<10112x128xf32, #tpu.memory_space<vmem_shared>>
      tpu.enqueue_indirect_dma source(%arg10 : memref<128x128xf32, #tpu.memory_space<vmem>>) target(%dma_start3A_184 : memref<10112x128xf32, #tpu.memory_space<vmem_shared>>) offsets(%dma_start3A_181 : memref<128xi32, #tpu.memory_space<vmem>>) semaphore(%arg14 : memref<!tpu.dma_semaphore, #tpu.memory_space<semaphore_mem>>) {add = true}
      %dma_wait3A_185 = arith.constant 0 : i32
      %dma_wait3A_186 = arith.constant 0 : i32
      %dma_wait3A_187 = tpu.memref_slice %arg9[%dma_wait3A_185, %dma_wait3A_186] : memref<16x128xi32, #tpu.memory_space<vmem>> -> memref<1x128xi32, #tpu.memory_space<vmem>>
      %dma_wait3A_188 = tpu.memref_squeeze %dma_wait3A_187 : memref<1x128xi32, #tpu.memory_space<vmem>> -> memref<128xi32, #tpu.memory_space<vmem>>
      %dma_wait3A_189 = arith.constant 0 : i32
      %dma_wait3A_190 = arith.constant 0 : i32
      %dma_wait3A_191 = tpu.memref_slice %arg7[%dma_wait3A_189, %dma_wait3A_190] : memref<10112x128xf32, #tpu.memory_space<vmem_shared>> -> memref<10112x128xf32, #tpu.memory_space<vmem_shared>>
      tpu.wait_indirect_dma semaphore(%arg14 : memref<!tpu.dma_semaphore, #tpu.memory_space<semaphore_mem>>) src(%arg10 : memref<128x128xf32, #tpu.memory_space<vmem>>) dst(%dma_wait3A_191 : memref<10112x128xf32, #tpu.memory_space<vmem_shared>>)
      %dma_start3A_192 = arith.constant 0 : i32
      %dma_start3A_193 = arith.constant 0 : i32
      %dma_start3A_194 = tpu.memref_slice %arg8[%dma_start3A_192, %dma_start3A_193] : memref<2x1024xi32, #tpu.memory_space<vmem>> -> memref<1x1024xi32, #tpu.memory_space<vmem>>
      %dma_start3A_195 = tpu.memref_squeeze %dma_start3A_194 : memref<1x1024xi32, #tpu.memory_space<vmem>> -> memref<1024xi32, #tpu.memory_space<vmem>>
      %dma_start3A_196 = arith.constant 512 : i32
      %dma_start3A_197 = tpu.memref_slice %dma_start3A_195[%dma_start3A_196] : memref<1024xi32, #tpu.memory_space<vmem>> -> memref<128xi32, #tpu.memory_space<vmem>>
      %dma_start3A_198 = arith.constant 0 : i32
      %dma_start3A_199 = arith.constant 0 : i32
      %dma_start3A_200 = tpu.memref_slice %arg2[%dma_start3A_198, %dma_start3A_199] : memref<10000x128xf32, #tpu.memory_space<hbm>> -> memref<10000x128xf32, #tpu.memory_space<hbm>>
      tpu.enqueue_indirect_dma source(%dma_start3A_200 : memref<10000x128xf32, #tpu.memory_space<hbm>>) target(%arg10 : memref<128x128xf32, #tpu.memory_space<vmem>>) offsets(%dma_start3A_197 : memref<128xi32, #tpu.memory_space<vmem>>) semaphore(%arg12 : memref<!tpu.dma_semaphore, #tpu.memory_space<semaphore_mem>>)
      %dma_wait3A_201 = arith.constant 0 : i32
      %dma_wait3A_202 = arith.constant 0 : i32
      %dma_wait3A_203 = tpu.memref_slice %arg8[%dma_wait3A_201, %dma_wait3A_202] : memref<2x1024xi32, #tpu.memory_space<vmem>> -> memref<1x1024xi32, #tpu.memory_space<vmem>>
      %dma_wait3A_204 = tpu.memref_squeeze %dma_wait3A_203 : memref<1x1024xi32, #tpu.memory_space<vmem>> -> memref<1024xi32, #tpu.memory_space<vmem>>
      %dma_wait3A_205 = arith.constant 0 : i32
      %dma_wait3A_206 = tpu.memref_slice %dma_wait3A_204[%dma_wait3A_205] : memref<1024xi32, #tpu.memory_space<vmem>> -> memref<128xi32, #tpu.memory_space<vmem>>
      %dma_wait3A_207 = arith.constant 0 : i32
      %dma_wait3A_208 = arith.constant 0 : i32
      %dma_wait3A_209 = tpu.memref_slice %arg2[%dma_wait3A_207, %dma_wait3A_208] : memref<10000x128xf32, #tpu.memory_space<hbm>> -> memref<10000x128xf32, #tpu.memory_space<hbm>>
      tpu.wait_indirect_dma semaphore(%arg13 : memref<!tpu.dma_semaphore, #tpu.memory_space<semaphore_mem>>) src(%dma_wait3A_209 : memref<10000x128xf32, #tpu.memory_space<hbm>>) dst(%arg11 : memref<128x128xf32, #tpu.memory_space<vmem>>)
      %dma_start3A_210 = arith.constant 3 : i32
      %dma_start3A_211 = arith.constant 0 : i32
      %dma_start3A_212 = tpu.memref_slice %arg9[%dma_start3A_210, %dma_start3A_211] : memref<16x128xi32, #tpu.memory_space<vmem>> -> memref<1x128xi32, #tpu.memory_space<vmem>>
      %dma_start3A_213 = tpu.memref_squeeze %dma_start3A_212 : memref<1x128xi32, #tpu.memory_space<vmem>> -> memref<128xi32, #tpu.memory_space<vmem>>
      %dma_start3A_214 = arith.constant 0 : i32
      %dma_start3A_215 = arith.constant 0 : i32
      %dma_start3A_216 = tpu.memref_slice %arg7[%dma_start3A_214, %dma_start3A_215] : memref<10112x128xf32, #tpu.memory_space<vmem_shared>> -> memref<10112x128xf32, #tpu.memory_space<vmem_shared>>
      tpu.enqueue_indirect_dma source(%arg11 : memref<128x128xf32, #tpu.memory_space<vmem>>) target(%dma_start3A_216 : memref<10112x128xf32, #tpu.memory_space<vmem_shared>>) offsets(%dma_start3A_213 : memref<128xi32, #tpu.memory_space<vmem>>) semaphore(%arg15 : memref<!tpu.dma_semaphore, #tpu.memory_space<semaphore_mem>>) {add = true}
      %dma_wait3A_217 = arith.constant 0 : i32
      %dma_wait3A_218 = arith.constant 0 : i32
      %dma_wait3A_219 = tpu.memref_slice %arg9[%dma_wait3A_217, %dma_wait3A_218] : memref<16x128xi32, #tpu.memory_space<vmem>> -> memref<1x128xi32, #tpu.memory_space<vmem>>
      %dma_wait3A_220 = tpu.memref_squeeze %dma_wait3A_219 : memref<1x128xi32, #tpu.memory_space<vmem>> -> memref<128xi32, #tpu.memory_space<vmem>>
      %dma_wait3A_221 = arith.constant 0 : i32
      %dma_wait3A_222 = arith.constant 0 : i32
      %dma_wait3A_223 = tpu.memref_slice %arg7[%dma_wait3A_221, %dma_wait3A_222] : memref<10112x128xf32, #tpu.memory_space<vmem_shared>> -> memref<10112x128xf32, #tpu.memory_space<vmem_shared>>
      tpu.wait_indirect_dma semaphore(%arg15 : memref<!tpu.dma_semaphore, #tpu.memory_space<semaphore_mem>>) src(%arg11 : memref<128x128xf32, #tpu.memory_space<vmem>>) dst(%dma_wait3A_223 : memref<10112x128xf32, #tpu.memory_space<vmem_shared>>)
      %dma_start3A_224 = arith.constant 0 : i32
      %dma_start3A_225 = arith.constant 0 : i32
      %dma_start3A_226 = tpu.memref_slice %arg8[%dma_start3A_224, %dma_start3A_225] : memref<2x1024xi32, #tpu.memory_space<vmem>> -> memref<1x1024xi32, #tpu.memory_space<vmem>>
      %dma_start3A_227 = tpu.memref_squeeze %dma_start3A_226 : memref<1x1024xi32, #tpu.memory_space<vmem>> -> memref<1024xi32, #tpu.memory_space<vmem>>
      %dma_start3A_228 = arith.constant 640 : i32
      %dma_start3A_229 = tpu.memref_slice %dma_start3A_227[%dma_start3A_228] : memref<1024xi32, #tpu.memory_space<vmem>> -> memref<128xi32, #tpu.memory_space<vmem>>
      %dma_start3A_230 = arith.constant 0 : i32
      %dma_start3A_231 = arith.constant 0 : i32
      %dma_start3A_232 = tpu.memref_slice %arg2[%dma_start3A_230, %dma_start3A_231] : memref<10000x128xf32, #tpu.memory_space<hbm>> -> memref<10000x128xf32, #tpu.memory_space<hbm>>
      tpu.enqueue_indirect_dma source(%dma_start3A_232 : memref<10000x128xf32, #tpu.memory_space<hbm>>) target(%arg11 : memref<128x128xf32, #tpu.memory_space<vmem>>) offsets(%dma_start3A_229 : memref<128xi32, #tpu.memory_space<vmem>>) semaphore(%arg13 : memref<!tpu.dma_semaphore, #tpu.memory_space<semaphore_mem>>)
      %dma_wait3A_233 = arith.constant 0 : i32
      %dma_wait3A_234 = arith.constant 0 : i32
      %dma_wait3A_235 = tpu.memref_slice %arg8[%dma_wait3A_233, %dma_wait3A_234] : memref<2x1024xi32, #tpu.memory_space<vmem>> -> memref<1x1024xi32, #tpu.memory_space<vmem>>
      %dma_wait3A_236 = tpu.memref_squeeze %dma_wait3A_235 : memref<1x1024xi32, #tpu.memory_space<vmem>> -> memref<1024xi32, #tpu.memory_space<vmem>>
      %dma_wait3A_237 = arith.constant 0 : i32
      %dma_wait3A_238 = tpu.memref_slice %dma_wait3A_236[%dma_wait3A_237] : memref<1024xi32, #tpu.memory_space<vmem>> -> memref<128xi32, #tpu.memory_space<vmem>>
      %dma_wait3A_239 = arith.constant 0 : i32
      %dma_wait3A_240 = arith.constant 0 : i32
      %dma_wait3A_241 = tpu.memref_slice %arg2[%dma_wait3A_239, %dma_wait3A_240] : memref<10000x128xf32, #tpu.memory_space<hbm>> -> memref<10000x128xf32, #tpu.memory_space<hbm>>
      tpu.wait_indirect_dma semaphore(%arg12 : memref<!tpu.dma_semaphore, #tpu.memory_space<semaphore_mem>>) src(%dma_wait3A_241 : memref<10000x128xf32, #tpu.memory_space<hbm>>) dst(%arg10 : memref<128x128xf32, #tpu.memory_space<vmem>>)
      %dma_start3A_242 = arith.constant 4 : i32
      %dma_start3A_243 = arith.constant 0 : i32
      %dma_start3A_244 = tpu.memref_slice %arg9[%dma_start3A_242, %dma_start3A_243] : memref<16x128xi32, #tpu.memory_space<vmem>> -> memref<1x128xi32, #tpu.memory_space<vmem>>
      %dma_start3A_245 = tpu.memref_squeeze %dma_start3A_244 : memref<1x128xi32, #tpu.memory_space<vmem>> -> memref<128xi32, #tpu.memory_space<vmem>>
      %dma_start3A_246 = arith.constant 0 : i32
      %dma_start3A_247 = arith.constant 0 : i32
      %dma_start3A_248 = tpu.memref_slice %arg7[%dma_start3A_246, %dma_start3A_247] : memref<10112x128xf32, #tpu.memory_space<vmem_shared>> -> memref<10112x128xf32, #tpu.memory_space<vmem_shared>>
      tpu.enqueue_indirect_dma source(%arg10 : memref<128x128xf32, #tpu.memory_space<vmem>>) target(%dma_start3A_248 : memref<10112x128xf32, #tpu.memory_space<vmem_shared>>) offsets(%dma_start3A_245 : memref<128xi32, #tpu.memory_space<vmem>>) semaphore(%arg14 : memref<!tpu.dma_semaphore, #tpu.memory_space<semaphore_mem>>) {add = true}
      %dma_wait3A_249 = arith.constant 0 : i32
      %dma_wait3A_250 = arith.constant 0 : i32
      %dma_wait3A_251 = tpu.memref_slice %arg9[%dma_wait3A_249, %dma_wait3A_250] : memref<16x128xi32, #tpu.memory_space<vmem>> -> memref<1x128xi32, #tpu.memory_space<vmem>>
      %dma_wait3A_252 = tpu.memref_squeeze %dma_wait3A_251 : memref<1x128xi32, #tpu.memory_space<vmem>> -> memref<128xi32, #tpu.memory_space<vmem>>
      %dma_wait3A_253 = arith.constant 0 : i32
      %dma_wait3A_254 = arith.constant 0 : i32
      %dma_wait3A_255 = tpu.memref_slice %arg7[%dma_wait3A_253, %dma_wait3A_254] : memref<10112x128xf32, #tpu.memory_space<vmem_shared>> -> memref<10112x128xf32, #tpu.memory_space<vmem_shared>>
      tpu.wait_indirect_dma semaphore(%arg14 : memref<!tpu.dma_semaphore, #tpu.memory_space<semaphore_mem>>) src(%arg10 : memref<128x128xf32, #tpu.memory_space<vmem>>) dst(%dma_wait3A_255 : memref<10112x128xf32, #tpu.memory_space<vmem_shared>>)
      %dma_start3A_256 = arith.constant 0 : i32
      %dma_start3A_257 = arith.constant 0 : i32
      %dma_start3A_258 = tpu.memref_slice %arg8[%dma_start3A_256, %dma_start3A_257] : memref<2x1024xi32, #tpu.memory_space<vmem>> -> memref<1x1024xi32, #tpu.memory_space<vmem>>
      %dma_start3A_259 = tpu.memref_squeeze %dma_start3A_258 : memref<1x1024xi32, #tpu.memory_space<vmem>> -> memref<1024xi32, #tpu.memory_space<vmem>>
      %dma_start3A_260 = arith.constant 768 : i32
      %dma_start3A_261 = tpu.memref_slice %dma_start3A_259[%dma_start3A_260] : memref<1024xi32, #tpu.memory_space<vmem>> -> memref<128xi32, #tpu.memory_space<vmem>>
      %dma_start3A_262 = arith.constant 0 : i32
      %dma_start3A_263 = arith.constant 0 : i32
      %dma_start3A_264 = tpu.memref_slice %arg2[%dma_start3A_262, %dma_start3A_263] : memref<10000x128xf32, #tpu.memory_space<hbm>> -> memref<10000x128xf32, #tpu.memory_space<hbm>>
      tpu.enqueue_indirect_dma source(%dma_start3A_264 : memref<10000x128xf32, #tpu.memory_space<hbm>>) target(%arg10 : memref<128x128xf32, #tpu.memory_space<vmem>>) offsets(%dma_start3A_261 : memref<128xi32, #tpu.memory_space<vmem>>) semaphore(%arg12 : memref<!tpu.dma_semaphore, #tpu.memory_space<semaphore_mem>>)
      %dma_wait3A_265 = arith.constant 0 : i32
      %dma_wait3A_266 = arith.constant 0 : i32
      %dma_wait3A_267 = tpu.memref_slice %arg8[%dma_wait3A_265, %dma_wait3A_266] : memref<2x1024xi32, #tpu.memory_space<vmem>> -> memref<1x1024xi32, #tpu.memory_space<vmem>>
      %dma_wait3A_268 = tpu.memref_squeeze %dma_wait3A_267 : memref<1x1024xi32, #tpu.memory_space<vmem>> -> memref<1024xi32, #tpu.memory_space<vmem>>
      %dma_wait3A_269 = arith.constant 0 : i32
      %dma_wait3A_270 = tpu.memref_slice %dma_wait3A_268[%dma_wait3A_269] : memref<1024xi32, #tpu.memory_space<vmem>> -> memref<128xi32, #tpu.memory_space<vmem>>
      %dma_wait3A_271 = arith.constant 0 : i32
      %dma_wait3A_272 = arith.constant 0 : i32
      %dma_wait3A_273 = tpu.memref_slice %arg2[%dma_wait3A_271, %dma_wait3A_272] : memref<10000x128xf32, #tpu.memory_space<hbm>> -> memref<10000x128xf32, #tpu.memory_space<hbm>>
      tpu.wait_indirect_dma semaphore(%arg13 : memref<!tpu.dma_semaphore, #tpu.memory_space<semaphore_mem>>) src(%dma_wait3A_273 : memref<10000x128xf32, #tpu.memory_space<hbm>>) dst(%arg11 : memref<128x128xf32, #tpu.memory_space<vmem>>)
      %dma_start3A_274 = arith.constant 5 : i32
      %dma_start3A_275 = arith.constant 0 : i32
      %dma_start3A_276 = tpu.memref_slice %arg9[%dma_start3A_274, %dma_start3A_275] : memref<16x128xi32, #tpu.memory_space<vmem>> -> memref<1x128xi32, #tpu.memory_space<vmem>>
      %dma_start3A_277 = tpu.memref_squeeze %dma_start3A_276 : memref<1x128xi32, #tpu.memory_space<vmem>> -> memref<128xi32, #tpu.memory_space<vmem>>
      %dma_start3A_278 = arith.constant 0 : i32
      %dma_start3A_279 = arith.constant 0 : i32
      %dma_start3A_280 = tpu.memref_slice %arg7[%dma_start3A_278, %dma_start3A_279] : memref<10112x128xf32, #tpu.memory_space<vmem_shared>> -> memref<10112x128xf32, #tpu.memory_space<vmem_shared>>
      tpu.enqueue_indirect_dma source(%arg11 : memref<128x128xf32, #tpu.memory_space<vmem>>) target(%dma_start3A_280 : memref<10112x128xf32, #tpu.memory_space<vmem_shared>>) offsets(%dma_start3A_277 : memref<128xi32, #tpu.memory_space<vmem>>) semaphore(%arg15 : memref<!tpu.dma_semaphore, #tpu.memory_space<semaphore_mem>>) {add = true}
      %dma_wait3A_281 = arith.constant 0 : i32
      %dma_wait3A_282 = arith.constant 0 : i32
      %dma_wait3A_283 = tpu.memref_slice %arg9[%dma_wait3A_281, %dma_wait3A_282] : memref<16x128xi32, #tpu.memory_space<vmem>> -> memref<1x128xi32, #tpu.memory_space<vmem>>
      %dma_wait3A_284 = tpu.memref_squeeze %dma_wait3A_283 : memref<1x128xi32, #tpu.memory_space<vmem>> -> memref<128xi32, #tpu.memory_space<vmem>>
      %dma_wait3A_285 = arith.constant 0 : i32
      %dma_wait3A_286 = arith.constant 0 : i32
      %dma_wait3A_287 = tpu.memref_slice %arg7[%dma_wait3A_285, %dma_wait3A_286] : memref<10112x128xf32, #tpu.memory_space<vmem_shared>> -> memref<10112x128xf32, #tpu.memory_space<vmem_shared>>
      tpu.wait_indirect_dma semaphore(%arg15 : memref<!tpu.dma_semaphore, #tpu.memory_space<semaphore_mem>>) src(%arg11 : memref<128x128xf32, #tpu.memory_space<vmem>>) dst(%dma_wait3A_287 : memref<10112x128xf32, #tpu.memory_space<vmem_shared>>)
      %dma_start3A_288 = arith.constant 0 : i32
      %dma_start3A_289 = arith.constant 0 : i32
      %dma_start3A_290 = tpu.memref_slice %arg8[%dma_start3A_288, %dma_start3A_289] : memref<2x1024xi32, #tpu.memory_space<vmem>> -> memref<1x1024xi32, #tpu.memory_space<vmem>>
      %dma_start3A_291 = tpu.memref_squeeze %dma_start3A_290 : memref<1x1024xi32, #tpu.memory_space<vmem>> -> memref<1024xi32, #tpu.memory_space<vmem>>
      %dma_start3A_292 = arith.constant 896 : i32
      %dma_start3A_293 = tpu.memref_slice %dma_start3A_291[%dma_start3A_292] : memref<1024xi32, #tpu.memory_space<vmem>> -> memref<128xi32, #tpu.memory_space<vmem>>
      %dma_start3A_294 = arith.constant 0 : i32
      %dma_start3A_295 = arith.constant 0 : i32
      %dma_start3A_296 = tpu.memref_slice %arg2[%dma_start3A_294, %dma_start3A_295] : memref<10000x128xf32, #tpu.memory_space<hbm>> -> memref<10000x128xf32, #tpu.memory_space<hbm>>
      tpu.enqueue_indirect_dma source(%dma_start3A_296 : memref<10000x128xf32, #tpu.memory_space<hbm>>) target(%arg11 : memref<128x128xf32, #tpu.memory_space<vmem>>) offsets(%dma_start3A_293 : memref<128xi32, #tpu.memory_space<vmem>>) semaphore(%arg13 : memref<!tpu.dma_semaphore, #tpu.memory_space<semaphore_mem>>)
      %dma_wait3A_297 = arith.constant 0 : i32
      %dma_wait3A_298 = arith.constant 0 : i32
      %dma_wait3A_299 = tpu.memref_slice %arg8[%dma_wait3A_297, %dma_wait3A_298] : memref<2x1024xi32, #tpu.memory_space<vmem>> -> memref<1x1024xi32, #tpu.memory_space<vmem>>
      %dma_wait3A_300 = tpu.memref_squeeze %dma_wait3A_299 : memref<1x1024xi32, #tpu.memory_space<vmem>> -> memref<1024xi32, #tpu.memory_space<vmem>>
      %dma_wait3A_301 = arith.constant 0 : i32
      %dma_wait3A_302 = tpu.memref_slice %dma_wait3A_300[%dma_wait3A_301] : memref<1024xi32, #tpu.memory_space<vmem>> -> memref<128xi32, #tpu.memory_space<vmem>>
      %dma_wait3A_303 = arith.constant 0 : i32
      %dma_wait3A_304 = arith.constant 0 : i32
      %dma_wait3A_305 = tpu.memref_slice %arg2[%dma_wait3A_303, %dma_wait3A_304] : memref<10000x128xf32, #tpu.memory_space<hbm>> -> memref<10000x128xf32, #tpu.memory_space<hbm>>
      tpu.wait_indirect_dma semaphore(%arg12 : memref<!tpu.dma_semaphore, #tpu.memory_space<semaphore_mem>>) src(%dma_wait3A_305 : memref<10000x128xf32, #tpu.memory_space<hbm>>) dst(%arg10 : memref<128x128xf32, #tpu.memory_space<vmem>>)
      %dma_start3A_306 = arith.constant 6 : i32
      %dma_start3A_307 = arith.constant 0 : i32
      %dma_start3A_308 = tpu.memref_slice %arg9[%dma_start3A_306, %dma_start3A_307] : memref<16x128xi32, #tpu.memory_space<vmem>> -> memref<1x128xi32, #tpu.memory_space<vmem>>
      %dma_start3A_309 = tpu.memref_squeeze %dma_start3A_308 : memref<1x128xi32, #tpu.memory_space<vmem>> -> memref<128xi32, #tpu.memory_space<vmem>>
      %dma_start3A_310 = arith.constant 0 : i32
      %dma_start3A_311 = arith.constant 0 : i32
      %dma_start3A_312 = tpu.memref_slice %arg7[%dma_start3A_310, %dma_start3A_311] : memref<10112x128xf32, #tpu.memory_space<vmem_shared>> -> memref<10112x128xf32, #tpu.memory_space<vmem_shared>>
      tpu.enqueue_indirect_dma source(%arg10 : memref<128x128xf32, #tpu.memory_space<vmem>>) target(%dma_start3A_312 : memref<10112x128xf32, #tpu.memory_space<vmem_shared>>) offsets(%dma_start3A_309 : memref<128xi32, #tpu.memory_space<vmem>>) semaphore(%arg14 : memref<!tpu.dma_semaphore, #tpu.memory_space<semaphore_mem>>) {add = true}
      %dma_wait3A_313 = arith.constant 0 : i32
      %dma_wait3A_314 = arith.constant 0 : i32
      %dma_wait3A_315 = tpu.memref_slice %arg8[%dma_wait3A_313, %dma_wait3A_314] : memref<2x1024xi32, #tpu.memory_space<vmem>> -> memref<1x1024xi32, #tpu.memory_space<vmem>>
      %dma_wait3A_316 = tpu.memref_squeeze %dma_wait3A_315 : memref<1x1024xi32, #tpu.memory_space<vmem>> -> memref<1024xi32, #tpu.memory_space<vmem>>
      %dma_wait3A_317 = arith.constant 0 : i32
      %dma_wait3A_318 = tpu.memref_slice %dma_wait3A_316[%dma_wait3A_317] : memref<1024xi32, #tpu.memory_space<vmem>> -> memref<128xi32, #tpu.memory_space<vmem>>
      %dma_wait3A_319 = arith.constant 0 : i32
      %dma_wait3A_320 = arith.constant 0 : i32
      %dma_wait3A_321 = tpu.memref_slice %arg2[%dma_wait3A_319, %dma_wait3A_320] : memref<10000x128xf32, #tpu.memory_space<hbm>> -> memref<10000x128xf32, #tpu.memory_space<hbm>>
      tpu.wait_indirect_dma semaphore(%arg13 : memref<!tpu.dma_semaphore, #tpu.memory_space<semaphore_mem>>) src(%dma_wait3A_321 : memref<10000x128xf32, #tpu.memory_space<hbm>>) dst(%arg11 : memref<128x128xf32, #tpu.memory_space<vmem>>)
      %dma_start3A_322 = arith.constant 7 : i32
      %dma_start3A_323 = arith.constant 0 : i32
      %dma_start3A_324 = tpu.memref_slice %arg9[%dma_start3A_322, %dma_start3A_323] : memref<16x128xi32, #tpu.memory_space<vmem>> -> memref<1x128xi32, #tpu.memory_space<vmem>>
      %dma_start3A_325 = tpu.memref_squeeze %dma_start3A_324 : memref<1x128xi32, #tpu.memory_space<vmem>> -> memref<128xi32, #tpu.memory_space<vmem>>
      %dma_start3A_326 = arith.constant 0 : i32
      %dma_start3A_327 = arith.constant 0 : i32
      %dma_start3A_328 = tpu.memref_slice %arg7[%dma_start3A_326, %dma_start3A_327] : memref<10112x128xf32, #tpu.memory_space<vmem_shared>> -> memref<10112x128xf32, #tpu.memory_space<vmem_shared>>
      tpu.enqueue_indirect_dma source(%arg11 : memref<128x128xf32, #tpu.memory_space<vmem>>) target(%dma_start3A_328 : memref<10112x128xf32, #tpu.memory_space<vmem_shared>>) offsets(%dma_start3A_325 : memref<128xi32, #tpu.memory_space<vmem>>) semaphore(%arg15 : memref<!tpu.dma_semaphore, #tpu.memory_space<semaphore_mem>>) {add = true}
      %dma_wait3A_329 = arith.constant 0 : i32
      %dma_wait3A_330 = arith.constant 0 : i32
      %dma_wait3A_331 = tpu.memref_slice %arg9[%dma_wait3A_329, %dma_wait3A_330] : memref<16x128xi32, #tpu.memory_space<vmem>> -> memref<1x128xi32, #tpu.memory_space<vmem>>
      %dma_wait3A_332 = tpu.memref_squeeze %dma_wait3A_331 : memref<1x128xi32, #tpu.memory_space<vmem>> -> memref<128xi32, #tpu.memory_space<vmem>>
      %dma_wait3A_333 = arith.constant 0 : i32
      %dma_wait3A_334 = arith.constant 0 : i32
      %dma_wait3A_335 = tpu.memref_slice %arg7[%dma_wait3A_333, %dma_wait3A_334] : memref<10112x128xf32, #tpu.memory_space<vmem_shared>> -> memref<10112x128xf32, #tpu.memory_space<vmem_shared>>
      tpu.wait_indirect_dma semaphore(%arg14 : memref<!tpu.dma_semaphore, #tpu.memory_space<semaphore_mem>>) src(%arg10 : memref<128x128xf32, #tpu.memory_space<vmem>>) dst(%dma_wait3A_335 : memref<10112x128xf32, #tpu.memory_space<vmem_shared>>)
      %dma_wait3A_336 = arith.constant 0 : i32
      %dma_wait3A_337 = arith.constant 0 : i32
      %dma_wait3A_338 = tpu.memref_slice %arg9[%dma_wait3A_336, %dma_wait3A_337] : memref<16x128xi32, #tpu.memory_space<vmem>> -> memref<1x128xi32, #tpu.memory_space<vmem>>
      %dma_wait3A_339 = tpu.memref_squeeze %dma_wait3A_338 : memref<1x128xi32, #tpu.memory_space<vmem>> -> memref<128xi32, #tpu.memory_space<vmem>>
      %dma_wait3A_340 = arith.constant 0 : i32
      %dma_wait3A_341 = arith.constant 0 : i32
      %dma_wait3A_342 = tpu.memref_slice %arg7[%dma_wait3A_340, %dma_wait3A_341] : memref<10112x128xf32, #tpu.memory_space<vmem_shared>> -> memref<10112x128xf32, #tpu.memory_space<vmem_shared>>
      tpu.wait_indirect_dma semaphore(%arg15 : memref<!tpu.dma_semaphore, #tpu.memory_space<semaphore_mem>>) src(%arg11 : memref<128x128xf32, #tpu.memory_space<vmem>>) dst(%dma_wait3A_342 : memref<10112x128xf32, #tpu.memory_space<vmem_shared>>)
      %add3A_343 = arith.constant 1 : i32
      %add3A_344 = arith.addi %mul3A_58, %add3A_343 : i32
      %add3A_345 = arith.constant 1 : i32
      %add3A_346 = arith.addi %add3A_344, %add3A_345 : i32
      %lt3A_347 = arith.cmpi slt, %add3A_346, %select_n3A_8 : i32
      %convert_element_type3A_348 = arith.extui %lt3A_347 : i1 to i32
      %cond3A_349 = arith.constant 0 : i32
      %cond3A_350 = arith.cmpi ne, %convert_element_type3A_348, %cond3A_349 : i32
      scf.if %cond3A_350 {
        %add3A_630 = arith.constant 1 : i32
        %add3A_631 = arith.addi %mul3A_58, %add3A_630 : i32
        %add3A_632 = arith.constant 1 : i32
        %add3A_633 = arith.addi %add3A_631, %add3A_632 : i32
        %mul3A_634 = arith.constant 8 : i32
        %mul3A_635 = arith.muli %add3A_633, %mul3A_634 : i32
        %add3A_636 = arith.addi %select_n3A, %mul3A_635 : i32
        %mul3A_637 = arith.constant 128 : i32
        %mul3A_638 = arith.muli %add3A_636, %mul3A_637 : i32
        %dma_start3A_639 = arith.constant 0 : i32
        %dma_start3A_640 = arith.constant 0 : i32
        %dma_start3A_641 = tpu.memref_slice %arg8[%dma_start3A_639, %dma_start3A_640] : memref<2x1024xi32, #tpu.memory_space<vmem>> -> memref<1x1024xi32, #tpu.memory_space<vmem>>
        %dma_start3A_642 = tpu.memref_squeeze %dma_start3A_641 : memref<1x1024xi32, #tpu.memory_space<vmem>> -> memref<1024xi32, #tpu.memory_space<vmem>>
        %dma_start3A_643 = tpu.memref_slice %arg3[%mul3A_638] : memref<327680xi32, #tpu.memory_space<hbm>> -> memref<1024xi32, #tpu.memory_space<hbm>>
        %dma_start3A_644 = arith.constant 0 : i32
        %dma_start3A_645 = tpu.memref_slice %arg8[%dma_start3A_639, %dma_start3A_644] : memref<2x1024xi32, #tpu.memory_space<vmem>> -> memref<1x1024xi32, #tpu.memory_space<vmem>>
        %dma_start3A_646 = tpu.memref_squeeze %dma_start3A_645 : memref<1x1024xi32, #tpu.memory_space<vmem>> -> memref<1024xi32, #tpu.memory_space<vmem>>
        %dma_start3A_647 = tpu.memref_slice %arg3[%mul3A_638] : memref<327680xi32, #tpu.memory_space<hbm>> -> memref<1024xi32, #tpu.memory_space<hbm>>
        tpu.enqueue_dma source(%dma_start3A_647 : memref<1024xi32, #tpu.memory_space<hbm>>) target(%dma_start3A_646 : memref<1024xi32, #tpu.memory_space<vmem>>) target_semaphore(%arg16 : memref<!tpu.dma_semaphore, #tpu.memory_space<semaphore_mem>>)
        %dma_start3A_648 = arith.constant 0 : i32
        %dma_start3A_649 = arith.constant 0 : i32
        %dma_start3A_650 = tpu.memref_slice %arg9[%dma_start3A_648, %dma_start3A_649] : memref<16x128xi32, #tpu.memory_space<vmem>> -> memref<8x128xi32, #tpu.memory_space<vmem>>
        %dma_start3A_651 = arith.constant 0 : i32
        %dma_start3A_652 = tpu.memref_slice %arg4[%add3A_636, %dma_start3A_651] : memref<2560x128xi32, #tpu.memory_space<hbm>> -> memref<8x128xi32, #tpu.memory_space<hbm>>
        %dma_start3A_653 = arith.constant 0 : i32
        %dma_start3A_654 = arith.constant 0 : i32
        %dma_start3A_655 = tpu.memref_slice %arg9[%dma_start3A_653, %dma_start3A_654] : memref<16x128xi32, #tpu.memory_space<vmem>> -> memref<8x128xi32, #tpu.memory_space<vmem>>
        %dma_start3A_656 = arith.constant 0 : i32
        %dma_start3A_657 = tpu.memref_slice %arg4[%add3A_636, %dma_start3A_656] : memref<2560x128xi32, #tpu.memory_space<hbm>> -> memref<8x128xi32, #tpu.memory_space<hbm>>
        tpu.enqueue_dma source(%dma_start3A_657 : memref<8x128xi32, #tpu.memory_space<hbm>>) target(%dma_start3A_655 : memref<8x128xi32, #tpu.memory_space<vmem>>) target_semaphore(%arg16 : memref<!tpu.dma_semaphore, #tpu.memory_space<semaphore_mem>>)
      } else {
      }
      %dma_wait3A_351 = arith.constant 1 : i32
      %dma_wait3A_352 = arith.constant 0 : i32
      %dma_wait3A_353 = tpu.memref_slice %arg8[%dma_wait3A_351, %dma_wait3A_352] : memref<2x1024xi32, #tpu.memory_space<vmem>> -> memref<1x1024xi32, #tpu.memory_space<vmem>>
      %dma_wait3A_354 = tpu.memref_squeeze %dma_wait3A_353 : memref<1x1024xi32, #tpu.memory_space<vmem>> -> memref<1024xi32, #tpu.memory_space<vmem>>
      %dma_wait3A_355 = arith.constant 0 : i32
      %dma_wait3A_356 = tpu.memref_slice %arg3[%dma_wait3A_355] : memref<327680xi32, #tpu.memory_space<hbm>> -> memref<1024xi32, #tpu.memory_space<hbm>>
      %dma_wait3A_357 = arith.constant 0 : i32
      %dma_wait3A_358 = tpu.memref_slice %arg8[%dma_wait3A_351, %dma_wait3A_357] : memref<2x1024xi32, #tpu.memory_space<vmem>> -> memref<1x1024xi32, #tpu.memory_space<vmem>>
      %dma_wait3A_359 = tpu.memref_squeeze %dma_wait3A_358 : memref<1x1024xi32, #tpu.memory_space<vmem>> -> memref<1024xi32, #tpu.memory_space<vmem>>
      %dma_wait3A_360 = arith.constant 0 : i32
      %dma_wait3A_361 = tpu.memref_slice %arg3[%dma_wait3A_360] : memref<327680xi32, #tpu.memory_space<hbm>> -> memref<1024xi32, #tpu.memory_space<hbm>>
      tpu.wait_dma2 semaphore(%arg17 : memref<!tpu.dma_semaphore, #tpu.memory_space<semaphore_mem>>) src(%dma_wait3A_361 : memref<1024xi32, #tpu.memory_space<hbm>>) dst(%dma_wait3A_359 : memref<1024xi32, #tpu.memory_space<vmem>>)
      %dma_wait3A_362 = arith.constant 8 : i32
      %dma_wait3A_363 = arith.constant 0 : i32
      %dma_wait3A_364 = tpu.memref_slice %arg9[%dma_wait3A_362, %dma_wait3A_363] : memref<16x128xi32, #tpu.memory_space<vmem>> -> memref<8x128xi32, #tpu.memory_space<vmem>>
      %dma_wait3A_365 = arith.constant 0 : i32
      %dma_wait3A_366 = arith.constant 0 : i32
      %dma_wait3A_367 = tpu.memref_slice %arg4[%dma_wait3A_365, %dma_wait3A_366] : memref<2560x128xi32, #tpu.memory_space<hbm>> -> memref<8x128xi32, #tpu.memory_space<hbm>>
      %dma_wait3A_368 = arith.constant 8 : i32
      %dma_wait3A_369 = arith.constant 0 : i32
      %dma_wait3A_370 = tpu.memref_slice %arg9[%dma_wait3A_368, %dma_wait3A_369] : memref<16x128xi32, #tpu.memory_space<vmem>> -> memref<8x128xi32, #tpu.memory_space<vmem>>
      %dma_wait3A_371 = arith.constant 0 : i32
      %dma_wait3A_372 = arith.constant 0 : i32
      %dma_wait3A_373 = tpu.memref_slice %arg4[%dma_wait3A_371, %dma_wait3A_372] : memref<2560x128xi32, #tpu.memory_space<hbm>> -> memref<8x128xi32, #tpu.memory_space<hbm>>
      tpu.wait_dma2 semaphore(%arg17 : memref<!tpu.dma_semaphore, #tpu.memory_space<semaphore_mem>>) src(%dma_wait3A_373 : memref<8x128xi32, #tpu.memory_space<hbm>>) dst(%dma_wait3A_370 : memref<8x128xi32, #tpu.memory_space<vmem>>)
      %dma_start3A_374 = arith.constant 1 : i32
      %dma_start3A_375 = arith.constant 0 : i32
      %dma_start3A_376 = tpu.memref_slice %arg8[%dma_start3A_374, %dma_start3A_375] : memref<2x1024xi32, #tpu.memory_space<vmem>> -> memref<1x1024xi32, #tpu.memory_space<vmem>>
      %dma_start3A_377 = tpu.memref_squeeze %dma_start3A_376 : memref<1x1024xi32, #tpu.memory_space<vmem>> -> memref<1024xi32, #tpu.memory_space<vmem>>
      %dma_start3A_378 = arith.constant 0 : i32
      %dma_start3A_379 = tpu.memref_slice %dma_start3A_377[%dma_start3A_378] : memref<1024xi32, #tpu.memory_space<vmem>> -> memref<128xi32, #tpu.memory_space<vmem>>
      %dma_start3A_380 = arith.constant 0 : i32
      %dma_start3A_381 = arith.constant 0 : i32
      %dma_start3A_382 = tpu.memref_slice %arg2[%dma_start3A_380, %dma_start3A_381] : memref<10000x128xf32, #tpu.memory_space<hbm>> -> memref<10000x128xf32, #tpu.memory_space<hbm>>
      tpu.enqueue_indirect_dma source(%dma_start3A_382 : memref<10000x128xf32, #tpu.memory_space<hbm>>) target(%arg10 : memref<128x128xf32, #tpu.memory_space<vmem>>) offsets(%dma_start3A_379 : memref<128xi32, #tpu.memory_space<vmem>>) semaphore(%arg12 : memref<!tpu.dma_semaphore, #tpu.memory_space<semaphore_mem>>)
      %dma_start3A_383 = arith.constant 1 : i32
      %dma_start3A_384 = arith.constant 0 : i32
      %dma_start3A_385 = tpu.memref_slice %arg8[%dma_start3A_383, %dma_start3A_384] : memref<2x1024xi32, #tpu.memory_space<vmem>> -> memref<1x1024xi32, #tpu.memory_space<vmem>>
      %dma_start3A_386 = tpu.memref_squeeze %dma_start3A_385 : memref<1x1024xi32, #tpu.memory_space<vmem>> -> memref<1024xi32, #tpu.memory_space<vmem>>
      %dma_start3A_387 = arith.constant 128 : i32
      %dma_start3A_388 = tpu.memref_slice %dma_start3A_386[%dma_start3A_387] : memref<1024xi32, #tpu.memory_space<vmem>> -> memref<128xi32, #tpu.memory_space<vmem>>
      %dma_start3A_389 = arith.constant 0 : i32
      %dma_start3A_390 = arith.constant 0 : i32
      %dma_start3A_391 = tpu.memref_slice %arg2[%dma_start3A_389, %dma_start3A_390] : memref<10000x128xf32, #tpu.memory_space<hbm>> -> memref<10000x128xf32, #tpu.memory_space<hbm>>
      tpu.enqueue_indirect_dma source(%dma_start3A_391 : memref<10000x128xf32, #tpu.memory_space<hbm>>) target(%arg11 : memref<128x128xf32, #tpu.memory_space<vmem>>) offsets(%dma_start3A_388 : memref<128xi32, #tpu.memory_space<vmem>>) semaphore(%arg13 : memref<!tpu.dma_semaphore, #tpu.memory_space<semaphore_mem>>)
      %dma_wait3A_392 = arith.constant 0 : i32
      %dma_wait3A_393 = arith.constant 0 : i32
      %dma_wait3A_394 = tpu.memref_slice %arg8[%dma_wait3A_392, %dma_wait3A_393] : memref<2x1024xi32, #tpu.memory_space<vmem>> -> memref<1x1024xi32, #tpu.memory_space<vmem>>
      %dma_wait3A_395 = tpu.memref_squeeze %dma_wait3A_394 : memref<1x1024xi32, #tpu.memory_space<vmem>> -> memref<1024xi32, #tpu.memory_space<vmem>>
      %dma_wait3A_396 = arith.constant 0 : i32
      %dma_wait3A_397 = tpu.memref_slice %dma_wait3A_395[%dma_wait3A_396] : memref<1024xi32, #tpu.memory_space<vmem>> -> memref<128xi32, #tpu.memory_space<vmem>>
      %dma_wait3A_398 = arith.constant 0 : i32
      %dma_wait3A_399 = arith.constant 0 : i32
      %dma_wait3A_400 = tpu.memref_slice %arg2[%dma_wait3A_398, %dma_wait3A_399] : memref<10000x128xf32, #tpu.memory_space<hbm>> -> memref<10000x128xf32, #tpu.memory_space<hbm>>
      tpu.wait_indirect_dma semaphore(%arg12 : memref<!tpu.dma_semaphore, #tpu.memory_space<semaphore_mem>>) src(%dma_wait3A_400 : memref<10000x128xf32, #tpu.memory_space<hbm>>) dst(%arg10 : memref<128x128xf32, #tpu.memory_space<vmem>>)
      %dma_start3A_401 = arith.constant 8 : i32
      %dma_start3A_402 = arith.constant 0 : i32
      %dma_start3A_403 = tpu.memref_slice %arg9[%dma_start3A_401, %dma_start3A_402] : memref<16x128xi32, #tpu.memory_space<vmem>> -> memref<1x128xi32, #tpu.memory_space<vmem>>
      %dma_start3A_404 = tpu.memref_squeeze %dma_start3A_403 : memref<1x128xi32, #tpu.memory_space<vmem>> -> memref<128xi32, #tpu.memory_space<vmem>>
      %dma_start3A_405 = arith.constant 0 : i32
      %dma_start3A_406 = arith.constant 0 : i32
      %dma_start3A_407 = tpu.memref_slice %arg7[%dma_start3A_405, %dma_start3A_406] : memref<10112x128xf32, #tpu.memory_space<vmem_shared>> -> memref<10112x128xf32, #tpu.memory_space<vmem_shared>>
      tpu.enqueue_indirect_dma source(%arg10 : memref<128x128xf32, #tpu.memory_space<vmem>>) target(%dma_start3A_407 : memref<10112x128xf32, #tpu.memory_space<vmem_shared>>) offsets(%dma_start3A_404 : memref<128xi32, #tpu.memory_space<vmem>>) semaphore(%arg14 : memref<!tpu.dma_semaphore, #tpu.memory_space<semaphore_mem>>) {add = true}
      %dma_wait3A_408 = arith.constant 0 : i32
      %dma_wait3A_409 = arith.constant 0 : i32
      %dma_wait3A_410 = tpu.memref_slice %arg9[%dma_wait3A_408, %dma_wait3A_409] : memref<16x128xi32, #tpu.memory_space<vmem>> -> memref<1x128xi32, #tpu.memory_space<vmem>>
      %dma_wait3A_411 = tpu.memref_squeeze %dma_wait3A_410 : memref<1x128xi32, #tpu.memory_space<vmem>> -> memref<128xi32, #tpu.memory_space<vmem>>
      %dma_wait3A_412 = arith.constant 0 : i32
      %dma_wait3A_413 = arith.constant 0 : i32
      %dma_wait3A_414 = tpu.memref_slice %arg7[%dma_wait3A_412, %dma_wait3A_413] : memref<10112x128xf32, #tpu.memory_space<vmem_shared>> -> memref<10112x128xf32, #tpu.memory_space<vmem_shared>>
      tpu.wait_indirect_dma semaphore(%arg14 : memref<!tpu.dma_semaphore, #tpu.memory_space<semaphore_mem>>) src(%arg10 : memref<128x128xf32, #tpu.memory_space<vmem>>) dst(%dma_wait3A_414 : memref<10112x128xf32, #tpu.memory_space<vmem_shared>>)
      %dma_start3A_415 = arith.constant 1 : i32
      %dma_start3A_416 = arith.constant 0 : i32
      %dma_start3A_417 = tpu.memref_slice %arg8[%dma_start3A_415, %dma_start3A_416] : memref<2x1024xi32, #tpu.memory_space<vmem>> -> memref<1x1024xi32, #tpu.memory_space<vmem>>
      %dma_start3A_418 = tpu.memref_squeeze %dma_start3A_417 : memref<1x1024xi32, #tpu.memory_space<vmem>> -> memref<1024xi32, #tpu.memory_space<vmem>>
      %dma_start3A_419 = arith.constant 256 : i32
      %dma_start3A_420 = tpu.memref_slice %dma_start3A_418[%dma_start3A_419] : memref<1024xi32, #tpu.memory_space<vmem>> -> memref<128xi32, #tpu.memory_space<vmem>>
      %dma_start3A_421 = arith.constant 0 : i32
      %dma_start3A_422 = arith.constant 0 : i32
      %dma_start3A_423 = tpu.memref_slice %arg2[%dma_start3A_421, %dma_start3A_422] : memref<10000x128xf32, #tpu.memory_space<hbm>> -> memref<10000x128xf32, #tpu.memory_space<hbm>>
      tpu.enqueue_indirect_dma source(%dma_start3A_423 : memref<10000x128xf32, #tpu.memory_space<hbm>>) target(%arg10 : memref<128x128xf32, #tpu.memory_space<vmem>>) offsets(%dma_start3A_420 : memref<128xi32, #tpu.memory_space<vmem>>) semaphore(%arg12 : memref<!tpu.dma_semaphore, #tpu.memory_space<semaphore_mem>>)
      %dma_wait3A_424 = arith.constant 0 : i32
      %dma_wait3A_425 = arith.constant 0 : i32
      %dma_wait3A_426 = tpu.memref_slice %arg8[%dma_wait3A_424, %dma_wait3A_425] : memref<2x1024xi32, #tpu.memory_space<vmem>> -> memref<1x1024xi32, #tpu.memory_space<vmem>>
      %dma_wait3A_427 = tpu.memref_squeeze %dma_wait3A_426 : memref<1x1024xi32, #tpu.memory_space<vmem>> -> memref<1024xi32, #tpu.memory_space<vmem>>
      %dma_wait3A_428 = arith.constant 0 : i32
      %dma_wait3A_429 = tpu.memref_slice %dma_wait3A_427[%dma_wait3A_428] : memref<1024xi32, #tpu.memory_space<vmem>> -> memref<128xi32, #tpu.memory_space<vmem>>
      %dma_wait3A_430 = arith.constant 0 : i32
      %dma_wait3A_431 = arith.constant 0 : i32
      %dma_wait3A_432 = tpu.memref_slice %arg2[%dma_wait3A_430, %dma_wait3A_431] : memref<10000x128xf32, #tpu.memory_space<hbm>> -> memref<10000x128xf32, #tpu.memory_space<hbm>>
      tpu.wait_indirect_dma semaphore(%arg13 : memref<!tpu.dma_semaphore, #tpu.memory_space<semaphore_mem>>) src(%dma_wait3A_432 : memref<10000x128xf32, #tpu.memory_space<hbm>>) dst(%arg11 : memref<128x128xf32, #tpu.memory_space<vmem>>)
      %dma_start3A_433 = arith.constant 9 : i32
      %dma_start3A_434 = arith.constant 0 : i32
      %dma_start3A_435 = tpu.memref_slice %arg9[%dma_start3A_433, %dma_start3A_434] : memref<16x128xi32, #tpu.memory_space<vmem>> -> memref<1x128xi32, #tpu.memory_space<vmem>>
      %dma_start3A_436 = tpu.memref_squeeze %dma_start3A_435 : memref<1x128xi32, #tpu.memory_space<vmem>> -> memref<128xi32, #tpu.memory_space<vmem>>
      %dma_start3A_437 = arith.constant 0 : i32
      %dma_start3A_438 = arith.constant 0 : i32
      %dma_start3A_439 = tpu.memref_slice %arg7[%dma_start3A_437, %dma_start3A_438] : memref<10112x128xf32, #tpu.memory_space<vmem_shared>> -> memref<10112x128xf32, #tpu.memory_space<vmem_shared>>
      tpu.enqueue_indirect_dma source(%arg11 : memref<128x128xf32, #tpu.memory_space<vmem>>) target(%dma_start3A_439 : memref<10112x128xf32, #tpu.memory_space<vmem_shared>>) offsets(%dma_start3A_436 : memref<128xi32, #tpu.memory_space<vmem>>) semaphore(%arg15 : memref<!tpu.dma_semaphore, #tpu.memory_space<semaphore_mem>>) {add = true}
      %dma_wait3A_440 = arith.constant 0 : i32
      %dma_wait3A_441 = arith.constant 0 : i32
      %dma_wait3A_442 = tpu.memref_slice %arg9[%dma_wait3A_440, %dma_wait3A_441] : memref<16x128xi32, #tpu.memory_space<vmem>> -> memref<1x128xi32, #tpu.memory_space<vmem>>
      %dma_wait3A_443 = tpu.memref_squeeze %dma_wait3A_442 : memref<1x128xi32, #tpu.memory_space<vmem>> -> memref<128xi32, #tpu.memory_space<vmem>>
      %dma_wait3A_444 = arith.constant 0 : i32
      %dma_wait3A_445 = arith.constant 0 : i32
      %dma_wait3A_446 = tpu.memref_slice %arg7[%dma_wait3A_444, %dma_wait3A_445] : memref<10112x128xf32, #tpu.memory_space<vmem_shared>> -> memref<10112x128xf32, #tpu.memory_space<vmem_shared>>
      tpu.wait_indirect_dma semaphore(%arg15 : memref<!tpu.dma_semaphore, #tpu.memory_space<semaphore_mem>>) src(%arg11 : memref<128x128xf32, #tpu.memory_space<vmem>>) dst(%dma_wait3A_446 : memref<10112x128xf32, #tpu.memory_space<vmem_shared>>)
      %dma_start3A_447 = arith.constant 1 : i32
      %dma_start3A_448 = arith.constant 0 : i32
      %dma_start3A_449 = tpu.memref_slice %arg8[%dma_start3A_447, %dma_start3A_448] : memref<2x1024xi32, #tpu.memory_space<vmem>> -> memref<1x1024xi32, #tpu.memory_space<vmem>>
      %dma_start3A_450 = tpu.memref_squeeze %dma_start3A_449 : memref<1x1024xi32, #tpu.memory_space<vmem>> -> memref<1024xi32, #tpu.memory_space<vmem>>
      %dma_start3A_451 = arith.constant 384 : i32
      %dma_start3A_452 = tpu.memref_slice %dma_start3A_450[%dma_start3A_451] : memref<1024xi32, #tpu.memory_space<vmem>> -> memref<128xi32, #tpu.memory_space<vmem>>
      %dma_start3A_453 = arith.constant 0 : i32
      %dma_start3A_454 = arith.constant 0 : i32
      %dma_start3A_455 = tpu.memref_slice %arg2[%dma_start3A_453, %dma_start3A_454] : memref<10000x128xf32, #tpu.memory_space<hbm>> -> memref<10000x128xf32, #tpu.memory_space<hbm>>
      tpu.enqueue_indirect_dma source(%dma_start3A_455 : memref<10000x128xf32, #tpu.memory_space<hbm>>) target(%arg11 : memref<128x128xf32, #tpu.memory_space<vmem>>) offsets(%dma_start3A_452 : memref<128xi32, #tpu.memory_space<vmem>>) semaphore(%arg13 : memref<!tpu.dma_semaphore, #tpu.memory_space<semaphore_mem>>)
      %dma_wait3A_456 = arith.constant 0 : i32
      %dma_wait3A_457 = arith.constant 0 : i32
      %dma_wait3A_458 = tpu.memref_slice %arg8[%dma_wait3A_456, %dma_wait3A_457] : memref<2x1024xi32, #tpu.memory_space<vmem>> -> memref<1x1024xi32, #tpu.memory_space<vmem>>
      %dma_wait3A_459 = tpu.memref_squeeze %dma_wait3A_458 : memref<1x1024xi32, #tpu.memory_space<vmem>> -> memref<1024xi32, #tpu.memory_space<vmem>>
      %dma_wait3A_460 = arith.constant 0 : i32
      %dma_wait3A_461 = tpu.memref_slice %dma_wait3A_459[%dma_wait3A_460] : memref<1024xi32, #tpu.memory_space<vmem>> -> memref<128xi32, #tpu.memory_space<vmem>>
      %dma_wait3A_462 = arith.constant 0 : i32
      %dma_wait3A_463 = arith.constant 0 : i32
      %dma_wait3A_464 = tpu.memref_slice %arg2[%dma_wait3A_462, %dma_wait3A_463] : memref<10000x128xf32, #tpu.memory_space<hbm>> -> memref<10000x128xf32, #tpu.memory_space<hbm>>
      tpu.wait_indirect_dma semaphore(%arg12 : memref<!tpu.dma_semaphore, #tpu.memory_space<semaphore_mem>>) src(%dma_wait3A_464 : memref<10000x128xf32, #tpu.memory_space<hbm>>) dst(%arg10 : memref<128x128xf32, #tpu.memory_space<vmem>>)
      %dma_start3A_465 = arith.constant 10 : i32
      %dma_start3A_466 = arith.constant 0 : i32
      %dma_start3A_467 = tpu.memref_slice %arg9[%dma_start3A_465, %dma_start3A_466] : memref<16x128xi32, #tpu.memory_space<vmem>> -> memref<1x128xi32, #tpu.memory_space<vmem>>
      %dma_start3A_468 = tpu.memref_squeeze %dma_start3A_467 : memref<1x128xi32, #tpu.memory_space<vmem>> -> memref<128xi32, #tpu.memory_space<vmem>>
      %dma_start3A_469 = arith.constant 0 : i32
      %dma_start3A_470 = arith.constant 0 : i32
      %dma_start3A_471 = tpu.memref_slice %arg7[%dma_start3A_469, %dma_start3A_470] : memref<10112x128xf32, #tpu.memory_space<vmem_shared>> -> memref<10112x128xf32, #tpu.memory_space<vmem_shared>>
      tpu.enqueue_indirect_dma source(%arg10 : memref<128x128xf32, #tpu.memory_space<vmem>>) target(%dma_start3A_471 : memref<10112x128xf32, #tpu.memory_space<vmem_shared>>) offsets(%dma_start3A_468 : memref<128xi32, #tpu.memory_space<vmem>>) semaphore(%arg14 : memref<!tpu.dma_semaphore, #tpu.memory_space<semaphore_mem>>) {add = true}
      %dma_wait3A_472 = arith.constant 0 : i32
      %dma_wait3A_473 = arith.constant 0 : i32
      %dma_wait3A_474 = tpu.memref_slice %arg9[%dma_wait3A_472, %dma_wait3A_473] : memref<16x128xi32, #tpu.memory_space<vmem>> -> memref<1x128xi32, #tpu.memory_space<vmem>>
      %dma_wait3A_475 = tpu.memref_squeeze %dma_wait3A_474 : memref<1x128xi32, #tpu.memory_space<vmem>> -> memref<128xi32, #tpu.memory_space<vmem>>
      %dma_wait3A_476 = arith.constant 0 : i32
      %dma_wait3A_477 = arith.constant 0 : i32
      %dma_wait3A_478 = tpu.memref_slice %arg7[%dma_wait3A_476, %dma_wait3A_477] : memref<10112x128xf32, #tpu.memory_space<vmem_shared>> -> memref<10112x128xf32, #tpu.memory_space<vmem_shared>>
      tpu.wait_indirect_dma semaphore(%arg14 : memref<!tpu.dma_semaphore, #tpu.memory_space<semaphore_mem>>) src(%arg10 : memref<128x128xf32, #tpu.memory_space<vmem>>) dst(%dma_wait3A_478 : memref<10112x128xf32, #tpu.memory_space<vmem_shared>>)
      %dma_start3A_479 = arith.constant 1 : i32
      %dma_start3A_480 = arith.constant 0 : i32
      %dma_start3A_481 = tpu.memref_slice %arg8[%dma_start3A_479, %dma_start3A_480] : memref<2x1024xi32, #tpu.memory_space<vmem>> -> memref<1x1024xi32, #tpu.memory_space<vmem>>
      %dma_start3A_482 = tpu.memref_squeeze %dma_start3A_481 : memref<1x1024xi32, #tpu.memory_space<vmem>> -> memref<1024xi32, #tpu.memory_space<vmem>>
      %dma_start3A_483 = arith.constant 512 : i32
      %dma_start3A_484 = tpu.memref_slice %dma_start3A_482[%dma_start3A_483] : memref<1024xi32, #tpu.memory_space<vmem>> -> memref<128xi32, #tpu.memory_space<vmem>>
      %dma_start3A_485 = arith.constant 0 : i32
      %dma_start3A_486 = arith.constant 0 : i32
      %dma_start3A_487 = tpu.memref_slice %arg2[%dma_start3A_485, %dma_start3A_486] : memref<10000x128xf32, #tpu.memory_space<hbm>> -> memref<10000x128xf32, #tpu.memory_space<hbm>>
      tpu.enqueue_indirect_dma source(%dma_start3A_487 : memref<10000x128xf32, #tpu.memory_space<hbm>>) target(%arg10 : memref<128x128xf32, #tpu.memory_space<vmem>>) offsets(%dma_start3A_484 : memref<128xi32, #tpu.memory_space<vmem>>) semaphore(%arg12 : memref<!tpu.dma_semaphore, #tpu.memory_space<semaphore_mem>>)
      %dma_wait3A_488 = arith.constant 0 : i32
      %dma_wait3A_489 = arith.constant 0 : i32
      %dma_wait3A_490 = tpu.memref_slice %arg8[%dma_wait3A_488, %dma_wait3A_489] : memref<2x1024xi32, #tpu.memory_space<vmem>> -> memref<1x1024xi32, #tpu.memory_space<vmem>>
      %dma_wait3A_491 = tpu.memref_squeeze %dma_wait3A_490 : memref<1x1024xi32, #tpu.memory_space<vmem>> -> memref<1024xi32, #tpu.memory_space<vmem>>
      %dma_wait3A_492 = arith.constant 0 : i32
      %dma_wait3A_493 = tpu.memref_slice %dma_wait3A_491[%dma_wait3A_492] : memref<1024xi32, #tpu.memory_space<vmem>> -> memref<128xi32, #tpu.memory_space<vmem>>
      %dma_wait3A_494 = arith.constant 0 : i32
      %dma_wait3A_495 = arith.constant 0 : i32
      %dma_wait3A_496 = tpu.memref_slice %arg2[%dma_wait3A_494, %dma_wait3A_495] : memref<10000x128xf32, #tpu.memory_space<hbm>> -> memref<10000x128xf32, #tpu.memory_space<hbm>>
      tpu.wait_indirect_dma semaphore(%arg13 : memref<!tpu.dma_semaphore, #tpu.memory_space<semaphore_mem>>) src(%dma_wait3A_496 : memref<10000x128xf32, #tpu.memory_space<hbm>>) dst(%arg11 : memref<128x128xf32, #tpu.memory_space<vmem>>)
      %dma_start3A_497 = arith.constant 11 : i32
      %dma_start3A_498 = arith.constant 0 : i32
      %dma_start3A_499 = tpu.memref_slice %arg9[%dma_start3A_497, %dma_start3A_498] : memref<16x128xi32, #tpu.memory_space<vmem>> -> memref<1x128xi32, #tpu.memory_space<vmem>>
      %dma_start3A_500 = tpu.memref_squeeze %dma_start3A_499 : memref<1x128xi32, #tpu.memory_space<vmem>> -> memref<128xi32, #tpu.memory_space<vmem>>
      %dma_start3A_501 = arith.constant 0 : i32
      %dma_start3A_502 = arith.constant 0 : i32
      %dma_start3A_503 = tpu.memref_slice %arg7[%dma_start3A_501, %dma_start3A_502] : memref<10112x128xf32, #tpu.memory_space<vmem_shared>> -> memref<10112x128xf32, #tpu.memory_space<vmem_shared>>
      tpu.enqueue_indirect_dma source(%arg11 : memref<128x128xf32, #tpu.memory_space<vmem>>) target(%dma_start3A_503 : memref<10112x128xf32, #tpu.memory_space<vmem_shared>>) offsets(%dma_start3A_500 : memref<128xi32, #tpu.memory_space<vmem>>) semaphore(%arg15 : memref<!tpu.dma_semaphore, #tpu.memory_space<semaphore_mem>>) {add = true}
      %dma_wait3A_504 = arith.constant 0 : i32
      %dma_wait3A_505 = arith.constant 0 : i32
      %dma_wait3A_506 = tpu.memref_slice %arg9[%dma_wait3A_504, %dma_wait3A_505] : memref<16x128xi32, #tpu.memory_space<vmem>> -> memref<1x128xi32, #tpu.memory_space<vmem>>
      %dma_wait3A_507 = tpu.memref_squeeze %dma_wait3A_506 : memref<1x128xi32, #tpu.memory_space<vmem>> -> memref<128xi32, #tpu.memory_space<vmem>>
      %dma_wait3A_508 = arith.constant 0 : i32
      %dma_wait3A_509 = arith.constant 0 : i32
      %dma_wait3A_510 = tpu.memref_slice %arg7[%dma_wait3A_508, %dma_wait3A_509] : memref<10112x128xf32, #tpu.memory_space<vmem_shared>> -> memref<10112x128xf32, #tpu.memory_space<vmem_shared>>
      tpu.wait_indirect_dma semaphore(%arg15 : memref<!tpu.dma_semaphore, #tpu.memory_space<semaphore_mem>>) src(%arg11 : memref<128x128xf32, #tpu.memory_space<vmem>>) dst(%dma_wait3A_510 : memref<10112x128xf32, #tpu.memory_space<vmem_shared>>)
      %dma_start3A_511 = arith.constant 1 : i32
      %dma_start3A_512 = arith.constant 0 : i32
      %dma_start3A_513 = tpu.memref_slice %arg8[%dma_start3A_511, %dma_start3A_512] : memref<2x1024xi32, #tpu.memory_space<vmem>> -> memref<1x1024xi32, #tpu.memory_space<vmem>>
      %dma_start3A_514 = tpu.memref_squeeze %dma_start3A_513 : memref<1x1024xi32, #tpu.memory_space<vmem>> -> memref<1024xi32, #tpu.memory_space<vmem>>
      %dma_start3A_515 = arith.constant 640 : i32
      %dma_start3A_516 = tpu.memref_slice %dma_start3A_514[%dma_start3A_515] : memref<1024xi32, #tpu.memory_space<vmem>> -> memref<128xi32, #tpu.memory_space<vmem>>
      %dma_start3A_517 = arith.constant 0 : i32
      %dma_start3A_518 = arith.constant 0 : i32
      %dma_start3A_519 = tpu.memref_slice %arg2[%dma_start3A_517, %dma_start3A_518] : memref<10000x128xf32, #tpu.memory_space<hbm>> -> memref<10000x128xf32, #tpu.memory_space<hbm>>
      tpu.enqueue_indirect_dma source(%dma_start3A_519 : memref<10000x128xf32, #tpu.memory_space<hbm>>) target(%arg11 : memref<128x128xf32, #tpu.memory_space<vmem>>) offsets(%dma_start3A_516 : memref<128xi32, #tpu.memory_space<vmem>>) semaphore(%arg13 : memref<!tpu.dma_semaphore, #tpu.memory_space<semaphore_mem>>)
      %dma_wait3A_520 = arith.constant 0 : i32
      %dma_wait3A_521 = arith.constant 0 : i32
      %dma_wait3A_522 = tpu.memref_slice %arg8[%dma_wait3A_520, %dma_wait3A_521] : memref<2x1024xi32, #tpu.memory_space<vmem>> -> memref<1x1024xi32, #tpu.memory_space<vmem>>
      %dma_wait3A_523 = tpu.memref_squeeze %dma_wait3A_522 : memref<1x1024xi32, #tpu.memory_space<vmem>> -> memref<1024xi32, #tpu.memory_space<vmem>>
      %dma_wait3A_524 = arith.constant 0 : i32
      %dma_wait3A_525 = tpu.memref_slice %dma_wait3A_523[%dma_wait3A_524] : memref<1024xi32, #tpu.memory_space<vmem>> -> memref<128xi32, #tpu.memory_space<vmem>>
      %dma_wait3A_526 = arith.constant 0 : i32
      %dma_wait3A_527 = arith.constant 0 : i32
      %dma_wait3A_528 = tpu.memref_slice %arg2[%dma_wait3A_526, %dma_wait3A_527] : memref<10000x128xf32, #tpu.memory_space<hbm>> -> memref<10000x128xf32, #tpu.memory_space<hbm>>
      tpu.wait_indirect_dma semaphore(%arg12 : memref<!tpu.dma_semaphore, #tpu.memory_space<semaphore_mem>>) src(%dma_wait3A_528 : memref<10000x128xf32, #tpu.memory_space<hbm>>) dst(%arg10 : memref<128x128xf32, #tpu.memory_space<vmem>>)
      %dma_start3A_529 = arith.constant 12 : i32
      %dma_start3A_530 = arith.constant 0 : i32
      %dma_start3A_531 = tpu.memref_slice %arg9[%dma_start3A_529, %dma_start3A_530] : memref<16x128xi32, #tpu.memory_space<vmem>> -> memref<1x128xi32, #tpu.memory_space<vmem>>
      %dma_start3A_532 = tpu.memref_squeeze %dma_start3A_531 : memref<1x128xi32, #tpu.memory_space<vmem>> -> memref<128xi32, #tpu.memory_space<vmem>>
      %dma_start3A_533 = arith.constant 0 : i32
      %dma_start3A_534 = arith.constant 0 : i32
      %dma_start3A_535 = tpu.memref_slice %arg7[%dma_start3A_533, %dma_start3A_534] : memref<10112x128xf32, #tpu.memory_space<vmem_shared>> -> memref<10112x128xf32, #tpu.memory_space<vmem_shared>>
      tpu.enqueue_indirect_dma source(%arg10 : memref<128x128xf32, #tpu.memory_space<vmem>>) target(%dma_start3A_535 : memref<10112x128xf32, #tpu.memory_space<vmem_shared>>) offsets(%dma_start3A_532 : memref<128xi32, #tpu.memory_space<vmem>>) semaphore(%arg14 : memref<!tpu.dma_semaphore, #tpu.memory_space<semaphore_mem>>) {add = true}
      %dma_wait3A_536 = arith.constant 0 : i32
      %dma_wait3A_537 = arith.constant 0 : i32
      %dma_wait3A_538 = tpu.memref_slice %arg9[%dma_wait3A_536, %dma_wait3A_537] : memref<16x128xi32, #tpu.memory_space<vmem>> -> memref<1x128xi32, #tpu.memory_space<vmem>>
      %dma_wait3A_539 = tpu.memref_squeeze %dma_wait3A_538 : memref<1x128xi32, #tpu.memory_space<vmem>> -> memref<128xi32, #tpu.memory_space<vmem>>
      %dma_wait3A_540 = arith.constant 0 : i32
      %dma_wait3A_541 = arith.constant 0 : i32
      %dma_wait3A_542 = tpu.memref_slice %arg7[%dma_wait3A_540, %dma_wait3A_541] : memref<10112x128xf32, #tpu.memory_space<vmem_shared>> -> memref<10112x128xf32, #tpu.memory_space<vmem_shared>>
      tpu.wait_indirect_dma semaphore(%arg14 : memref<!tpu.dma_semaphore, #tpu.memory_space<semaphore_mem>>) src(%arg10 : memref<128x128xf32, #tpu.memory_space<vmem>>) dst(%dma_wait3A_542 : memref<10112x128xf32, #tpu.memory_space<vmem_shared>>)
      %dma_start3A_543 = arith.constant 1 : i32
      %dma_start3A_544 = arith.constant 0 : i32
      %dma_start3A_545 = tpu.memref_slice %arg8[%dma_start3A_543, %dma_start3A_544] : memref<2x1024xi32, #tpu.memory_space<vmem>> -> memref<1x1024xi32, #tpu.memory_space<vmem>>
      %dma_start3A_546 = tpu.memref_squeeze %dma_start3A_545 : memref<1x1024xi32, #tpu.memory_space<vmem>> -> memref<1024xi32, #tpu.memory_space<vmem>>
      %dma_start3A_547 = arith.constant 768 : i32
      %dma_start3A_548 = tpu.memref_slice %dma_start3A_546[%dma_start3A_547] : memref<1024xi32, #tpu.memory_space<vmem>> -> memref<128xi32, #tpu.memory_space<vmem>>
      %dma_start3A_549 = arith.constant 0 : i32
      %dma_start3A_550 = arith.constant 0 : i32
      %dma_start3A_551 = tpu.memref_slice %arg2[%dma_start3A_549, %dma_start3A_550] : memref<10000x128xf32, #tpu.memory_space<hbm>> -> memref<10000x128xf32, #tpu.memory_space<hbm>>
      tpu.enqueue_indirect_dma source(%dma_start3A_551 : memref<10000x128xf32, #tpu.memory_space<hbm>>) target(%arg10 : memref<128x128xf32, #tpu.memory_space<vmem>>) offsets(%dma_start3A_548 : memref<128xi32, #tpu.memory_space<vmem>>) semaphore(%arg12 : memref<!tpu.dma_semaphore, #tpu.memory_space<semaphore_mem>>)
      %dma_wait3A_552 = arith.constant 0 : i32
      %dma_wait3A_553 = arith.constant 0 : i32
      %dma_wait3A_554 = tpu.memref_slice %arg8[%dma_wait3A_552, %dma_wait3A_553] : memref<2x1024xi32, #tpu.memory_space<vmem>> -> memref<1x1024xi32, #tpu.memory_space<vmem>>
      %dma_wait3A_555 = tpu.memref_squeeze %dma_wait3A_554 : memref<1x1024xi32, #tpu.memory_space<vmem>> -> memref<1024xi32, #tpu.memory_space<vmem>>
      %dma_wait3A_556 = arith.constant 0 : i32
      %dma_wait3A_557 = tpu.memref_slice %dma_wait3A_555[%dma_wait3A_556] : memref<1024xi32, #tpu.memory_space<vmem>> -> memref<128xi32, #tpu.memory_space<vmem>>
      %dma_wait3A_558 = arith.constant 0 : i32
      %dma_wait3A_559 = arith.constant 0 : i32
      %dma_wait3A_560 = tpu.memref_slice %arg2[%dma_wait3A_558, %dma_wait3A_559] : memref<10000x128xf32, #tpu.memory_space<hbm>> -> memref<10000x128xf32, #tpu.memory_space<hbm>>
      tpu.wait_indirect_dma semaphore(%arg13 : memref<!tpu.dma_semaphore, #tpu.memory_space<semaphore_mem>>) src(%dma_wait3A_560 : memref<10000x128xf32, #tpu.memory_space<hbm>>) dst(%arg11 : memref<128x128xf32, #tpu.memory_space<vmem>>)
      %dma_start3A_561 = arith.constant 13 : i32
      %dma_start3A_562 = arith.constant 0 : i32
      %dma_start3A_563 = tpu.memref_slice %arg9[%dma_start3A_561, %dma_start3A_562] : memref<16x128xi32, #tpu.memory_space<vmem>> -> memref<1x128xi32, #tpu.memory_space<vmem>>
      %dma_start3A_564 = tpu.memref_squeeze %dma_start3A_563 : memref<1x128xi32, #tpu.memory_space<vmem>> -> memref<128xi32, #tpu.memory_space<vmem>>
      %dma_start3A_565 = arith.constant 0 : i32
      %dma_start3A_566 = arith.constant 0 : i32
      %dma_start3A_567 = tpu.memref_slice %arg7[%dma_start3A_565, %dma_start3A_566] : memref<10112x128xf32, #tpu.memory_space<vmem_shared>> -> memref<10112x128xf32, #tpu.memory_space<vmem_shared>>
      tpu.enqueue_indirect_dma source(%arg11 : memref<128x128xf32, #tpu.memory_space<vmem>>) target(%dma_start3A_567 : memref<10112x128xf32, #tpu.memory_space<vmem_shared>>) offsets(%dma_start3A_564 : memref<128xi32, #tpu.memory_space<vmem>>) semaphore(%arg15 : memref<!tpu.dma_semaphore, #tpu.memory_space<semaphore_mem>>) {add = true}
      %dma_wait3A_568 = arith.constant 0 : i32
      %dma_wait3A_569 = arith.constant 0 : i32
      %dma_wait3A_570 = tpu.memref_slice %arg9[%dma_wait3A_568, %dma_wait3A_569] : memref<16x128xi32, #tpu.memory_space<vmem>> -> memref<1x128xi32, #tpu.memory_space<vmem>>
      %dma_wait3A_571 = tpu.memref_squeeze %dma_wait3A_570 : memref<1x128xi32, #tpu.memory_space<vmem>> -> memref<128xi32, #tpu.memory_space<vmem>>
      %dma_wait3A_572 = arith.constant 0 : i32
      %dma_wait3A_573 = arith.constant 0 : i32
      %dma_wait3A_574 = tpu.memref_slice %arg7[%dma_wait3A_572, %dma_wait3A_573] : memref<10112x128xf32, #tpu.memory_space<vmem_shared>> -> memref<10112x128xf32, #tpu.memory_space<vmem_shared>>
      tpu.wait_indirect_dma semaphore(%arg15 : memref<!tpu.dma_semaphore, #tpu.memory_space<semaphore_mem>>) src(%arg11 : memref<128x128xf32, #tpu.memory_space<vmem>>) dst(%dma_wait3A_574 : memref<10112x128xf32, #tpu.memory_space<vmem_shared>>)
      %dma_start3A_575 = arith.constant 1 : i32
      %dma_start3A_576 = arith.constant 0 : i32
      %dma_start3A_577 = tpu.memref_slice %arg8[%dma_start3A_575, %dma_start3A_576] : memref<2x1024xi32, #tpu.memory_space<vmem>> -> memref<1x1024xi32, #tpu.memory_space<vmem>>
      %dma_start3A_578 = tpu.memref_squeeze %dma_start3A_577 : memref<1x1024xi32, #tpu.memory_space<vmem>> -> memref<1024xi32, #tpu.memory_space<vmem>>
      %dma_start3A_579 = arith.constant 896 : i32
      %dma_start3A_580 = tpu.memref_slice %dma_start3A_578[%dma_start3A_579] : memref<1024xi32, #tpu.memory_space<vmem>> -> memref<128xi32, #tpu.memory_space<vmem>>
      %dma_start3A_581 = arith.constant 0 : i32
      %dma_start3A_582 = arith.constant 0 : i32
      %dma_start3A_583 = tpu.memref_slice %arg2[%dma_start3A_581, %dma_start3A_582] : memref<10000x128xf32, #tpu.memory_space<hbm>> -> memref<10000x128xf32, #tpu.memory_space<hbm>>
      tpu.enqueue_indirect_dma source(%dma_start3A_583 : memref<10000x128xf32, #tpu.memory_space<hbm>>) target(%arg11 : memref<128x128xf32, #tpu.memory_space<vmem>>) offsets(%dma_start3A_580 : memref<128xi32, #tpu.memory_space<vmem>>) semaphore(%arg13 : memref<!tpu.dma_semaphore, #tpu.memory_space<semaphore_mem>>)
      %dma_wait3A_584 = arith.constant 0 : i32
      %dma_wait3A_585 = arith.constant 0 : i32
      %dma_wait3A_586 = tpu.memref_slice %arg8[%dma_wait3A_584, %dma_wait3A_585] : memref<2x1024xi32, #tpu.memory_space<vmem>> -> memref<1x1024xi32, #tpu.memory_space<vmem>>
      %dma_wait3A_587 = tpu.memref_squeeze %dma_wait3A_586 : memref<1x1024xi32, #tpu.memory_space<vmem>> -> memref<1024xi32, #tpu.memory_space<vmem>>
      %dma_wait3A_588 = arith.constant 0 : i32
      %dma_wait3A_589 = tpu.memref_slice %dma_wait3A_587[%dma_wait3A_588] : memref<1024xi32, #tpu.memory_space<vmem>> -> memref<128xi32, #tpu.memory_space<vmem>>
      %dma_wait3A_590 = arith.constant 0 : i32
      %dma_wait3A_591 = arith.constant 0 : i32
      %dma_wait3A_592 = tpu.memref_slice %arg2[%dma_wait3A_590, %dma_wait3A_591] : memref<10000x128xf32, #tpu.memory_space<hbm>> -> memref<10000x128xf32, #tpu.memory_space<hbm>>
      tpu.wait_indirect_dma semaphore(%arg12 : memref<!tpu.dma_semaphore, #tpu.memory_space<semaphore_mem>>) src(%dma_wait3A_592 : memref<10000x128xf32, #tpu.memory_space<hbm>>) dst(%arg10 : memref<128x128xf32, #tpu.memory_space<vmem>>)
      %dma_start3A_593 = arith.constant 14 : i32
      %dma_start3A_594 = arith.constant 0 : i32
      %dma_start3A_595 = tpu.memref_slice %arg9[%dma_start3A_593, %dma_start3A_594] : memref<16x128xi32, #tpu.memory_space<vmem>> -> memref<1x128xi32, #tpu.memory_space<vmem>>
      %dma_start3A_596 = tpu.memref_squeeze %dma_start3A_595 : memref<1x128xi32, #tpu.memory_space<vmem>> -> memref<128xi32, #tpu.memory_space<vmem>>
      %dma_start3A_597 = arith.constant 0 : i32
      %dma_start3A_598 = arith.constant 0 : i32
      %dma_start3A_599 = tpu.memref_slice %arg7[%dma_start3A_597, %dma_start3A_598] : memref<10112x128xf32, #tpu.memory_space<vmem_shared>> -> memref<10112x128xf32, #tpu.memory_space<vmem_shared>>
      tpu.enqueue_indirect_dma source(%arg10 : memref<128x128xf32, #tpu.memory_space<vmem>>) target(%dma_start3A_599 : memref<10112x128xf32, #tpu.memory_space<vmem_shared>>) offsets(%dma_start3A_596 : memref<128xi32, #tpu.memory_space<vmem>>) semaphore(%arg14 : memref<!tpu.dma_semaphore, #tpu.memory_space<semaphore_mem>>) {add = true}
      %dma_wait3A_600 = arith.constant 0 : i32
      %dma_wait3A_601 = arith.constant 0 : i32
      %dma_wait3A_602 = tpu.memref_slice %arg8[%dma_wait3A_600, %dma_wait3A_601] : memref<2x1024xi32, #tpu.memory_space<vmem>> -> memref<1x1024xi32, #tpu.memory_space<vmem>>
      %dma_wait3A_603 = tpu.memref_squeeze %dma_wait3A_602 : memref<1x1024xi32, #tpu.memory_space<vmem>> -> memref<1024xi32, #tpu.memory_space<vmem>>
      %dma_wait3A_604 = arith.constant 0 : i32
      %dma_wait3A_605 = tpu.memref_slice %dma_wait3A_603[%dma_wait3A_604] : memref<1024xi32, #tpu.memory_space<vmem>> -> memref<128xi32, #tpu.memory_space<vmem>>
      %dma_wait3A_606 = arith.constant 0 : i32
      %dma_wait3A_607 = arith.constant 0 : i32
      %dma_wait3A_608 = tpu.memref_slice %arg2[%dma_wait3A_606, %dma_wait3A_607] : memref<10000x128xf32, #tpu.memory_space<hbm>> -> memref<10000x128xf32, #tpu.memory_space<hbm>>
      tpu.wait_indirect_dma semaphore(%arg13 : memref<!tpu.dma_semaphore, #tpu.memory_space<semaphore_mem>>) src(%dma_wait3A_608 : memref<10000x128xf32, #tpu.memory_space<hbm>>) dst(%arg11 : memref<128x128xf32, #tpu.memory_space<vmem>>)
      %dma_start3A_609 = arith.constant 15 : i32
      %dma_start3A_610 = arith.constant 0 : i32
      %dma_start3A_611 = tpu.memref_slice %arg9[%dma_start3A_609, %dma_start3A_610] : memref<16x128xi32, #tpu.memory_space<vmem>> -> memref<1x128xi32, #tpu.memory_space<vmem>>
      %dma_start3A_612 = tpu.memref_squeeze %dma_start3A_611 : memref<1x128xi32, #tpu.memory_space<vmem>> -> memref<128xi32, #tpu.memory_space<vmem>>
      %dma_start3A_613 = arith.constant 0 : i32
      %dma_start3A_614 = arith.constant 0 : i32
      %dma_start3A_615 = tpu.memref_slice %arg7[%dma_start3A_613, %dma_start3A_614] : memref<10112x128xf32, #tpu.memory_space<vmem_shared>> -> memref<10112x128xf32, #tpu.memory_space<vmem_shared>>
      tpu.enqueue_indirect_dma source(%arg11 : memref<128x128xf32, #tpu.memory_space<vmem>>) target(%dma_start3A_615 : memref<10112x128xf32, #tpu.memory_space<vmem_shared>>) offsets(%dma_start3A_612 : memref<128xi32, #tpu.memory_space<vmem>>) semaphore(%arg15 : memref<!tpu.dma_semaphore, #tpu.memory_space<semaphore_mem>>) {add = true}
      %dma_wait3A_616 = arith.constant 0 : i32
      %dma_wait3A_617 = arith.constant 0 : i32
      %dma_wait3A_618 = tpu.memref_slice %arg9[%dma_wait3A_616, %dma_wait3A_617] : memref<16x128xi32, #tpu.memory_space<vmem>> -> memref<1x128xi32, #tpu.memory_space<vmem>>
      %dma_wait3A_619 = tpu.memref_squeeze %dma_wait3A_618 : memref<1x128xi32, #tpu.memory_space<vmem>> -> memref<128xi32, #tpu.memory_space<vmem>>
      %dma_wait3A_620 = arith.constant 0 : i32
      %dma_wait3A_621 = arith.constant 0 : i32
      %dma_wait3A_622 = tpu.memref_slice %arg7[%dma_wait3A_620, %dma_wait3A_621] : memref<10112x128xf32, #tpu.memory_space<vmem_shared>> -> memref<10112x128xf32, #tpu.memory_space<vmem_shared>>
      tpu.wait_indirect_dma semaphore(%arg14 : memref<!tpu.dma_semaphore, #tpu.memory_space<semaphore_mem>>) src(%arg10 : memref<128x128xf32, #tpu.memory_space<vmem>>) dst(%dma_wait3A_622 : memref<10112x128xf32, #tpu.memory_space<vmem_shared>>)
      %dma_wait3A_623 = arith.constant 0 : i32
      %dma_wait3A_624 = arith.constant 0 : i32
      %dma_wait3A_625 = tpu.memref_slice %arg9[%dma_wait3A_623, %dma_wait3A_624] : memref<16x128xi32, #tpu.memory_space<vmem>> -> memref<1x128xi32, #tpu.memory_space<vmem>>
      %dma_wait3A_626 = tpu.memref_squeeze %dma_wait3A_625 : memref<1x128xi32, #tpu.memory_space<vmem>> -> memref<128xi32, #tpu.memory_space<vmem>>
      %dma_wait3A_627 = arith.constant 0 : i32
      %dma_wait3A_628 = arith.constant 0 : i32
      %dma_wait3A_629 = tpu.memref_slice %arg7[%dma_wait3A_627, %dma_wait3A_628] : memref<10112x128xf32, #tpu.memory_space<vmem_shared>> -> memref<10112x128xf32, #tpu.memory_space<vmem_shared>>
      tpu.wait_indirect_dma semaphore(%arg15 : memref<!tpu.dma_semaphore, #tpu.memory_space<semaphore_mem>>) src(%arg11 : memref<128x128xf32, #tpu.memory_space<vmem>>) dst(%dma_wait3A_629 : memref<10112x128xf32, #tpu.memory_space<vmem_shared>>)
    }
    %barrier3A_46 = arith.constant 0 : index
    tpu.barrier barrier_id(%barrier3A_46)
    %mul3A_47 = arith.constant 632 : i32
    %mul3A_48 = arith.muli %arg1, %mul3A_47 : i32
    %eq3A_49 = arith.constant 0 : i32
    %eq3A_50 = arith.cmpi eq, %arg0, %eq3A_49 : i32
    %or3A_51 = arith.constant true
    %or3A_52 = arith.ori %eq3A_50, %or3A_51 : i1
    %convert_element_type3A_53 = arith.extui %or3A_52 : i1 to i32
    %cond3A_54 = arith.constant 0 : i32
    %cond3A_55 = arith.cmpi ne, %convert_element_type3A_53, %cond3A_54 : i32
    scf.if %cond3A_55 {
      %lt3A = arith.constant 2 : i32
      %lt3A_56 = arith.cmpi slt, %arg0, %lt3A : i32
      %jit3A_57 = arith.constant 0 : i32
      %select_n3A_58 = arith.select %lt3A_56, %arg0, %jit3A_57 : i32
      %lt3A_59 = arith.constant 15 : i32
      %lt3A_60 = arith.cmpi slt, %arg1, %lt3A_59 : i32
      %convert_element_type3A_61 = arith.extui %lt3A_60 : i1 to i32
      %cond3A_62 = arith.constant 0 : i32
      %cond3A_63 = arith.cmpi ne, %convert_element_type3A_61, %cond3A_62 : i32
      scf.if %cond3A_63 {
        "tpu.region"() ({
          %run_scoped3A = tpu.sem_alloc : memref<!tpu.dma_semaphore, #tpu.memory_space<semaphore_mem>>
          %dma_start3A = arith.constant 0 : i32
          %dma_start3A_69 = arith.constant 0 : i32
          %dma_start3A_70 = tpu.memref_slice %arg6[%select_n3A_58, %dma_start3A, %dma_start3A_69] : memref<2x10000x128xf32, #tpu.memory_space<hbm>> -> memref<1x10000x128xf32, #tpu.memory_space<hbm>>
          %dma_start3A_71 = tpu.memref_squeeze %dma_start3A_70 : memref<1x10000x128xf32, #tpu.memory_space<hbm>> -> memref<10000x128xf32, #tpu.memory_space<hbm>>
          %dma_start3A_72 = arith.constant 0 : i32
          %dma_start3A_73 = tpu.memref_slice %dma_start3A_71[%mul3A_48, %dma_start3A_72] : memref<10000x128xf32, #tpu.memory_space<hbm>> -> memref<632x128xf32, #tpu.memory_space<hbm>>
          %dma_start3A_74 = arith.constant 0 : i32
          %dma_start3A_75 = tpu.memref_slice %arg7[%mul3A_48, %dma_start3A_74] : memref<10112x128xf32, #tpu.memory_space<vmem_shared>> -> memref<632x128xf32, #tpu.memory_space<vmem_shared>>
          tpu.enqueue_dma source(%dma_start3A_75 : memref<632x128xf32, #tpu.memory_space<vmem_shared>>) target(%dma_start3A_73 : memref<632x128xf32, #tpu.memory_space<hbm>>) target_semaphore(%run_scoped3A : memref<!tpu.dma_semaphore, #tpu.memory_space<semaphore_mem>>)
          %dma_wait3A = arith.constant 0 : i32
          %dma_wait3A_76 = arith.constant 0 : i32
          %dma_wait3A_77 = tpu.memref_slice %arg6[%select_n3A_58, %dma_wait3A, %dma_wait3A_76] : memref<2x10000x128xf32, #tpu.memory_space<hbm>> -> memref<1x10000x128xf32, #tpu.memory_space<hbm>>
          %dma_wait3A_78 = tpu.memref_squeeze %dma_wait3A_77 : memref<1x10000x128xf32, #tpu.memory_space<hbm>> -> memref<10000x128xf32, #tpu.memory_space<hbm>>
          %dma_wait3A_79 = arith.constant 0 : i32
          %dma_wait3A_80 = tpu.memref_slice %dma_wait3A_78[%mul3A_48, %dma_wait3A_79] : memref<10000x128xf32, #tpu.memory_space<hbm>> -> memref<632x128xf32, #tpu.memory_space<hbm>>
          %dma_wait3A_81 = arith.constant 0 : i32
          %dma_wait3A_82 = tpu.memref_slice %arg7[%mul3A_48, %dma_wait3A_81] : memref<10112x128xf32, #tpu.memory_space<vmem_shared>> -> memref<632x128xf32, #tpu.memory_space<vmem_shared>>
          tpu.wait_dma2 semaphore(%run_scoped3A : memref<!tpu.dma_semaphore, #tpu.memory_space<semaphore_mem>>) src(%dma_wait3A_82 : memref<632x128xf32, #tpu.memory_space<vmem_shared>>) dst(%dma_wait3A_80 : memref<632x128xf32, #tpu.memory_space<hbm>>)
          tpu.yield
        }) : () -> ()
      } else {
      }
      %eq3A_64 = arith.constant 15 : i32
      %eq3A_65 = arith.cmpi eq, %arg1, %eq3A_64 : i32
      %convert_element_type3A_66 = arith.extui %eq3A_65 : i1 to i32
      %cond3A_67 = arith.constant 0 : i32
      %cond3A_68 = arith.cmpi ne, %convert_element_type3A_66, %cond3A_67 : i32
      scf.if %cond3A_68 {
        "tpu.region"() ({
          %run_scoped3A = tpu.sem_alloc : memref<!tpu.dma_semaphore, #tpu.memory_space<semaphore_mem>>
          %dma_start3A = arith.constant 0 : i32
          %dma_start3A_69 = arith.constant 0 : i32
          %dma_start3A_70 = tpu.memref_slice %arg6[%select_n3A_58, %dma_start3A, %dma_start3A_69] : memref<2x10000x128xf32, #tpu.memory_space<hbm>> -> memref<1x10000x128xf32, #tpu.memory_space<hbm>>
          %dma_start3A_71 = tpu.memref_squeeze %dma_start3A_70 : memref<1x10000x128xf32, #tpu.memory_space<hbm>> -> memref<10000x128xf32, #tpu.memory_space<hbm>>
          %dma_start3A_72 = arith.constant 9480 : i32
          %dma_start3A_73 = arith.constant 0 : i32
          %dma_start3A_74 = tpu.memref_slice %dma_start3A_71[%dma_start3A_72, %dma_start3A_73] : memref<10000x128xf32, #tpu.memory_space<hbm>> -> memref<520x128xf32, #tpu.memory_space<hbm>>
          %dma_start3A_75 = arith.constant 9480 : i32
          %dma_start3A_76 = arith.constant 0 : i32
          %dma_start3A_77 = tpu.memref_slice %arg7[%dma_start3A_75, %dma_start3A_76] : memref<10112x128xf32, #tpu.memory_space<vmem_shared>> -> memref<520x128xf32, #tpu.memory_space<vmem_shared>>
          tpu.enqueue_dma source(%dma_start3A_77 : memref<520x128xf32, #tpu.memory_space<vmem_shared>>) target(%dma_start3A_74 : memref<520x128xf32, #tpu.memory_space<hbm>>) target_semaphore(%run_scoped3A : memref<!tpu.dma_semaphore, #tpu.memory_space<semaphore_mem>>)
          %dma_wait3A = arith.constant 0 : i32
          %dma_wait3A_78 = arith.constant 0 : i32
          %dma_wait3A_79 = tpu.memref_slice %arg6[%select_n3A_58, %dma_wait3A, %dma_wait3A_78] : memref<2x10000x128xf32, #tpu.memory_space<hbm>> -> memref<1x10000x128xf32, #tpu.memory_space<hbm>>
          %dma_wait3A_80 = tpu.memref_squeeze %dma_wait3A_79 : memref<1x10000x128xf32, #tpu.memory_space<hbm>> -> memref<10000x128xf32, #tpu.memory_space<hbm>>
          %dma_wait3A_81 = arith.constant 9480 : i32
          %dma_wait3A_82 = arith.constant 0 : i32
          %dma_wait3A_83 = tpu.memref_slice %dma_wait3A_80[%dma_wait3A_81, %dma_wait3A_82] : memref<10000x128xf32, #tpu.memory_space<hbm>> -> memref<520x128xf32, #tpu.memory_space<hbm>>
          %dma_wait3A_84 = arith.constant 9480 : i32
          %dma_wait3A_85 = arith.constant 0 : i32
          %dma_wait3A_86 = tpu.memref_slice %arg7[%dma_wait3A_84, %dma_wait3A_85] : memref<10112x128xf32, #tpu.memory_space<vmem_shared>> -> memref<520x128xf32, #tpu.memory_space<vmem_shared>>
          tpu.wait_dma2 semaphore(%run_scoped3A : memref<!tpu.dma_semaphore, #tpu.memory_space<semaphore_mem>>) src(%dma_wait3A_86 : memref<520x128xf32, #tpu.memory_space<vmem_shared>>) dst(%dma_wait3A_83 : memref<520x128xf32, #tpu.memory_space<hbm>>)
          tpu.yield
        }) : () -> ()
      } else {
      }
    } else {
    }
    return
  }
}

#map = affine_map<(d0, d1) -> (0, 0)>
#map1 = affine_map<(d0, d1) -> (0)>
#map2 = affine_map<(d0, d1) -> (0, 0, 0)>
module attributes {stable_mosaic.version = 14 : i64} {
  func.func @segsum(%arg0: i32, %arg1: i32, %arg2: memref<10000x128xf32, #tpu.memory_space<hbm>>, %arg3: memref<327680xi32, #tpu.memory_space<hbm>>, %arg4: memref<2560x128xi32, #tpu.memory_space<hbm>>, %arg5: memref<10112x128xf32, #tpu.memory_space<hbm>>, %arg6: memref<2x10000x128xf32, #tpu.memory_space<hbm>>, %arg7: memref<10112x128xf32, #tpu.memory_space<vmem_shared>>, %arg8: memref<2x1024xi32, #tpu.memory_space<vmem>>, %arg9: memref<16x128xi32, #tpu.memory_space<vmem>>, %arg10: memref<128x128xf32, #tpu.memory_space<vmem>>, %arg11: memref<128x128xf32, #tpu.memory_space<vmem>>, %arg12: memref<!tpu.dma_semaphore, #tpu.memory_space<semaphore_mem>>, %arg13: memref<!tpu.dma_semaphore, #tpu.memory_space<semaphore_mem>>, %arg14: memref<!tpu.dma_semaphore, #tpu.memory_space<semaphore_mem>>, %arg15: memref<!tpu.dma_semaphore, #tpu.memory_space<semaphore_mem>>, %arg16: memref<!tpu.dma_semaphore, #tpu.memory_space<semaphore_mem>>, %arg17: memref<!tpu.dma_semaphore, #tpu.memory_space<semaphore_mem>>) attributes {dimension_semantics = [#tpu.dimension_semantics<core_parallel>, #tpu.dimension_semantics<subcore_parallel>], iteration_bounds = array<i64: 2, 16>, scalar_prefetch = 0 : i64, scratch_operands = 11 : i64, tpu.core_type = #tpu.core_type<sc_vector_subcore>, window_params = [{transform_indices = #map}, {transform_indices = #map1}, {transform_indices = #map}, {transform_indices = #map}, {transform_indices = #map2}]} {
    %eq3A = arith.constant 0 : i32
    %eq3A_0 = arith.cmpi eq, %arg0, %eq3A : i32
    %mul3A = arith.constant 80 : i32
    %mul3A_1 = arith.muli %arg1, %mul3A : i32
    %mul3A_2 = arith.constant 80 : i32
    %mul3A_3 = arith.muli %arg1, %mul3A_2 : i32
    %add3A = arith.constant 1280 : i32
    %add3A_4 = arith.addi %add3A, %mul3A_3 : i32
    %select_n3A = arith.select %eq3A_0, %mul3A_1, %add3A_4 : i32
    %eq3A_5 = arith.constant 0 : i32
    %eq3A_6 = arith.cmpi eq, %arg0, %eq3A_5 : i32
    %jit3A = arith.constant 10 : i32
    %jit3A_7 = arith.constant 10 : i32
    %select_n3A_8 = arith.select %eq3A_6, %jit3A, %jit3A_7 : i32
    %mul3A_9 = arith.constant 632 : i32
    %mul3A_10 = arith.muli %arg1, %mul3A_9 : i32
    %gt3A = arith.constant 0 : i32
    %gt3A_11 = arith.cmpi sgt, %select_n3A_8, %gt3A : i32
    %convert_element_type3A = arith.extui %gt3A_11 : i1 to i32
    %cond3A = arith.constant 0 : i32
    %cond3A_12 = arith.cmpi ne, %convert_element_type3A, %cond3A : i32
    scf.if %cond3A_12 {
      %add3A_56 = arith.constant 0 : i32
      %add3A_57 = arith.addi %select_n3A, %add3A_56 : i32
      %mul3A_58 = arith.constant 128 : i32
      %mul3A_59 = arith.muli %add3A_57, %mul3A_58 : i32
      %dma_start3A = arith.constant 0 : i32
      %dma_start3A_60 = arith.constant 0 : i32
      %dma_start3A_61 = tpu.memref_slice %arg8[%dma_start3A, %dma_start3A_60] : memref<2x1024xi32, #tpu.memory_space<vmem>> -> memref<1x1024xi32, #tpu.memory_space<vmem>>
      %dma_start3A_62 = tpu.memref_squeeze %dma_start3A_61 : memref<1x1024xi32, #tpu.memory_space<vmem>> -> memref<1024xi32, #tpu.memory_space<vmem>>
      %dma_start3A_63 = tpu.memref_slice %arg3[%mul3A_59] : memref<327680xi32, #tpu.memory_space<hbm>> -> memref<1024xi32, #tpu.memory_space<hbm>>
      %dma_start3A_64 = arith.constant 0 : i32
      %dma_start3A_65 = tpu.memref_slice %arg8[%dma_start3A, %dma_start3A_64] : memref<2x1024xi32, #tpu.memory_space<vmem>> -> memref<1x1024xi32, #tpu.memory_space<vmem>>
      %dma_start3A_66 = tpu.memref_squeeze %dma_start3A_65 : memref<1x1024xi32, #tpu.memory_space<vmem>> -> memref<1024xi32, #tpu.memory_space<vmem>>
      %dma_start3A_67 = tpu.memref_slice %arg3[%mul3A_59] : memref<327680xi32, #tpu.memory_space<hbm>> -> memref<1024xi32, #tpu.memory_space<hbm>>
      tpu.enqueue_dma source(%dma_start3A_67 : memref<1024xi32, #tpu.memory_space<hbm>>) target(%dma_start3A_66 : memref<1024xi32, #tpu.memory_space<vmem>>) target_semaphore(%arg16 : memref<!tpu.dma_semaphore, #tpu.memory_space<semaphore_mem>>)
      %dma_start3A_68 = arith.constant 0 : i32
      %dma_start3A_69 = arith.constant 0 : i32
      %dma_start3A_70 = tpu.memref_slice %arg9[%dma_start3A_68, %dma_start3A_69] : memref<16x128xi32, #tpu.memory_space<vmem>> -> memref<8x128xi32, #tpu.memory_space<vmem>>
      %dma_start3A_71 = arith.constant 0 : i32
      %dma_start3A_72 = tpu.memref_slice %arg4[%add3A_57, %dma_start3A_71] : memref<2560x128xi32, #tpu.memory_space<hbm>> -> memref<8x128xi32, #tpu.memory_space<hbm>>
      %dma_start3A_73 = arith.constant 0 : i32
      %dma_start3A_74 = arith.constant 0 : i32
      %dma_start3A_75 = tpu.memref_slice %arg9[%dma_start3A_73, %dma_start3A_74] : memref<16x128xi32, #tpu.memory_space<vmem>> -> memref<8x128xi32, #tpu.memory_space<vmem>>
      %dma_start3A_76 = arith.constant 0 : i32
      %dma_start3A_77 = tpu.memref_slice %arg4[%add3A_57, %dma_start3A_76] : memref<2560x128xi32, #tpu.memory_space<hbm>> -> memref<8x128xi32, #tpu.memory_space<hbm>>
      tpu.enqueue_dma source(%dma_start3A_77 : memref<8x128xi32, #tpu.memory_space<hbm>>) target(%dma_start3A_75 : memref<8x128xi32, #tpu.memory_space<vmem>>) target_semaphore(%arg16 : memref<!tpu.dma_semaphore, #tpu.memory_space<semaphore_mem>>)
    } else {
    }
    %eq3A_13 = arith.constant 0 : i32
    %eq3A_14 = arith.cmpi eq, %arg0, %eq3A_13 : i32
    %or3A = arith.constant true
    %or3A_15 = arith.ori %eq3A_14, %or3A : i1
    %convert_element_type3A_16 = arith.extui %or3A_15 : i1 to i32
    %cond3A_17 = arith.constant 0 : i32
    %cond3A_18 = arith.cmpi ne, %convert_element_type3A_16, %cond3A_17 : i32
    scf.if %cond3A_18 {
      "tpu.region"() ({
        %run_scoped3A = tpu.sem_alloc : memref<!tpu.dma_semaphore, #tpu.memory_space<semaphore_mem>>
        %dma_start3A = arith.constant 0 : i32
        %dma_start3A_56 = tpu.memref_slice %arg7[%mul3A_10, %dma_start3A] : memref<10112x128xf32, #tpu.memory_space<vmem_shared>> -> memref<632x128xf32, #tpu.memory_space<vmem_shared>>
        %dma_start3A_57 = arith.constant 0 : i32
        %dma_start3A_58 = tpu.memref_slice %arg5[%mul3A_10, %dma_start3A_57] : memref<10112x128xf32, #tpu.memory_space<hbm>> -> memref<632x128xf32, #tpu.memory_space<hbm>>
        tpu.enqueue_dma source(%dma_start3A_58 : memref<632x128xf32, #tpu.memory_space<hbm>>) target(%dma_start3A_56 : memref<632x128xf32, #tpu.memory_space<vmem_shared>>) target_semaphore(%run_scoped3A : memref<!tpu.dma_semaphore, #tpu.memory_space<semaphore_mem>>)
        %dma_wait3A = arith.constant 0 : i32
        %dma_wait3A_59 = tpu.memref_slice %arg7[%mul3A_10, %dma_wait3A] : memref<10112x128xf32, #tpu.memory_space<vmem_shared>> -> memref<632x128xf32, #tpu.memory_space<vmem_shared>>
        %dma_wait3A_60 = arith.constant 0 : i32
        %dma_wait3A_61 = tpu.memref_slice %arg5[%mul3A_10, %dma_wait3A_60] : memref<10112x128xf32, #tpu.memory_space<hbm>> -> memref<632x128xf32, #tpu.memory_space<hbm>>
        tpu.wait_dma2 semaphore(%run_scoped3A : memref<!tpu.dma_semaphore, #tpu.memory_space<semaphore_mem>>) src(%dma_wait3A_61 : memref<632x128xf32, #tpu.memory_space<hbm>>) dst(%dma_wait3A_59 : memref<632x128xf32, #tpu.memory_space<vmem_shared>>)
        tpu.yield
      }) : () -> ()
    } else {
    }
    %barrier3A = arith.constant 0 : index
    tpu.barrier barrier_id(%barrier3A)
    %jit3A_19 = arith.constant 2 : i32
    %div3A = arith.divsi %select_n3A_8, %jit3A_19 : i32
    %sign3A = arith.constant 0 : i32
    %sign3A_20 = arith.cmpi sgt, %select_n3A_8, %sign3A : i32
    %sign3A_21 = arith.extui %sign3A_20 : i1 to i32
    %sign3A_22 = arith.constant 0 : i32
    %sign3A_23 = arith.cmpi slt, %select_n3A_8, %sign3A_22 : i32
    %sign3A_24 = arith.extui %sign3A_23 : i1 to i32
    %sign3A_25 = arith.subi %sign3A_21, %sign3A_24 : i32
    %sign3A_26 = arith.constant 0 : i32
    %sign3A_27 = arith.cmpi sgt, %jit3A_19, %sign3A_26 : i32
    %sign3A_28 = arith.extui %sign3A_27 : i1 to i32
    %sign3A_29 = arith.constant 0 : i32
    %sign3A_30 = arith.cmpi slt, %jit3A_19, %sign3A_29 : i32
    %sign3A_31 = arith.extui %sign3A_30 : i1 to i32
    %sign3A_32 = arith.subi %sign3A_28, %sign3A_31 : i32
    %ne3A = arith.cmpi ne, %sign3A_25, %sign3A_32 : i32
    %rem3A = arith.remsi %select_n3A_8, %jit3A_19 : i32
    %ne3A_33 = arith.constant 0 : i32
    %ne3A_34 = arith.cmpi ne, %rem3A, %ne3A_33 : i32
    %and3A = arith.andi %ne3A, %ne3A_34 : i1
    %sub3A = arith.constant 1 : i32
    %sub3A_35 = arith.subi %div3A, %sub3A : i32
    %select_n3A_36 = arith.select %and3A, %sub3A_35, %div3A : i32
    %while3A = arith.constant 0 : i32
    %while3A_37 = arith.constant 0 : i32
    %while3A_38 = arith.subi %select_n3A_36, %while3A_37 : i32
    %while3A_39 = arith.addi %while3A_37, %while3A_38 : i32
    %while3A_40 = arith.constant 1 : i32
    %while3A_41 = arith.divsi %while3A_38, %while3A_40 : i32
    %while3A_42 = arith.muli %while3A_41, %while3A_40 : i32
    %while3A_43 = arith.addi %while3A_37, %while3A_42 : i32
    %while3A_44 = arith.constant 1 : i32
    scf.for %while3A_56 = %while3A_37 to %while3A_43 step %while3A_44  : i32 {
      %mul3A_57 = arith.constant 2 : i32
      %mul3A_58 = arith.muli %mul3A_57, %while3A_56 : i32
      %add3A_59 = arith.constant 0 : i32
      %add3A_60 = arith.addi %mul3A_58, %add3A_59 : i32
      %add3A_61 = arith.constant 1 : i32
      %add3A_62 = arith.addi %add3A_60, %add3A_61 : i32
      %lt3A = arith.cmpi slt, %add3A_62, %select_n3A_8 : i32
      %convert_element_type3A_63 = arith.extui %lt3A : i1 to i32
      %cond3A_64 = arith.constant 0 : i32
      %cond3A_65 = arith.cmpi ne, %convert_element_type3A_63, %cond3A_64 : i32
      scf.if %cond3A_65 {
        %add3A_630 = arith.constant 0 : i32
        %add3A_631 = arith.addi %mul3A_58, %add3A_630 : i32
        %add3A_632 = arith.constant 1 : i32
        %add3A_633 = arith.addi %add3A_631, %add3A_632 : i32
        %mul3A_634 = arith.constant 8 : i32
        %mul3A_635 = arith.muli %add3A_633, %mul3A_634 : i32
        %add3A_636 = arith.addi %select_n3A, %mul3A_635 : i32
        %mul3A_637 = arith.constant 128 : i32
        %mul3A_638 = arith.muli %add3A_636, %mul3A_637 : i32
        %dma_start3A_639 = arith.constant 1 : i32
        %dma_start3A_640 = arith.constant 0 : i32
        %dma_start3A_641 = tpu.memref_slice %arg8[%dma_start3A_639, %dma_start3A_640] : memref<2x1024xi32, #tpu.memory_space<vmem>> -> memref<1x1024xi32, #tpu.memory_space<vmem>>
        %dma_start3A_642 = tpu.memref_squeeze %dma_start3A_641 : memref<1x1024xi32, #tpu.memory_space<vmem>> -> memref<1024xi32, #tpu.memory_space<vmem>>
        %dma_start3A_643 = tpu.memref_slice %arg3[%mul3A_638] : memref<327680xi32, #tpu.memory_space<hbm>> -> memref<1024xi32, #tpu.memory_space<hbm>>
        %dma_start3A_644 = arith.constant 0 : i32
        %dma_start3A_645 = tpu.memref_slice %arg8[%dma_start3A_639, %dma_start3A_644] : memref<2x1024xi32, #tpu.memory_space<vmem>> -> memref<1x1024xi32, #tpu.memory_space<vmem>>
        %dma_start3A_646 = tpu.memref_squeeze %dma_start3A_645 : memref<1x1024xi32, #tpu.memory_space<vmem>> -> memref<1024xi32, #tpu.memory_space<vmem>>
        %dma_start3A_647 = tpu.memref_slice %arg3[%mul3A_638] : memref<327680xi32, #tpu.memory_space<hbm>> -> memref<1024xi32, #tpu.memory_space<hbm>>
        tpu.enqueue_dma source(%dma_start3A_647 : memref<1024xi32, #tpu.memory_space<hbm>>) target(%dma_start3A_646 : memref<1024xi32, #tpu.memory_space<vmem>>) target_semaphore(%arg17 : memref<!tpu.dma_semaphore, #tpu.memory_space<semaphore_mem>>)
        %dma_start3A_648 = arith.constant 8 : i32
        %dma_start3A_649 = arith.constant 0 : i32
        %dma_start3A_650 = tpu.memref_slice %arg9[%dma_start3A_648, %dma_start3A_649] : memref<16x128xi32, #tpu.memory_space<vmem>> -> memref<8x128xi32, #tpu.memory_space<vmem>>
        %dma_start3A_651 = arith.constant 0 : i32
        %dma_start3A_652 = tpu.memref_slice %arg4[%add3A_636, %dma_start3A_651] : memref<2560x128xi32, #tpu.memory_space<hbm>> -> memref<8x128xi32, #tpu.memory_space<hbm>>
        %dma_start3A_653 = arith.constant 8 : i32
        %dma_start3A_654 = arith.constant 0 : i32
        %dma_start3A_655 = tpu.memref_slice %arg9[%dma_start3A_653, %dma_start3A_654] : memref<16x128xi32, #tpu.memory_space<vmem>> -> memref<8x128xi32, #tpu.memory_space<vmem>>
        %dma_start3A_656 = arith.constant 0 : i32
        %dma_start3A_657 = tpu.memref_slice %arg4[%add3A_636, %dma_start3A_656] : memref<2560x128xi32, #tpu.memory_space<hbm>> -> memref<8x128xi32, #tpu.memory_space<hbm>>
        tpu.enqueue_dma source(%dma_start3A_657 : memref<8x128xi32, #tpu.memory_space<hbm>>) target(%dma_start3A_655 : memref<8x128xi32, #tpu.memory_space<vmem>>) target_semaphore(%arg17 : memref<!tpu.dma_semaphore, #tpu.memory_space<semaphore_mem>>)
      } else {
      }
      %dma_wait3A = arith.constant 0 : i32
      %dma_wait3A_66 = arith.constant 0 : i32
      %dma_wait3A_67 = tpu.memref_slice %arg8[%dma_wait3A, %dma_wait3A_66] : memref<2x1024xi32, #tpu.memory_space<vmem>> -> memref<1x1024xi32, #tpu.memory_space<vmem>>
      %dma_wait3A_68 = tpu.memref_squeeze %dma_wait3A_67 : memref<1x1024xi32, #tpu.memory_space<vmem>> -> memref<1024xi32, #tpu.memory_space<vmem>>
      %dma_wait3A_69 = arith.constant 0 : i32
      %dma_wait3A_70 = tpu.memref_slice %arg3[%dma_wait3A_69] : memref<327680xi32, #tpu.memory_space<hbm>> -> memref<1024xi32, #tpu.memory_space<hbm>>
      %dma_wait3A_71 = arith.constant 0 : i32
      %dma_wait3A_72 = tpu.memref_slice %arg8[%dma_wait3A, %dma_wait3A_71] : memref<2x1024xi32, #tpu.memory_space<vmem>> -> memref<1x1024xi32, #tpu.memory_space<vmem>>
      %dma_wait3A_73 = tpu.memref_squeeze %dma_wait3A_72 : memref<1x1024xi32, #tpu.memory_space<vmem>> -> memref<1024xi32, #tpu.memory_space<vmem>>
      %dma_wait3A_74 = arith.constant 0 : i32
      %dma_wait3A_75 = tpu.memref_slice %arg3[%dma_wait3A_74] : memref<327680xi32, #tpu.memory_space<hbm>> -> memref<1024xi32, #tpu.memory_space<hbm>>
      tpu.wait_dma2 semaphore(%arg16 : memref<!tpu.dma_semaphore, #tpu.memory_space<semaphore_mem>>) src(%dma_wait3A_75 : memref<1024xi32, #tpu.memory_space<hbm>>) dst(%dma_wait3A_73 : memref<1024xi32, #tpu.memory_space<vmem>>)
      %dma_wait3A_76 = arith.constant 0 : i32
      %dma_wait3A_77 = arith.constant 0 : i32
      %dma_wait3A_78 = tpu.memref_slice %arg9[%dma_wait3A_76, %dma_wait3A_77] : memref<16x128xi32, #tpu.memory_space<vmem>> -> memref<8x128xi32, #tpu.memory_space<vmem>>
      %dma_wait3A_79 = arith.constant 0 : i32
      %dma_wait3A_80 = arith.constant 0 : i32
      %dma_wait3A_81 = tpu.memref_slice %arg4[%dma_wait3A_79, %dma_wait3A_80] : memref<2560x128xi32, #tpu.memory_space<hbm>> -> memref<8x128xi32, #tpu.memory_space<hbm>>
      %dma_wait3A_82 = arith.constant 0 : i32
      %dma_wait3A_83 = arith.constant 0 : i32
      %dma_wait3A_84 = tpu.memref_slice %arg9[%dma_wait3A_82, %dma_wait3A_83] : memref<16x128xi32, #tpu.memory_space<vmem>> -> memref<8x128xi32, #tpu.memory_space<vmem>>
      %dma_wait3A_85 = arith.constant 0 : i32
      %dma_wait3A_86 = arith.constant 0 : i32
      %dma_wait3A_87 = tpu.memref_slice %arg4[%dma_wait3A_85, %dma_wait3A_86] : memref<2560x128xi32, #tpu.memory_space<hbm>> -> memref<8x128xi32, #tpu.memory_space<hbm>>
      tpu.wait_dma2 semaphore(%arg16 : memref<!tpu.dma_semaphore, #tpu.memory_space<semaphore_mem>>) src(%dma_wait3A_87 : memref<8x128xi32, #tpu.memory_space<hbm>>) dst(%dma_wait3A_84 : memref<8x128xi32, #tpu.memory_space<vmem>>)
      %dma_start3A = arith.constant 0 : i32
      %dma_start3A_88 = arith.constant 0 : i32
      %dma_start3A_89 = tpu.memref_slice %arg8[%dma_start3A, %dma_start3A_88] : memref<2x1024xi32, #tpu.memory_space<vmem>> -> memref<1x1024xi32, #tpu.memory_space<vmem>>
      %dma_start3A_90 = tpu.memref_squeeze %dma_start3A_89 : memref<1x1024xi32, #tpu.memory_space<vmem>> -> memref<1024xi32, #tpu.memory_space<vmem>>
      %dma_start3A_91 = arith.constant 0 : i32
      %dma_start3A_92 = tpu.memref_slice %dma_start3A_90[%dma_start3A_91] : memref<1024xi32, #tpu.memory_space<vmem>> -> memref<128xi32, #tpu.memory_space<vmem>>
      %dma_start3A_93 = arith.constant 0 : i32
      %dma_start3A_94 = arith.constant 0 : i32
      %dma_start3A_95 = tpu.memref_slice %arg2[%dma_start3A_93, %dma_start3A_94] : memref<10000x128xf32, #tpu.memory_space<hbm>> -> memref<10000x128xf32, #tpu.memory_space<hbm>>
      tpu.enqueue_indirect_dma source(%dma_start3A_95 : memref<10000x128xf32, #tpu.memory_space<hbm>>) target(%arg10 : memref<128x128xf32, #tpu.memory_space<vmem>>) offsets(%dma_start3A_92 : memref<128xi32, #tpu.memory_space<vmem>>) semaphore(%arg12 : memref<!tpu.dma_semaphore, #tpu.memory_space<semaphore_mem>>)
      %dma_start3A_96 = arith.constant 0 : i32
      %dma_start3A_97 = arith.constant 0 : i32
      %dma_start3A_98 = tpu.memref_slice %arg8[%dma_start3A_96, %dma_start3A_97] : memref<2x1024xi32, #tpu.memory_space<vmem>> -> memref<1x1024xi32, #tpu.memory_space<vmem>>
      %dma_start3A_99 = tpu.memref_squeeze %dma_start3A_98 : memref<1x1024xi32, #tpu.memory_space<vmem>> -> memref<1024xi32, #tpu.memory_space<vmem>>
      %dma_start3A_100 = arith.constant 128 : i32
      %dma_start3A_101 = tpu.memref_slice %dma_start3A_99[%dma_start3A_100] : memref<1024xi32, #tpu.memory_space<vmem>> -> memref<128xi32, #tpu.memory_space<vmem>>
      %dma_start3A_102 = arith.constant 0 : i32
      %dma_start3A_103 = arith.constant 0 : i32
      %dma_start3A_104 = tpu.memref_slice %arg2[%dma_start3A_102, %dma_start3A_103] : memref<10000x128xf32, #tpu.memory_space<hbm>> -> memref<10000x128xf32, #tpu.memory_space<hbm>>
      tpu.enqueue_indirect_dma source(%dma_start3A_104 : memref<10000x128xf32, #tpu.memory_space<hbm>>) target(%arg11 : memref<128x128xf32, #tpu.memory_space<vmem>>) offsets(%dma_start3A_101 : memref<128xi32, #tpu.memory_space<vmem>>) semaphore(%arg13 : memref<!tpu.dma_semaphore, #tpu.memory_space<semaphore_mem>>)
      %dma_wait3A_105 = arith.constant 0 : i32
      %dma_wait3A_106 = arith.constant 0 : i32
      %dma_wait3A_107 = tpu.memref_slice %arg8[%dma_wait3A_105, %dma_wait3A_106] : memref<2x1024xi32, #tpu.memory_space<vmem>> -> memref<1x1024xi32, #tpu.memory_space<vmem>>
      %dma_wait3A_108 = tpu.memref_squeeze %dma_wait3A_107 : memref<1x1024xi32, #tpu.memory_space<vmem>> -> memref<1024xi32, #tpu.memory_space<vmem>>
      %dma_wait3A_109 = arith.constant 0 : i32
      %dma_wait3A_110 = tpu.memref_slice %dma_wait3A_108[%dma_wait3A_109] : memref<1024xi32, #tpu.memory_space<vmem>> -> memref<128xi32, #tpu.memory_space<vmem>>
      %dma_wait3A_111 = arith.constant 0 : i32
      %dma_wait3A_112 = arith.constant 0 : i32
      %dma_wait3A_113 = tpu.memref_slice %arg2[%dma_wait3A_111, %dma_wait3A_112] : memref<10000x128xf32, #tpu.memory_space<hbm>> -> memref<10000x128xf32, #tpu.memory_space<hbm>>
      tpu.wait_indirect_dma semaphore(%arg12 : memref<!tpu.dma_semaphore, #tpu.memory_space<semaphore_mem>>) src(%dma_wait3A_113 : memref<10000x128xf32, #tpu.memory_space<hbm>>) dst(%arg10 : memref<128x128xf32, #tpu.memory_space<vmem>>)
      %dma_start3A_114 = arith.constant 0 : i32
      %dma_start3A_115 = arith.constant 0 : i32
      %dma_start3A_116 = tpu.memref_slice %arg9[%dma_start3A_114, %dma_start3A_115] : memref<16x128xi32, #tpu.memory_space<vmem>> -> memref<1x128xi32, #tpu.memory_space<vmem>>
      %dma_start3A_117 = tpu.memref_squeeze %dma_start3A_116 : memref<1x128xi32, #tpu.memory_space<vmem>> -> memref<128xi32, #tpu.memory_space<vmem>>
      %dma_start3A_118 = arith.constant 0 : i32
      %dma_start3A_119 = arith.constant 0 : i32
      %dma_start3A_120 = tpu.memref_slice %arg7[%dma_start3A_118, %dma_start3A_119] : memref<10112x128xf32, #tpu.memory_space<vmem_shared>> -> memref<10112x128xf32, #tpu.memory_space<vmem_shared>>
      tpu.enqueue_indirect_dma source(%arg10 : memref<128x128xf32, #tpu.memory_space<vmem>>) target(%dma_start3A_120 : memref<10112x128xf32, #tpu.memory_space<vmem_shared>>) offsets(%dma_start3A_117 : memref<128xi32, #tpu.memory_space<vmem>>) semaphore(%arg14 : memref<!tpu.dma_semaphore, #tpu.memory_space<semaphore_mem>>) {add = true}
      %dma_wait3A_121 = arith.constant 0 : i32
      %dma_wait3A_122 = arith.constant 0 : i32
      %dma_wait3A_123 = tpu.memref_slice %arg9[%dma_wait3A_121, %dma_wait3A_122] : memref<16x128xi32, #tpu.memory_space<vmem>> -> memref<1x128xi32, #tpu.memory_space<vmem>>
      %dma_wait3A_124 = tpu.memref_squeeze %dma_wait3A_123 : memref<1x128xi32, #tpu.memory_space<vmem>> -> memref<128xi32, #tpu.memory_space<vmem>>
      %dma_wait3A_125 = arith.constant 0 : i32
      %dma_wait3A_126 = arith.constant 0 : i32
      %dma_wait3A_127 = tpu.memref_slice %arg7[%dma_wait3A_125, %dma_wait3A_126] : memref<10112x128xf32, #tpu.memory_space<vmem_shared>> -> memref<10112x128xf32, #tpu.memory_space<vmem_shared>>
      tpu.wait_indirect_dma semaphore(%arg14 : memref<!tpu.dma_semaphore, #tpu.memory_space<semaphore_mem>>) src(%arg10 : memref<128x128xf32, #tpu.memory_space<vmem>>) dst(%dma_wait3A_127 : memref<10112x128xf32, #tpu.memory_space<vmem_shared>>)
      %dma_start3A_128 = arith.constant 0 : i32
      %dma_start3A_129 = arith.constant 0 : i32
      %dma_start3A_130 = tpu.memref_slice %arg8[%dma_start3A_128, %dma_start3A_129] : memref<2x1024xi32, #tpu.memory_space<vmem>> -> memref<1x1024xi32, #tpu.memory_space<vmem>>
      %dma_start3A_131 = tpu.memref_squeeze %dma_start3A_130 : memref<1x1024xi32, #tpu.memory_space<vmem>> -> memref<1024xi32, #tpu.memory_space<vmem>>
      %dma_start3A_132 = arith.constant 256 : i32
      %dma_start3A_133 = tpu.memref_slice %dma_start3A_131[%dma_start3A_132] : memref<1024xi32, #tpu.memory_space<vmem>> -> memref<128xi32, #tpu.memory_space<vmem>>
      %dma_start3A_134 = arith.constant 0 : i32
      %dma_start3A_135 = arith.constant 0 : i32
      %dma_start3A_136 = tpu.memref_slice %arg2[%dma_start3A_134, %dma_start3A_135] : memref<10000x128xf32, #tpu.memory_space<hbm>> -> memref<10000x128xf32, #tpu.memory_space<hbm>>
      tpu.enqueue_indirect_dma source(%dma_start3A_136 : memref<10000x128xf32, #tpu.memory_space<hbm>>) target(%arg10 : memref<128x128xf32, #tpu.memory_space<vmem>>) offsets(%dma_start3A_133 : memref<128xi32, #tpu.memory_space<vmem>>) semaphore(%arg12 : memref<!tpu.dma_semaphore, #tpu.memory_space<semaphore_mem>>)
      %dma_wait3A_137 = arith.constant 0 : i32
      %dma_wait3A_138 = arith.constant 0 : i32
      %dma_wait3A_139 = tpu.memref_slice %arg8[%dma_wait3A_137, %dma_wait3A_138] : memref<2x1024xi32, #tpu.memory_space<vmem>> -> memref<1x1024xi32, #tpu.memory_space<vmem>>
      %dma_wait3A_140 = tpu.memref_squeeze %dma_wait3A_139 : memref<1x1024xi32, #tpu.memory_space<vmem>> -> memref<1024xi32, #tpu.memory_space<vmem>>
      %dma_wait3A_141 = arith.constant 0 : i32
      %dma_wait3A_142 = tpu.memref_slice %dma_wait3A_140[%dma_wait3A_141] : memref<1024xi32, #tpu.memory_space<vmem>> -> memref<128xi32, #tpu.memory_space<vmem>>
      %dma_wait3A_143 = arith.constant 0 : i32
      %dma_wait3A_144 = arith.constant 0 : i32
      %dma_wait3A_145 = tpu.memref_slice %arg2[%dma_wait3A_143, %dma_wait3A_144] : memref<10000x128xf32, #tpu.memory_space<hbm>> -> memref<10000x128xf32, #tpu.memory_space<hbm>>
      tpu.wait_indirect_dma semaphore(%arg13 : memref<!tpu.dma_semaphore, #tpu.memory_space<semaphore_mem>>) src(%dma_wait3A_145 : memref<10000x128xf32, #tpu.memory_space<hbm>>) dst(%arg11 : memref<128x128xf32, #tpu.memory_space<vmem>>)
      %dma_start3A_146 = arith.constant 1 : i32
      %dma_start3A_147 = arith.constant 0 : i32
      %dma_start3A_148 = tpu.memref_slice %arg9[%dma_start3A_146, %dma_start3A_147] : memref<16x128xi32, #tpu.memory_space<vmem>> -> memref<1x128xi32, #tpu.memory_space<vmem>>
      %dma_start3A_149 = tpu.memref_squeeze %dma_start3A_148 : memref<1x128xi32, #tpu.memory_space<vmem>> -> memref<128xi32, #tpu.memory_space<vmem>>
      %dma_start3A_150 = arith.constant 0 : i32
      %dma_start3A_151 = arith.constant 0 : i32
      %dma_start3A_152 = tpu.memref_slice %arg7[%dma_start3A_150, %dma_start3A_151] : memref<10112x128xf32, #tpu.memory_space<vmem_shared>> -> memref<10112x128xf32, #tpu.memory_space<vmem_shared>>
      tpu.enqueue_indirect_dma source(%arg11 : memref<128x128xf32, #tpu.memory_space<vmem>>) target(%dma_start3A_152 : memref<10112x128xf32, #tpu.memory_space<vmem_shared>>) offsets(%dma_start3A_149 : memref<128xi32, #tpu.memory_space<vmem>>) semaphore(%arg15 : memref<!tpu.dma_semaphore, #tpu.memory_space<semaphore_mem>>) {add = true}
      %dma_wait3A_153 = arith.constant 0 : i32
      %dma_wait3A_154 = arith.constant 0 : i32
      %dma_wait3A_155 = tpu.memref_slice %arg9[%dma_wait3A_153, %dma_wait3A_154] : memref<16x128xi32, #tpu.memory_space<vmem>> -> memref<1x128xi32, #tpu.memory_space<vmem>>
      %dma_wait3A_156 = tpu.memref_squeeze %dma_wait3A_155 : memref<1x128xi32, #tpu.memory_space<vmem>> -> memref<128xi32, #tpu.memory_space<vmem>>
      %dma_wait3A_157 = arith.constant 0 : i32
      %dma_wait3A_158 = arith.constant 0 : i32
      %dma_wait3A_159 = tpu.memref_slice %arg7[%dma_wait3A_157, %dma_wait3A_158] : memref<10112x128xf32, #tpu.memory_space<vmem_shared>> -> memref<10112x128xf32, #tpu.memory_space<vmem_shared>>
      tpu.wait_indirect_dma semaphore(%arg15 : memref<!tpu.dma_semaphore, #tpu.memory_space<semaphore_mem>>) src(%arg11 : memref<128x128xf32, #tpu.memory_space<vmem>>) dst(%dma_wait3A_159 : memref<10112x128xf32, #tpu.memory_space<vmem_shared>>)
      %dma_start3A_160 = arith.constant 0 : i32
      %dma_start3A_161 = arith.constant 0 : i32
      %dma_start3A_162 = tpu.memref_slice %arg8[%dma_start3A_160, %dma_start3A_161] : memref<2x1024xi32, #tpu.memory_space<vmem>> -> memref<1x1024xi32, #tpu.memory_space<vmem>>
      %dma_start3A_163 = tpu.memref_squeeze %dma_start3A_162 : memref<1x1024xi32, #tpu.memory_space<vmem>> -> memref<1024xi32, #tpu.memory_space<vmem>>
      %dma_start3A_164 = arith.constant 384 : i32
      %dma_start3A_165 = tpu.memref_slice %dma_start3A_163[%dma_start3A_164] : memref<1024xi32, #tpu.memory_space<vmem>> -> memref<128xi32, #tpu.memory_space<vmem>>
      %dma_start3A_166 = arith.constant 0 : i32
      %dma_start3A_167 = arith.constant 0 : i32
      %dma_start3A_168 = tpu.memref_slice %arg2[%dma_start3A_166, %dma_start3A_167] : memref<10000x128xf32, #tpu.memory_space<hbm>> -> memref<10000x128xf32, #tpu.memory_space<hbm>>
      tpu.enqueue_indirect_dma source(%dma_start3A_168 : memref<10000x128xf32, #tpu.memory_space<hbm>>) target(%arg11 : memref<128x128xf32, #tpu.memory_space<vmem>>) offsets(%dma_start3A_165 : memref<128xi32, #tpu.memory_space<vmem>>) semaphore(%arg13 : memref<!tpu.dma_semaphore, #tpu.memory_space<semaphore_mem>>)
      %dma_wait3A_169 = arith.constant 0 : i32
      %dma_wait3A_170 = arith.constant 0 : i32
      %dma_wait3A_171 = tpu.memref_slice %arg8[%dma_wait3A_169, %dma_wait3A_170] : memref<2x1024xi32, #tpu.memory_space<vmem>> -> memref<1x1024xi32, #tpu.memory_space<vmem>>
      %dma_wait3A_172 = tpu.memref_squeeze %dma_wait3A_171 : memref<1x1024xi32, #tpu.memory_space<vmem>> -> memref<1024xi32, #tpu.memory_space<vmem>>
      %dma_wait3A_173 = arith.constant 0 : i32
      %dma_wait3A_174 = tpu.memref_slice %dma_wait3A_172[%dma_wait3A_173] : memref<1024xi32, #tpu.memory_space<vmem>> -> memref<128xi32, #tpu.memory_space<vmem>>
      %dma_wait3A_175 = arith.constant 0 : i32
      %dma_wait3A_176 = arith.constant 0 : i32
      %dma_wait3A_177 = tpu.memref_slice %arg2[%dma_wait3A_175, %dma_wait3A_176] : memref<10000x128xf32, #tpu.memory_space<hbm>> -> memref<10000x128xf32, #tpu.memory_space<hbm>>
      tpu.wait_indirect_dma semaphore(%arg12 : memref<!tpu.dma_semaphore, #tpu.memory_space<semaphore_mem>>) src(%dma_wait3A_177 : memref<10000x128xf32, #tpu.memory_space<hbm>>) dst(%arg10 : memref<128x128xf32, #tpu.memory_space<vmem>>)
      %dma_start3A_178 = arith.constant 2 : i32
      %dma_start3A_179 = arith.constant 0 : i32
      %dma_start3A_180 = tpu.memref_slice %arg9[%dma_start3A_178, %dma_start3A_179] : memref<16x128xi32, #tpu.memory_space<vmem>> -> memref<1x128xi32, #tpu.memory_space<vmem>>
      %dma_start3A_181 = tpu.memref_squeeze %dma_start3A_180 : memref<1x128xi32, #tpu.memory_space<vmem>> -> memref<128xi32, #tpu.memory_space<vmem>>
      %dma_start3A_182 = arith.constant 0 : i32
      %dma_start3A_183 = arith.constant 0 : i32
      %dma_start3A_184 = tpu.memref_slice %arg7[%dma_start3A_182, %dma_start3A_183] : memref<10112x128xf32, #tpu.memory_space<vmem_shared>> -> memref<10112x128xf32, #tpu.memory_space<vmem_shared>>
      tpu.enqueue_indirect_dma source(%arg10 : memref<128x128xf32, #tpu.memory_space<vmem>>) target(%dma_start3A_184 : memref<10112x128xf32, #tpu.memory_space<vmem_shared>>) offsets(%dma_start3A_181 : memref<128xi32, #tpu.memory_space<vmem>>) semaphore(%arg14 : memref<!tpu.dma_semaphore, #tpu.memory_space<semaphore_mem>>) {add = true}
      %dma_wait3A_185 = arith.constant 0 : i32
      %dma_wait3A_186 = arith.constant 0 : i32
      %dma_wait3A_187 = tpu.memref_slice %arg9[%dma_wait3A_185, %dma_wait3A_186] : memref<16x128xi32, #tpu.memory_space<vmem>> -> memref<1x128xi32, #tpu.memory_space<vmem>>
      %dma_wait3A_188 = tpu.memref_squeeze %dma_wait3A_187 : memref<1x128xi32, #tpu.memory_space<vmem>> -> memref<128xi32, #tpu.memory_space<vmem>>
      %dma_wait3A_189 = arith.constant 0 : i32
      %dma_wait3A_190 = arith.constant 0 : i32
      %dma_wait3A_191 = tpu.memref_slice %arg7[%dma_wait3A_189, %dma_wait3A_190] : memref<10112x128xf32, #tpu.memory_space<vmem_shared>> -> memref<10112x128xf32, #tpu.memory_space<vmem_shared>>
      tpu.wait_indirect_dma semaphore(%arg14 : memref<!tpu.dma_semaphore, #tpu.memory_space<semaphore_mem>>) src(%arg10 : memref<128x128xf32, #tpu.memory_space<vmem>>) dst(%dma_wait3A_191 : memref<10112x128xf32, #tpu.memory_space<vmem_shared>>)
      %dma_start3A_192 = arith.constant 0 : i32
      %dma_start3A_193 = arith.constant 0 : i32
      %dma_start3A_194 = tpu.memref_slice %arg8[%dma_start3A_192, %dma_start3A_193] : memref<2x1024xi32, #tpu.memory_space<vmem>> -> memref<1x1024xi32, #tpu.memory_space<vmem>>
      %dma_start3A_195 = tpu.memref_squeeze %dma_start3A_194 : memref<1x1024xi32, #tpu.memory_space<vmem>> -> memref<1024xi32, #tpu.memory_space<vmem>>
      %dma_start3A_196 = arith.constant 512 : i32
      %dma_start3A_197 = tpu.memref_slice %dma_start3A_195[%dma_start3A_196] : memref<1024xi32, #tpu.memory_space<vmem>> -> memref<128xi32, #tpu.memory_space<vmem>>
      %dma_start3A_198 = arith.constant 0 : i32
      %dma_start3A_199 = arith.constant 0 : i32
      %dma_start3A_200 = tpu.memref_slice %arg2[%dma_start3A_198, %dma_start3A_199] : memref<10000x128xf32, #tpu.memory_space<hbm>> -> memref<10000x128xf32, #tpu.memory_space<hbm>>
      tpu.enqueue_indirect_dma source(%dma_start3A_200 : memref<10000x128xf32, #tpu.memory_space<hbm>>) target(%arg10 : memref<128x128xf32, #tpu.memory_space<vmem>>) offsets(%dma_start3A_197 : memref<128xi32, #tpu.memory_space<vmem>>) semaphore(%arg12 : memref<!tpu.dma_semaphore, #tpu.memory_space<semaphore_mem>>)
      %dma_wait3A_201 = arith.constant 0 : i32
      %dma_wait3A_202 = arith.constant 0 : i32
      %dma_wait3A_203 = tpu.memref_slice %arg8[%dma_wait3A_201, %dma_wait3A_202] : memref<2x1024xi32, #tpu.memory_space<vmem>> -> memref<1x1024xi32, #tpu.memory_space<vmem>>
      %dma_wait3A_204 = tpu.memref_squeeze %dma_wait3A_203 : memref<1x1024xi32, #tpu.memory_space<vmem>> -> memref<1024xi32, #tpu.memory_space<vmem>>
      %dma_wait3A_205 = arith.constant 0 : i32
      %dma_wait3A_206 = tpu.memref_slice %dma_wait3A_204[%dma_wait3A_205] : memref<1024xi32, #tpu.memory_space<vmem>> -> memref<128xi32, #tpu.memory_space<vmem>>
      %dma_wait3A_207 = arith.constant 0 : i32
      %dma_wait3A_208 = arith.constant 0 : i32
      %dma_wait3A_209 = tpu.memref_slice %arg2[%dma_wait3A_207, %dma_wait3A_208] : memref<10000x128xf32, #tpu.memory_space<hbm>> -> memref<10000x128xf32, #tpu.memory_space<hbm>>
      tpu.wait_indirect_dma semaphore(%arg13 : memref<!tpu.dma_semaphore, #tpu.memory_space<semaphore_mem>>) src(%dma_wait3A_209 : memref<10000x128xf32, #tpu.memory_space<hbm>>) dst(%arg11 : memref<128x128xf32, #tpu.memory_space<vmem>>)
      %dma_start3A_210 = arith.constant 3 : i32
      %dma_start3A_211 = arith.constant 0 : i32
      %dma_start3A_212 = tpu.memref_slice %arg9[%dma_start3A_210, %dma_start3A_211] : memref<16x128xi32, #tpu.memory_space<vmem>> -> memref<1x128xi32, #tpu.memory_space<vmem>>
      %dma_start3A_213 = tpu.memref_squeeze %dma_start3A_212 : memref<1x128xi32, #tpu.memory_space<vmem>> -> memref<128xi32, #tpu.memory_space<vmem>>
      %dma_start3A_214 = arith.constant 0 : i32
      %dma_start3A_215 = arith.constant 0 : i32
      %dma_start3A_216 = tpu.memref_slice %arg7[%dma_start3A_214, %dma_start3A_215] : memref<10112x128xf32, #tpu.memory_space<vmem_shared>> -> memref<10112x128xf32, #tpu.memory_space<vmem_shared>>
      tpu.enqueue_indirect_dma source(%arg11 : memref<128x128xf32, #tpu.memory_space<vmem>>) target(%dma_start3A_216 : memref<10112x128xf32, #tpu.memory_space<vmem_shared>>) offsets(%dma_start3A_213 : memref<128xi32, #tpu.memory_space<vmem>>) semaphore(%arg15 : memref<!tpu.dma_semaphore, #tpu.memory_space<semaphore_mem>>) {add = true}
      %dma_wait3A_217 = arith.constant 0 : i32
      %dma_wait3A_218 = arith.constant 0 : i32
      %dma_wait3A_219 = tpu.memref_slice %arg9[%dma_wait3A_217, %dma_wait3A_218] : memref<16x128xi32, #tpu.memory_space<vmem>> -> memref<1x128xi32, #tpu.memory_space<vmem>>
      %dma_wait3A_220 = tpu.memref_squeeze %dma_wait3A_219 : memref<1x128xi32, #tpu.memory_space<vmem>> -> memref<128xi32, #tpu.memory_space<vmem>>
      %dma_wait3A_221 = arith.constant 0 : i32
      %dma_wait3A_222 = arith.constant 0 : i32
      %dma_wait3A_223 = tpu.memref_slice %arg7[%dma_wait3A_221, %dma_wait3A_222] : memref<10112x128xf32, #tpu.memory_space<vmem_shared>> -> memref<10112x128xf32, #tpu.memory_space<vmem_shared>>
      tpu.wait_indirect_dma semaphore(%arg15 : memref<!tpu.dma_semaphore, #tpu.memory_space<semaphore_mem>>) src(%arg11 : memref<128x128xf32, #tpu.memory_space<vmem>>) dst(%dma_wait3A_223 : memref<10112x128xf32, #tpu.memory_space<vmem_shared>>)
      %dma_start3A_224 = arith.constant 0 : i32
      %dma_start3A_225 = arith.constant 0 : i32
      %dma_start3A_226 = tpu.memref_slice %arg8[%dma_start3A_224, %dma_start3A_225] : memref<2x1024xi32, #tpu.memory_space<vmem>> -> memref<1x1024xi32, #tpu.memory_space<vmem>>
      %dma_start3A_227 = tpu.memref_squeeze %dma_start3A_226 : memref<1x1024xi32, #tpu.memory_space<vmem>> -> memref<1024xi32, #tpu.memory_space<vmem>>
      %dma_start3A_228 = arith.constant 640 : i32
      %dma_start3A_229 = tpu.memref_slice %dma_start3A_227[%dma_start3A_228] : memref<1024xi32, #tpu.memory_space<vmem>> -> memref<128xi32, #tpu.memory_space<vmem>>
      %dma_start3A_230 = arith.constant 0 : i32
      %dma_start3A_231 = arith.constant 0 : i32
      %dma_start3A_232 = tpu.memref_slice %arg2[%dma_start3A_230, %dma_start3A_231] : memref<10000x128xf32, #tpu.memory_space<hbm>> -> memref<10000x128xf32, #tpu.memory_space<hbm>>
      tpu.enqueue_indirect_dma source(%dma_start3A_232 : memref<10000x128xf32, #tpu.memory_space<hbm>>) target(%arg11 : memref<128x128xf32, #tpu.memory_space<vmem>>) offsets(%dma_start3A_229 : memref<128xi32, #tpu.memory_space<vmem>>) semaphore(%arg13 : memref<!tpu.dma_semaphore, #tpu.memory_space<semaphore_mem>>)
      %dma_wait3A_233 = arith.constant 0 : i32
      %dma_wait3A_234 = arith.constant 0 : i32
      %dma_wait3A_235 = tpu.memref_slice %arg8[%dma_wait3A_233, %dma_wait3A_234] : memref<2x1024xi32, #tpu.memory_space<vmem>> -> memref<1x1024xi32, #tpu.memory_space<vmem>>
      %dma_wait3A_236 = tpu.memref_squeeze %dma_wait3A_235 : memref<1x1024xi32, #tpu.memory_space<vmem>> -> memref<1024xi32, #tpu.memory_space<vmem>>
      %dma_wait3A_237 = arith.constant 0 : i32
      %dma_wait3A_238 = tpu.memref_slice %dma_wait3A_236[%dma_wait3A_237] : memref<1024xi32, #tpu.memory_space<vmem>> -> memref<128xi32, #tpu.memory_space<vmem>>
      %dma_wait3A_239 = arith.constant 0 : i32
      %dma_wait3A_240 = arith.constant 0 : i32
      %dma_wait3A_241 = tpu.memref_slice %arg2[%dma_wait3A_239, %dma_wait3A_240] : memref<10000x128xf32, #tpu.memory_space<hbm>> -> memref<10000x128xf32, #tpu.memory_space<hbm>>
      tpu.wait_indirect_dma semaphore(%arg12 : memref<!tpu.dma_semaphore, #tpu.memory_space<semaphore_mem>>) src(%dma_wait3A_241 : memref<10000x128xf32, #tpu.memory_space<hbm>>) dst(%arg10 : memref<128x128xf32, #tpu.memory_space<vmem>>)
      %dma_start3A_242 = arith.constant 4 : i32
      %dma_start3A_243 = arith.constant 0 : i32
      %dma_start3A_244 = tpu.memref_slice %arg9[%dma_start3A_242, %dma_start3A_243] : memref<16x128xi32, #tpu.memory_space<vmem>> -> memref<1x128xi32, #tpu.memory_space<vmem>>
      %dma_start3A_245 = tpu.memref_squeeze %dma_start3A_244 : memref<1x128xi32, #tpu.memory_space<vmem>> -> memref<128xi32, #tpu.memory_space<vmem>>
      %dma_start3A_246 = arith.constant 0 : i32
      %dma_start3A_247 = arith.constant 0 : i32
      %dma_start3A_248 = tpu.memref_slice %arg7[%dma_start3A_246, %dma_start3A_247] : memref<10112x128xf32, #tpu.memory_space<vmem_shared>> -> memref<10112x128xf32, #tpu.memory_space<vmem_shared>>
      tpu.enqueue_indirect_dma source(%arg10 : memref<128x128xf32, #tpu.memory_space<vmem>>) target(%dma_start3A_248 : memref<10112x128xf32, #tpu.memory_space<vmem_shared>>) offsets(%dma_start3A_245 : memref<128xi32, #tpu.memory_space<vmem>>) semaphore(%arg14 : memref<!tpu.dma_semaphore, #tpu.memory_space<semaphore_mem>>) {add = true}
      %dma_wait3A_249 = arith.constant 0 : i32
      %dma_wait3A_250 = arith.constant 0 : i32
      %dma_wait3A_251 = tpu.memref_slice %arg9[%dma_wait3A_249, %dma_wait3A_250] : memref<16x128xi32, #tpu.memory_space<vmem>> -> memref<1x128xi32, #tpu.memory_space<vmem>>
      %dma_wait3A_252 = tpu.memref_squeeze %dma_wait3A_251 : memref<1x128xi32, #tpu.memory_space<vmem>> -> memref<128xi32, #tpu.memory_space<vmem>>
      %dma_wait3A_253 = arith.constant 0 : i32
      %dma_wait3A_254 = arith.constant 0 : i32
      %dma_wait3A_255 = tpu.memref_slice %arg7[%dma_wait3A_253, %dma_wait3A_254] : memref<10112x128xf32, #tpu.memory_space<vmem_shared>> -> memref<10112x128xf32, #tpu.memory_space<vmem_shared>>
      tpu.wait_indirect_dma semaphore(%arg14 : memref<!tpu.dma_semaphore, #tpu.memory_space<semaphore_mem>>) src(%arg10 : memref<128x128xf32, #tpu.memory_space<vmem>>) dst(%dma_wait3A_255 : memref<10112x128xf32, #tpu.memory_space<vmem_shared>>)
      %dma_start3A_256 = arith.constant 0 : i32
      %dma_start3A_257 = arith.constant 0 : i32
      %dma_start3A_258 = tpu.memref_slice %arg8[%dma_start3A_256, %dma_start3A_257] : memref<2x1024xi32, #tpu.memory_space<vmem>> -> memref<1x1024xi32, #tpu.memory_space<vmem>>
      %dma_start3A_259 = tpu.memref_squeeze %dma_start3A_258 : memref<1x1024xi32, #tpu.memory_space<vmem>> -> memref<1024xi32, #tpu.memory_space<vmem>>
      %dma_start3A_260 = arith.constant 768 : i32
      %dma_start3A_261 = tpu.memref_slice %dma_start3A_259[%dma_start3A_260] : memref<1024xi32, #tpu.memory_space<vmem>> -> memref<128xi32, #tpu.memory_space<vmem>>
      %dma_start3A_262 = arith.constant 0 : i32
      %dma_start3A_263 = arith.constant 0 : i32
      %dma_start3A_264 = tpu.memref_slice %arg2[%dma_start3A_262, %dma_start3A_263] : memref<10000x128xf32, #tpu.memory_space<hbm>> -> memref<10000x128xf32, #tpu.memory_space<hbm>>
      tpu.enqueue_indirect_dma source(%dma_start3A_264 : memref<10000x128xf32, #tpu.memory_space<hbm>>) target(%arg10 : memref<128x128xf32, #tpu.memory_space<vmem>>) offsets(%dma_start3A_261 : memref<128xi32, #tpu.memory_space<vmem>>) semaphore(%arg12 : memref<!tpu.dma_semaphore, #tpu.memory_space<semaphore_mem>>)
      %dma_wait3A_265 = arith.constant 0 : i32
      %dma_wait3A_266 = arith.constant 0 : i32
      %dma_wait3A_267 = tpu.memref_slice %arg8[%dma_wait3A_265, %dma_wait3A_266] : memref<2x1024xi32, #tpu.memory_space<vmem>> -> memref<1x1024xi32, #tpu.memory_space<vmem>>
      %dma_wait3A_268 = tpu.memref_squeeze %dma_wait3A_267 : memref<1x1024xi32, #tpu.memory_space<vmem>> -> memref<1024xi32, #tpu.memory_space<vmem>>
      %dma_wait3A_269 = arith.constant 0 : i32
      %dma_wait3A_270 = tpu.memref_slice %dma_wait3A_268[%dma_wait3A_269] : memref<1024xi32, #tpu.memory_space<vmem>> -> memref<128xi32, #tpu.memory_space<vmem>>
      %dma_wait3A_271 = arith.constant 0 : i32
      %dma_wait3A_272 = arith.constant 0 : i32
      %dma_wait3A_273 = tpu.memref_slice %arg2[%dma_wait3A_271, %dma_wait3A_272] : memref<10000x128xf32, #tpu.memory_space<hbm>> -> memref<10000x128xf32, #tpu.memory_space<hbm>>
      tpu.wait_indirect_dma semaphore(%arg13 : memref<!tpu.dma_semaphore, #tpu.memory_space<semaphore_mem>>) src(%dma_wait3A_273 : memref<10000x128xf32, #tpu.memory_space<hbm>>) dst(%arg11 : memref<128x128xf32, #tpu.memory_space<vmem>>)
      %dma_start3A_274 = arith.constant 5 : i32
      %dma_start3A_275 = arith.constant 0 : i32
      %dma_start3A_276 = tpu.memref_slice %arg9[%dma_start3A_274, %dma_start3A_275] : memref<16x128xi32, #tpu.memory_space<vmem>> -> memref<1x128xi32, #tpu.memory_space<vmem>>
      %dma_start3A_277 = tpu.memref_squeeze %dma_start3A_276 : memref<1x128xi32, #tpu.memory_space<vmem>> -> memref<128xi32, #tpu.memory_space<vmem>>
      %dma_start3A_278 = arith.constant 0 : i32
      %dma_start3A_279 = arith.constant 0 : i32
      %dma_start3A_280 = tpu.memref_slice %arg7[%dma_start3A_278, %dma_start3A_279] : memref<10112x128xf32, #tpu.memory_space<vmem_shared>> -> memref<10112x128xf32, #tpu.memory_space<vmem_shared>>
      tpu.enqueue_indirect_dma source(%arg11 : memref<128x128xf32, #tpu.memory_space<vmem>>) target(%dma_start3A_280 : memref<10112x128xf32, #tpu.memory_space<vmem_shared>>) offsets(%dma_start3A_277 : memref<128xi32, #tpu.memory_space<vmem>>) semaphore(%arg15 : memref<!tpu.dma_semaphore, #tpu.memory_space<semaphore_mem>>) {add = true}
      %dma_wait3A_281 = arith.constant 0 : i32
      %dma_wait3A_282 = arith.constant 0 : i32
      %dma_wait3A_283 = tpu.memref_slice %arg9[%dma_wait3A_281, %dma_wait3A_282] : memref<16x128xi32, #tpu.memory_space<vmem>> -> memref<1x128xi32, #tpu.memory_space<vmem>>
      %dma_wait3A_284 = tpu.memref_squeeze %dma_wait3A_283 : memref<1x128xi32, #tpu.memory_space<vmem>> -> memref<128xi32, #tpu.memory_space<vmem>>
      %dma_wait3A_285 = arith.constant 0 : i32
      %dma_wait3A_286 = arith.constant 0 : i32
      %dma_wait3A_287 = tpu.memref_slice %arg7[%dma_wait3A_285, %dma_wait3A_286] : memref<10112x128xf32, #tpu.memory_space<vmem_shared>> -> memref<10112x128xf32, #tpu.memory_space<vmem_shared>>
      tpu.wait_indirect_dma semaphore(%arg15 : memref<!tpu.dma_semaphore, #tpu.memory_space<semaphore_mem>>) src(%arg11 : memref<128x128xf32, #tpu.memory_space<vmem>>) dst(%dma_wait3A_287 : memref<10112x128xf32, #tpu.memory_space<vmem_shared>>)
      %dma_start3A_288 = arith.constant 0 : i32
      %dma_start3A_289 = arith.constant 0 : i32
      %dma_start3A_290 = tpu.memref_slice %arg8[%dma_start3A_288, %dma_start3A_289] : memref<2x1024xi32, #tpu.memory_space<vmem>> -> memref<1x1024xi32, #tpu.memory_space<vmem>>
      %dma_start3A_291 = tpu.memref_squeeze %dma_start3A_290 : memref<1x1024xi32, #tpu.memory_space<vmem>> -> memref<1024xi32, #tpu.memory_space<vmem>>
      %dma_start3A_292 = arith.constant 896 : i32
      %dma_start3A_293 = tpu.memref_slice %dma_start3A_291[%dma_start3A_292] : memref<1024xi32, #tpu.memory_space<vmem>> -> memref<128xi32, #tpu.memory_space<vmem>>
      %dma_start3A_294 = arith.constant 0 : i32
      %dma_start3A_295 = arith.constant 0 : i32
      %dma_start3A_296 = tpu.memref_slice %arg2[%dma_start3A_294, %dma_start3A_295] : memref<10000x128xf32, #tpu.memory_space<hbm>> -> memref<10000x128xf32, #tpu.memory_space<hbm>>
      tpu.enqueue_indirect_dma source(%dma_start3A_296 : memref<10000x128xf32, #tpu.memory_space<hbm>>) target(%arg11 : memref<128x128xf32, #tpu.memory_space<vmem>>) offsets(%dma_start3A_293 : memref<128xi32, #tpu.memory_space<vmem>>) semaphore(%arg13 : memref<!tpu.dma_semaphore, #tpu.memory_space<semaphore_mem>>)
      %dma_wait3A_297 = arith.constant 0 : i32
      %dma_wait3A_298 = arith.constant 0 : i32
      %dma_wait3A_299 = tpu.memref_slice %arg8[%dma_wait3A_297, %dma_wait3A_298] : memref<2x1024xi32, #tpu.memory_space<vmem>> -> memref<1x1024xi32, #tpu.memory_space<vmem>>
      %dma_wait3A_300 = tpu.memref_squeeze %dma_wait3A_299 : memref<1x1024xi32, #tpu.memory_space<vmem>> -> memref<1024xi32, #tpu.memory_space<vmem>>
      %dma_wait3A_301 = arith.constant 0 : i32
      %dma_wait3A_302 = tpu.memref_slice %dma_wait3A_300[%dma_wait3A_301] : memref<1024xi32, #tpu.memory_space<vmem>> -> memref<128xi32, #tpu.memory_space<vmem>>
      %dma_wait3A_303 = arith.constant 0 : i32
      %dma_wait3A_304 = arith.constant 0 : i32
      %dma_wait3A_305 = tpu.memref_slice %arg2[%dma_wait3A_303, %dma_wait3A_304] : memref<10000x128xf32, #tpu.memory_space<hbm>> -> memref<10000x128xf32, #tpu.memory_space<hbm>>
      tpu.wait_indirect_dma semaphore(%arg12 : memref<!tpu.dma_semaphore, #tpu.memory_space<semaphore_mem>>) src(%dma_wait3A_305 : memref<10000x128xf32, #tpu.memory_space<hbm>>) dst(%arg10 : memref<128x128xf32, #tpu.memory_space<vmem>>)
      %dma_start3A_306 = arith.constant 6 : i32
      %dma_start3A_307 = arith.constant 0 : i32
      %dma_start3A_308 = tpu.memref_slice %arg9[%dma_start3A_306, %dma_start3A_307] : memref<16x128xi32, #tpu.memory_space<vmem>> -> memref<1x128xi32, #tpu.memory_space<vmem>>
      %dma_start3A_309 = tpu.memref_squeeze %dma_start3A_308 : memref<1x128xi32, #tpu.memory_space<vmem>> -> memref<128xi32, #tpu.memory_space<vmem>>
      %dma_start3A_310 = arith.constant 0 : i32
      %dma_start3A_311 = arith.constant 0 : i32
      %dma_start3A_312 = tpu.memref_slice %arg7[%dma_start3A_310, %dma_start3A_311] : memref<10112x128xf32, #tpu.memory_space<vmem_shared>> -> memref<10112x128xf32, #tpu.memory_space<vmem_shared>>
      tpu.enqueue_indirect_dma source(%arg10 : memref<128x128xf32, #tpu.memory_space<vmem>>) target(%dma_start3A_312 : memref<10112x128xf32, #tpu.memory_space<vmem_shared>>) offsets(%dma_start3A_309 : memref<128xi32, #tpu.memory_space<vmem>>) semaphore(%arg14 : memref<!tpu.dma_semaphore, #tpu.memory_space<semaphore_mem>>) {add = true}
      %dma_wait3A_313 = arith.constant 0 : i32
      %dma_wait3A_314 = arith.constant 0 : i32
      %dma_wait3A_315 = tpu.memref_slice %arg8[%dma_wait3A_313, %dma_wait3A_314] : memref<2x1024xi32, #tpu.memory_space<vmem>> -> memref<1x1024xi32, #tpu.memory_space<vmem>>
      %dma_wait3A_316 = tpu.memref_squeeze %dma_wait3A_315 : memref<1x1024xi32, #tpu.memory_space<vmem>> -> memref<1024xi32, #tpu.memory_space<vmem>>
      %dma_wait3A_317 = arith.constant 0 : i32
      %dma_wait3A_318 = tpu.memref_slice %dma_wait3A_316[%dma_wait3A_317] : memref<1024xi32, #tpu.memory_space<vmem>> -> memref<128xi32, #tpu.memory_space<vmem>>
      %dma_wait3A_319 = arith.constant 0 : i32
      %dma_wait3A_320 = arith.constant 0 : i32
      %dma_wait3A_321 = tpu.memref_slice %arg2[%dma_wait3A_319, %dma_wait3A_320] : memref<10000x128xf32, #tpu.memory_space<hbm>> -> memref<10000x128xf32, #tpu.memory_space<hbm>>
      tpu.wait_indirect_dma semaphore(%arg13 : memref<!tpu.dma_semaphore, #tpu.memory_space<semaphore_mem>>) src(%dma_wait3A_321 : memref<10000x128xf32, #tpu.memory_space<hbm>>) dst(%arg11 : memref<128x128xf32, #tpu.memory_space<vmem>>)
      %dma_start3A_322 = arith.constant 7 : i32
      %dma_start3A_323 = arith.constant 0 : i32
      %dma_start3A_324 = tpu.memref_slice %arg9[%dma_start3A_322, %dma_start3A_323] : memref<16x128xi32, #tpu.memory_space<vmem>> -> memref<1x128xi32, #tpu.memory_space<vmem>>
      %dma_start3A_325 = tpu.memref_squeeze %dma_start3A_324 : memref<1x128xi32, #tpu.memory_space<vmem>> -> memref<128xi32, #tpu.memory_space<vmem>>
      %dma_start3A_326 = arith.constant 0 : i32
      %dma_start3A_327 = arith.constant 0 : i32
      %dma_start3A_328 = tpu.memref_slice %arg7[%dma_start3A_326, %dma_start3A_327] : memref<10112x128xf32, #tpu.memory_space<vmem_shared>> -> memref<10112x128xf32, #tpu.memory_space<vmem_shared>>
      tpu.enqueue_indirect_dma source(%arg11 : memref<128x128xf32, #tpu.memory_space<vmem>>) target(%dma_start3A_328 : memref<10112x128xf32, #tpu.memory_space<vmem_shared>>) offsets(%dma_start3A_325 : memref<128xi32, #tpu.memory_space<vmem>>) semaphore(%arg15 : memref<!tpu.dma_semaphore, #tpu.memory_space<semaphore_mem>>) {add = true}
      %dma_wait3A_329 = arith.constant 0 : i32
      %dma_wait3A_330 = arith.constant 0 : i32
      %dma_wait3A_331 = tpu.memref_slice %arg9[%dma_wait3A_329, %dma_wait3A_330] : memref<16x128xi32, #tpu.memory_space<vmem>> -> memref<1x128xi32, #tpu.memory_space<vmem>>
      %dma_wait3A_332 = tpu.memref_squeeze %dma_wait3A_331 : memref<1x128xi32, #tpu.memory_space<vmem>> -> memref<128xi32, #tpu.memory_space<vmem>>
      %dma_wait3A_333 = arith.constant 0 : i32
      %dma_wait3A_334 = arith.constant 0 : i32
      %dma_wait3A_335 = tpu.memref_slice %arg7[%dma_wait3A_333, %dma_wait3A_334] : memref<10112x128xf32, #tpu.memory_space<vmem_shared>> -> memref<10112x128xf32, #tpu.memory_space<vmem_shared>>
      tpu.wait_indirect_dma semaphore(%arg14 : memref<!tpu.dma_semaphore, #tpu.memory_space<semaphore_mem>>) src(%arg10 : memref<128x128xf32, #tpu.memory_space<vmem>>) dst(%dma_wait3A_335 : memref<10112x128xf32, #tpu.memory_space<vmem_shared>>)
      %dma_wait3A_336 = arith.constant 0 : i32
      %dma_wait3A_337 = arith.constant 0 : i32
      %dma_wait3A_338 = tpu.memref_slice %arg9[%dma_wait3A_336, %dma_wait3A_337] : memref<16x128xi32, #tpu.memory_space<vmem>> -> memref<1x128xi32, #tpu.memory_space<vmem>>
      %dma_wait3A_339 = tpu.memref_squeeze %dma_wait3A_338 : memref<1x128xi32, #tpu.memory_space<vmem>> -> memref<128xi32, #tpu.memory_space<vmem>>
      %dma_wait3A_340 = arith.constant 0 : i32
      %dma_wait3A_341 = arith.constant 0 : i32
      %dma_wait3A_342 = tpu.memref_slice %arg7[%dma_wait3A_340, %dma_wait3A_341] : memref<10112x128xf32, #tpu.memory_space<vmem_shared>> -> memref<10112x128xf32, #tpu.memory_space<vmem_shared>>
      tpu.wait_indirect_dma semaphore(%arg15 : memref<!tpu.dma_semaphore, #tpu.memory_space<semaphore_mem>>) src(%arg11 : memref<128x128xf32, #tpu.memory_space<vmem>>) dst(%dma_wait3A_342 : memref<10112x128xf32, #tpu.memory_space<vmem_shared>>)
      %add3A_343 = arith.constant 1 : i32
      %add3A_344 = arith.addi %mul3A_58, %add3A_343 : i32
      %add3A_345 = arith.constant 1 : i32
      %add3A_346 = arith.addi %add3A_344, %add3A_345 : i32
      %lt3A_347 = arith.cmpi slt, %add3A_346, %select_n3A_8 : i32
      %convert_element_type3A_348 = arith.extui %lt3A_347 : i1 to i32
      %cond3A_349 = arith.constant 0 : i32
      %cond3A_350 = arith.cmpi ne, %convert_element_type3A_348, %cond3A_349 : i32
      scf.if %cond3A_350 {
        %add3A_630 = arith.constant 1 : i32
        %add3A_631 = arith.addi %mul3A_58, %add3A_630 : i32
        %add3A_632 = arith.constant 1 : i32
        %add3A_633 = arith.addi %add3A_631, %add3A_632 : i32
        %mul3A_634 = arith.constant 8 : i32
        %mul3A_635 = arith.muli %add3A_633, %mul3A_634 : i32
        %add3A_636 = arith.addi %select_n3A, %mul3A_635 : i32
        %mul3A_637 = arith.constant 128 : i32
        %mul3A_638 = arith.muli %add3A_636, %mul3A_637 : i32
        %dma_start3A_639 = arith.constant 0 : i32
        %dma_start3A_640 = arith.constant 0 : i32
        %dma_start3A_641 = tpu.memref_slice %arg8[%dma_start3A_639, %dma_start3A_640] : memref<2x1024xi32, #tpu.memory_space<vmem>> -> memref<1x1024xi32, #tpu.memory_space<vmem>>
        %dma_start3A_642 = tpu.memref_squeeze %dma_start3A_641 : memref<1x1024xi32, #tpu.memory_space<vmem>> -> memref<1024xi32, #tpu.memory_space<vmem>>
        %dma_start3A_643 = tpu.memref_slice %arg3[%mul3A_638] : memref<327680xi32, #tpu.memory_space<hbm>> -> memref<1024xi32, #tpu.memory_space<hbm>>
        %dma_start3A_644 = arith.constant 0 : i32
        %dma_start3A_645 = tpu.memref_slice %arg8[%dma_start3A_639, %dma_start3A_644] : memref<2x1024xi32, #tpu.memory_space<vmem>> -> memref<1x1024xi32, #tpu.memory_space<vmem>>
        %dma_start3A_646 = tpu.memref_squeeze %dma_start3A_645 : memref<1x1024xi32, #tpu.memory_space<vmem>> -> memref<1024xi32, #tpu.memory_space<vmem>>
        %dma_start3A_647 = tpu.memref_slice %arg3[%mul3A_638] : memref<327680xi32, #tpu.memory_space<hbm>> -> memref<1024xi32, #tpu.memory_space<hbm>>
        tpu.enqueue_dma source(%dma_start3A_647 : memref<1024xi32, #tpu.memory_space<hbm>>) target(%dma_start3A_646 : memref<1024xi32, #tpu.memory_space<vmem>>) target_semaphore(%arg16 : memref<!tpu.dma_semaphore, #tpu.memory_space<semaphore_mem>>)
        %dma_start3A_648 = arith.constant 0 : i32
        %dma_start3A_649 = arith.constant 0 : i32
        %dma_start3A_650 = tpu.memref_slice %arg9[%dma_start3A_648, %dma_start3A_649] : memref<16x128xi32, #tpu.memory_space<vmem>> -> memref<8x128xi32, #tpu.memory_space<vmem>>
        %dma_start3A_651 = arith.constant 0 : i32
        %dma_start3A_652 = tpu.memref_slice %arg4[%add3A_636, %dma_start3A_651] : memref<2560x128xi32, #tpu.memory_space<hbm>> -> memref<8x128xi32, #tpu.memory_space<hbm>>
        %dma_start3A_653 = arith.constant 0 : i32
        %dma_start3A_654 = arith.constant 0 : i32
        %dma_start3A_655 = tpu.memref_slice %arg9[%dma_start3A_653, %dma_start3A_654] : memref<16x128xi32, #tpu.memory_space<vmem>> -> memref<8x128xi32, #tpu.memory_space<vmem>>
        %dma_start3A_656 = arith.constant 0 : i32
        %dma_start3A_657 = tpu.memref_slice %arg4[%add3A_636, %dma_start3A_656] : memref<2560x128xi32, #tpu.memory_space<hbm>> -> memref<8x128xi32, #tpu.memory_space<hbm>>
        tpu.enqueue_dma source(%dma_start3A_657 : memref<8x128xi32, #tpu.memory_space<hbm>>) target(%dma_start3A_655 : memref<8x128xi32, #tpu.memory_space<vmem>>) target_semaphore(%arg16 : memref<!tpu.dma_semaphore, #tpu.memory_space<semaphore_mem>>)
      } else {
      }
      %dma_wait3A_351 = arith.constant 1 : i32
      %dma_wait3A_352 = arith.constant 0 : i32
      %dma_wait3A_353 = tpu.memref_slice %arg8[%dma_wait3A_351, %dma_wait3A_352] : memref<2x1024xi32, #tpu.memory_space<vmem>> -> memref<1x1024xi32, #tpu.memory_space<vmem>>
      %dma_wait3A_354 = tpu.memref_squeeze %dma_wait3A_353 : memref<1x1024xi32, #tpu.memory_space<vmem>> -> memref<1024xi32, #tpu.memory_space<vmem>>
      %dma_wait3A_355 = arith.constant 0 : i32
      %dma_wait3A_356 = tpu.memref_slice %arg3[%dma_wait3A_355] : memref<327680xi32, #tpu.memory_space<hbm>> -> memref<1024xi32, #tpu.memory_space<hbm>>
      %dma_wait3A_357 = arith.constant 0 : i32
      %dma_wait3A_358 = tpu.memref_slice %arg8[%dma_wait3A_351, %dma_wait3A_357] : memref<2x1024xi32, #tpu.memory_space<vmem>> -> memref<1x1024xi32, #tpu.memory_space<vmem>>
      %dma_wait3A_359 = tpu.memref_squeeze %dma_wait3A_358 : memref<1x1024xi32, #tpu.memory_space<vmem>> -> memref<1024xi32, #tpu.memory_space<vmem>>
      %dma_wait3A_360 = arith.constant 0 : i32
      %dma_wait3A_361 = tpu.memref_slice %arg3[%dma_wait3A_360] : memref<327680xi32, #tpu.memory_space<hbm>> -> memref<1024xi32, #tpu.memory_space<hbm>>
      tpu.wait_dma2 semaphore(%arg17 : memref<!tpu.dma_semaphore, #tpu.memory_space<semaphore_mem>>) src(%dma_wait3A_361 : memref<1024xi32, #tpu.memory_space<hbm>>) dst(%dma_wait3A_359 : memref<1024xi32, #tpu.memory_space<vmem>>)
      %dma_wait3A_362 = arith.constant 8 : i32
      %dma_wait3A_363 = arith.constant 0 : i32
      %dma_wait3A_364 = tpu.memref_slice %arg9[%dma_wait3A_362, %dma_wait3A_363] : memref<16x128xi32, #tpu.memory_space<vmem>> -> memref<8x128xi32, #tpu.memory_space<vmem>>
      %dma_wait3A_365 = arith.constant 0 : i32
      %dma_wait3A_366 = arith.constant 0 : i32
      %dma_wait3A_367 = tpu.memref_slice %arg4[%dma_wait3A_365, %dma_wait3A_366] : memref<2560x128xi32, #tpu.memory_space<hbm>> -> memref<8x128xi32, #tpu.memory_space<hbm>>
      %dma_wait3A_368 = arith.constant 8 : i32
      %dma_wait3A_369 = arith.constant 0 : i32
      %dma_wait3A_370 = tpu.memref_slice %arg9[%dma_wait3A_368, %dma_wait3A_369] : memref<16x128xi32, #tpu.memory_space<vmem>> -> memref<8x128xi32, #tpu.memory_space<vmem>>
      %dma_wait3A_371 = arith.constant 0 : i32
      %dma_wait3A_372 = arith.constant 0 : i32
      %dma_wait3A_373 = tpu.memref_slice %arg4[%dma_wait3A_371, %dma_wait3A_372] : memref<2560x128xi32, #tpu.memory_space<hbm>> -> memref<8x128xi32, #tpu.memory_space<hbm>>
      tpu.wait_dma2 semaphore(%arg17 : memref<!tpu.dma_semaphore, #tpu.memory_space<semaphore_mem>>) src(%dma_wait3A_373 : memref<8x128xi32, #tpu.memory_space<hbm>>) dst(%dma_wait3A_370 : memref<8x128xi32, #tpu.memory_space<vmem>>)
      %dma_start3A_374 = arith.constant 1 : i32
      %dma_start3A_375 = arith.constant 0 : i32
      %dma_start3A_376 = tpu.memref_slice %arg8[%dma_start3A_374, %dma_start3A_375] : memref<2x1024xi32, #tpu.memory_space<vmem>> -> memref<1x1024xi32, #tpu.memory_space<vmem>>
      %dma_start3A_377 = tpu.memref_squeeze %dma_start3A_376 : memref<1x1024xi32, #tpu.memory_space<vmem>> -> memref<1024xi32, #tpu.memory_space<vmem>>
      %dma_start3A_378 = arith.constant 0 : i32
      %dma_start3A_379 = tpu.memref_slice %dma_start3A_377[%dma_start3A_378] : memref<1024xi32, #tpu.memory_space<vmem>> -> memref<128xi32, #tpu.memory_space<vmem>>
      %dma_start3A_380 = arith.constant 0 : i32
      %dma_start3A_381 = arith.constant 0 : i32
      %dma_start3A_382 = tpu.memref_slice %arg2[%dma_start3A_380, %dma_start3A_381] : memref<10000x128xf32, #tpu.memory_space<hbm>> -> memref<10000x128xf32, #tpu.memory_space<hbm>>
      tpu.enqueue_indirect_dma source(%dma_start3A_382 : memref<10000x128xf32, #tpu.memory_space<hbm>>) target(%arg10 : memref<128x128xf32, #tpu.memory_space<vmem>>) offsets(%dma_start3A_379 : memref<128xi32, #tpu.memory_space<vmem>>) semaphore(%arg12 : memref<!tpu.dma_semaphore, #tpu.memory_space<semaphore_mem>>)
      %dma_start3A_383 = arith.constant 1 : i32
      %dma_start3A_384 = arith.constant 0 : i32
      %dma_start3A_385 = tpu.memref_slice %arg8[%dma_start3A_383, %dma_start3A_384] : memref<2x1024xi32, #tpu.memory_space<vmem>> -> memref<1x1024xi32, #tpu.memory_space<vmem>>
      %dma_start3A_386 = tpu.memref_squeeze %dma_start3A_385 : memref<1x1024xi32, #tpu.memory_space<vmem>> -> memref<1024xi32, #tpu.memory_space<vmem>>
      %dma_start3A_387 = arith.constant 128 : i32
      %dma_start3A_388 = tpu.memref_slice %dma_start3A_386[%dma_start3A_387] : memref<1024xi32, #tpu.memory_space<vmem>> -> memref<128xi32, #tpu.memory_space<vmem>>
      %dma_start3A_389 = arith.constant 0 : i32
      %dma_start3A_390 = arith.constant 0 : i32
      %dma_start3A_391 = tpu.memref_slice %arg2[%dma_start3A_389, %dma_start3A_390] : memref<10000x128xf32, #tpu.memory_space<hbm>> -> memref<10000x128xf32, #tpu.memory_space<hbm>>
      tpu.enqueue_indirect_dma source(%dma_start3A_391 : memref<10000x128xf32, #tpu.memory_space<hbm>>) target(%arg11 : memref<128x128xf32, #tpu.memory_space<vmem>>) offsets(%dma_start3A_388 : memref<128xi32, #tpu.memory_space<vmem>>) semaphore(%arg13 : memref<!tpu.dma_semaphore, #tpu.memory_space<semaphore_mem>>)
      %dma_wait3A_392 = arith.constant 0 : i32
      %dma_wait3A_393 = arith.constant 0 : i32
      %dma_wait3A_394 = tpu.memref_slice %arg8[%dma_wait3A_392, %dma_wait3A_393] : memref<2x1024xi32, #tpu.memory_space<vmem>> -> memref<1x1024xi32, #tpu.memory_space<vmem>>
      %dma_wait3A_395 = tpu.memref_squeeze %dma_wait3A_394 : memref<1x1024xi32, #tpu.memory_space<vmem>> -> memref<1024xi32, #tpu.memory_space<vmem>>
      %dma_wait3A_396 = arith.constant 0 : i32
      %dma_wait3A_397 = tpu.memref_slice %dma_wait3A_395[%dma_wait3A_396] : memref<1024xi32, #tpu.memory_space<vmem>> -> memref<128xi32, #tpu.memory_space<vmem>>
      %dma_wait3A_398 = arith.constant 0 : i32
      %dma_wait3A_399 = arith.constant 0 : i32
      %dma_wait3A_400 = tpu.memref_slice %arg2[%dma_wait3A_398, %dma_wait3A_399] : memref<10000x128xf32, #tpu.memory_space<hbm>> -> memref<10000x128xf32, #tpu.memory_space<hbm>>
      tpu.wait_indirect_dma semaphore(%arg12 : memref<!tpu.dma_semaphore, #tpu.memory_space<semaphore_mem>>) src(%dma_wait3A_400 : memref<10000x128xf32, #tpu.memory_space<hbm>>) dst(%arg10 : memref<128x128xf32, #tpu.memory_space<vmem>>)
      %dma_start3A_401 = arith.constant 8 : i32
      %dma_start3A_402 = arith.constant 0 : i32
      %dma_start3A_403 = tpu.memref_slice %arg9[%dma_start3A_401, %dma_start3A_402] : memref<16x128xi32, #tpu.memory_space<vmem>> -> memref<1x128xi32, #tpu.memory_space<vmem>>
      %dma_start3A_404 = tpu.memref_squeeze %dma_start3A_403 : memref<1x128xi32, #tpu.memory_space<vmem>> -> memref<128xi32, #tpu.memory_space<vmem>>
      %dma_start3A_405 = arith.constant 0 : i32
      %dma_start3A_406 = arith.constant 0 : i32
      %dma_start3A_407 = tpu.memref_slice %arg7[%dma_start3A_405, %dma_start3A_406] : memref<10112x128xf32, #tpu.memory_space<vmem_shared>> -> memref<10112x128xf32, #tpu.memory_space<vmem_shared>>
      tpu.enqueue_indirect_dma source(%arg10 : memref<128x128xf32, #tpu.memory_space<vmem>>) target(%dma_start3A_407 : memref<10112x128xf32, #tpu.memory_space<vmem_shared>>) offsets(%dma_start3A_404 : memref<128xi32, #tpu.memory_space<vmem>>) semaphore(%arg14 : memref<!tpu.dma_semaphore, #tpu.memory_space<semaphore_mem>>) {add = true}
      %dma_wait3A_408 = arith.constant 0 : i32
      %dma_wait3A_409 = arith.constant 0 : i32
      %dma_wait3A_410 = tpu.memref_slice %arg9[%dma_wait3A_408, %dma_wait3A_409] : memref<16x128xi32, #tpu.memory_space<vmem>> -> memref<1x128xi32, #tpu.memory_space<vmem>>
      %dma_wait3A_411 = tpu.memref_squeeze %dma_wait3A_410 : memref<1x128xi32, #tpu.memory_space<vmem>> -> memref<128xi32, #tpu.memory_space<vmem>>
      %dma_wait3A_412 = arith.constant 0 : i32
      %dma_wait3A_413 = arith.constant 0 : i32
      %dma_wait3A_414 = tpu.memref_slice %arg7[%dma_wait3A_412, %dma_wait3A_413] : memref<10112x128xf32, #tpu.memory_space<vmem_shared>> -> memref<10112x128xf32, #tpu.memory_space<vmem_shared>>
      tpu.wait_indirect_dma semaphore(%arg14 : memref<!tpu.dma_semaphore, #tpu.memory_space<semaphore_mem>>) src(%arg10 : memref<128x128xf32, #tpu.memory_space<vmem>>) dst(%dma_wait3A_414 : memref<10112x128xf32, #tpu.memory_space<vmem_shared>>)
      %dma_start3A_415 = arith.constant 1 : i32
      %dma_start3A_416 = arith.constant 0 : i32
      %dma_start3A_417 = tpu.memref_slice %arg8[%dma_start3A_415, %dma_start3A_416] : memref<2x1024xi32, #tpu.memory_space<vmem>> -> memref<1x1024xi32, #tpu.memory_space<vmem>>
      %dma_start3A_418 = tpu.memref_squeeze %dma_start3A_417 : memref<1x1024xi32, #tpu.memory_space<vmem>> -> memref<1024xi32, #tpu.memory_space<vmem>>
      %dma_start3A_419 = arith.constant 256 : i32
      %dma_start3A_420 = tpu.memref_slice %dma_start3A_418[%dma_start3A_419] : memref<1024xi32, #tpu.memory_space<vmem>> -> memref<128xi32, #tpu.memory_space<vmem>>
      %dma_start3A_421 = arith.constant 0 : i32
      %dma_start3A_422 = arith.constant 0 : i32
      %dma_start3A_423 = tpu.memref_slice %arg2[%dma_start3A_421, %dma_start3A_422] : memref<10000x128xf32, #tpu.memory_space<hbm>> -> memref<10000x128xf32, #tpu.memory_space<hbm>>
      tpu.enqueue_indirect_dma source(%dma_start3A_423 : memref<10000x128xf32, #tpu.memory_space<hbm>>) target(%arg10 : memref<128x128xf32, #tpu.memory_space<vmem>>) offsets(%dma_start3A_420 : memref<128xi32, #tpu.memory_space<vmem>>) semaphore(%arg12 : memref<!tpu.dma_semaphore, #tpu.memory_space<semaphore_mem>>)
      %dma_wait3A_424 = arith.constant 0 : i32
      %dma_wait3A_425 = arith.constant 0 : i32
      %dma_wait3A_426 = tpu.memref_slice %arg8[%dma_wait3A_424, %dma_wait3A_425] : memref<2x1024xi32, #tpu.memory_space<vmem>> -> memref<1x1024xi32, #tpu.memory_space<vmem>>
      %dma_wait3A_427 = tpu.memref_squeeze %dma_wait3A_426 : memref<1x1024xi32, #tpu.memory_space<vmem>> -> memref<1024xi32, #tpu.memory_space<vmem>>
      %dma_wait3A_428 = arith.constant 0 : i32
      %dma_wait3A_429 = tpu.memref_slice %dma_wait3A_427[%dma_wait3A_428] : memref<1024xi32, #tpu.memory_space<vmem>> -> memref<128xi32, #tpu.memory_space<vmem>>
      %dma_wait3A_430 = arith.constant 0 : i32
      %dma_wait3A_431 = arith.constant 0 : i32
      %dma_wait3A_432 = tpu.memref_slice %arg2[%dma_wait3A_430, %dma_wait3A_431] : memref<10000x128xf32, #tpu.memory_space<hbm>> -> memref<10000x128xf32, #tpu.memory_space<hbm>>
      tpu.wait_indirect_dma semaphore(%arg13 : memref<!tpu.dma_semaphore, #tpu.memory_space<semaphore_mem>>) src(%dma_wait3A_432 : memref<10000x128xf32, #tpu.memory_space<hbm>>) dst(%arg11 : memref<128x128xf32, #tpu.memory_space<vmem>>)
      %dma_start3A_433 = arith.constant 9 : i32
      %dma_start3A_434 = arith.constant 0 : i32
      %dma_start3A_435 = tpu.memref_slice %arg9[%dma_start3A_433, %dma_start3A_434] : memref<16x128xi32, #tpu.memory_space<vmem>> -> memref<1x128xi32, #tpu.memory_space<vmem>>
      %dma_start3A_436 = tpu.memref_squeeze %dma_start3A_435 : memref<1x128xi32, #tpu.memory_space<vmem>> -> memref<128xi32, #tpu.memory_space<vmem>>
      %dma_start3A_437 = arith.constant 0 : i32
      %dma_start3A_438 = arith.constant 0 : i32
      %dma_start3A_439 = tpu.memref_slice %arg7[%dma_start3A_437, %dma_start3A_438] : memref<10112x128xf32, #tpu.memory_space<vmem_shared>> -> memref<10112x128xf32, #tpu.memory_space<vmem_shared>>
      tpu.enqueue_indirect_dma source(%arg11 : memref<128x128xf32, #tpu.memory_space<vmem>>) target(%dma_start3A_439 : memref<10112x128xf32, #tpu.memory_space<vmem_shared>>) offsets(%dma_start3A_436 : memref<128xi32, #tpu.memory_space<vmem>>) semaphore(%arg15 : memref<!tpu.dma_semaphore, #tpu.memory_space<semaphore_mem>>) {add = true}
      %dma_wait3A_440 = arith.constant 0 : i32
      %dma_wait3A_441 = arith.constant 0 : i32
      %dma_wait3A_442 = tpu.memref_slice %arg9[%dma_wait3A_440, %dma_wait3A_441] : memref<16x128xi32, #tpu.memory_space<vmem>> -> memref<1x128xi32, #tpu.memory_space<vmem>>
      %dma_wait3A_443 = tpu.memref_squeeze %dma_wait3A_442 : memref<1x128xi32, #tpu.memory_space<vmem>> -> memref<128xi32, #tpu.memory_space<vmem>>
      %dma_wait3A_444 = arith.constant 0 : i32
      %dma_wait3A_445 = arith.constant 0 : i32
      %dma_wait3A_446 = tpu.memref_slice %arg7[%dma_wait3A_444, %dma_wait3A_445] : memref<10112x128xf32, #tpu.memory_space<vmem_shared>> -> memref<10112x128xf32, #tpu.memory_space<vmem_shared>>
      tpu.wait_indirect_dma semaphore(%arg15 : memref<!tpu.dma_semaphore, #tpu.memory_space<semaphore_mem>>) src(%arg11 : memref<128x128xf32, #tpu.memory_space<vmem>>) dst(%dma_wait3A_446 : memref<10112x128xf32, #tpu.memory_space<vmem_shared>>)
      %dma_start3A_447 = arith.constant 1 : i32
      %dma_start3A_448 = arith.constant 0 : i32
      %dma_start3A_449 = tpu.memref_slice %arg8[%dma_start3A_447, %dma_start3A_448] : memref<2x1024xi32, #tpu.memory_space<vmem>> -> memref<1x1024xi32, #tpu.memory_space<vmem>>
      %dma_start3A_450 = tpu.memref_squeeze %dma_start3A_449 : memref<1x1024xi32, #tpu.memory_space<vmem>> -> memref<1024xi32, #tpu.memory_space<vmem>>
      %dma_start3A_451 = arith.constant 384 : i32
      %dma_start3A_452 = tpu.memref_slice %dma_start3A_450[%dma_start3A_451] : memref<1024xi32, #tpu.memory_space<vmem>> -> memref<128xi32, #tpu.memory_space<vmem>>
      %dma_start3A_453 = arith.constant 0 : i32
      %dma_start3A_454 = arith.constant 0 : i32
      %dma_start3A_455 = tpu.memref_slice %arg2[%dma_start3A_453, %dma_start3A_454] : memref<10000x128xf32, #tpu.memory_space<hbm>> -> memref<10000x128xf32, #tpu.memory_space<hbm>>
      tpu.enqueue_indirect_dma source(%dma_start3A_455 : memref<10000x128xf32, #tpu.memory_space<hbm>>) target(%arg11 : memref<128x128xf32, #tpu.memory_space<vmem>>) offsets(%dma_start3A_452 : memref<128xi32, #tpu.memory_space<vmem>>) semaphore(%arg13 : memref<!tpu.dma_semaphore, #tpu.memory_space<semaphore_mem>>)
      %dma_wait3A_456 = arith.constant 0 : i32
      %dma_wait3A_457 = arith.constant 0 : i32
      %dma_wait3A_458 = tpu.memref_slice %arg8[%dma_wait3A_456, %dma_wait3A_457] : memref<2x1024xi32, #tpu.memory_space<vmem>> -> memref<1x1024xi32, #tpu.memory_space<vmem>>
      %dma_wait3A_459 = tpu.memref_squeeze %dma_wait3A_458 : memref<1x1024xi32, #tpu.memory_space<vmem>> -> memref<1024xi32, #tpu.memory_space<vmem>>
      %dma_wait3A_460 = arith.constant 0 : i32
      %dma_wait3A_461 = tpu.memref_slice %dma_wait3A_459[%dma_wait3A_460] : memref<1024xi32, #tpu.memory_space<vmem>> -> memref<128xi32, #tpu.memory_space<vmem>>
      %dma_wait3A_462 = arith.constant 0 : i32
      %dma_wait3A_463 = arith.constant 0 : i32
      %dma_wait3A_464 = tpu.memref_slice %arg2[%dma_wait3A_462, %dma_wait3A_463] : memref<10000x128xf32, #tpu.memory_space<hbm>> -> memref<10000x128xf32, #tpu.memory_space<hbm>>
      tpu.wait_indirect_dma semaphore(%arg12 : memref<!tpu.dma_semaphore, #tpu.memory_space<semaphore_mem>>) src(%dma_wait3A_464 : memref<10000x128xf32, #tpu.memory_space<hbm>>) dst(%arg10 : memref<128x128xf32, #tpu.memory_space<vmem>>)
      %dma_start3A_465 = arith.constant 10 : i32
      %dma_start3A_466 = arith.constant 0 : i32
      %dma_start3A_467 = tpu.memref_slice %arg9[%dma_start3A_465, %dma_start3A_466] : memref<16x128xi32, #tpu.memory_space<vmem>> -> memref<1x128xi32, #tpu.memory_space<vmem>>
      %dma_start3A_468 = tpu.memref_squeeze %dma_start3A_467 : memref<1x128xi32, #tpu.memory_space<vmem>> -> memref<128xi32, #tpu.memory_space<vmem>>
      %dma_start3A_469 = arith.constant 0 : i32
      %dma_start3A_470 = arith.constant 0 : i32
      %dma_start3A_471 = tpu.memref_slice %arg7[%dma_start3A_469, %dma_start3A_470] : memref<10112x128xf32, #tpu.memory_space<vmem_shared>> -> memref<10112x128xf32, #tpu.memory_space<vmem_shared>>
      tpu.enqueue_indirect_dma source(%arg10 : memref<128x128xf32, #tpu.memory_space<vmem>>) target(%dma_start3A_471 : memref<10112x128xf32, #tpu.memory_space<vmem_shared>>) offsets(%dma_start3A_468 : memref<128xi32, #tpu.memory_space<vmem>>) semaphore(%arg14 : memref<!tpu.dma_semaphore, #tpu.memory_space<semaphore_mem>>) {add = true}
      %dma_wait3A_472 = arith.constant 0 : i32
      %dma_wait3A_473 = arith.constant 0 : i32
      %dma_wait3A_474 = tpu.memref_slice %arg9[%dma_wait3A_472, %dma_wait3A_473] : memref<16x128xi32, #tpu.memory_space<vmem>> -> memref<1x128xi32, #tpu.memory_space<vmem>>
      %dma_wait3A_475 = tpu.memref_squeeze %dma_wait3A_474 : memref<1x128xi32, #tpu.memory_space<vmem>> -> memref<128xi32, #tpu.memory_space<vmem>>
      %dma_wait3A_476 = arith.constant 0 : i32
      %dma_wait3A_477 = arith.constant 0 : i32
      %dma_wait3A_478 = tpu.memref_slice %arg7[%dma_wait3A_476, %dma_wait3A_477] : memref<10112x128xf32, #tpu.memory_space<vmem_shared>> -> memref<10112x128xf32, #tpu.memory_space<vmem_shared>>
      tpu.wait_indirect_dma semaphore(%arg14 : memref<!tpu.dma_semaphore, #tpu.memory_space<semaphore_mem>>) src(%arg10 : memref<128x128xf32, #tpu.memory_space<vmem>>) dst(%dma_wait3A_478 : memref<10112x128xf32, #tpu.memory_space<vmem_shared>>)
      %dma_start3A_479 = arith.constant 1 : i32
      %dma_start3A_480 = arith.constant 0 : i32
      %dma_start3A_481 = tpu.memref_slice %arg8[%dma_start3A_479, %dma_start3A_480] : memref<2x1024xi32, #tpu.memory_space<vmem>> -> memref<1x1024xi32, #tpu.memory_space<vmem>>
      %dma_start3A_482 = tpu.memref_squeeze %dma_start3A_481 : memref<1x1024xi32, #tpu.memory_space<vmem>> -> memref<1024xi32, #tpu.memory_space<vmem>>
      %dma_start3A_483 = arith.constant 512 : i32
      %dma_start3A_484 = tpu.memref_slice %dma_start3A_482[%dma_start3A_483] : memref<1024xi32, #tpu.memory_space<vmem>> -> memref<128xi32, #tpu.memory_space<vmem>>
      %dma_start3A_485 = arith.constant 0 : i32
      %dma_start3A_486 = arith.constant 0 : i32
      %dma_start3A_487 = tpu.memref_slice %arg2[%dma_start3A_485, %dma_start3A_486] : memref<10000x128xf32, #tpu.memory_space<hbm>> -> memref<10000x128xf32, #tpu.memory_space<hbm>>
      tpu.enqueue_indirect_dma source(%dma_start3A_487 : memref<10000x128xf32, #tpu.memory_space<hbm>>) target(%arg10 : memref<128x128xf32, #tpu.memory_space<vmem>>) offsets(%dma_start3A_484 : memref<128xi32, #tpu.memory_space<vmem>>) semaphore(%arg12 : memref<!tpu.dma_semaphore, #tpu.memory_space<semaphore_mem>>)
      %dma_wait3A_488 = arith.constant 0 : i32
      %dma_wait3A_489 = arith.constant 0 : i32
      %dma_wait3A_490 = tpu.memref_slice %arg8[%dma_wait3A_488, %dma_wait3A_489] : memref<2x1024xi32, #tpu.memory_space<vmem>> -> memref<1x1024xi32, #tpu.memory_space<vmem>>
      %dma_wait3A_491 = tpu.memref_squeeze %dma_wait3A_490 : memref<1x1024xi32, #tpu.memory_space<vmem>> -> memref<1024xi32, #tpu.memory_space<vmem>>
      %dma_wait3A_492 = arith.constant 0 : i32
      %dma_wait3A_493 = tpu.memref_slice %dma_wait3A_491[%dma_wait3A_492] : memref<1024xi32, #tpu.memory_space<vmem>> -> memref<128xi32, #tpu.memory_space<vmem>>
      %dma_wait3A_494 = arith.constant 0 : i32
      %dma_wait3A_495 = arith.constant 0 : i32
      %dma_wait3A_496 = tpu.memref_slice %arg2[%dma_wait3A_494, %dma_wait3A_495] : memref<10000x128xf32, #tpu.memory_space<hbm>> -> memref<10000x128xf32, #tpu.memory_space<hbm>>
      tpu.wait_indirect_dma semaphore(%arg13 : memref<!tpu.dma_semaphore, #tpu.memory_space<semaphore_mem>>) src(%dma_wait3A_496 : memref<10000x128xf32, #tpu.memory_space<hbm>>) dst(%arg11 : memref<128x128xf32, #tpu.memory_space<vmem>>)
      %dma_start3A_497 = arith.constant 11 : i32
      %dma_start3A_498 = arith.constant 0 : i32
      %dma_start3A_499 = tpu.memref_slice %arg9[%dma_start3A_497, %dma_start3A_498] : memref<16x128xi32, #tpu.memory_space<vmem>> -> memref<1x128xi32, #tpu.memory_space<vmem>>
      %dma_start3A_500 = tpu.memref_squeeze %dma_start3A_499 : memref<1x128xi32, #tpu.memory_space<vmem>> -> memref<128xi32, #tpu.memory_space<vmem>>
      %dma_start3A_501 = arith.constant 0 : i32
      %dma_start3A_502 = arith.constant 0 : i32
      %dma_start3A_503 = tpu.memref_slice %arg7[%dma_start3A_501, %dma_start3A_502] : memref<10112x128xf32, #tpu.memory_space<vmem_shared>> -> memref<10112x128xf32, #tpu.memory_space<vmem_shared>>
      tpu.enqueue_indirect_dma source(%arg11 : memref<128x128xf32, #tpu.memory_space<vmem>>) target(%dma_start3A_503 : memref<10112x128xf32, #tpu.memory_space<vmem_shared>>) offsets(%dma_start3A_500 : memref<128xi32, #tpu.memory_space<vmem>>) semaphore(%arg15 : memref<!tpu.dma_semaphore, #tpu.memory_space<semaphore_mem>>) {add = true}
      %dma_wait3A_504 = arith.constant 0 : i32
      %dma_wait3A_505 = arith.constant 0 : i32
      %dma_wait3A_506 = tpu.memref_slice %arg9[%dma_wait3A_504, %dma_wait3A_505] : memref<16x128xi32, #tpu.memory_space<vmem>> -> memref<1x128xi32, #tpu.memory_space<vmem>>
      %dma_wait3A_507 = tpu.memref_squeeze %dma_wait3A_506 : memref<1x128xi32, #tpu.memory_space<vmem>> -> memref<128xi32, #tpu.memory_space<vmem>>
      %dma_wait3A_508 = arith.constant 0 : i32
      %dma_wait3A_509 = arith.constant 0 : i32
      %dma_wait3A_510 = tpu.memref_slice %arg7[%dma_wait3A_508, %dma_wait3A_509] : memref<10112x128xf32, #tpu.memory_space<vmem_shared>> -> memref<10112x128xf32, #tpu.memory_space<vmem_shared>>
      tpu.wait_indirect_dma semaphore(%arg15 : memref<!tpu.dma_semaphore, #tpu.memory_space<semaphore_mem>>) src(%arg11 : memref<128x128xf32, #tpu.memory_space<vmem>>) dst(%dma_wait3A_510 : memref<10112x128xf32, #tpu.memory_space<vmem_shared>>)
      %dma_start3A_511 = arith.constant 1 : i32
      %dma_start3A_512 = arith.constant 0 : i32
      %dma_start3A_513 = tpu.memref_slice %arg8[%dma_start3A_511, %dma_start3A_512] : memref<2x1024xi32, #tpu.memory_space<vmem>> -> memref<1x1024xi32, #tpu.memory_space<vmem>>
      %dma_start3A_514 = tpu.memref_squeeze %dma_start3A_513 : memref<1x1024xi32, #tpu.memory_space<vmem>> -> memref<1024xi32, #tpu.memory_space<vmem>>
      %dma_start3A_515 = arith.constant 640 : i32
      %dma_start3A_516 = tpu.memref_slice %dma_start3A_514[%dma_start3A_515] : memref<1024xi32, #tpu.memory_space<vmem>> -> memref<128xi32, #tpu.memory_space<vmem>>
      %dma_start3A_517 = arith.constant 0 : i32
      %dma_start3A_518 = arith.constant 0 : i32
      %dma_start3A_519 = tpu.memref_slice %arg2[%dma_start3A_517, %dma_start3A_518] : memref<10000x128xf32, #tpu.memory_space<hbm>> -> memref<10000x128xf32, #tpu.memory_space<hbm>>
      tpu.enqueue_indirect_dma source(%dma_start3A_519 : memref<10000x128xf32, #tpu.memory_space<hbm>>) target(%arg11 : memref<128x128xf32, #tpu.memory_space<vmem>>) offsets(%dma_start3A_516 : memref<128xi32, #tpu.memory_space<vmem>>) semaphore(%arg13 : memref<!tpu.dma_semaphore, #tpu.memory_space<semaphore_mem>>)
      %dma_wait3A_520 = arith.constant 0 : i32
      %dma_wait3A_521 = arith.constant 0 : i32
      %dma_wait3A_522 = tpu.memref_slice %arg8[%dma_wait3A_520, %dma_wait3A_521] : memref<2x1024xi32, #tpu.memory_space<vmem>> -> memref<1x1024xi32, #tpu.memory_space<vmem>>
      %dma_wait3A_523 = tpu.memref_squeeze %dma_wait3A_522 : memref<1x1024xi32, #tpu.memory_space<vmem>> -> memref<1024xi32, #tpu.memory_space<vmem>>
      %dma_wait3A_524 = arith.constant 0 : i32
      %dma_wait3A_525 = tpu.memref_slice %dma_wait3A_523[%dma_wait3A_524] : memref<1024xi32, #tpu.memory_space<vmem>> -> memref<128xi32, #tpu.memory_space<vmem>>
      %dma_wait3A_526 = arith.constant 0 : i32
      %dma_wait3A_527 = arith.constant 0 : i32
      %dma_wait3A_528 = tpu.memref_slice %arg2[%dma_wait3A_526, %dma_wait3A_527] : memref<10000x128xf32, #tpu.memory_space<hbm>> -> memref<10000x128xf32, #tpu.memory_space<hbm>>
      tpu.wait_indirect_dma semaphore(%arg12 : memref<!tpu.dma_semaphore, #tpu.memory_space<semaphore_mem>>) src(%dma_wait3A_528 : memref<10000x128xf32, #tpu.memory_space<hbm>>) dst(%arg10 : memref<128x128xf32, #tpu.memory_space<vmem>>)
      %dma_start3A_529 = arith.constant 12 : i32
      %dma_start3A_530 = arith.constant 0 : i32
      %dma_start3A_531 = tpu.memref_slice %arg9[%dma_start3A_529, %dma_start3A_530] : memref<16x128xi32, #tpu.memory_space<vmem>> -> memref<1x128xi32, #tpu.memory_space<vmem>>
      %dma_start3A_532 = tpu.memref_squeeze %dma_start3A_531 : memref<1x128xi32, #tpu.memory_space<vmem>> -> memref<128xi32, #tpu.memory_space<vmem>>
      %dma_start3A_533 = arith.constant 0 : i32
      %dma_start3A_534 = arith.constant 0 : i32
      %dma_start3A_535 = tpu.memref_slice %arg7[%dma_start3A_533, %dma_start3A_534] : memref<10112x128xf32, #tpu.memory_space<vmem_shared>> -> memref<10112x128xf32, #tpu.memory_space<vmem_shared>>
      tpu.enqueue_indirect_dma source(%arg10 : memref<128x128xf32, #tpu.memory_space<vmem>>) target(%dma_start3A_535 : memref<10112x128xf32, #tpu.memory_space<vmem_shared>>) offsets(%dma_start3A_532 : memref<128xi32, #tpu.memory_space<vmem>>) semaphore(%arg14 : memref<!tpu.dma_semaphore, #tpu.memory_space<semaphore_mem>>) {add = true}
      %dma_wait3A_536 = arith.constant 0 : i32
      %dma_wait3A_537 = arith.constant 0 : i32
      %dma_wait3A_538 = tpu.memref_slice %arg9[%dma_wait3A_536, %dma_wait3A_537] : memref<16x128xi32, #tpu.memory_space<vmem>> -> memref<1x128xi32, #tpu.memory_space<vmem>>
      %dma_wait3A_539 = tpu.memref_squeeze %dma_wait3A_538 : memref<1x128xi32, #tpu.memory_space<vmem>> -> memref<128xi32, #tpu.memory_space<vmem>>
      %dma_wait3A_540 = arith.constant 0 : i32
      %dma_wait3A_541 = arith.constant 0 : i32
      %dma_wait3A_542 = tpu.memref_slice %arg7[%dma_wait3A_540, %dma_wait3A_541] : memref<10112x128xf32, #tpu.memory_space<vmem_shared>> -> memref<10112x128xf32, #tpu.memory_space<vmem_shared>>
      tpu.wait_indirect_dma semaphore(%arg14 : memref<!tpu.dma_semaphore, #tpu.memory_space<semaphore_mem>>) src(%arg10 : memref<128x128xf32, #tpu.memory_space<vmem>>) dst(%dma_wait3A_542 : memref<10112x128xf32, #tpu.memory_space<vmem_shared>>)
      %dma_start3A_543 = arith.constant 1 : i32
      %dma_start3A_544 = arith.constant 0 : i32
      %dma_start3A_545 = tpu.memref_slice %arg8[%dma_start3A_543, %dma_start3A_544] : memref<2x1024xi32, #tpu.memory_space<vmem>> -> memref<1x1024xi32, #tpu.memory_space<vmem>>
      %dma_start3A_546 = tpu.memref_squeeze %dma_start3A_545 : memref<1x1024xi32, #tpu.memory_space<vmem>> -> memref<1024xi32, #tpu.memory_space<vmem>>
      %dma_start3A_547 = arith.constant 768 : i32
      %dma_start3A_548 = tpu.memref_slice %dma_start3A_546[%dma_start3A_547] : memref<1024xi32, #tpu.memory_space<vmem>> -> memref<128xi32, #tpu.memory_space<vmem>>
      %dma_start3A_549 = arith.constant 0 : i32
      %dma_start3A_550 = arith.constant 0 : i32
      %dma_start3A_551 = tpu.memref_slice %arg2[%dma_start3A_549, %dma_start3A_550] : memref<10000x128xf32, #tpu.memory_space<hbm>> -> memref<10000x128xf32, #tpu.memory_space<hbm>>
      tpu.enqueue_indirect_dma source(%dma_start3A_551 : memref<10000x128xf32, #tpu.memory_space<hbm>>) target(%arg10 : memref<128x128xf32, #tpu.memory_space<vmem>>) offsets(%dma_start3A_548 : memref<128xi32, #tpu.memory_space<vmem>>) semaphore(%arg12 : memref<!tpu.dma_semaphore, #tpu.memory_space<semaphore_mem>>)
      %dma_wait3A_552 = arith.constant 0 : i32
      %dma_wait3A_553 = arith.constant 0 : i32
      %dma_wait3A_554 = tpu.memref_slice %arg8[%dma_wait3A_552, %dma_wait3A_553] : memref<2x1024xi32, #tpu.memory_space<vmem>> -> memref<1x1024xi32, #tpu.memory_space<vmem>>
      %dma_wait3A_555 = tpu.memref_squeeze %dma_wait3A_554 : memref<1x1024xi32, #tpu.memory_space<vmem>> -> memref<1024xi32, #tpu.memory_space<vmem>>
      %dma_wait3A_556 = arith.constant 0 : i32
      %dma_wait3A_557 = tpu.memref_slice %dma_wait3A_555[%dma_wait3A_556] : memref<1024xi32, #tpu.memory_space<vmem>> -> memref<128xi32, #tpu.memory_space<vmem>>
      %dma_wait3A_558 = arith.constant 0 : i32
      %dma_wait3A_559 = arith.constant 0 : i32
      %dma_wait3A_560 = tpu.memref_slice %arg2[%dma_wait3A_558, %dma_wait3A_559] : memref<10000x128xf32, #tpu.memory_space<hbm>> -> memref<10000x128xf32, #tpu.memory_space<hbm>>
      tpu.wait_indirect_dma semaphore(%arg13 : memref<!tpu.dma_semaphore, #tpu.memory_space<semaphore_mem>>) src(%dma_wait3A_560 : memref<10000x128xf32, #tpu.memory_space<hbm>>) dst(%arg11 : memref<128x128xf32, #tpu.memory_space<vmem>>)
      %dma_start3A_561 = arith.constant 13 : i32
      %dma_start3A_562 = arith.constant 0 : i32
      %dma_start3A_563 = tpu.memref_slice %arg9[%dma_start3A_561, %dma_start3A_562] : memref<16x128xi32, #tpu.memory_space<vmem>> -> memref<1x128xi32, #tpu.memory_space<vmem>>
      %dma_start3A_564 = tpu.memref_squeeze %dma_start3A_563 : memref<1x128xi32, #tpu.memory_space<vmem>> -> memref<128xi32, #tpu.memory_space<vmem>>
      %dma_start3A_565 = arith.constant 0 : i32
      %dma_start3A_566 = arith.constant 0 : i32
      %dma_start3A_567 = tpu.memref_slice %arg7[%dma_start3A_565, %dma_start3A_566] : memref<10112x128xf32, #tpu.memory_space<vmem_shared>> -> memref<10112x128xf32, #tpu.memory_space<vmem_shared>>
      tpu.enqueue_indirect_dma source(%arg11 : memref<128x128xf32, #tpu.memory_space<vmem>>) target(%dma_start3A_567 : memref<10112x128xf32, #tpu.memory_space<vmem_shared>>) offsets(%dma_start3A_564 : memref<128xi32, #tpu.memory_space<vmem>>) semaphore(%arg15 : memref<!tpu.dma_semaphore, #tpu.memory_space<semaphore_mem>>) {add = true}
      %dma_wait3A_568 = arith.constant 0 : i32
      %dma_wait3A_569 = arith.constant 0 : i32
      %dma_wait3A_570 = tpu.memref_slice %arg9[%dma_wait3A_568, %dma_wait3A_569] : memref<16x128xi32, #tpu.memory_space<vmem>> -> memref<1x128xi32, #tpu.memory_space<vmem>>
      %dma_wait3A_571 = tpu.memref_squeeze %dma_wait3A_570 : memref<1x128xi32, #tpu.memory_space<vmem>> -> memref<128xi32, #tpu.memory_space<vmem>>
      %dma_wait3A_572 = arith.constant 0 : i32
      %dma_wait3A_573 = arith.constant 0 : i32
      %dma_wait3A_574 = tpu.memref_slice %arg7[%dma_wait3A_572, %dma_wait3A_573] : memref<10112x128xf32, #tpu.memory_space<vmem_shared>> -> memref<10112x128xf32, #tpu.memory_space<vmem_shared>>
      tpu.wait_indirect_dma semaphore(%arg15 : memref<!tpu.dma_semaphore, #tpu.memory_space<semaphore_mem>>) src(%arg11 : memref<128x128xf32, #tpu.memory_space<vmem>>) dst(%dma_wait3A_574 : memref<10112x128xf32, #tpu.memory_space<vmem_shared>>)
      %dma_start3A_575 = arith.constant 1 : i32
      %dma_start3A_576 = arith.constant 0 : i32
      %dma_start3A_577 = tpu.memref_slice %arg8[%dma_start3A_575, %dma_start3A_576] : memref<2x1024xi32, #tpu.memory_space<vmem>> -> memref<1x1024xi32, #tpu.memory_space<vmem>>
      %dma_start3A_578 = tpu.memref_squeeze %dma_start3A_577 : memref<1x1024xi32, #tpu.memory_space<vmem>> -> memref<1024xi32, #tpu.memory_space<vmem>>
      %dma_start3A_579 = arith.constant 896 : i32
      %dma_start3A_580 = tpu.memref_slice %dma_start3A_578[%dma_start3A_579] : memref<1024xi32, #tpu.memory_space<vmem>> -> memref<128xi32, #tpu.memory_space<vmem>>
      %dma_start3A_581 = arith.constant 0 : i32
      %dma_start3A_582 = arith.constant 0 : i32
      %dma_start3A_583 = tpu.memref_slice %arg2[%dma_start3A_581, %dma_start3A_582] : memref<10000x128xf32, #tpu.memory_space<hbm>> -> memref<10000x128xf32, #tpu.memory_space<hbm>>
      tpu.enqueue_indirect_dma source(%dma_start3A_583 : memref<10000x128xf32, #tpu.memory_space<hbm>>) target(%arg11 : memref<128x128xf32, #tpu.memory_space<vmem>>) offsets(%dma_start3A_580 : memref<128xi32, #tpu.memory_space<vmem>>) semaphore(%arg13 : memref<!tpu.dma_semaphore, #tpu.memory_space<semaphore_mem>>)
      %dma_wait3A_584 = arith.constant 0 : i32
      %dma_wait3A_585 = arith.constant 0 : i32
      %dma_wait3A_586 = tpu.memref_slice %arg8[%dma_wait3A_584, %dma_wait3A_585] : memref<2x1024xi32, #tpu.memory_space<vmem>> -> memref<1x1024xi32, #tpu.memory_space<vmem>>
      %dma_wait3A_587 = tpu.memref_squeeze %dma_wait3A_586 : memref<1x1024xi32, #tpu.memory_space<vmem>> -> memref<1024xi32, #tpu.memory_space<vmem>>
      %dma_wait3A_588 = arith.constant 0 : i32
      %dma_wait3A_589 = tpu.memref_slice %dma_wait3A_587[%dma_wait3A_588] : memref<1024xi32, #tpu.memory_space<vmem>> -> memref<128xi32, #tpu.memory_space<vmem>>
      %dma_wait3A_590 = arith.constant 0 : i32
      %dma_wait3A_591 = arith.constant 0 : i32
      %dma_wait3A_592 = tpu.memref_slice %arg2[%dma_wait3A_590, %dma_wait3A_591] : memref<10000x128xf32, #tpu.memory_space<hbm>> -> memref<10000x128xf32, #tpu.memory_space<hbm>>
      tpu.wait_indirect_dma semaphore(%arg12 : memref<!tpu.dma_semaphore, #tpu.memory_space<semaphore_mem>>) src(%dma_wait3A_592 : memref<10000x128xf32, #tpu.memory_space<hbm>>) dst(%arg10 : memref<128x128xf32, #tpu.memory_space<vmem>>)
      %dma_start3A_593 = arith.constant 14 : i32
      %dma_start3A_594 = arith.constant 0 : i32
      %dma_start3A_595 = tpu.memref_slice %arg9[%dma_start3A_593, %dma_start3A_594] : memref<16x128xi32, #tpu.memory_space<vmem>> -> memref<1x128xi32, #tpu.memory_space<vmem>>
      %dma_start3A_596 = tpu.memref_squeeze %dma_start3A_595 : memref<1x128xi32, #tpu.memory_space<vmem>> -> memref<128xi32, #tpu.memory_space<vmem>>
      %dma_start3A_597 = arith.constant 0 : i32
      %dma_start3A_598 = arith.constant 0 : i32
      %dma_start3A_599 = tpu.memref_slice %arg7[%dma_start3A_597, %dma_start3A_598] : memref<10112x128xf32, #tpu.memory_space<vmem_shared>> -> memref<10112x128xf32, #tpu.memory_space<vmem_shared>>
      tpu.enqueue_indirect_dma source(%arg10 : memref<128x128xf32, #tpu.memory_space<vmem>>) target(%dma_start3A_599 : memref<10112x128xf32, #tpu.memory_space<vmem_shared>>) offsets(%dma_start3A_596 : memref<128xi32, #tpu.memory_space<vmem>>) semaphore(%arg14 : memref<!tpu.dma_semaphore, #tpu.memory_space<semaphore_mem>>) {add = true}
      %dma_wait3A_600 = arith.constant 0 : i32
      %dma_wait3A_601 = arith.constant 0 : i32
      %dma_wait3A_602 = tpu.memref_slice %arg8[%dma_wait3A_600, %dma_wait3A_601] : memref<2x1024xi32, #tpu.memory_space<vmem>> -> memref<1x1024xi32, #tpu.memory_space<vmem>>
      %dma_wait3A_603 = tpu.memref_squeeze %dma_wait3A_602 : memref<1x1024xi32, #tpu.memory_space<vmem>> -> memref<1024xi32, #tpu.memory_space<vmem>>
      %dma_wait3A_604 = arith.constant 0 : i32
      %dma_wait3A_605 = tpu.memref_slice %dma_wait3A_603[%dma_wait3A_604] : memref<1024xi32, #tpu.memory_space<vmem>> -> memref<128xi32, #tpu.memory_space<vmem>>
      %dma_wait3A_606 = arith.constant 0 : i32
      %dma_wait3A_607 = arith.constant 0 : i32
      %dma_wait3A_608 = tpu.memref_slice %arg2[%dma_wait3A_606, %dma_wait3A_607] : memref<10000x128xf32, #tpu.memory_space<hbm>> -> memref<10000x128xf32, #tpu.memory_space<hbm>>
      tpu.wait_indirect_dma semaphore(%arg13 : memref<!tpu.dma_semaphore, #tpu.memory_space<semaphore_mem>>) src(%dma_wait3A_608 : memref<10000x128xf32, #tpu.memory_space<hbm>>) dst(%arg11 : memref<128x128xf32, #tpu.memory_space<vmem>>)
      %dma_start3A_609 = arith.constant 15 : i32
      %dma_start3A_610 = arith.constant 0 : i32
      %dma_start3A_611 = tpu.memref_slice %arg9[%dma_start3A_609, %dma_start3A_610] : memref<16x128xi32, #tpu.memory_space<vmem>> -> memref<1x128xi32, #tpu.memory_space<vmem>>
      %dma_start3A_612 = tpu.memref_squeeze %dma_start3A_611 : memref<1x128xi32, #tpu.memory_space<vmem>> -> memref<128xi32, #tpu.memory_space<vmem>>
      %dma_start3A_613 = arith.constant 0 : i32
      %dma_start3A_614 = arith.constant 0 : i32
      %dma_start3A_615 = tpu.memref_slice %arg7[%dma_start3A_613, %dma_start3A_614] : memref<10112x128xf32, #tpu.memory_space<vmem_shared>> -> memref<10112x128xf32, #tpu.memory_space<vmem_shared>>
      tpu.enqueue_indirect_dma source(%arg11 : memref<128x128xf32, #tpu.memory_space<vmem>>) target(%dma_start3A_615 : memref<10112x128xf32, #tpu.memory_space<vmem_shared>>) offsets(%dma_start3A_612 : memref<128xi32, #tpu.memory_space<vmem>>) semaphore(%arg15 : memref<!tpu.dma_semaphore, #tpu.memory_space<semaphore_mem>>) {add = true}
      %dma_wait3A_616 = arith.constant 0 : i32
      %dma_wait3A_617 = arith.constant 0 : i32
      %dma_wait3A_618 = tpu.memref_slice %arg9[%dma_wait3A_616, %dma_wait3A_617] : memref<16x128xi32, #tpu.memory_space<vmem>> -> memref<1x128xi32, #tpu.memory_space<vmem>>
      %dma_wait3A_619 = tpu.memref_squeeze %dma_wait3A_618 : memref<1x128xi32, #tpu.memory_space<vmem>> -> memref<128xi32, #tpu.memory_space<vmem>>
      %dma_wait3A_620 = arith.constant 0 : i32
      %dma_wait3A_621 = arith.constant 0 : i32
      %dma_wait3A_622 = tpu.memref_slice %arg7[%dma_wait3A_620, %dma_wait3A_621] : memref<10112x128xf32, #tpu.memory_space<vmem_shared>> -> memref<10112x128xf32, #tpu.memory_space<vmem_shared>>
      tpu.wait_indirect_dma semaphore(%arg14 : memref<!tpu.dma_semaphore, #tpu.memory_space<semaphore_mem>>) src(%arg10 : memref<128x128xf32, #tpu.memory_space<vmem>>) dst(%dma_wait3A_622 : memref<10112x128xf32, #tpu.memory_space<vmem_shared>>)
      %dma_wait3A_623 = arith.constant 0 : i32
      %dma_wait3A_624 = arith.constant 0 : i32
      %dma_wait3A_625 = tpu.memref_slice %arg9[%dma_wait3A_623, %dma_wait3A_624] : memref<16x128xi32, #tpu.memory_space<vmem>> -> memref<1x128xi32, #tpu.memory_space<vmem>>
      %dma_wait3A_626 = tpu.memref_squeeze %dma_wait3A_625 : memref<1x128xi32, #tpu.memory_space<vmem>> -> memref<128xi32, #tpu.memory_space<vmem>>
      %dma_wait3A_627 = arith.constant 0 : i32
      %dma_wait3A_628 = arith.constant 0 : i32
      %dma_wait3A_629 = tpu.memref_slice %arg7[%dma_wait3A_627, %dma_wait3A_628] : memref<10112x128xf32, #tpu.memory_space<vmem_shared>> -> memref<10112x128xf32, #tpu.memory_space<vmem_shared>>
      tpu.wait_indirect_dma semaphore(%arg15 : memref<!tpu.dma_semaphore, #tpu.memory_space<semaphore_mem>>) src(%arg11 : memref<128x128xf32, #tpu.memory_space<vmem>>) dst(%dma_wait3A_629 : memref<10112x128xf32, #tpu.memory_space<vmem_shared>>)
    }
    %while3A_45 = arith.constant 1 : i32
    scf.for %while3A_56 = %while3A_43 to %while3A_39 step %while3A_45  : i32 {
      %mul3A_57 = arith.constant 2 : i32
      %mul3A_58 = arith.muli %mul3A_57, %while3A_56 : i32
      %add3A_59 = arith.constant 0 : i32
      %add3A_60 = arith.addi %mul3A_58, %add3A_59 : i32
      %add3A_61 = arith.constant 1 : i32
      %add3A_62 = arith.addi %add3A_60, %add3A_61 : i32
      %lt3A = arith.cmpi slt, %add3A_62, %select_n3A_8 : i32
      %convert_element_type3A_63 = arith.extui %lt3A : i1 to i32
      %cond3A_64 = arith.constant 0 : i32
      %cond3A_65 = arith.cmpi ne, %convert_element_type3A_63, %cond3A_64 : i32
      scf.if %cond3A_65 {
        %add3A_630 = arith.constant 0 : i32
        %add3A_631 = arith.addi %mul3A_58, %add3A_630 : i32
        %add3A_632 = arith.constant 1 : i32
        %add3A_633 = arith.addi %add3A_631, %add3A_632 : i32
        %mul3A_634 = arith.constant 8 : i32
        %mul3A_635 = arith.muli %add3A_633, %mul3A_634 : i32
        %add3A_636 = arith.addi %select_n3A, %mul3A_635 : i32
        %mul3A_637 = arith.constant 128 : i32
        %mul3A_638 = arith.muli %add3A_636, %mul3A_637 : i32
        %dma_start3A_639 = arith.constant 1 : i32
        %dma_start3A_640 = arith.constant 0 : i32
        %dma_start3A_641 = tpu.memref_slice %arg8[%dma_start3A_639, %dma_start3A_640] : memref<2x1024xi32, #tpu.memory_space<vmem>> -> memref<1x1024xi32, #tpu.memory_space<vmem>>
        %dma_start3A_642 = tpu.memref_squeeze %dma_start3A_641 : memref<1x1024xi32, #tpu.memory_space<vmem>> -> memref<1024xi32, #tpu.memory_space<vmem>>
        %dma_start3A_643 = tpu.memref_slice %arg3[%mul3A_638] : memref<327680xi32, #tpu.memory_space<hbm>> -> memref<1024xi32, #tpu.memory_space<hbm>>
        %dma_start3A_644 = arith.constant 0 : i32
        %dma_start3A_645 = tpu.memref_slice %arg8[%dma_start3A_639, %dma_start3A_644] : memref<2x1024xi32, #tpu.memory_space<vmem>> -> memref<1x1024xi32, #tpu.memory_space<vmem>>
        %dma_start3A_646 = tpu.memref_squeeze %dma_start3A_645 : memref<1x1024xi32, #tpu.memory_space<vmem>> -> memref<1024xi32, #tpu.memory_space<vmem>>
        %dma_start3A_647 = tpu.memref_slice %arg3[%mul3A_638] : memref<327680xi32, #tpu.memory_space<hbm>> -> memref<1024xi32, #tpu.memory_space<hbm>>
        tpu.enqueue_dma source(%dma_start3A_647 : memref<1024xi32, #tpu.memory_space<hbm>>) target(%dma_start3A_646 : memref<1024xi32, #tpu.memory_space<vmem>>) target_semaphore(%arg17 : memref<!tpu.dma_semaphore, #tpu.memory_space<semaphore_mem>>)
        %dma_start3A_648 = arith.constant 8 : i32
        %dma_start3A_649 = arith.constant 0 : i32
        %dma_start3A_650 = tpu.memref_slice %arg9[%dma_start3A_648, %dma_start3A_649] : memref<16x128xi32, #tpu.memory_space<vmem>> -> memref<8x128xi32, #tpu.memory_space<vmem>>
        %dma_start3A_651 = arith.constant 0 : i32
        %dma_start3A_652 = tpu.memref_slice %arg4[%add3A_636, %dma_start3A_651] : memref<2560x128xi32, #tpu.memory_space<hbm>> -> memref<8x128xi32, #tpu.memory_space<hbm>>
        %dma_start3A_653 = arith.constant 8 : i32
        %dma_start3A_654 = arith.constant 0 : i32
        %dma_start3A_655 = tpu.memref_slice %arg9[%dma_start3A_653, %dma_start3A_654] : memref<16x128xi32, #tpu.memory_space<vmem>> -> memref<8x128xi32, #tpu.memory_space<vmem>>
        %dma_start3A_656 = arith.constant 0 : i32
        %dma_start3A_657 = tpu.memref_slice %arg4[%add3A_636, %dma_start3A_656] : memref<2560x128xi32, #tpu.memory_space<hbm>> -> memref<8x128xi32, #tpu.memory_space<hbm>>
        tpu.enqueue_dma source(%dma_start3A_657 : memref<8x128xi32, #tpu.memory_space<hbm>>) target(%dma_start3A_655 : memref<8x128xi32, #tpu.memory_space<vmem>>) target_semaphore(%arg17 : memref<!tpu.dma_semaphore, #tpu.memory_space<semaphore_mem>>)
      } else {
      }
      %dma_wait3A = arith.constant 0 : i32
      %dma_wait3A_66 = arith.constant 0 : i32
      %dma_wait3A_67 = tpu.memref_slice %arg8[%dma_wait3A, %dma_wait3A_66] : memref<2x1024xi32, #tpu.memory_space<vmem>> -> memref<1x1024xi32, #tpu.memory_space<vmem>>
      %dma_wait3A_68 = tpu.memref_squeeze %dma_wait3A_67 : memref<1x1024xi32, #tpu.memory_space<vmem>> -> memref<1024xi32, #tpu.memory_space<vmem>>
      %dma_wait3A_69 = arith.constant 0 : i32
      %dma_wait3A_70 = tpu.memref_slice %arg3[%dma_wait3A_69] : memref<327680xi32, #tpu.memory_space<hbm>> -> memref<1024xi32, #tpu.memory_space<hbm>>
      %dma_wait3A_71 = arith.constant 0 : i32
      %dma_wait3A_72 = tpu.memref_slice %arg8[%dma_wait3A, %dma_wait3A_71] : memref<2x1024xi32, #tpu.memory_space<vmem>> -> memref<1x1024xi32, #tpu.memory_space<vmem>>
      %dma_wait3A_73 = tpu.memref_squeeze %dma_wait3A_72 : memref<1x1024xi32, #tpu.memory_space<vmem>> -> memref<1024xi32, #tpu.memory_space<vmem>>
      %dma_wait3A_74 = arith.constant 0 : i32
      %dma_wait3A_75 = tpu.memref_slice %arg3[%dma_wait3A_74] : memref<327680xi32, #tpu.memory_space<hbm>> -> memref<1024xi32, #tpu.memory_space<hbm>>
      tpu.wait_dma2 semaphore(%arg16 : memref<!tpu.dma_semaphore, #tpu.memory_space<semaphore_mem>>) src(%dma_wait3A_75 : memref<1024xi32, #tpu.memory_space<hbm>>) dst(%dma_wait3A_73 : memref<1024xi32, #tpu.memory_space<vmem>>)
      %dma_wait3A_76 = arith.constant 0 : i32
      %dma_wait3A_77 = arith.constant 0 : i32
      %dma_wait3A_78 = tpu.memref_slice %arg9[%dma_wait3A_76, %dma_wait3A_77] : memref<16x128xi32, #tpu.memory_space<vmem>> -> memref<8x128xi32, #tpu.memory_space<vmem>>
      %dma_wait3A_79 = arith.constant 0 : i32
      %dma_wait3A_80 = arith.constant 0 : i32
      %dma_wait3A_81 = tpu.memref_slice %arg4[%dma_wait3A_79, %dma_wait3A_80] : memref<2560x128xi32, #tpu.memory_space<hbm>> -> memref<8x128xi32, #tpu.memory_space<hbm>>
      %dma_wait3A_82 = arith.constant 0 : i32
      %dma_wait3A_83 = arith.constant 0 : i32
      %dma_wait3A_84 = tpu.memref_slice %arg9[%dma_wait3A_82, %dma_wait3A_83] : memref<16x128xi32, #tpu.memory_space<vmem>> -> memref<8x128xi32, #tpu.memory_space<vmem>>
      %dma_wait3A_85 = arith.constant 0 : i32
      %dma_wait3A_86 = arith.constant 0 : i32
      %dma_wait3A_87 = tpu.memref_slice %arg4[%dma_wait3A_85, %dma_wait3A_86] : memref<2560x128xi32, #tpu.memory_space<hbm>> -> memref<8x128xi32, #tpu.memory_space<hbm>>
      tpu.wait_dma2 semaphore(%arg16 : memref<!tpu.dma_semaphore, #tpu.memory_space<semaphore_mem>>) src(%dma_wait3A_87 : memref<8x128xi32, #tpu.memory_space<hbm>>) dst(%dma_wait3A_84 : memref<8x128xi32, #tpu.memory_space<vmem>>)
      %dma_start3A = arith.constant 0 : i32
      %dma_start3A_88 = arith.constant 0 : i32
      %dma_start3A_89 = tpu.memref_slice %arg8[%dma_start3A, %dma_start3A_88] : memref<2x1024xi32, #tpu.memory_space<vmem>> -> memref<1x1024xi32, #tpu.memory_space<vmem>>
      %dma_start3A_90 = tpu.memref_squeeze %dma_start3A_89 : memref<1x1024xi32, #tpu.memory_space<vmem>> -> memref<1024xi32, #tpu.memory_space<vmem>>
      %dma_start3A_91 = arith.constant 0 : i32
      %dma_start3A_92 = tpu.memref_slice %dma_start3A_90[%dma_start3A_91] : memref<1024xi32, #tpu.memory_space<vmem>> -> memref<128xi32, #tpu.memory_space<vmem>>
      %dma_start3A_93 = arith.constant 0 : i32
      %dma_start3A_94 = arith.constant 0 : i32
      %dma_start3A_95 = tpu.memref_slice %arg2[%dma_start3A_93, %dma_start3A_94] : memref<10000x128xf32, #tpu.memory_space<hbm>> -> memref<10000x128xf32, #tpu.memory_space<hbm>>
      tpu.enqueue_indirect_dma source(%dma_start3A_95 : memref<10000x128xf32, #tpu.memory_space<hbm>>) target(%arg10 : memref<128x128xf32, #tpu.memory_space<vmem>>) offsets(%dma_start3A_92 : memref<128xi32, #tpu.memory_space<vmem>>) semaphore(%arg12 : memref<!tpu.dma_semaphore, #tpu.memory_space<semaphore_mem>>)
      %dma_start3A_96 = arith.constant 0 : i32
      %dma_start3A_97 = arith.constant 0 : i32
      %dma_start3A_98 = tpu.memref_slice %arg8[%dma_start3A_96, %dma_start3A_97] : memref<2x1024xi32, #tpu.memory_space<vmem>> -> memref<1x1024xi32, #tpu.memory_space<vmem>>
      %dma_start3A_99 = tpu.memref_squeeze %dma_start3A_98 : memref<1x1024xi32, #tpu.memory_space<vmem>> -> memref<1024xi32, #tpu.memory_space<vmem>>
      %dma_start3A_100 = arith.constant 128 : i32
      %dma_start3A_101 = tpu.memref_slice %dma_start3A_99[%dma_start3A_100] : memref<1024xi32, #tpu.memory_space<vmem>> -> memref<128xi32, #tpu.memory_space<vmem>>
      %dma_start3A_102 = arith.constant 0 : i32
      %dma_start3A_103 = arith.constant 0 : i32
      %dma_start3A_104 = tpu.memref_slice %arg2[%dma_start3A_102, %dma_start3A_103] : memref<10000x128xf32, #tpu.memory_space<hbm>> -> memref<10000x128xf32, #tpu.memory_space<hbm>>
      tpu.enqueue_indirect_dma source(%dma_start3A_104 : memref<10000x128xf32, #tpu.memory_space<hbm>>) target(%arg11 : memref<128x128xf32, #tpu.memory_space<vmem>>) offsets(%dma_start3A_101 : memref<128xi32, #tpu.memory_space<vmem>>) semaphore(%arg13 : memref<!tpu.dma_semaphore, #tpu.memory_space<semaphore_mem>>)
      %dma_wait3A_105 = arith.constant 0 : i32
      %dma_wait3A_106 = arith.constant 0 : i32
      %dma_wait3A_107 = tpu.memref_slice %arg8[%dma_wait3A_105, %dma_wait3A_106] : memref<2x1024xi32, #tpu.memory_space<vmem>> -> memref<1x1024xi32, #tpu.memory_space<vmem>>
      %dma_wait3A_108 = tpu.memref_squeeze %dma_wait3A_107 : memref<1x1024xi32, #tpu.memory_space<vmem>> -> memref<1024xi32, #tpu.memory_space<vmem>>
      %dma_wait3A_109 = arith.constant 0 : i32
      %dma_wait3A_110 = tpu.memref_slice %dma_wait3A_108[%dma_wait3A_109] : memref<1024xi32, #tpu.memory_space<vmem>> -> memref<128xi32, #tpu.memory_space<vmem>>
      %dma_wait3A_111 = arith.constant 0 : i32
      %dma_wait3A_112 = arith.constant 0 : i32
      %dma_wait3A_113 = tpu.memref_slice %arg2[%dma_wait3A_111, %dma_wait3A_112] : memref<10000x128xf32, #tpu.memory_space<hbm>> -> memref<10000x128xf32, #tpu.memory_space<hbm>>
      tpu.wait_indirect_dma semaphore(%arg12 : memref<!tpu.dma_semaphore, #tpu.memory_space<semaphore_mem>>) src(%dma_wait3A_113 : memref<10000x128xf32, #tpu.memory_space<hbm>>) dst(%arg10 : memref<128x128xf32, #tpu.memory_space<vmem>>)
      %dma_start3A_114 = arith.constant 0 : i32
      %dma_start3A_115 = arith.constant 0 : i32
      %dma_start3A_116 = tpu.memref_slice %arg9[%dma_start3A_114, %dma_start3A_115] : memref<16x128xi32, #tpu.memory_space<vmem>> -> memref<1x128xi32, #tpu.memory_space<vmem>>
      %dma_start3A_117 = tpu.memref_squeeze %dma_start3A_116 : memref<1x128xi32, #tpu.memory_space<vmem>> -> memref<128xi32, #tpu.memory_space<vmem>>
      %dma_start3A_118 = arith.constant 0 : i32
      %dma_start3A_119 = arith.constant 0 : i32
      %dma_start3A_120 = tpu.memref_slice %arg7[%dma_start3A_118, %dma_start3A_119] : memref<10112x128xf32, #tpu.memory_space<vmem_shared>> -> memref<10112x128xf32, #tpu.memory_space<vmem_shared>>
      tpu.enqueue_indirect_dma source(%arg10 : memref<128x128xf32, #tpu.memory_space<vmem>>) target(%dma_start3A_120 : memref<10112x128xf32, #tpu.memory_space<vmem_shared>>) offsets(%dma_start3A_117 : memref<128xi32, #tpu.memory_space<vmem>>) semaphore(%arg14 : memref<!tpu.dma_semaphore, #tpu.memory_space<semaphore_mem>>) {add = true}
      %dma_wait3A_121 = arith.constant 0 : i32
      %dma_wait3A_122 = arith.constant 0 : i32
      %dma_wait3A_123 = tpu.memref_slice %arg9[%dma_wait3A_121, %dma_wait3A_122] : memref<16x128xi32, #tpu.memory_space<vmem>> -> memref<1x128xi32, #tpu.memory_space<vmem>>
      %dma_wait3A_124 = tpu.memref_squeeze %dma_wait3A_123 : memref<1x128xi32, #tpu.memory_space<vmem>> -> memref<128xi32, #tpu.memory_space<vmem>>
      %dma_wait3A_125 = arith.constant 0 : i32
      %dma_wait3A_126 = arith.constant 0 : i32
      %dma_wait3A_127 = tpu.memref_slice %arg7[%dma_wait3A_125, %dma_wait3A_126] : memref<10112x128xf32, #tpu.memory_space<vmem_shared>> -> memref<10112x128xf32, #tpu.memory_space<vmem_shared>>
      tpu.wait_indirect_dma semaphore(%arg14 : memref<!tpu.dma_semaphore, #tpu.memory_space<semaphore_mem>>) src(%arg10 : memref<128x128xf32, #tpu.memory_space<vmem>>) dst(%dma_wait3A_127 : memref<10112x128xf32, #tpu.memory_space<vmem_shared>>)
      %dma_start3A_128 = arith.constant 0 : i32
      %dma_start3A_129 = arith.constant 0 : i32
      %dma_start3A_130 = tpu.memref_slice %arg8[%dma_start3A_128, %dma_start3A_129] : memref<2x1024xi32, #tpu.memory_space<vmem>> -> memref<1x1024xi32, #tpu.memory_space<vmem>>
      %dma_start3A_131 = tpu.memref_squeeze %dma_start3A_130 : memref<1x1024xi32, #tpu.memory_space<vmem>> -> memref<1024xi32, #tpu.memory_space<vmem>>
      %dma_start3A_132 = arith.constant 256 : i32
      %dma_start3A_133 = tpu.memref_slice %dma_start3A_131[%dma_start3A_132] : memref<1024xi32, #tpu.memory_space<vmem>> -> memref<128xi32, #tpu.memory_space<vmem>>
      %dma_start3A_134 = arith.constant 0 : i32
      %dma_start3A_135 = arith.constant 0 : i32
      %dma_start3A_136 = tpu.memref_slice %arg2[%dma_start3A_134, %dma_start3A_135] : memref<10000x128xf32, #tpu.memory_space<hbm>> -> memref<10000x128xf32, #tpu.memory_space<hbm>>
      tpu.enqueue_indirect_dma source(%dma_start3A_136 : memref<10000x128xf32, #tpu.memory_space<hbm>>) target(%arg10 : memref<128x128xf32, #tpu.memory_space<vmem>>) offsets(%dma_start3A_133 : memref<128xi32, #tpu.memory_space<vmem>>) semaphore(%arg12 : memref<!tpu.dma_semaphore, #tpu.memory_space<semaphore_mem>>)
      %dma_wait3A_137 = arith.constant 0 : i32
      %dma_wait3A_138 = arith.constant 0 : i32
      %dma_wait3A_139 = tpu.memref_slice %arg8[%dma_wait3A_137, %dma_wait3A_138] : memref<2x1024xi32, #tpu.memory_space<vmem>> -> memref<1x1024xi32, #tpu.memory_space<vmem>>
      %dma_wait3A_140 = tpu.memref_squeeze %dma_wait3A_139 : memref<1x1024xi32, #tpu.memory_space<vmem>> -> memref<1024xi32, #tpu.memory_space<vmem>>
      %dma_wait3A_141 = arith.constant 0 : i32
      %dma_wait3A_142 = tpu.memref_slice %dma_wait3A_140[%dma_wait3A_141] : memref<1024xi32, #tpu.memory_space<vmem>> -> memref<128xi32, #tpu.memory_space<vmem>>
      %dma_wait3A_143 = arith.constant 0 : i32
      %dma_wait3A_144 = arith.constant 0 : i32
      %dma_wait3A_145 = tpu.memref_slice %arg2[%dma_wait3A_143, %dma_wait3A_144] : memref<10000x128xf32, #tpu.memory_space<hbm>> -> memref<10000x128xf32, #tpu.memory_space<hbm>>
      tpu.wait_indirect_dma semaphore(%arg13 : memref<!tpu.dma_semaphore, #tpu.memory_space<semaphore_mem>>) src(%dma_wait3A_145 : memref<10000x128xf32, #tpu.memory_space<hbm>>) dst(%arg11 : memref<128x128xf32, #tpu.memory_space<vmem>>)
      %dma_start3A_146 = arith.constant 1 : i32
      %dma_start3A_147 = arith.constant 0 : i32
      %dma_start3A_148 = tpu.memref_slice %arg9[%dma_start3A_146, %dma_start3A_147] : memref<16x128xi32, #tpu.memory_space<vmem>> -> memref<1x128xi32, #tpu.memory_space<vmem>>
      %dma_start3A_149 = tpu.memref_squeeze %dma_start3A_148 : memref<1x128xi32, #tpu.memory_space<vmem>> -> memref<128xi32, #tpu.memory_space<vmem>>
      %dma_start3A_150 = arith.constant 0 : i32
      %dma_start3A_151 = arith.constant 0 : i32
      %dma_start3A_152 = tpu.memref_slice %arg7[%dma_start3A_150, %dma_start3A_151] : memref<10112x128xf32, #tpu.memory_space<vmem_shared>> -> memref<10112x128xf32, #tpu.memory_space<vmem_shared>>
      tpu.enqueue_indirect_dma source(%arg11 : memref<128x128xf32, #tpu.memory_space<vmem>>) target(%dma_start3A_152 : memref<10112x128xf32, #tpu.memory_space<vmem_shared>>) offsets(%dma_start3A_149 : memref<128xi32, #tpu.memory_space<vmem>>) semaphore(%arg15 : memref<!tpu.dma_semaphore, #tpu.memory_space<semaphore_mem>>) {add = true}
      %dma_wait3A_153 = arith.constant 0 : i32
      %dma_wait3A_154 = arith.constant 0 : i32
      %dma_wait3A_155 = tpu.memref_slice %arg9[%dma_wait3A_153, %dma_wait3A_154] : memref<16x128xi32, #tpu.memory_space<vmem>> -> memref<1x128xi32, #tpu.memory_space<vmem>>
      %dma_wait3A_156 = tpu.memref_squeeze %dma_wait3A_155 : memref<1x128xi32, #tpu.memory_space<vmem>> -> memref<128xi32, #tpu.memory_space<vmem>>
      %dma_wait3A_157 = arith.constant 0 : i32
      %dma_wait3A_158 = arith.constant 0 : i32
      %dma_wait3A_159 = tpu.memref_slice %arg7[%dma_wait3A_157, %dma_wait3A_158] : memref<10112x128xf32, #tpu.memory_space<vmem_shared>> -> memref<10112x128xf32, #tpu.memory_space<vmem_shared>>
      tpu.wait_indirect_dma semaphore(%arg15 : memref<!tpu.dma_semaphore, #tpu.memory_space<semaphore_mem>>) src(%arg11 : memref<128x128xf32, #tpu.memory_space<vmem>>) dst(%dma_wait3A_159 : memref<10112x128xf32, #tpu.memory_space<vmem_shared>>)
      %dma_start3A_160 = arith.constant 0 : i32
      %dma_start3A_161 = arith.constant 0 : i32
      %dma_start3A_162 = tpu.memref_slice %arg8[%dma_start3A_160, %dma_start3A_161] : memref<2x1024xi32, #tpu.memory_space<vmem>> -> memref<1x1024xi32, #tpu.memory_space<vmem>>
      %dma_start3A_163 = tpu.memref_squeeze %dma_start3A_162 : memref<1x1024xi32, #tpu.memory_space<vmem>> -> memref<1024xi32, #tpu.memory_space<vmem>>
      %dma_start3A_164 = arith.constant 384 : i32
      %dma_start3A_165 = tpu.memref_slice %dma_start3A_163[%dma_start3A_164] : memref<1024xi32, #tpu.memory_space<vmem>> -> memref<128xi32, #tpu.memory_space<vmem>>
      %dma_start3A_166 = arith.constant 0 : i32
      %dma_start3A_167 = arith.constant 0 : i32
      %dma_start3A_168 = tpu.memref_slice %arg2[%dma_start3A_166, %dma_start3A_167] : memref<10000x128xf32, #tpu.memory_space<hbm>> -> memref<10000x128xf32, #tpu.memory_space<hbm>>
      tpu.enqueue_indirect_dma source(%dma_start3A_168 : memref<10000x128xf32, #tpu.memory_space<hbm>>) target(%arg11 : memref<128x128xf32, #tpu.memory_space<vmem>>) offsets(%dma_start3A_165 : memref<128xi32, #tpu.memory_space<vmem>>) semaphore(%arg13 : memref<!tpu.dma_semaphore, #tpu.memory_space<semaphore_mem>>)
      %dma_wait3A_169 = arith.constant 0 : i32
      %dma_wait3A_170 = arith.constant 0 : i32
      %dma_wait3A_171 = tpu.memref_slice %arg8[%dma_wait3A_169, %dma_wait3A_170] : memref<2x1024xi32, #tpu.memory_space<vmem>> -> memref<1x1024xi32, #tpu.memory_space<vmem>>
      %dma_wait3A_172 = tpu.memref_squeeze %dma_wait3A_171 : memref<1x1024xi32, #tpu.memory_space<vmem>> -> memref<1024xi32, #tpu.memory_space<vmem>>
      %dma_wait3A_173 = arith.constant 0 : i32
      %dma_wait3A_174 = tpu.memref_slice %dma_wait3A_172[%dma_wait3A_173] : memref<1024xi32, #tpu.memory_space<vmem>> -> memref<128xi32, #tpu.memory_space<vmem>>
      %dma_wait3A_175 = arith.constant 0 : i32
      %dma_wait3A_176 = arith.constant 0 : i32
      %dma_wait3A_177 = tpu.memref_slice %arg2[%dma_wait3A_175, %dma_wait3A_176] : memref<10000x128xf32, #tpu.memory_space<hbm>> -> memref<10000x128xf32, #tpu.memory_space<hbm>>
      tpu.wait_indirect_dma semaphore(%arg12 : memref<!tpu.dma_semaphore, #tpu.memory_space<semaphore_mem>>) src(%dma_wait3A_177 : memref<10000x128xf32, #tpu.memory_space<hbm>>) dst(%arg10 : memref<128x128xf32, #tpu.memory_space<vmem>>)
      %dma_start3A_178 = arith.constant 2 : i32
      %dma_start3A_179 = arith.constant 0 : i32
      %dma_start3A_180 = tpu.memref_slice %arg9[%dma_start3A_178, %dma_start3A_179] : memref<16x128xi32, #tpu.memory_space<vmem>> -> memref<1x128xi32, #tpu.memory_space<vmem>>
      %dma_start3A_181 = tpu.memref_squeeze %dma_start3A_180 : memref<1x128xi32, #tpu.memory_space<vmem>> -> memref<128xi32, #tpu.memory_space<vmem>>
      %dma_start3A_182 = arith.constant 0 : i32
      %dma_start3A_183 = arith.constant 0 : i32
      %dma_start3A_184 = tpu.memref_slice %arg7[%dma_start3A_182, %dma_start3A_183] : memref<10112x128xf32, #tpu.memory_space<vmem_shared>> -> memref<10112x128xf32, #tpu.memory_space<vmem_shared>>
      tpu.enqueue_indirect_dma source(%arg10 : memref<128x128xf32, #tpu.memory_space<vmem>>) target(%dma_start3A_184 : memref<10112x128xf32, #tpu.memory_space<vmem_shared>>) offsets(%dma_start3A_181 : memref<128xi32, #tpu.memory_space<vmem>>) semaphore(%arg14 : memref<!tpu.dma_semaphore, #tpu.memory_space<semaphore_mem>>) {add = true}
      %dma_wait3A_185 = arith.constant 0 : i32
      %dma_wait3A_186 = arith.constant 0 : i32
      %dma_wait3A_187 = tpu.memref_slice %arg9[%dma_wait3A_185, %dma_wait3A_186] : memref<16x128xi32, #tpu.memory_space<vmem>> -> memref<1x128xi32, #tpu.memory_space<vmem>>
      %dma_wait3A_188 = tpu.memref_squeeze %dma_wait3A_187 : memref<1x128xi32, #tpu.memory_space<vmem>> -> memref<128xi32, #tpu.memory_space<vmem>>
      %dma_wait3A_189 = arith.constant 0 : i32
      %dma_wait3A_190 = arith.constant 0 : i32
      %dma_wait3A_191 = tpu.memref_slice %arg7[%dma_wait3A_189, %dma_wait3A_190] : memref<10112x128xf32, #tpu.memory_space<vmem_shared>> -> memref<10112x128xf32, #tpu.memory_space<vmem_shared>>
      tpu.wait_indirect_dma semaphore(%arg14 : memref<!tpu.dma_semaphore, #tpu.memory_space<semaphore_mem>>) src(%arg10 : memref<128x128xf32, #tpu.memory_space<vmem>>) dst(%dma_wait3A_191 : memref<10112x128xf32, #tpu.memory_space<vmem_shared>>)
      %dma_start3A_192 = arith.constant 0 : i32
      %dma_start3A_193 = arith.constant 0 : i32
      %dma_start3A_194 = tpu.memref_slice %arg8[%dma_start3A_192, %dma_start3A_193] : memref<2x1024xi32, #tpu.memory_space<vmem>> -> memref<1x1024xi32, #tpu.memory_space<vmem>>
      %dma_start3A_195 = tpu.memref_squeeze %dma_start3A_194 : memref<1x1024xi32, #tpu.memory_space<vmem>> -> memref<1024xi32, #tpu.memory_space<vmem>>
      %dma_start3A_196 = arith.constant 512 : i32
      %dma_start3A_197 = tpu.memref_slice %dma_start3A_195[%dma_start3A_196] : memref<1024xi32, #tpu.memory_space<vmem>> -> memref<128xi32, #tpu.memory_space<vmem>>
      %dma_start3A_198 = arith.constant 0 : i32
      %dma_start3A_199 = arith.constant 0 : i32
      %dma_start3A_200 = tpu.memref_slice %arg2[%dma_start3A_198, %dma_start3A_199] : memref<10000x128xf32, #tpu.memory_space<hbm>> -> memref<10000x128xf32, #tpu.memory_space<hbm>>
      tpu.enqueue_indirect_dma source(%dma_start3A_200 : memref<10000x128xf32, #tpu.memory_space<hbm>>) target(%arg10 : memref<128x128xf32, #tpu.memory_space<vmem>>) offsets(%dma_start3A_197 : memref<128xi32, #tpu.memory_space<vmem>>) semaphore(%arg12 : memref<!tpu.dma_semaphore, #tpu.memory_space<semaphore_mem>>)
      %dma_wait3A_201 = arith.constant 0 : i32
      %dma_wait3A_202 = arith.constant 0 : i32
      %dma_wait3A_203 = tpu.memref_slice %arg8[%dma_wait3A_201, %dma_wait3A_202] : memref<2x1024xi32, #tpu.memory_space<vmem>> -> memref<1x1024xi32, #tpu.memory_space<vmem>>
      %dma_wait3A_204 = tpu.memref_squeeze %dma_wait3A_203 : memref<1x1024xi32, #tpu.memory_space<vmem>> -> memref<1024xi32, #tpu.memory_space<vmem>>
      %dma_wait3A_205 = arith.constant 0 : i32
      %dma_wait3A_206 = tpu.memref_slice %dma_wait3A_204[%dma_wait3A_205] : memref<1024xi32, #tpu.memory_space<vmem>> -> memref<128xi32, #tpu.memory_space<vmem>>
      %dma_wait3A_207 = arith.constant 0 : i32
      %dma_wait3A_208 = arith.constant 0 : i32
      %dma_wait3A_209 = tpu.memref_slice %arg2[%dma_wait3A_207, %dma_wait3A_208] : memref<10000x128xf32, #tpu.memory_space<hbm>> -> memref<10000x128xf32, #tpu.memory_space<hbm>>
      tpu.wait_indirect_dma semaphore(%arg13 : memref<!tpu.dma_semaphore, #tpu.memory_space<semaphore_mem>>) src(%dma_wait3A_209 : memref<10000x128xf32, #tpu.memory_space<hbm>>) dst(%arg11 : memref<128x128xf32, #tpu.memory_space<vmem>>)
      %dma_start3A_210 = arith.constant 3 : i32
      %dma_start3A_211 = arith.constant 0 : i32
      %dma_start3A_212 = tpu.memref_slice %arg9[%dma_start3A_210, %dma_start3A_211] : memref<16x128xi32, #tpu.memory_space<vmem>> -> memref<1x128xi32, #tpu.memory_space<vmem>>
      %dma_start3A_213 = tpu.memref_squeeze %dma_start3A_212 : memref<1x128xi32, #tpu.memory_space<vmem>> -> memref<128xi32, #tpu.memory_space<vmem>>
      %dma_start3A_214 = arith.constant 0 : i32
      %dma_start3A_215 = arith.constant 0 : i32
      %dma_start3A_216 = tpu.memref_slice %arg7[%dma_start3A_214, %dma_start3A_215] : memref<10112x128xf32, #tpu.memory_space<vmem_shared>> -> memref<10112x128xf32, #tpu.memory_space<vmem_shared>>
      tpu.enqueue_indirect_dma source(%arg11 : memref<128x128xf32, #tpu.memory_space<vmem>>) target(%dma_start3A_216 : memref<10112x128xf32, #tpu.memory_space<vmem_shared>>) offsets(%dma_start3A_213 : memref<128xi32, #tpu.memory_space<vmem>>) semaphore(%arg15 : memref<!tpu.dma_semaphore, #tpu.memory_space<semaphore_mem>>) {add = true}
      %dma_wait3A_217 = arith.constant 0 : i32
      %dma_wait3A_218 = arith.constant 0 : i32
      %dma_wait3A_219 = tpu.memref_slice %arg9[%dma_wait3A_217, %dma_wait3A_218] : memref<16x128xi32, #tpu.memory_space<vmem>> -> memref<1x128xi32, #tpu.memory_space<vmem>>
      %dma_wait3A_220 = tpu.memref_squeeze %dma_wait3A_219 : memref<1x128xi32, #tpu.memory_space<vmem>> -> memref<128xi32, #tpu.memory_space<vmem>>
      %dma_wait3A_221 = arith.constant 0 : i32
      %dma_wait3A_222 = arith.constant 0 : i32
      %dma_wait3A_223 = tpu.memref_slice %arg7[%dma_wait3A_221, %dma_wait3A_222] : memref<10112x128xf32, #tpu.memory_space<vmem_shared>> -> memref<10112x128xf32, #tpu.memory_space<vmem_shared>>
      tpu.wait_indirect_dma semaphore(%arg15 : memref<!tpu.dma_semaphore, #tpu.memory_space<semaphore_mem>>) src(%arg11 : memref<128x128xf32, #tpu.memory_space<vmem>>) dst(%dma_wait3A_223 : memref<10112x128xf32, #tpu.memory_space<vmem_shared>>)
      %dma_start3A_224 = arith.constant 0 : i32
      %dma_start3A_225 = arith.constant 0 : i32
      %dma_start3A_226 = tpu.memref_slice %arg8[%dma_start3A_224, %dma_start3A_225] : memref<2x1024xi32, #tpu.memory_space<vmem>> -> memref<1x1024xi32, #tpu.memory_space<vmem>>
      %dma_start3A_227 = tpu.memref_squeeze %dma_start3A_226 : memref<1x1024xi32, #tpu.memory_space<vmem>> -> memref<1024xi32, #tpu.memory_space<vmem>>
      %dma_start3A_228 = arith.constant 640 : i32
      %dma_start3A_229 = tpu.memref_slice %dma_start3A_227[%dma_start3A_228] : memref<1024xi32, #tpu.memory_space<vmem>> -> memref<128xi32, #tpu.memory_space<vmem>>
      %dma_start3A_230 = arith.constant 0 : i32
      %dma_start3A_231 = arith.constant 0 : i32
      %dma_start3A_232 = tpu.memref_slice %arg2[%dma_start3A_230, %dma_start3A_231] : memref<10000x128xf32, #tpu.memory_space<hbm>> -> memref<10000x128xf32, #tpu.memory_space<hbm>>
      tpu.enqueue_indirect_dma source(%dma_start3A_232 : memref<10000x128xf32, #tpu.memory_space<hbm>>) target(%arg11 : memref<128x128xf32, #tpu.memory_space<vmem>>) offsets(%dma_start3A_229 : memref<128xi32, #tpu.memory_space<vmem>>) semaphore(%arg13 : memref<!tpu.dma_semaphore, #tpu.memory_space<semaphore_mem>>)
      %dma_wait3A_233 = arith.constant 0 : i32
      %dma_wait3A_234 = arith.constant 0 : i32
      %dma_wait3A_235 = tpu.memref_slice %arg8[%dma_wait3A_233, %dma_wait3A_234] : memref<2x1024xi32, #tpu.memory_space<vmem>> -> memref<1x1024xi32, #tpu.memory_space<vmem>>
      %dma_wait3A_236 = tpu.memref_squeeze %dma_wait3A_235 : memref<1x1024xi32, #tpu.memory_space<vmem>> -> memref<1024xi32, #tpu.memory_space<vmem>>
      %dma_wait3A_237 = arith.constant 0 : i32
      %dma_wait3A_238 = tpu.memref_slice %dma_wait3A_236[%dma_wait3A_237] : memref<1024xi32, #tpu.memory_space<vmem>> -> memref<128xi32, #tpu.memory_space<vmem>>
      %dma_wait3A_239 = arith.constant 0 : i32
      %dma_wait3A_240 = arith.constant 0 : i32
      %dma_wait3A_241 = tpu.memref_slice %arg2[%dma_wait3A_239, %dma_wait3A_240] : memref<10000x128xf32, #tpu.memory_space<hbm>> -> memref<10000x128xf32, #tpu.memory_space<hbm>>
      tpu.wait_indirect_dma semaphore(%arg12 : memref<!tpu.dma_semaphore, #tpu.memory_space<semaphore_mem>>) src(%dma_wait3A_241 : memref<10000x128xf32, #tpu.memory_space<hbm>>) dst(%arg10 : memref<128x128xf32, #tpu.memory_space<vmem>>)
      %dma_start3A_242 = arith.constant 4 : i32
      %dma_start3A_243 = arith.constant 0 : i32
      %dma_start3A_244 = tpu.memref_slice %arg9[%dma_start3A_242, %dma_start3A_243] : memref<16x128xi32, #tpu.memory_space<vmem>> -> memref<1x128xi32, #tpu.memory_space<vmem>>
      %dma_start3A_245 = tpu.memref_squeeze %dma_start3A_244 : memref<1x128xi32, #tpu.memory_space<vmem>> -> memref<128xi32, #tpu.memory_space<vmem>>
      %dma_start3A_246 = arith.constant 0 : i32
      %dma_start3A_247 = arith.constant 0 : i32
      %dma_start3A_248 = tpu.memref_slice %arg7[%dma_start3A_246, %dma_start3A_247] : memref<10112x128xf32, #tpu.memory_space<vmem_shared>> -> memref<10112x128xf32, #tpu.memory_space<vmem_shared>>
      tpu.enqueue_indirect_dma source(%arg10 : memref<128x128xf32, #tpu.memory_space<vmem>>) target(%dma_start3A_248 : memref<10112x128xf32, #tpu.memory_space<vmem_shared>>) offsets(%dma_start3A_245 : memref<128xi32, #tpu.memory_space<vmem>>) semaphore(%arg14 : memref<!tpu.dma_semaphore, #tpu.memory_space<semaphore_mem>>) {add = true}
      %dma_wait3A_249 = arith.constant 0 : i32
      %dma_wait3A_250 = arith.constant 0 : i32
      %dma_wait3A_251 = tpu.memref_slice %arg9[%dma_wait3A_249, %dma_wait3A_250] : memref<16x128xi32, #tpu.memory_space<vmem>> -> memref<1x128xi32, #tpu.memory_space<vmem>>
      %dma_wait3A_252 = tpu.memref_squeeze %dma_wait3A_251 : memref<1x128xi32, #tpu.memory_space<vmem>> -> memref<128xi32, #tpu.memory_space<vmem>>
      %dma_wait3A_253 = arith.constant 0 : i32
      %dma_wait3A_254 = arith.constant 0 : i32
      %dma_wait3A_255 = tpu.memref_slice %arg7[%dma_wait3A_253, %dma_wait3A_254] : memref<10112x128xf32, #tpu.memory_space<vmem_shared>> -> memref<10112x128xf32, #tpu.memory_space<vmem_shared>>
      tpu.wait_indirect_dma semaphore(%arg14 : memref<!tpu.dma_semaphore, #tpu.memory_space<semaphore_mem>>) src(%arg10 : memref<128x128xf32, #tpu.memory_space<vmem>>) dst(%dma_wait3A_255 : memref<10112x128xf32, #tpu.memory_space<vmem_shared>>)
      %dma_start3A_256 = arith.constant 0 : i32
      %dma_start3A_257 = arith.constant 0 : i32
      %dma_start3A_258 = tpu.memref_slice %arg8[%dma_start3A_256, %dma_start3A_257] : memref<2x1024xi32, #tpu.memory_space<vmem>> -> memref<1x1024xi32, #tpu.memory_space<vmem>>
      %dma_start3A_259 = tpu.memref_squeeze %dma_start3A_258 : memref<1x1024xi32, #tpu.memory_space<vmem>> -> memref<1024xi32, #tpu.memory_space<vmem>>
      %dma_start3A_260 = arith.constant 768 : i32
      %dma_start3A_261 = tpu.memref_slice %dma_start3A_259[%dma_start3A_260] : memref<1024xi32, #tpu.memory_space<vmem>> -> memref<128xi32, #tpu.memory_space<vmem>>
      %dma_start3A_262 = arith.constant 0 : i32
      %dma_start3A_263 = arith.constant 0 : i32
      %dma_start3A_264 = tpu.memref_slice %arg2[%dma_start3A_262, %dma_start3A_263] : memref<10000x128xf32, #tpu.memory_space<hbm>> -> memref<10000x128xf32, #tpu.memory_space<hbm>>
      tpu.enqueue_indirect_dma source(%dma_start3A_264 : memref<10000x128xf32, #tpu.memory_space<hbm>>) target(%arg10 : memref<128x128xf32, #tpu.memory_space<vmem>>) offsets(%dma_start3A_261 : memref<128xi32, #tpu.memory_space<vmem>>) semaphore(%arg12 : memref<!tpu.dma_semaphore, #tpu.memory_space<semaphore_mem>>)
      %dma_wait3A_265 = arith.constant 0 : i32
      %dma_wait3A_266 = arith.constant 0 : i32
      %dma_wait3A_267 = tpu.memref_slice %arg8[%dma_wait3A_265, %dma_wait3A_266] : memref<2x1024xi32, #tpu.memory_space<vmem>> -> memref<1x1024xi32, #tpu.memory_space<vmem>>
      %dma_wait3A_268 = tpu.memref_squeeze %dma_wait3A_267 : memref<1x1024xi32, #tpu.memory_space<vmem>> -> memref<1024xi32, #tpu.memory_space<vmem>>
      %dma_wait3A_269 = arith.constant 0 : i32
      %dma_wait3A_270 = tpu.memref_slice %dma_wait3A_268[%dma_wait3A_269] : memref<1024xi32, #tpu.memory_space<vmem>> -> memref<128xi32, #tpu.memory_space<vmem>>
      %dma_wait3A_271 = arith.constant 0 : i32
      %dma_wait3A_272 = arith.constant 0 : i32
      %dma_wait3A_273 = tpu.memref_slice %arg2[%dma_wait3A_271, %dma_wait3A_272] : memref<10000x128xf32, #tpu.memory_space<hbm>> -> memref<10000x128xf32, #tpu.memory_space<hbm>>
      tpu.wait_indirect_dma semaphore(%arg13 : memref<!tpu.dma_semaphore, #tpu.memory_space<semaphore_mem>>) src(%dma_wait3A_273 : memref<10000x128xf32, #tpu.memory_space<hbm>>) dst(%arg11 : memref<128x128xf32, #tpu.memory_space<vmem>>)
      %dma_start3A_274 = arith.constant 5 : i32
      %dma_start3A_275 = arith.constant 0 : i32
      %dma_start3A_276 = tpu.memref_slice %arg9[%dma_start3A_274, %dma_start3A_275] : memref<16x128xi32, #tpu.memory_space<vmem>> -> memref<1x128xi32, #tpu.memory_space<vmem>>
      %dma_start3A_277 = tpu.memref_squeeze %dma_start3A_276 : memref<1x128xi32, #tpu.memory_space<vmem>> -> memref<128xi32, #tpu.memory_space<vmem>>
      %dma_start3A_278 = arith.constant 0 : i32
      %dma_start3A_279 = arith.constant 0 : i32
      %dma_start3A_280 = tpu.memref_slice %arg7[%dma_start3A_278, %dma_start3A_279] : memref<10112x128xf32, #tpu.memory_space<vmem_shared>> -> memref<10112x128xf32, #tpu.memory_space<vmem_shared>>
      tpu.enqueue_indirect_dma source(%arg11 : memref<128x128xf32, #tpu.memory_space<vmem>>) target(%dma_start3A_280 : memref<10112x128xf32, #tpu.memory_space<vmem_shared>>) offsets(%dma_start3A_277 : memref<128xi32, #tpu.memory_space<vmem>>) semaphore(%arg15 : memref<!tpu.dma_semaphore, #tpu.memory_space<semaphore_mem>>) {add = true}
      %dma_wait3A_281 = arith.constant 0 : i32
      %dma_wait3A_282 = arith.constant 0 : i32
      %dma_wait3A_283 = tpu.memref_slice %arg9[%dma_wait3A_281, %dma_wait3A_282] : memref<16x128xi32, #tpu.memory_space<vmem>> -> memref<1x128xi32, #tpu.memory_space<vmem>>
      %dma_wait3A_284 = tpu.memref_squeeze %dma_wait3A_283 : memref<1x128xi32, #tpu.memory_space<vmem>> -> memref<128xi32, #tpu.memory_space<vmem>>
      %dma_wait3A_285 = arith.constant 0 : i32
      %dma_wait3A_286 = arith.constant 0 : i32
      %dma_wait3A_287 = tpu.memref_slice %arg7[%dma_wait3A_285, %dma_wait3A_286] : memref<10112x128xf32, #tpu.memory_space<vmem_shared>> -> memref<10112x128xf32, #tpu.memory_space<vmem_shared>>
      tpu.wait_indirect_dma semaphore(%arg15 : memref<!tpu.dma_semaphore, #tpu.memory_space<semaphore_mem>>) src(%arg11 : memref<128x128xf32, #tpu.memory_space<vmem>>) dst(%dma_wait3A_287 : memref<10112x128xf32, #tpu.memory_space<vmem_shared>>)
      %dma_start3A_288 = arith.constant 0 : i32
      %dma_start3A_289 = arith.constant 0 : i32
      %dma_start3A_290 = tpu.memref_slice %arg8[%dma_start3A_288, %dma_start3A_289] : memref<2x1024xi32, #tpu.memory_space<vmem>> -> memref<1x1024xi32, #tpu.memory_space<vmem>>
      %dma_start3A_291 = tpu.memref_squeeze %dma_start3A_290 : memref<1x1024xi32, #tpu.memory_space<vmem>> -> memref<1024xi32, #tpu.memory_space<vmem>>
      %dma_start3A_292 = arith.constant 896 : i32
      %dma_start3A_293 = tpu.memref_slice %dma_start3A_291[%dma_start3A_292] : memref<1024xi32, #tpu.memory_space<vmem>> -> memref<128xi32, #tpu.memory_space<vmem>>
      %dma_start3A_294 = arith.constant 0 : i32
      %dma_start3A_295 = arith.constant 0 : i32
      %dma_start3A_296 = tpu.memref_slice %arg2[%dma_start3A_294, %dma_start3A_295] : memref<10000x128xf32, #tpu.memory_space<hbm>> -> memref<10000x128xf32, #tpu.memory_space<hbm>>
      tpu.enqueue_indirect_dma source(%dma_start3A_296 : memref<10000x128xf32, #tpu.memory_space<hbm>>) target(%arg11 : memref<128x128xf32, #tpu.memory_space<vmem>>) offsets(%dma_start3A_293 : memref<128xi32, #tpu.memory_space<vmem>>) semaphore(%arg13 : memref<!tpu.dma_semaphore, #tpu.memory_space<semaphore_mem>>)
      %dma_wait3A_297 = arith.constant 0 : i32
      %dma_wait3A_298 = arith.constant 0 : i32
      %dma_wait3A_299 = tpu.memref_slice %arg8[%dma_wait3A_297, %dma_wait3A_298] : memref<2x1024xi32, #tpu.memory_space<vmem>> -> memref<1x1024xi32, #tpu.memory_space<vmem>>
      %dma_wait3A_300 = tpu.memref_squeeze %dma_wait3A_299 : memref<1x1024xi32, #tpu.memory_space<vmem>> -> memref<1024xi32, #tpu.memory_space<vmem>>
      %dma_wait3A_301 = arith.constant 0 : i32
      %dma_wait3A_302 = tpu.memref_slice %dma_wait3A_300[%dma_wait3A_301] : memref<1024xi32, #tpu.memory_space<vmem>> -> memref<128xi32, #tpu.memory_space<vmem>>
      %dma_wait3A_303 = arith.constant 0 : i32
      %dma_wait3A_304 = arith.constant 0 : i32
      %dma_wait3A_305 = tpu.memref_slice %arg2[%dma_wait3A_303, %dma_wait3A_304] : memref<10000x128xf32, #tpu.memory_space<hbm>> -> memref<10000x128xf32, #tpu.memory_space<hbm>>
      tpu.wait_indirect_dma semaphore(%arg12 : memref<!tpu.dma_semaphore, #tpu.memory_space<semaphore_mem>>) src(%dma_wait3A_305 : memref<10000x128xf32, #tpu.memory_space<hbm>>) dst(%arg10 : memref<128x128xf32, #tpu.memory_space<vmem>>)
      %dma_start3A_306 = arith.constant 6 : i32
      %dma_start3A_307 = arith.constant 0 : i32
      %dma_start3A_308 = tpu.memref_slice %arg9[%dma_start3A_306, %dma_start3A_307] : memref<16x128xi32, #tpu.memory_space<vmem>> -> memref<1x128xi32, #tpu.memory_space<vmem>>
      %dma_start3A_309 = tpu.memref_squeeze %dma_start3A_308 : memref<1x128xi32, #tpu.memory_space<vmem>> -> memref<128xi32, #tpu.memory_space<vmem>>
      %dma_start3A_310 = arith.constant 0 : i32
      %dma_start3A_311 = arith.constant 0 : i32
      %dma_start3A_312 = tpu.memref_slice %arg7[%dma_start3A_310, %dma_start3A_311] : memref<10112x128xf32, #tpu.memory_space<vmem_shared>> -> memref<10112x128xf32, #tpu.memory_space<vmem_shared>>
      tpu.enqueue_indirect_dma source(%arg10 : memref<128x128xf32, #tpu.memory_space<vmem>>) target(%dma_start3A_312 : memref<10112x128xf32, #tpu.memory_space<vmem_shared>>) offsets(%dma_start3A_309 : memref<128xi32, #tpu.memory_space<vmem>>) semaphore(%arg14 : memref<!tpu.dma_semaphore, #tpu.memory_space<semaphore_mem>>) {add = true}
      %dma_wait3A_313 = arith.constant 0 : i32
      %dma_wait3A_314 = arith.constant 0 : i32
      %dma_wait3A_315 = tpu.memref_slice %arg8[%dma_wait3A_313, %dma_wait3A_314] : memref<2x1024xi32, #tpu.memory_space<vmem>> -> memref<1x1024xi32, #tpu.memory_space<vmem>>
      %dma_wait3A_316 = tpu.memref_squeeze %dma_wait3A_315 : memref<1x1024xi32, #tpu.memory_space<vmem>> -> memref<1024xi32, #tpu.memory_space<vmem>>
      %dma_wait3A_317 = arith.constant 0 : i32
      %dma_wait3A_318 = tpu.memref_slice %dma_wait3A_316[%dma_wait3A_317] : memref<1024xi32, #tpu.memory_space<vmem>> -> memref<128xi32, #tpu.memory_space<vmem>>
      %dma_wait3A_319 = arith.constant 0 : i32
      %dma_wait3A_320 = arith.constant 0 : i32
      %dma_wait3A_321 = tpu.memref_slice %arg2[%dma_wait3A_319, %dma_wait3A_320] : memref<10000x128xf32, #tpu.memory_space<hbm>> -> memref<10000x128xf32, #tpu.memory_space<hbm>>
      tpu.wait_indirect_dma semaphore(%arg13 : memref<!tpu.dma_semaphore, #tpu.memory_space<semaphore_mem>>) src(%dma_wait3A_321 : memref<10000x128xf32, #tpu.memory_space<hbm>>) dst(%arg11 : memref<128x128xf32, #tpu.memory_space<vmem>>)
      %dma_start3A_322 = arith.constant 7 : i32
      %dma_start3A_323 = arith.constant 0 : i32
      %dma_start3A_324 = tpu.memref_slice %arg9[%dma_start3A_322, %dma_start3A_323] : memref<16x128xi32, #tpu.memory_space<vmem>> -> memref<1x128xi32, #tpu.memory_space<vmem>>
      %dma_start3A_325 = tpu.memref_squeeze %dma_start3A_324 : memref<1x128xi32, #tpu.memory_space<vmem>> -> memref<128xi32, #tpu.memory_space<vmem>>
      %dma_start3A_326 = arith.constant 0 : i32
      %dma_start3A_327 = arith.constant 0 : i32
      %dma_start3A_328 = tpu.memref_slice %arg7[%dma_start3A_326, %dma_start3A_327] : memref<10112x128xf32, #tpu.memory_space<vmem_shared>> -> memref<10112x128xf32, #tpu.memory_space<vmem_shared>>
      tpu.enqueue_indirect_dma source(%arg11 : memref<128x128xf32, #tpu.memory_space<vmem>>) target(%dma_start3A_328 : memref<10112x128xf32, #tpu.memory_space<vmem_shared>>) offsets(%dma_start3A_325 : memref<128xi32, #tpu.memory_space<vmem>>) semaphore(%arg15 : memref<!tpu.dma_semaphore, #tpu.memory_space<semaphore_mem>>) {add = true}
      %dma_wait3A_329 = arith.constant 0 : i32
      %dma_wait3A_330 = arith.constant 0 : i32
      %dma_wait3A_331 = tpu.memref_slice %arg9[%dma_wait3A_329, %dma_wait3A_330] : memref<16x128xi32, #tpu.memory_space<vmem>> -> memref<1x128xi32, #tpu.memory_space<vmem>>
      %dma_wait3A_332 = tpu.memref_squeeze %dma_wait3A_331 : memref<1x128xi32, #tpu.memory_space<vmem>> -> memref<128xi32, #tpu.memory_space<vmem>>
      %dma_wait3A_333 = arith.constant 0 : i32
      %dma_wait3A_334 = arith.constant 0 : i32
      %dma_wait3A_335 = tpu.memref_slice %arg7[%dma_wait3A_333, %dma_wait3A_334] : memref<10112x128xf32, #tpu.memory_space<vmem_shared>> -> memref<10112x128xf32, #tpu.memory_space<vmem_shared>>
      tpu.wait_indirect_dma semaphore(%arg14 : memref<!tpu.dma_semaphore, #tpu.memory_space<semaphore_mem>>) src(%arg10 : memref<128x128xf32, #tpu.memory_space<vmem>>) dst(%dma_wait3A_335 : memref<10112x128xf32, #tpu.memory_space<vmem_shared>>)
      %dma_wait3A_336 = arith.constant 0 : i32
      %dma_wait3A_337 = arith.constant 0 : i32
      %dma_wait3A_338 = tpu.memref_slice %arg9[%dma_wait3A_336, %dma_wait3A_337] : memref<16x128xi32, #tpu.memory_space<vmem>> -> memref<1x128xi32, #tpu.memory_space<vmem>>
      %dma_wait3A_339 = tpu.memref_squeeze %dma_wait3A_338 : memref<1x128xi32, #tpu.memory_space<vmem>> -> memref<128xi32, #tpu.memory_space<vmem>>
      %dma_wait3A_340 = arith.constant 0 : i32
      %dma_wait3A_341 = arith.constant 0 : i32
      %dma_wait3A_342 = tpu.memref_slice %arg7[%dma_wait3A_340, %dma_wait3A_341] : memref<10112x128xf32, #tpu.memory_space<vmem_shared>> -> memref<10112x128xf32, #tpu.memory_space<vmem_shared>>
      tpu.wait_indirect_dma semaphore(%arg15 : memref<!tpu.dma_semaphore, #tpu.memory_space<semaphore_mem>>) src(%arg11 : memref<128x128xf32, #tpu.memory_space<vmem>>) dst(%dma_wait3A_342 : memref<10112x128xf32, #tpu.memory_space<vmem_shared>>)
      %add3A_343 = arith.constant 1 : i32
      %add3A_344 = arith.addi %mul3A_58, %add3A_343 : i32
      %add3A_345 = arith.constant 1 : i32
      %add3A_346 = arith.addi %add3A_344, %add3A_345 : i32
      %lt3A_347 = arith.cmpi slt, %add3A_346, %select_n3A_8 : i32
      %convert_element_type3A_348 = arith.extui %lt3A_347 : i1 to i32
      %cond3A_349 = arith.constant 0 : i32
      %cond3A_350 = arith.cmpi ne, %convert_element_type3A_348, %cond3A_349 : i32
      scf.if %cond3A_350 {
        %add3A_630 = arith.constant 1 : i32
        %add3A_631 = arith.addi %mul3A_58, %add3A_630 : i32
        %add3A_632 = arith.constant 1 : i32
        %add3A_633 = arith.addi %add3A_631, %add3A_632 : i32
        %mul3A_634 = arith.constant 8 : i32
        %mul3A_635 = arith.muli %add3A_633, %mul3A_634 : i32
        %add3A_636 = arith.addi %select_n3A, %mul3A_635 : i32
        %mul3A_637 = arith.constant 128 : i32
        %mul3A_638 = arith.muli %add3A_636, %mul3A_637 : i32
        %dma_start3A_639 = arith.constant 0 : i32
        %dma_start3A_640 = arith.constant 0 : i32
        %dma_start3A_641 = tpu.memref_slice %arg8[%dma_start3A_639, %dma_start3A_640] : memref<2x1024xi32, #tpu.memory_space<vmem>> -> memref<1x1024xi32, #tpu.memory_space<vmem>>
        %dma_start3A_642 = tpu.memref_squeeze %dma_start3A_641 : memref<1x1024xi32, #tpu.memory_space<vmem>> -> memref<1024xi32, #tpu.memory_space<vmem>>
        %dma_start3A_643 = tpu.memref_slice %arg3[%mul3A_638] : memref<327680xi32, #tpu.memory_space<hbm>> -> memref<1024xi32, #tpu.memory_space<hbm>>
        %dma_start3A_644 = arith.constant 0 : i32
        %dma_start3A_645 = tpu.memref_slice %arg8[%dma_start3A_639, %dma_start3A_644] : memref<2x1024xi32, #tpu.memory_space<vmem>> -> memref<1x1024xi32, #tpu.memory_space<vmem>>
        %dma_start3A_646 = tpu.memref_squeeze %dma_start3A_645 : memref<1x1024xi32, #tpu.memory_space<vmem>> -> memref<1024xi32, #tpu.memory_space<vmem>>
        %dma_start3A_647 = tpu.memref_slice %arg3[%mul3A_638] : memref<327680xi32, #tpu.memory_space<hbm>> -> memref<1024xi32, #tpu.memory_space<hbm>>
        tpu.enqueue_dma source(%dma_start3A_647 : memref<1024xi32, #tpu.memory_space<hbm>>) target(%dma_start3A_646 : memref<1024xi32, #tpu.memory_space<vmem>>) target_semaphore(%arg16 : memref<!tpu.dma_semaphore, #tpu.memory_space<semaphore_mem>>)
        %dma_start3A_648 = arith.constant 0 : i32
        %dma_start3A_649 = arith.constant 0 : i32
        %dma_start3A_650 = tpu.memref_slice %arg9[%dma_start3A_648, %dma_start3A_649] : memref<16x128xi32, #tpu.memory_space<vmem>> -> memref<8x128xi32, #tpu.memory_space<vmem>>
        %dma_start3A_651 = arith.constant 0 : i32
        %dma_start3A_652 = tpu.memref_slice %arg4[%add3A_636, %dma_start3A_651] : memref<2560x128xi32, #tpu.memory_space<hbm>> -> memref<8x128xi32, #tpu.memory_space<hbm>>
        %dma_start3A_653 = arith.constant 0 : i32
        %dma_start3A_654 = arith.constant 0 : i32
        %dma_start3A_655 = tpu.memref_slice %arg9[%dma_start3A_653, %dma_start3A_654] : memref<16x128xi32, #tpu.memory_space<vmem>> -> memref<8x128xi32, #tpu.memory_space<vmem>>
        %dma_start3A_656 = arith.constant 0 : i32
        %dma_start3A_657 = tpu.memref_slice %arg4[%add3A_636, %dma_start3A_656] : memref<2560x128xi32, #tpu.memory_space<hbm>> -> memref<8x128xi32, #tpu.memory_space<hbm>>
        tpu.enqueue_dma source(%dma_start3A_657 : memref<8x128xi32, #tpu.memory_space<hbm>>) target(%dma_start3A_655 : memref<8x128xi32, #tpu.memory_space<vmem>>) target_semaphore(%arg16 : memref<!tpu.dma_semaphore, #tpu.memory_space<semaphore_mem>>)
      } else {
      }
      %dma_wait3A_351 = arith.constant 1 : i32
      %dma_wait3A_352 = arith.constant 0 : i32
      %dma_wait3A_353 = tpu.memref_slice %arg8[%dma_wait3A_351, %dma_wait3A_352] : memref<2x1024xi32, #tpu.memory_space<vmem>> -> memref<1x1024xi32, #tpu.memory_space<vmem>>
      %dma_wait3A_354 = tpu.memref_squeeze %dma_wait3A_353 : memref<1x1024xi32, #tpu.memory_space<vmem>> -> memref<1024xi32, #tpu.memory_space<vmem>>
      %dma_wait3A_355 = arith.constant 0 : i32
      %dma_wait3A_356 = tpu.memref_slice %arg3[%dma_wait3A_355] : memref<327680xi32, #tpu.memory_space<hbm>> -> memref<1024xi32, #tpu.memory_space<hbm>>
      %dma_wait3A_357 = arith.constant 0 : i32
      %dma_wait3A_358 = tpu.memref_slice %arg8[%dma_wait3A_351, %dma_wait3A_357] : memref<2x1024xi32, #tpu.memory_space<vmem>> -> memref<1x1024xi32, #tpu.memory_space<vmem>>
      %dma_wait3A_359 = tpu.memref_squeeze %dma_wait3A_358 : memref<1x1024xi32, #tpu.memory_space<vmem>> -> memref<1024xi32, #tpu.memory_space<vmem>>
      %dma_wait3A_360 = arith.constant 0 : i32
      %dma_wait3A_361 = tpu.memref_slice %arg3[%dma_wait3A_360] : memref<327680xi32, #tpu.memory_space<hbm>> -> memref<1024xi32, #tpu.memory_space<hbm>>
      tpu.wait_dma2 semaphore(%arg17 : memref<!tpu.dma_semaphore, #tpu.memory_space<semaphore_mem>>) src(%dma_wait3A_361 : memref<1024xi32, #tpu.memory_space<hbm>>) dst(%dma_wait3A_359 : memref<1024xi32, #tpu.memory_space<vmem>>)
      %dma_wait3A_362 = arith.constant 8 : i32
      %dma_wait3A_363 = arith.constant 0 : i32
      %dma_wait3A_364 = tpu.memref_slice %arg9[%dma_wait3A_362, %dma_wait3A_363] : memref<16x128xi32, #tpu.memory_space<vmem>> -> memref<8x128xi32, #tpu.memory_space<vmem>>
      %dma_wait3A_365 = arith.constant 0 : i32
      %dma_wait3A_366 = arith.constant 0 : i32
      %dma_wait3A_367 = tpu.memref_slice %arg4[%dma_wait3A_365, %dma_wait3A_366] : memref<2560x128xi32, #tpu.memory_space<hbm>> -> memref<8x128xi32, #tpu.memory_space<hbm>>
      %dma_wait3A_368 = arith.constant 8 : i32
      %dma_wait3A_369 = arith.constant 0 : i32
      %dma_wait3A_370 = tpu.memref_slice %arg9[%dma_wait3A_368, %dma_wait3A_369] : memref<16x128xi32, #tpu.memory_space<vmem>> -> memref<8x128xi32, #tpu.memory_space<vmem>>
      %dma_wait3A_371 = arith.constant 0 : i32
      %dma_wait3A_372 = arith.constant 0 : i32
      %dma_wait3A_373 = tpu.memref_slice %arg4[%dma_wait3A_371, %dma_wait3A_372] : memref<2560x128xi32, #tpu.memory_space<hbm>> -> memref<8x128xi32, #tpu.memory_space<hbm>>
      tpu.wait_dma2 semaphore(%arg17 : memref<!tpu.dma_semaphore, #tpu.memory_space<semaphore_mem>>) src(%dma_wait3A_373 : memref<8x128xi32, #tpu.memory_space<hbm>>) dst(%dma_wait3A_370 : memref<8x128xi32, #tpu.memory_space<vmem>>)
      %dma_start3A_374 = arith.constant 1 : i32
      %dma_start3A_375 = arith.constant 0 : i32
      %dma_start3A_376 = tpu.memref_slice %arg8[%dma_start3A_374, %dma_start3A_375] : memref<2x1024xi32, #tpu.memory_space<vmem>> -> memref<1x1024xi32, #tpu.memory_space<vmem>>
      %dma_start3A_377 = tpu.memref_squeeze %dma_start3A_376 : memref<1x1024xi32, #tpu.memory_space<vmem>> -> memref<1024xi32, #tpu.memory_space<vmem>>
      %dma_start3A_378 = arith.constant 0 : i32
      %dma_start3A_379 = tpu.memref_slice %dma_start3A_377[%dma_start3A_378] : memref<1024xi32, #tpu.memory_space<vmem>> -> memref<128xi32, #tpu.memory_space<vmem>>
      %dma_start3A_380 = arith.constant 0 : i32
      %dma_start3A_381 = arith.constant 0 : i32
      %dma_start3A_382 = tpu.memref_slice %arg2[%dma_start3A_380, %dma_start3A_381] : memref<10000x128xf32, #tpu.memory_space<hbm>> -> memref<10000x128xf32, #tpu.memory_space<hbm>>
      tpu.enqueue_indirect_dma source(%dma_start3A_382 : memref<10000x128xf32, #tpu.memory_space<hbm>>) target(%arg10 : memref<128x128xf32, #tpu.memory_space<vmem>>) offsets(%dma_start3A_379 : memref<128xi32, #tpu.memory_space<vmem>>) semaphore(%arg12 : memref<!tpu.dma_semaphore, #tpu.memory_space<semaphore_mem>>)
      %dma_start3A_383 = arith.constant 1 : i32
      %dma_start3A_384 = arith.constant 0 : i32
      %dma_start3A_385 = tpu.memref_slice %arg8[%dma_start3A_383, %dma_start3A_384] : memref<2x1024xi32, #tpu.memory_space<vmem>> -> memref<1x1024xi32, #tpu.memory_space<vmem>>
      %dma_start3A_386 = tpu.memref_squeeze %dma_start3A_385 : memref<1x1024xi32, #tpu.memory_space<vmem>> -> memref<1024xi32, #tpu.memory_space<vmem>>
      %dma_start3A_387 = arith.constant 128 : i32
      %dma_start3A_388 = tpu.memref_slice %dma_start3A_386[%dma_start3A_387] : memref<1024xi32, #tpu.memory_space<vmem>> -> memref<128xi32, #tpu.memory_space<vmem>>
      %dma_start3A_389 = arith.constant 0 : i32
      %dma_start3A_390 = arith.constant 0 : i32
      %dma_start3A_391 = tpu.memref_slice %arg2[%dma_start3A_389, %dma_start3A_390] : memref<10000x128xf32, #tpu.memory_space<hbm>> -> memref<10000x128xf32, #tpu.memory_space<hbm>>
      tpu.enqueue_indirect_dma source(%dma_start3A_391 : memref<10000x128xf32, #tpu.memory_space<hbm>>) target(%arg11 : memref<128x128xf32, #tpu.memory_space<vmem>>) offsets(%dma_start3A_388 : memref<128xi32, #tpu.memory_space<vmem>>) semaphore(%arg13 : memref<!tpu.dma_semaphore, #tpu.memory_space<semaphore_mem>>)
      %dma_wait3A_392 = arith.constant 0 : i32
      %dma_wait3A_393 = arith.constant 0 : i32
      %dma_wait3A_394 = tpu.memref_slice %arg8[%dma_wait3A_392, %dma_wait3A_393] : memref<2x1024xi32, #tpu.memory_space<vmem>> -> memref<1x1024xi32, #tpu.memory_space<vmem>>
      %dma_wait3A_395 = tpu.memref_squeeze %dma_wait3A_394 : memref<1x1024xi32, #tpu.memory_space<vmem>> -> memref<1024xi32, #tpu.memory_space<vmem>>
      %dma_wait3A_396 = arith.constant 0 : i32
      %dma_wait3A_397 = tpu.memref_slice %dma_wait3A_395[%dma_wait3A_396] : memref<1024xi32, #tpu.memory_space<vmem>> -> memref<128xi32, #tpu.memory_space<vmem>>
      %dma_wait3A_398 = arith.constant 0 : i32
      %dma_wait3A_399 = arith.constant 0 : i32
      %dma_wait3A_400 = tpu.memref_slice %arg2[%dma_wait3A_398, %dma_wait3A_399] : memref<10000x128xf32, #tpu.memory_space<hbm>> -> memref<10000x128xf32, #tpu.memory_space<hbm>>
      tpu.wait_indirect_dma semaphore(%arg12 : memref<!tpu.dma_semaphore, #tpu.memory_space<semaphore_mem>>) src(%dma_wait3A_400 : memref<10000x128xf32, #tpu.memory_space<hbm>>) dst(%arg10 : memref<128x128xf32, #tpu.memory_space<vmem>>)
      %dma_start3A_401 = arith.constant 8 : i32
      %dma_start3A_402 = arith.constant 0 : i32
      %dma_start3A_403 = tpu.memref_slice %arg9[%dma_start3A_401, %dma_start3A_402] : memref<16x128xi32, #tpu.memory_space<vmem>> -> memref<1x128xi32, #tpu.memory_space<vmem>>
      %dma_start3A_404 = tpu.memref_squeeze %dma_start3A_403 : memref<1x128xi32, #tpu.memory_space<vmem>> -> memref<128xi32, #tpu.memory_space<vmem>>
      %dma_start3A_405 = arith.constant 0 : i32
      %dma_start3A_406 = arith.constant 0 : i32
      %dma_start3A_407 = tpu.memref_slice %arg7[%dma_start3A_405, %dma_start3A_406] : memref<10112x128xf32, #tpu.memory_space<vmem_shared>> -> memref<10112x128xf32, #tpu.memory_space<vmem_shared>>
      tpu.enqueue_indirect_dma source(%arg10 : memref<128x128xf32, #tpu.memory_space<vmem>>) target(%dma_start3A_407 : memref<10112x128xf32, #tpu.memory_space<vmem_shared>>) offsets(%dma_start3A_404 : memref<128xi32, #tpu.memory_space<vmem>>) semaphore(%arg14 : memref<!tpu.dma_semaphore, #tpu.memory_space<semaphore_mem>>) {add = true}
      %dma_wait3A_408 = arith.constant 0 : i32
      %dma_wait3A_409 = arith.constant 0 : i32
      %dma_wait3A_410 = tpu.memref_slice %arg9[%dma_wait3A_408, %dma_wait3A_409] : memref<16x128xi32, #tpu.memory_space<vmem>> -> memref<1x128xi32, #tpu.memory_space<vmem>>
      %dma_wait3A_411 = tpu.memref_squeeze %dma_wait3A_410 : memref<1x128xi32, #tpu.memory_space<vmem>> -> memref<128xi32, #tpu.memory_space<vmem>>
      %dma_wait3A_412 = arith.constant 0 : i32
      %dma_wait3A_413 = arith.constant 0 : i32
      %dma_wait3A_414 = tpu.memref_slice %arg7[%dma_wait3A_412, %dma_wait3A_413] : memref<10112x128xf32, #tpu.memory_space<vmem_shared>> -> memref<10112x128xf32, #tpu.memory_space<vmem_shared>>
      tpu.wait_indirect_dma semaphore(%arg14 : memref<!tpu.dma_semaphore, #tpu.memory_space<semaphore_mem>>) src(%arg10 : memref<128x128xf32, #tpu.memory_space<vmem>>) dst(%dma_wait3A_414 : memref<10112x128xf32, #tpu.memory_space<vmem_shared>>)
      %dma_start3A_415 = arith.constant 1 : i32
      %dma_start3A_416 = arith.constant 0 : i32
      %dma_start3A_417 = tpu.memref_slice %arg8[%dma_start3A_415, %dma_start3A_416] : memref<2x1024xi32, #tpu.memory_space<vmem>> -> memref<1x1024xi32, #tpu.memory_space<vmem>>
      %dma_start3A_418 = tpu.memref_squeeze %dma_start3A_417 : memref<1x1024xi32, #tpu.memory_space<vmem>> -> memref<1024xi32, #tpu.memory_space<vmem>>
      %dma_start3A_419 = arith.constant 256 : i32
      %dma_start3A_420 = tpu.memref_slice %dma_start3A_418[%dma_start3A_419] : memref<1024xi32, #tpu.memory_space<vmem>> -> memref<128xi32, #tpu.memory_space<vmem>>
      %dma_start3A_421 = arith.constant 0 : i32
      %dma_start3A_422 = arith.constant 0 : i32
      %dma_start3A_423 = tpu.memref_slice %arg2[%dma_start3A_421, %dma_start3A_422] : memref<10000x128xf32, #tpu.memory_space<hbm>> -> memref<10000x128xf32, #tpu.memory_space<hbm>>
      tpu.enqueue_indirect_dma source(%dma_start3A_423 : memref<10000x128xf32, #tpu.memory_space<hbm>>) target(%arg10 : memref<128x128xf32, #tpu.memory_space<vmem>>) offsets(%dma_start3A_420 : memref<128xi32, #tpu.memory_space<vmem>>) semaphore(%arg12 : memref<!tpu.dma_semaphore, #tpu.memory_space<semaphore_mem>>)
      %dma_wait3A_424 = arith.constant 0 : i32
      %dma_wait3A_425 = arith.constant 0 : i32
      %dma_wait3A_426 = tpu.memref_slice %arg8[%dma_wait3A_424, %dma_wait3A_425] : memref<2x1024xi32, #tpu.memory_space<vmem>> -> memref<1x1024xi32, #tpu.memory_space<vmem>>
      %dma_wait3A_427 = tpu.memref_squeeze %dma_wait3A_426 : memref<1x1024xi32, #tpu.memory_space<vmem>> -> memref<1024xi32, #tpu.memory_space<vmem>>
      %dma_wait3A_428 = arith.constant 0 : i32
      %dma_wait3A_429 = tpu.memref_slice %dma_wait3A_427[%dma_wait3A_428] : memref<1024xi32, #tpu.memory_space<vmem>> -> memref<128xi32, #tpu.memory_space<vmem>>
      %dma_wait3A_430 = arith.constant 0 : i32
      %dma_wait3A_431 = arith.constant 0 : i32
      %dma_wait3A_432 = tpu.memref_slice %arg2[%dma_wait3A_430, %dma_wait3A_431] : memref<10000x128xf32, #tpu.memory_space<hbm>> -> memref<10000x128xf32, #tpu.memory_space<hbm>>
      tpu.wait_indirect_dma semaphore(%arg13 : memref<!tpu.dma_semaphore, #tpu.memory_space<semaphore_mem>>) src(%dma_wait3A_432 : memref<10000x128xf32, #tpu.memory_space<hbm>>) dst(%arg11 : memref<128x128xf32, #tpu.memory_space<vmem>>)
      %dma_start3A_433 = arith.constant 9 : i32
      %dma_start3A_434 = arith.constant 0 : i32
      %dma_start3A_435 = tpu.memref_slice %arg9[%dma_start3A_433, %dma_start3A_434] : memref<16x128xi32, #tpu.memory_space<vmem>> -> memref<1x128xi32, #tpu.memory_space<vmem>>
      %dma_start3A_436 = tpu.memref_squeeze %dma_start3A_435 : memref<1x128xi32, #tpu.memory_space<vmem>> -> memref<128xi32, #tpu.memory_space<vmem>>
      %dma_start3A_437 = arith.constant 0 : i32
      %dma_start3A_438 = arith.constant 0 : i32
      %dma_start3A_439 = tpu.memref_slice %arg7[%dma_start3A_437, %dma_start3A_438] : memref<10112x128xf32, #tpu.memory_space<vmem_shared>> -> memref<10112x128xf32, #tpu.memory_space<vmem_shared>>
      tpu.enqueue_indirect_dma source(%arg11 : memref<128x128xf32, #tpu.memory_space<vmem>>) target(%dma_start3A_439 : memref<10112x128xf32, #tpu.memory_space<vmem_shared>>) offsets(%dma_start3A_436 : memref<128xi32, #tpu.memory_space<vmem>>) semaphore(%arg15 : memref<!tpu.dma_semaphore, #tpu.memory_space<semaphore_mem>>) {add = true}
      %dma_wait3A_440 = arith.constant 0 : i32
      %dma_wait3A_441 = arith.constant 0 : i32
      %dma_wait3A_442 = tpu.memref_slice %arg9[%dma_wait3A_440, %dma_wait3A_441] : memref<16x128xi32, #tpu.memory_space<vmem>> -> memref<1x128xi32, #tpu.memory_space<vmem>>
      %dma_wait3A_443 = tpu.memref_squeeze %dma_wait3A_442 : memref<1x128xi32, #tpu.memory_space<vmem>> -> memref<128xi32, #tpu.memory_space<vmem>>
      %dma_wait3A_444 = arith.constant 0 : i32
      %dma_wait3A_445 = arith.constant 0 : i32
      %dma_wait3A_446 = tpu.memref_slice %arg7[%dma_wait3A_444, %dma_wait3A_445] : memref<10112x128xf32, #tpu.memory_space<vmem_shared>> -> memref<10112x128xf32, #tpu.memory_space<vmem_shared>>
      tpu.wait_indirect_dma semaphore(%arg15 : memref<!tpu.dma_semaphore, #tpu.memory_space<semaphore_mem>>) src(%arg11 : memref<128x128xf32, #tpu.memory_space<vmem>>) dst(%dma_wait3A_446 : memref<10112x128xf32, #tpu.memory_space<vmem_shared>>)
      %dma_start3A_447 = arith.constant 1 : i32
      %dma_start3A_448 = arith.constant 0 : i32
      %dma_start3A_449 = tpu.memref_slice %arg8[%dma_start3A_447, %dma_start3A_448] : memref<2x1024xi32, #tpu.memory_space<vmem>> -> memref<1x1024xi32, #tpu.memory_space<vmem>>
      %dma_start3A_450 = tpu.memref_squeeze %dma_start3A_449 : memref<1x1024xi32, #tpu.memory_space<vmem>> -> memref<1024xi32, #tpu.memory_space<vmem>>
      %dma_start3A_451 = arith.constant 384 : i32
      %dma_start3A_452 = tpu.memref_slice %dma_start3A_450[%dma_start3A_451] : memref<1024xi32, #tpu.memory_space<vmem>> -> memref<128xi32, #tpu.memory_space<vmem>>
      %dma_start3A_453 = arith.constant 0 : i32
      %dma_start3A_454 = arith.constant 0 : i32
      %dma_start3A_455 = tpu.memref_slice %arg2[%dma_start3A_453, %dma_start3A_454] : memref<10000x128xf32, #tpu.memory_space<hbm>> -> memref<10000x128xf32, #tpu.memory_space<hbm>>
      tpu.enqueue_indirect_dma source(%dma_start3A_455 : memref<10000x128xf32, #tpu.memory_space<hbm>>) target(%arg11 : memref<128x128xf32, #tpu.memory_space<vmem>>) offsets(%dma_start3A_452 : memref<128xi32, #tpu.memory_space<vmem>>) semaphore(%arg13 : memref<!tpu.dma_semaphore, #tpu.memory_space<semaphore_mem>>)
      %dma_wait3A_456 = arith.constant 0 : i32
      %dma_wait3A_457 = arith.constant 0 : i32
      %dma_wait3A_458 = tpu.memref_slice %arg8[%dma_wait3A_456, %dma_wait3A_457] : memref<2x1024xi32, #tpu.memory_space<vmem>> -> memref<1x1024xi32, #tpu.memory_space<vmem>>
      %dma_wait3A_459 = tpu.memref_squeeze %dma_wait3A_458 : memref<1x1024xi32, #tpu.memory_space<vmem>> -> memref<1024xi32, #tpu.memory_space<vmem>>
      %dma_wait3A_460 = arith.constant 0 : i32
      %dma_wait3A_461 = tpu.memref_slice %dma_wait3A_459[%dma_wait3A_460] : memref<1024xi32, #tpu.memory_space<vmem>> -> memref<128xi32, #tpu.memory_space<vmem>>
      %dma_wait3A_462 = arith.constant 0 : i32
      %dma_wait3A_463 = arith.constant 0 : i32
      %dma_wait3A_464 = tpu.memref_slice %arg2[%dma_wait3A_462, %dma_wait3A_463] : memref<10000x128xf32, #tpu.memory_space<hbm>> -> memref<10000x128xf32, #tpu.memory_space<hbm>>
      tpu.wait_indirect_dma semaphore(%arg12 : memref<!tpu.dma_semaphore, #tpu.memory_space<semaphore_mem>>) src(%dma_wait3A_464 : memref<10000x128xf32, #tpu.memory_space<hbm>>) dst(%arg10 : memref<128x128xf32, #tpu.memory_space<vmem>>)
      %dma_start3A_465 = arith.constant 10 : i32
      %dma_start3A_466 = arith.constant 0 : i32
      %dma_start3A_467 = tpu.memref_slice %arg9[%dma_start3A_465, %dma_start3A_466] : memref<16x128xi32, #tpu.memory_space<vmem>> -> memref<1x128xi32, #tpu.memory_space<vmem>>
      %dma_start3A_468 = tpu.memref_squeeze %dma_start3A_467 : memref<1x128xi32, #tpu.memory_space<vmem>> -> memref<128xi32, #tpu.memory_space<vmem>>
      %dma_start3A_469 = arith.constant 0 : i32
      %dma_start3A_470 = arith.constant 0 : i32
      %dma_start3A_471 = tpu.memref_slice %arg7[%dma_start3A_469, %dma_start3A_470] : memref<10112x128xf32, #tpu.memory_space<vmem_shared>> -> memref<10112x128xf32, #tpu.memory_space<vmem_shared>>
      tpu.enqueue_indirect_dma source(%arg10 : memref<128x128xf32, #tpu.memory_space<vmem>>) target(%dma_start3A_471 : memref<10112x128xf32, #tpu.memory_space<vmem_shared>>) offsets(%dma_start3A_468 : memref<128xi32, #tpu.memory_space<vmem>>) semaphore(%arg14 : memref<!tpu.dma_semaphore, #tpu.memory_space<semaphore_mem>>) {add = true}
      %dma_wait3A_472 = arith.constant 0 : i32
      %dma_wait3A_473 = arith.constant 0 : i32
      %dma_wait3A_474 = tpu.memref_slice %arg9[%dma_wait3A_472, %dma_wait3A_473] : memref<16x128xi32, #tpu.memory_space<vmem>> -> memref<1x128xi32, #tpu.memory_space<vmem>>
      %dma_wait3A_475 = tpu.memref_squeeze %dma_wait3A_474 : memref<1x128xi32, #tpu.memory_space<vmem>> -> memref<128xi32, #tpu.memory_space<vmem>>
      %dma_wait3A_476 = arith.constant 0 : i32
      %dma_wait3A_477 = arith.constant 0 : i32
      %dma_wait3A_478 = tpu.memref_slice %arg7[%dma_wait3A_476, %dma_wait3A_477] : memref<10112x128xf32, #tpu.memory_space<vmem_shared>> -> memref<10112x128xf32, #tpu.memory_space<vmem_shared>>
      tpu.wait_indirect_dma semaphore(%arg14 : memref<!tpu.dma_semaphore, #tpu.memory_space<semaphore_mem>>) src(%arg10 : memref<128x128xf32, #tpu.memory_space<vmem>>) dst(%dma_wait3A_478 : memref<10112x128xf32, #tpu.memory_space<vmem_shared>>)
      %dma_start3A_479 = arith.constant 1 : i32
      %dma_start3A_480 = arith.constant 0 : i32
      %dma_start3A_481 = tpu.memref_slice %arg8[%dma_start3A_479, %dma_start3A_480] : memref<2x1024xi32, #tpu.memory_space<vmem>> -> memref<1x1024xi32, #tpu.memory_space<vmem>>
      %dma_start3A_482 = tpu.memref_squeeze %dma_start3A_481 : memref<1x1024xi32, #tpu.memory_space<vmem>> -> memref<1024xi32, #tpu.memory_space<vmem>>
      %dma_start3A_483 = arith.constant 512 : i32
      %dma_start3A_484 = tpu.memref_slice %dma_start3A_482[%dma_start3A_483] : memref<1024xi32, #tpu.memory_space<vmem>> -> memref<128xi32, #tpu.memory_space<vmem>>
      %dma_start3A_485 = arith.constant 0 : i32
      %dma_start3A_486 = arith.constant 0 : i32
      %dma_start3A_487 = tpu.memref_slice %arg2[%dma_start3A_485, %dma_start3A_486] : memref<10000x128xf32, #tpu.memory_space<hbm>> -> memref<10000x128xf32, #tpu.memory_space<hbm>>
      tpu.enqueue_indirect_dma source(%dma_start3A_487 : memref<10000x128xf32, #tpu.memory_space<hbm>>) target(%arg10 : memref<128x128xf32, #tpu.memory_space<vmem>>) offsets(%dma_start3A_484 : memref<128xi32, #tpu.memory_space<vmem>>) semaphore(%arg12 : memref<!tpu.dma_semaphore, #tpu.memory_space<semaphore_mem>>)
      %dma_wait3A_488 = arith.constant 0 : i32
      %dma_wait3A_489 = arith.constant 0 : i32
      %dma_wait3A_490 = tpu.memref_slice %arg8[%dma_wait3A_488, %dma_wait3A_489] : memref<2x1024xi32, #tpu.memory_space<vmem>> -> memref<1x1024xi32, #tpu.memory_space<vmem>>
      %dma_wait3A_491 = tpu.memref_squeeze %dma_wait3A_490 : memref<1x1024xi32, #tpu.memory_space<vmem>> -> memref<1024xi32, #tpu.memory_space<vmem>>
      %dma_wait3A_492 = arith.constant 0 : i32
      %dma_wait3A_493 = tpu.memref_slice %dma_wait3A_491[%dma_wait3A_492] : memref<1024xi32, #tpu.memory_space<vmem>> -> memref<128xi32, #tpu.memory_space<vmem>>
      %dma_wait3A_494 = arith.constant 0 : i32
      %dma_wait3A_495 = arith.constant 0 : i32
      %dma_wait3A_496 = tpu.memref_slice %arg2[%dma_wait3A_494, %dma_wait3A_495] : memref<10000x128xf32, #tpu.memory_space<hbm>> -> memref<10000x128xf32, #tpu.memory_space<hbm>>
      tpu.wait_indirect_dma semaphore(%arg13 : memref<!tpu.dma_semaphore, #tpu.memory_space<semaphore_mem>>) src(%dma_wait3A_496 : memref<10000x128xf32, #tpu.memory_space<hbm>>) dst(%arg11 : memref<128x128xf32, #tpu.memory_space<vmem>>)
      %dma_start3A_497 = arith.constant 11 : i32
      %dma_start3A_498 = arith.constant 0 : i32
      %dma_start3A_499 = tpu.memref_slice %arg9[%dma_start3A_497, %dma_start3A_498] : memref<16x128xi32, #tpu.memory_space<vmem>> -> memref<1x128xi32, #tpu.memory_space<vmem>>
      %dma_start3A_500 = tpu.memref_squeeze %dma_start3A_499 : memref<1x128xi32, #tpu.memory_space<vmem>> -> memref<128xi32, #tpu.memory_space<vmem>>
      %dma_start3A_501 = arith.constant 0 : i32
      %dma_start3A_502 = arith.constant 0 : i32
      %dma_start3A_503 = tpu.memref_slice %arg7[%dma_start3A_501, %dma_start3A_502] : memref<10112x128xf32, #tpu.memory_space<vmem_shared>> -> memref<10112x128xf32, #tpu.memory_space<vmem_shared>>
      tpu.enqueue_indirect_dma source(%arg11 : memref<128x128xf32, #tpu.memory_space<vmem>>) target(%dma_start3A_503 : memref<10112x128xf32, #tpu.memory_space<vmem_shared>>) offsets(%dma_start3A_500 : memref<128xi32, #tpu.memory_space<vmem>>) semaphore(%arg15 : memref<!tpu.dma_semaphore, #tpu.memory_space<semaphore_mem>>) {add = true}
      %dma_wait3A_504 = arith.constant 0 : i32
      %dma_wait3A_505 = arith.constant 0 : i32
      %dma_wait3A_506 = tpu.memref_slice %arg9[%dma_wait3A_504, %dma_wait3A_505] : memref<16x128xi32, #tpu.memory_space<vmem>> -> memref<1x128xi32, #tpu.memory_space<vmem>>
      %dma_wait3A_507 = tpu.memref_squeeze %dma_wait3A_506 : memref<1x128xi32, #tpu.memory_space<vmem>> -> memref<128xi32, #tpu.memory_space<vmem>>
      %dma_wait3A_508 = arith.constant 0 : i32
      %dma_wait3A_509 = arith.constant 0 : i32
      %dma_wait3A_510 = tpu.memref_slice %arg7[%dma_wait3A_508, %dma_wait3A_509] : memref<10112x128xf32, #tpu.memory_space<vmem_shared>> -> memref<10112x128xf32, #tpu.memory_space<vmem_shared>>
      tpu.wait_indirect_dma semaphore(%arg15 : memref<!tpu.dma_semaphore, #tpu.memory_space<semaphore_mem>>) src(%arg11 : memref<128x128xf32, #tpu.memory_space<vmem>>) dst(%dma_wait3A_510 : memref<10112x128xf32, #tpu.memory_space<vmem_shared>>)
      %dma_start3A_511 = arith.constant 1 : i32
      %dma_start3A_512 = arith.constant 0 : i32
      %dma_start3A_513 = tpu.memref_slice %arg8[%dma_start3A_511, %dma_start3A_512] : memref<2x1024xi32, #tpu.memory_space<vmem>> -> memref<1x1024xi32, #tpu.memory_space<vmem>>
      %dma_start3A_514 = tpu.memref_squeeze %dma_start3A_513 : memref<1x1024xi32, #tpu.memory_space<vmem>> -> memref<1024xi32, #tpu.memory_space<vmem>>
      %dma_start3A_515 = arith.constant 640 : i32
      %dma_start3A_516 = tpu.memref_slice %dma_start3A_514[%dma_start3A_515] : memref<1024xi32, #tpu.memory_space<vmem>> -> memref<128xi32, #tpu.memory_space<vmem>>
      %dma_start3A_517 = arith.constant 0 : i32
      %dma_start3A_518 = arith.constant 0 : i32
      %dma_start3A_519 = tpu.memref_slice %arg2[%dma_start3A_517, %dma_start3A_518] : memref<10000x128xf32, #tpu.memory_space<hbm>> -> memref<10000x128xf32, #tpu.memory_space<hbm>>
      tpu.enqueue_indirect_dma source(%dma_start3A_519 : memref<10000x128xf32, #tpu.memory_space<hbm>>) target(%arg11 : memref<128x128xf32, #tpu.memory_space<vmem>>) offsets(%dma_start3A_516 : memref<128xi32, #tpu.memory_space<vmem>>) semaphore(%arg13 : memref<!tpu.dma_semaphore, #tpu.memory_space<semaphore_mem>>)
      %dma_wait3A_520 = arith.constant 0 : i32
      %dma_wait3A_521 = arith.constant 0 : i32
      %dma_wait3A_522 = tpu.memref_slice %arg8[%dma_wait3A_520, %dma_wait3A_521] : memref<2x1024xi32, #tpu.memory_space<vmem>> -> memref<1x1024xi32, #tpu.memory_space<vmem>>
      %dma_wait3A_523 = tpu.memref_squeeze %dma_wait3A_522 : memref<1x1024xi32, #tpu.memory_space<vmem>> -> memref<1024xi32, #tpu.memory_space<vmem>>
      %dma_wait3A_524 = arith.constant 0 : i32
      %dma_wait3A_525 = tpu.memref_slice %dma_wait3A_523[%dma_wait3A_524] : memref<1024xi32, #tpu.memory_space<vmem>> -> memref<128xi32, #tpu.memory_space<vmem>>
      %dma_wait3A_526 = arith.constant 0 : i32
      %dma_wait3A_527 = arith.constant 0 : i32
      %dma_wait3A_528 = tpu.memref_slice %arg2[%dma_wait3A_526, %dma_wait3A_527] : memref<10000x128xf32, #tpu.memory_space<hbm>> -> memref<10000x128xf32, #tpu.memory_space<hbm>>
      tpu.wait_indirect_dma semaphore(%arg12 : memref<!tpu.dma_semaphore, #tpu.memory_space<semaphore_mem>>) src(%dma_wait3A_528 : memref<10000x128xf32, #tpu.memory_space<hbm>>) dst(%arg10 : memref<128x128xf32, #tpu.memory_space<vmem>>)
      %dma_start3A_529 = arith.constant 12 : i32
      %dma_start3A_530 = arith.constant 0 : i32
      %dma_start3A_531 = tpu.memref_slice %arg9[%dma_start3A_529, %dma_start3A_530] : memref<16x128xi32, #tpu.memory_space<vmem>> -> memref<1x128xi32, #tpu.memory_space<vmem>>
      %dma_start3A_532 = tpu.memref_squeeze %dma_start3A_531 : memref<1x128xi32, #tpu.memory_space<vmem>> -> memref<128xi32, #tpu.memory_space<vmem>>
      %dma_start3A_533 = arith.constant 0 : i32
      %dma_start3A_534 = arith.constant 0 : i32
      %dma_start3A_535 = tpu.memref_slice %arg7[%dma_start3A_533, %dma_start3A_534] : memref<10112x128xf32, #tpu.memory_space<vmem_shared>> -> memref<10112x128xf32, #tpu.memory_space<vmem_shared>>
      tpu.enqueue_indirect_dma source(%arg10 : memref<128x128xf32, #tpu.memory_space<vmem>>) target(%dma_start3A_535 : memref<10112x128xf32, #tpu.memory_space<vmem_shared>>) offsets(%dma_start3A_532 : memref<128xi32, #tpu.memory_space<vmem>>) semaphore(%arg14 : memref<!tpu.dma_semaphore, #tpu.memory_space<semaphore_mem>>) {add = true}
      %dma_wait3A_536 = arith.constant 0 : i32
      %dma_wait3A_537 = arith.constant 0 : i32
      %dma_wait3A_538 = tpu.memref_slice %arg9[%dma_wait3A_536, %dma_wait3A_537] : memref<16x128xi32, #tpu.memory_space<vmem>> -> memref<1x128xi32, #tpu.memory_space<vmem>>
      %dma_wait3A_539 = tpu.memref_squeeze %dma_wait3A_538 : memref<1x128xi32, #tpu.memory_space<vmem>> -> memref<128xi32, #tpu.memory_space<vmem>>
      %dma_wait3A_540 = arith.constant 0 : i32
      %dma_wait3A_541 = arith.constant 0 : i32
      %dma_wait3A_542 = tpu.memref_slice %arg7[%dma_wait3A_540, %dma_wait3A_541] : memref<10112x128xf32, #tpu.memory_space<vmem_shared>> -> memref<10112x128xf32, #tpu.memory_space<vmem_shared>>
      tpu.wait_indirect_dma semaphore(%arg14 : memref<!tpu.dma_semaphore, #tpu.memory_space<semaphore_mem>>) src(%arg10 : memref<128x128xf32, #tpu.memory_space<vmem>>) dst(%dma_wait3A_542 : memref<10112x128xf32, #tpu.memory_space<vmem_shared>>)
      %dma_start3A_543 = arith.constant 1 : i32
      %dma_start3A_544 = arith.constant 0 : i32
      %dma_start3A_545 = tpu.memref_slice %arg8[%dma_start3A_543, %dma_start3A_544] : memref<2x1024xi32, #tpu.memory_space<vmem>> -> memref<1x1024xi32, #tpu.memory_space<vmem>>
      %dma_start3A_546 = tpu.memref_squeeze %dma_start3A_545 : memref<1x1024xi32, #tpu.memory_space<vmem>> -> memref<1024xi32, #tpu.memory_space<vmem>>
      %dma_start3A_547 = arith.constant 768 : i32
      %dma_start3A_548 = tpu.memref_slice %dma_start3A_546[%dma_start3A_547] : memref<1024xi32, #tpu.memory_space<vmem>> -> memref<128xi32, #tpu.memory_space<vmem>>
      %dma_start3A_549 = arith.constant 0 : i32
      %dma_start3A_550 = arith.constant 0 : i32
      %dma_start3A_551 = tpu.memref_slice %arg2[%dma_start3A_549, %dma_start3A_550] : memref<10000x128xf32, #tpu.memory_space<hbm>> -> memref<10000x128xf32, #tpu.memory_space<hbm>>
      tpu.enqueue_indirect_dma source(%dma_start3A_551 : memref<10000x128xf32, #tpu.memory_space<hbm>>) target(%arg10 : memref<128x128xf32, #tpu.memory_space<vmem>>) offsets(%dma_start3A_548 : memref<128xi32, #tpu.memory_space<vmem>>) semaphore(%arg12 : memref<!tpu.dma_semaphore, #tpu.memory_space<semaphore_mem>>)
      %dma_wait3A_552 = arith.constant 0 : i32
      %dma_wait3A_553 = arith.constant 0 : i32
      %dma_wait3A_554 = tpu.memref_slice %arg8[%dma_wait3A_552, %dma_wait3A_553] : memref<2x1024xi32, #tpu.memory_space<vmem>> -> memref<1x1024xi32, #tpu.memory_space<vmem>>
      %dma_wait3A_555 = tpu.memref_squeeze %dma_wait3A_554 : memref<1x1024xi32, #tpu.memory_space<vmem>> -> memref<1024xi32, #tpu.memory_space<vmem>>
      %dma_wait3A_556 = arith.constant 0 : i32
      %dma_wait3A_557 = tpu.memref_slice %dma_wait3A_555[%dma_wait3A_556] : memref<1024xi32, #tpu.memory_space<vmem>> -> memref<128xi32, #tpu.memory_space<vmem>>
      %dma_wait3A_558 = arith.constant 0 : i32
      %dma_wait3A_559 = arith.constant 0 : i32
      %dma_wait3A_560 = tpu.memref_slice %arg2[%dma_wait3A_558, %dma_wait3A_559] : memref<10000x128xf32, #tpu.memory_space<hbm>> -> memref<10000x128xf32, #tpu.memory_space<hbm>>
      tpu.wait_indirect_dma semaphore(%arg13 : memref<!tpu.dma_semaphore, #tpu.memory_space<semaphore_mem>>) src(%dma_wait3A_560 : memref<10000x128xf32, #tpu.memory_space<hbm>>) dst(%arg11 : memref<128x128xf32, #tpu.memory_space<vmem>>)
      %dma_start3A_561 = arith.constant 13 : i32
      %dma_start3A_562 = arith.constant 0 : i32
      %dma_start3A_563 = tpu.memref_slice %arg9[%dma_start3A_561, %dma_start3A_562] : memref<16x128xi32, #tpu.memory_space<vmem>> -> memref<1x128xi32, #tpu.memory_space<vmem>>
      %dma_start3A_564 = tpu.memref_squeeze %dma_start3A_563 : memref<1x128xi32, #tpu.memory_space<vmem>> -> memref<128xi32, #tpu.memory_space<vmem>>
      %dma_start3A_565 = arith.constant 0 : i32
      %dma_start3A_566 = arith.constant 0 : i32
      %dma_start3A_567 = tpu.memref_slice %arg7[%dma_start3A_565, %dma_start3A_566] : memref<10112x128xf32, #tpu.memory_space<vmem_shared>> -> memref<10112x128xf32, #tpu.memory_space<vmem_shared>>
      tpu.enqueue_indirect_dma source(%arg11 : memref<128x128xf32, #tpu.memory_space<vmem>>) target(%dma_start3A_567 : memref<10112x128xf32, #tpu.memory_space<vmem_shared>>) offsets(%dma_start3A_564 : memref<128xi32, #tpu.memory_space<vmem>>) semaphore(%arg15 : memref<!tpu.dma_semaphore, #tpu.memory_space<semaphore_mem>>) {add = true}
      %dma_wait3A_568 = arith.constant 0 : i32
      %dma_wait3A_569 = arith.constant 0 : i32
      %dma_wait3A_570 = tpu.memref_slice %arg9[%dma_wait3A_568, %dma_wait3A_569] : memref<16x128xi32, #tpu.memory_space<vmem>> -> memref<1x128xi32, #tpu.memory_space<vmem>>
      %dma_wait3A_571 = tpu.memref_squeeze %dma_wait3A_570 : memref<1x128xi32, #tpu.memory_space<vmem>> -> memref<128xi32, #tpu.memory_space<vmem>>
      %dma_wait3A_572 = arith.constant 0 : i32
      %dma_wait3A_573 = arith.constant 0 : i32
      %dma_wait3A_574 = tpu.memref_slice %arg7[%dma_wait3A_572, %dma_wait3A_573] : memref<10112x128xf32, #tpu.memory_space<vmem_shared>> -> memref<10112x128xf32, #tpu.memory_space<vmem_shared>>
      tpu.wait_indirect_dma semaphore(%arg15 : memref<!tpu.dma_semaphore, #tpu.memory_space<semaphore_mem>>) src(%arg11 : memref<128x128xf32, #tpu.memory_space<vmem>>) dst(%dma_wait3A_574 : memref<10112x128xf32, #tpu.memory_space<vmem_shared>>)
      %dma_start3A_575 = arith.constant 1 : i32
      %dma_start3A_576 = arith.constant 0 : i32
      %dma_start3A_577 = tpu.memref_slice %arg8[%dma_start3A_575, %dma_start3A_576] : memref<2x1024xi32, #tpu.memory_space<vmem>> -> memref<1x1024xi32, #tpu.memory_space<vmem>>
      %dma_start3A_578 = tpu.memref_squeeze %dma_start3A_577 : memref<1x1024xi32, #tpu.memory_space<vmem>> -> memref<1024xi32, #tpu.memory_space<vmem>>
      %dma_start3A_579 = arith.constant 896 : i32
      %dma_start3A_580 = tpu.memref_slice %dma_start3A_578[%dma_start3A_579] : memref<1024xi32, #tpu.memory_space<vmem>> -> memref<128xi32, #tpu.memory_space<vmem>>
      %dma_start3A_581 = arith.constant 0 : i32
      %dma_start3A_582 = arith.constant 0 : i32
      %dma_start3A_583 = tpu.memref_slice %arg2[%dma_start3A_581, %dma_start3A_582] : memref<10000x128xf32, #tpu.memory_space<hbm>> -> memref<10000x128xf32, #tpu.memory_space<hbm>>
      tpu.enqueue_indirect_dma source(%dma_start3A_583 : memref<10000x128xf32, #tpu.memory_space<hbm>>) target(%arg11 : memref<128x128xf32, #tpu.memory_space<vmem>>) offsets(%dma_start3A_580 : memref<128xi32, #tpu.memory_space<vmem>>) semaphore(%arg13 : memref<!tpu.dma_semaphore, #tpu.memory_space<semaphore_mem>>)
      %dma_wait3A_584 = arith.constant 0 : i32
      %dma_wait3A_585 = arith.constant 0 : i32
      %dma_wait3A_586 = tpu.memref_slice %arg8[%dma_wait3A_584, %dma_wait3A_585] : memref<2x1024xi32, #tpu.memory_space<vmem>> -> memref<1x1024xi32, #tpu.memory_space<vmem>>
      %dma_wait3A_587 = tpu.memref_squeeze %dma_wait3A_586 : memref<1x1024xi32, #tpu.memory_space<vmem>> -> memref<1024xi32, #tpu.memory_space<vmem>>
      %dma_wait3A_588 = arith.constant 0 : i32
      %dma_wait3A_589 = tpu.memref_slice %dma_wait3A_587[%dma_wait3A_588] : memref<1024xi32, #tpu.memory_space<vmem>> -> memref<128xi32, #tpu.memory_space<vmem>>
      %dma_wait3A_590 = arith.constant 0 : i32
      %dma_wait3A_591 = arith.constant 0 : i32
      %dma_wait3A_592 = tpu.memref_slice %arg2[%dma_wait3A_590, %dma_wait3A_591] : memref<10000x128xf32, #tpu.memory_space<hbm>> -> memref<10000x128xf32, #tpu.memory_space<hbm>>
      tpu.wait_indirect_dma semaphore(%arg12 : memref<!tpu.dma_semaphore, #tpu.memory_space<semaphore_mem>>) src(%dma_wait3A_592 : memref<10000x128xf32, #tpu.memory_space<hbm>>) dst(%arg10 : memref<128x128xf32, #tpu.memory_space<vmem>>)
      %dma_start3A_593 = arith.constant 14 : i32
      %dma_start3A_594 = arith.constant 0 : i32
      %dma_start3A_595 = tpu.memref_slice %arg9[%dma_start3A_593, %dma_start3A_594] : memref<16x128xi32, #tpu.memory_space<vmem>> -> memref<1x128xi32, #tpu.memory_space<vmem>>
      %dma_start3A_596 = tpu.memref_squeeze %dma_start3A_595 : memref<1x128xi32, #tpu.memory_space<vmem>> -> memref<128xi32, #tpu.memory_space<vmem>>
      %dma_start3A_597 = arith.constant 0 : i32
      %dma_start3A_598 = arith.constant 0 : i32
      %dma_start3A_599 = tpu.memref_slice %arg7[%dma_start3A_597, %dma_start3A_598] : memref<10112x128xf32, #tpu.memory_space<vmem_shared>> -> memref<10112x128xf32, #tpu.memory_space<vmem_shared>>
      tpu.enqueue_indirect_dma source(%arg10 : memref<128x128xf32, #tpu.memory_space<vmem>>) target(%dma_start3A_599 : memref<10112x128xf32, #tpu.memory_space<vmem_shared>>) offsets(%dma_start3A_596 : memref<128xi32, #tpu.memory_space<vmem>>) semaphore(%arg14 : memref<!tpu.dma_semaphore, #tpu.memory_space<semaphore_mem>>) {add = true}
      %dma_wait3A_600 = arith.constant 0 : i32
      %dma_wait3A_601 = arith.constant 0 : i32
      %dma_wait3A_602 = tpu.memref_slice %arg8[%dma_wait3A_600, %dma_wait3A_601] : memref<2x1024xi32, #tpu.memory_space<vmem>> -> memref<1x1024xi32, #tpu.memory_space<vmem>>
      %dma_wait3A_603 = tpu.memref_squeeze %dma_wait3A_602 : memref<1x1024xi32, #tpu.memory_space<vmem>> -> memref<1024xi32, #tpu.memory_space<vmem>>
      %dma_wait3A_604 = arith.constant 0 : i32
      %dma_wait3A_605 = tpu.memref_slice %dma_wait3A_603[%dma_wait3A_604] : memref<1024xi32, #tpu.memory_space<vmem>> -> memref<128xi32, #tpu.memory_space<vmem>>
      %dma_wait3A_606 = arith.constant 0 : i32
      %dma_wait3A_607 = arith.constant 0 : i32
      %dma_wait3A_608 = tpu.memref_slice %arg2[%dma_wait3A_606, %dma_wait3A_607] : memref<10000x128xf32, #tpu.memory_space<hbm>> -> memref<10000x128xf32, #tpu.memory_space<hbm>>
      tpu.wait_indirect_dma semaphore(%arg13 : memref<!tpu.dma_semaphore, #tpu.memory_space<semaphore_mem>>) src(%dma_wait3A_608 : memref<10000x128xf32, #tpu.memory_space<hbm>>) dst(%arg11 : memref<128x128xf32, #tpu.memory_space<vmem>>)
      %dma_start3A_609 = arith.constant 15 : i32
      %dma_start3A_610 = arith.constant 0 : i32
      %dma_start3A_611 = tpu.memref_slice %arg9[%dma_start3A_609, %dma_start3A_610] : memref<16x128xi32, #tpu.memory_space<vmem>> -> memref<1x128xi32, #tpu.memory_space<vmem>>
      %dma_start3A_612 = tpu.memref_squeeze %dma_start3A_611 : memref<1x128xi32, #tpu.memory_space<vmem>> -> memref<128xi32, #tpu.memory_space<vmem>>
      %dma_start3A_613 = arith.constant 0 : i32
      %dma_start3A_614 = arith.constant 0 : i32
      %dma_start3A_615 = tpu.memref_slice %arg7[%dma_start3A_613, %dma_start3A_614] : memref<10112x128xf32, #tpu.memory_space<vmem_shared>> -> memref<10112x128xf32, #tpu.memory_space<vmem_shared>>
      tpu.enqueue_indirect_dma source(%arg11 : memref<128x128xf32, #tpu.memory_space<vmem>>) target(%dma_start3A_615 : memref<10112x128xf32, #tpu.memory_space<vmem_shared>>) offsets(%dma_start3A_612 : memref<128xi32, #tpu.memory_space<vmem>>) semaphore(%arg15 : memref<!tpu.dma_semaphore, #tpu.memory_space<semaphore_mem>>) {add = true}
      %dma_wait3A_616 = arith.constant 0 : i32
      %dma_wait3A_617 = arith.constant 0 : i32
      %dma_wait3A_618 = tpu.memref_slice %arg9[%dma_wait3A_616, %dma_wait3A_617] : memref<16x128xi32, #tpu.memory_space<vmem>> -> memref<1x128xi32, #tpu.memory_space<vmem>>
      %dma_wait3A_619 = tpu.memref_squeeze %dma_wait3A_618 : memref<1x128xi32, #tpu.memory_space<vmem>> -> memref<128xi32, #tpu.memory_space<vmem>>
      %dma_wait3A_620 = arith.constant 0 : i32
      %dma_wait3A_621 = arith.constant 0 : i32
      %dma_wait3A_622 = tpu.memref_slice %arg7[%dma_wait3A_620, %dma_wait3A_621] : memref<10112x128xf32, #tpu.memory_space<vmem_shared>> -> memref<10112x128xf32, #tpu.memory_space<vmem_shared>>
      tpu.wait_indirect_dma semaphore(%arg14 : memref<!tpu.dma_semaphore, #tpu.memory_space<semaphore_mem>>) src(%arg10 : memref<128x128xf32, #tpu.memory_space<vmem>>) dst(%dma_wait3A_622 : memref<10112x128xf32, #tpu.memory_space<vmem_shared>>)
      %dma_wait3A_623 = arith.constant 0 : i32
      %dma_wait3A_624 = arith.constant 0 : i32
      %dma_wait3A_625 = tpu.memref_slice %arg9[%dma_wait3A_623, %dma_wait3A_624] : memref<16x128xi32, #tpu.memory_space<vmem>> -> memref<1x128xi32, #tpu.memory_space<vmem>>
      %dma_wait3A_626 = tpu.memref_squeeze %dma_wait3A_625 : memref<1x128xi32, #tpu.memory_space<vmem>> -> memref<128xi32, #tpu.memory_space<vmem>>
      %dma_wait3A_627 = arith.constant 0 : i32
      %dma_wait3A_628 = arith.constant 0 : i32
      %dma_wait3A_629 = tpu.memref_slice %arg7[%dma_wait3A_627, %dma_wait3A_628] : memref<10112x128xf32, #tpu.memory_space<vmem_shared>> -> memref<10112x128xf32, #tpu.memory_space<vmem_shared>>
      tpu.wait_indirect_dma semaphore(%arg15 : memref<!tpu.dma_semaphore, #tpu.memory_space<semaphore_mem>>) src(%arg11 : memref<128x128xf32, #tpu.memory_space<vmem>>) dst(%dma_wait3A_629 : memref<10112x128xf32, #tpu.memory_space<vmem_shared>>)
    }
    %barrier3A_46 = arith.constant 0 : index
    tpu.barrier barrier_id(%barrier3A_46)
    %mul3A_47 = arith.constant 632 : i32
    %mul3A_48 = arith.muli %arg1, %mul3A_47 : i32
    %eq3A_49 = arith.constant 0 : i32
    %eq3A_50 = arith.cmpi eq, %arg0, %eq3A_49 : i32
    %or3A_51 = arith.constant true
    %or3A_52 = arith.ori %eq3A_50, %or3A_51 : i1
    %convert_element_type3A_53 = arith.extui %or3A_52 : i1 to i32
    %cond3A_54 = arith.constant 0 : i32
    %cond3A_55 = arith.cmpi ne, %convert_element_type3A_53, %cond3A_54 : i32
    scf.if %cond3A_55 {
      %lt3A = arith.constant 2 : i32
      %lt3A_56 = arith.cmpi slt, %arg0, %lt3A : i32
      %jit3A_57 = arith.constant 0 : i32
      %select_n3A_58 = arith.select %lt3A_56, %arg0, %jit3A_57 : i32
      %lt3A_59 = arith.constant 15 : i32
      %lt3A_60 = arith.cmpi slt, %arg1, %lt3A_59 : i32
      %convert_element_type3A_61 = arith.extui %lt3A_60 : i1 to i32
      %cond3A_62 = arith.constant 0 : i32
      %cond3A_63 = arith.cmpi ne, %convert_element_type3A_61, %cond3A_62 : i32
      scf.if %cond3A_63 {
        "tpu.region"() ({
          %run_scoped3A = tpu.sem_alloc : memref<!tpu.dma_semaphore, #tpu.memory_space<semaphore_mem>>
          %dma_start3A = arith.constant 0 : i32
          %dma_start3A_69 = arith.constant 0 : i32
          %dma_start3A_70 = tpu.memref_slice %arg6[%select_n3A_58, %dma_start3A, %dma_start3A_69] : memref<2x10000x128xf32, #tpu.memory_space<hbm>> -> memref<1x10000x128xf32, #tpu.memory_space<hbm>>
          %dma_start3A_71 = tpu.memref_squeeze %dma_start3A_70 : memref<1x10000x128xf32, #tpu.memory_space<hbm>> -> memref<10000x128xf32, #tpu.memory_space<hbm>>
          %dma_start3A_72 = arith.constant 0 : i32
          %dma_start3A_73 = tpu.memref_slice %dma_start3A_71[%mul3A_48, %dma_start3A_72] : memref<10000x128xf32, #tpu.memory_space<hbm>> -> memref<632x128xf32, #tpu.memory_space<hbm>>
          %dma_start3A_74 = arith.constant 0 : i32
          %dma_start3A_75 = tpu.memref_slice %arg7[%mul3A_48, %dma_start3A_74] : memref<10112x128xf32, #tpu.memory_space<vmem_shared>> -> memref<632x128xf32, #tpu.memory_space<vmem_shared>>
          tpu.enqueue_dma source(%dma_start3A_75 : memref<632x128xf32, #tpu.memory_space<vmem_shared>>) target(%dma_start3A_73 : memref<632x128xf32, #tpu.memory_space<hbm>>) target_semaphore(%run_scoped3A : memref<!tpu.dma_semaphore, #tpu.memory_space<semaphore_mem>>)
          %dma_wait3A = arith.constant 0 : i32
          %dma_wait3A_76 = arith.constant 0 : i32
          %dma_wait3A_77 = tpu.memref_slice %arg6[%select_n3A_58, %dma_wait3A, %dma_wait3A_76] : memref<2x10000x128xf32, #tpu.memory_space<hbm>> -> memref<1x10000x128xf32, #tpu.memory_space<hbm>>
          %dma_wait3A_78 = tpu.memref_squeeze %dma_wait3A_77 : memref<1x10000x128xf32, #tpu.memory_space<hbm>> -> memref<10000x128xf32, #tpu.memory_space<hbm>>
          %dma_wait3A_79 = arith.constant 0 : i32
          %dma_wait3A_80 = tpu.memref_slice %dma_wait3A_78[%mul3A_48, %dma_wait3A_79] : memref<10000x128xf32, #tpu.memory_space<hbm>> -> memref<632x128xf32, #tpu.memory_space<hbm>>
          %dma_wait3A_81 = arith.constant 0 : i32
          %dma_wait3A_82 = tpu.memref_slice %arg7[%mul3A_48, %dma_wait3A_81] : memref<10112x128xf32, #tpu.memory_space<vmem_shared>> -> memref<632x128xf32, #tpu.memory_space<vmem_shared>>
          tpu.wait_dma2 semaphore(%run_scoped3A : memref<!tpu.dma_semaphore, #tpu.memory_space<semaphore_mem>>) src(%dma_wait3A_82 : memref<632x128xf32, #tpu.memory_space<vmem_shared>>) dst(%dma_wait3A_80 : memref<632x128xf32, #tpu.memory_space<hbm>>)
          tpu.yield
        }) : () -> ()
      } else {
      }
      %eq3A_64 = arith.constant 15 : i32
      %eq3A_65 = arith.cmpi eq, %arg1, %eq3A_64 : i32
      %convert_element_type3A_66 = arith.extui %eq3A_65 : i1 to i32
      %cond3A_67 = arith.constant 0 : i32
      %cond3A_68 = arith.cmpi ne, %convert_element_type3A_66, %cond3A_67 : i32
      scf.if %cond3A_68 {
        "tpu.region"() ({
          %run_scoped3A = tpu.sem_alloc : memref<!tpu.dma_semaphore, #tpu.memory_space<semaphore_mem>>
          %dma_start3A = arith.constant 0 : i32
          %dma_start3A_69 = arith.constant 0 : i32
          %dma_start3A_70 = tpu.memref_slice %arg6[%select_n3A_58, %dma_start3A, %dma_start3A_69] : memref<2x10000x128xf32, #tpu.memory_space<hbm>> -> memref<1x10000x128xf32, #tpu.memory_space<hbm>>
          %dma_start3A_71 = tpu.memref_squeeze %dma_start3A_70 : memref<1x10000x128xf32, #tpu.memory_space<hbm>> -> memref<10000x128xf32, #tpu.memory_space<hbm>>
          %dma_start3A_72 = arith.constant 9480 : i32
          %dma_start3A_73 = arith.constant 0 : i32
          %dma_start3A_74 = tpu.memref_slice %dma_start3A_71[%dma_start3A_72, %dma_start3A_73] : memref<10000x128xf32, #tpu.memory_space<hbm>> -> memref<520x128xf32, #tpu.memory_space<hbm>>
          %dma_start3A_75 = arith.constant 9480 : i32
          %dma_start3A_76 = arith.constant 0 : i32
          %dma_start3A_77 = tpu.memref_slice %arg7[%dma_start3A_75, %dma_start3A_76] : memref<10112x128xf32, #tpu.memory_space<vmem_shared>> -> memref<520x128xf32, #tpu.memory_space<vmem_shared>>
          tpu.enqueue_dma source(%dma_start3A_77 : memref<520x128xf32, #tpu.memory_space<vmem_shared>>) target(%dma_start3A_74 : memref<520x128xf32, #tpu.memory_space<hbm>>) target_semaphore(%run_scoped3A : memref<!tpu.dma_semaphore, #tpu.memory_space<semaphore_mem>>)
          %dma_wait3A = arith.constant 0 : i32
          %dma_wait3A_78 = arith.constant 0 : i32
          %dma_wait3A_79 = tpu.memref_slice %arg6[%select_n3A_58, %dma_wait3A, %dma_wait3A_78] : memref<2x10000x128xf32, #tpu.memory_space<hbm>> -> memref<1x10000x128xf32, #tpu.memory_space<hbm>>
          %dma_wait3A_80 = tpu.memref_squeeze %dma_wait3A_79 : memref<1x10000x128xf32, #tpu.memory_space<hbm>> -> memref<10000x128xf32, #tpu.memory_space<hbm>>
          %dma_wait3A_81 = arith.constant 9480 : i32
          %dma_wait3A_82 = arith.constant 0 : i32
          %dma_wait3A_83 = tpu.memref_slice %dma_wait3A_80[%dma_wait3A_81, %dma_wait3A_82] : memref<10000x128xf32, #tpu.memory_space<hbm>> -> memref<520x128xf32, #tpu.memory_space<hbm>>
          %dma_wait3A_84 = arith.constant 9480 : i32
          %dma_wait3A_85 = arith.constant 0 : i32
          %dma_wait3A_86 = tpu.memref_slice %arg7[%dma_wait3A_84, %dma_wait3A_85] : memref<10112x128xf32, #tpu.memory_space<vmem_shared>> -> memref<520x128xf32, #tpu.memory_space<vmem_shared>>
          tpu.wait_dma2 semaphore(%run_scoped3A : memref<!tpu.dma_semaphore, #tpu.memory_space<semaphore_mem>>) src(%dma_wait3A_86 : memref<520x128xf32, #tpu.memory_space<vmem_shared>>) dst(%dma_wait3A_83 : memref<520x128xf32, #tpu.memory_space<hbm>>)
          tpu.yield
        }) : () -> ()
      } else {
      }
    } else {
    }
    return
  }
}

module attributes {stable_mosaic.version = 14 : i64} {
  func.func @_tc1_body(%arg0: i32, %arg1: memref<2000x128xf32, #tpu.memory_space<vmem>>, %arg2: memref<2x2000x128xf32, #tpu.memory_space<vmem>>, %arg3: memref<128x128xf32, #tpu.memory_space<vmem>>, %arg4: memref<2000x128xf32, #tpu.memory_space<vmem>>, %arg5: memref<2x128xf32, #tpu.memory_space<vmem>>, %arg6: memref<2x128xf32, #tpu.memory_space<vmem>>) attributes {dimension_semantics = [#tpu.dimension_semantics<arbitrary>], iteration_bounds = array<i64: 5>, scalar_prefetch = 0 : i64, scratch_operands = 1 : i64, tpu.core_type = #tpu.core_type<tc>, window_params = [{transform_indices = @transform_0, window_bounds = array<i64: 2000, 128>}, {transform_indices = @transform_1, window_bounds = array<i64: 2, 2000, 128>}, {pipeline_mode = #tpu.pipeline_mode<synchronous>, transform_indices = @transform_2, window_bounds = array<i64: 128, 128>}, {transform_indices = @transform_3, window_bounds = array<i64: 2000, 128>}, {pipeline_mode = #tpu.pipeline_mode<synchronous>, transform_indices = @transform_4, window_bounds = array<i64: 2, 128>}]} {
    %get3A = arith.constant 0 : index
    %get3A_0 = arith.constant 0 : index
    %get3A_1 = vector.load %arg1[%get3A, %get3A_0] : memref<2000x128xf32, #tpu.memory_space<vmem>>, vector<2000x128xf32>
    %get3A_2 = arith.constant 0 : index
    %get3A_3 = arith.constant 0 : index
    %get3A_4 = arith.constant 0 : index
    %get3A_5 = vector.load %arg2[%get3A_2, %get3A_3, %get3A_4] : memref<2x2000x128xf32, #tpu.memory_space<vmem>>, vector<1x2000x128xf32>
    %get3A_6 = vector.shape_cast %get3A_5 : vector<1x2000x128xf32> to vector<2000x128xf32>
    %add3A = arith.addf %get3A_1, %get3A_6 : vector<2000x128xf32>
    %get3A_7 = arith.constant 1 : index
    %get3A_8 = arith.constant 0 : index
    %get3A_9 = arith.constant 0 : index
    %get3A_10 = vector.load %arg2[%get3A_7, %get3A_8, %get3A_9] : memref<2x2000x128xf32, #tpu.memory_space<vmem>>, vector<1x2000x128xf32>
    %get3A_11 = vector.shape_cast %get3A_10 : vector<1x2000x128xf32> to vector<2000x128xf32>
    %add3A_12 = arith.addf %add3A, %get3A_11 : vector<2000x128xf32>
    %get3A_13 = arith.constant 0 : index
    %get3A_14 = arith.constant 0 : index
    %get3A_15 = vector.load %arg3[%get3A_13, %get3A_14] : memref<128x128xf32, #tpu.memory_space<vmem>>, vector<128x128xf32>
    %dot_general3A = arith.constant dense<0.000000e+00> : vector<2000x128xf32>
    %dot_general3A_16 = tpu.matmul %add3A_12, %get3A_15, %dot_general3A {dimension_numbers = #tpu.dot_dimension_numbers<[1], [0], [0], [1], [0, 0, 1, 1], [], []>, precision = #tpu.contract_precision<fp32>, transpose_lhs_hint = false} : vector<2000x128xf32>, vector<128x128xf32>, vector<2000x128xf32> -> vector<2000x128xf32>
    %swap3A = arith.constant 0 : index
    %swap3A_17 = arith.constant 0 : index
    %swap3A_18 = vector.load %arg4[%swap3A, %swap3A_17] : memref<2000x128xf32, #tpu.memory_space<vmem>>, vector<2000x128xf32>
    tpu.vector_store %arg4[%swap3A, %swap3A_17], %dot_general3A_16 {strides = array<i32>} : memref<2000x128xf32, #tpu.memory_space<vmem>>, vector<2000x128xf32>,
    %max3A = arith.constant 0.000000e+00 : f32
    %max3A_19 = vector.broadcast %max3A : f32 to vector<2000x128xf32>
    %max3A_20 = arith.maximumf %dot_general3A_16, %max3A_19 : vector<2000x128xf32>
    %eq3A = arith.constant 0 : i32
    %eq3A_21 = arith.cmpi eq, %arg0, %eq3A : i32
    %convert_element_type3A = arith.extui %eq3A_21 : i1 to i32
    %cond3A = arith.constant 0 : i32
    %cond3A_22 = arith.cmpi ne, %convert_element_type3A, %cond3A : i32
    scf.if %cond3A_22 {
      %broadcast_in_dim3A_46 = arith.constant 0.000000e+00 : f32
      %broadcast_in_dim3A_47 = vector.broadcast %broadcast_in_dim3A_46 : f32 to vector<2x128xf32>
      %swap3A_48 = arith.constant 0 : index
      %swap3A_49 = arith.constant 0 : index
      %swap3A_50 = vector.load %arg6[%swap3A_48, %swap3A_49] : memref<2x128xf32, #tpu.memory_space<vmem>>, vector<2x128xf32>
      tpu.vector_store %arg6[%swap3A_48, %swap3A_49], %broadcast_in_dim3A_47 {strides = array<i32>} : memref<2x128xf32, #tpu.memory_space<vmem>>, vector<2x128xf32>,
    } else {
    }
    %get3A_23 = arith.constant 0 : index
    %get3A_24 = arith.constant 0 : index
    %get3A_25 = vector.load %arg6[%get3A_23, %get3A_24] : memref<2x128xf32, #tpu.memory_space<vmem>>, vector<1x128xf32>
    %reduce_sum3A = arith.constant dense<0.000000e+00> : vector<128xf32>
    %reduce_sum3A_26 = vector.multi_reduction <add>, %max3A_20, %reduce_sum3A [0] : vector<2000x128xf32> to vector<128xf32>
    %broadcast_in_dim3A = vector.shape_cast %reduce_sum3A_26 : vector<128xf32> to vector<1x128xf32>
    %add3A_27 = arith.addf %get3A_25, %broadcast_in_dim3A : vector<1x128xf32>
    %swap3A_28 = arith.constant 0 : index
    %swap3A_29 = arith.constant 0 : index
    %swap3A_30 = vector.load %arg6[%swap3A_28, %swap3A_29] : memref<2x128xf32, #tpu.memory_space<vmem>>, vector<1x128xf32>
    tpu.vector_store %arg6[%swap3A_28, %swap3A_29], %add3A_27 {strides = array<i32>} : memref<2x128xf32, #tpu.memory_space<vmem>>, vector<1x128xf32>,
    %get3A_31 = arith.constant 1 : index
    %get3A_32 = arith.constant 0 : index
    %get3A_33 = vector.load %arg6[%get3A_31, %get3A_32] : memref<2x128xf32, #tpu.memory_space<vmem>>, vector<1x128xf32>
    %mul3A = arith.mulf %max3A_20, %max3A_20 : vector<2000x128xf32>
    %reduce_sum3A_34 = arith.constant dense<0.000000e+00> : vector<128xf32>
    %reduce_sum3A_35 = vector.multi_reduction <add>, %mul3A, %reduce_sum3A_34 [0] : vector<2000x128xf32> to vector<128xf32>
    %broadcast_in_dim3A_36 = vector.shape_cast %reduce_sum3A_35 : vector<128xf32> to vector<1x128xf32>
    %add3A_37 = arith.addf %get3A_33, %broadcast_in_dim3A_36 : vector<1x128xf32>
    %swap3A_38 = arith.constant 1 : index
    %swap3A_39 = arith.constant 0 : index
    %swap3A_40 = vector.load %arg6[%swap3A_38, %swap3A_39] : memref<2x128xf32, #tpu.memory_space<vmem>>, vector<1x128xf32>
    tpu.vector_store %arg6[%swap3A_38, %swap3A_39], %add3A_37 {strides = array<i32>} : memref<2x128xf32, #tpu.memory_space<vmem>>, vector<1x128xf32>,
    %eq3A_41 = arith.constant 4 : i32
    %eq3A_42 = arith.cmpi eq, %arg0, %eq3A_41 : i32
    %convert_element_type3A_43 = arith.extui %eq3A_42 : i1 to i32
    %cond3A_44 = arith.constant 0 : i32
    %cond3A_45 = arith.cmpi ne, %convert_element_type3A_43, %cond3A_44 : i32
    scf.if %cond3A_45 {
      %get3A_46 = arith.constant 0 : index
      %get3A_47 = arith.constant 0 : index
      %get3A_48 = vector.load %arg6[%get3A_46, %get3A_47] : memref<2x128xf32, #tpu.memory_space<vmem>>, vector<2x128xf32>
      %swap3A_49 = arith.constant 0 : index
      %swap3A_50 = arith.constant 0 : index
      %swap3A_51 = vector.load %arg5[%swap3A_49, %swap3A_50] : memref<2x128xf32, #tpu.memory_space<vmem>>, vector<2x128xf32>
      tpu.vector_store %arg5[%swap3A_49, %swap3A_50], %get3A_48 {strides = array<i32>} : memref<2x128xf32, #tpu.memory_space<vmem>>, vector<2x128xf32>,
    } else {
    }
    return
  }
  func.func @transform_0(%arg0: i32) -> (i32, i32) {
    %c0_i32 = arith.constant 0 : i32
    %c0_i32_0 = arith.constant 0 : i32
    return %arg0, %c0_i32 : i32, i32
  }
  func.func @transform_1(%arg0: i32) -> (i32, i32, i32) {
    %c0_i32 = arith.constant 0 : i32
    %c0_i32_0 = arith.constant 0 : i32
    %c0_i32_1 = arith.constant 0 : i32
    return %c0_i32, %arg0, %c0_i32_0 : i32, i32, i32
  }
  func.func @transform_2(%arg0: i32) -> (i32, i32) {
    %c0_i32 = arith.constant 0 : i32
    %c0_i32_0 = arith.constant 0 : i32
    %c0_i32_1 = arith.constant 0 : i32
    return %c0_i32, %c0_i32_0 : i32, i32
  }
  func.func @transform_3(%arg0: i32) -> (i32, i32) {
    %c0_i32 = arith.constant 0 : i32
    %c0_i32_0 = arith.constant 0 : i32
    return %arg0, %c0_i32 : i32, i32
  }
  func.func @transform_4(%arg0: i32) -> (i32, i32) {
    %c0_i32 = arith.constant 0 : i32
    %c0_i32_0 = arith.constant 0 : i32
    %c0_i32_1 = arith.constant 0 : i32
    return %c0_i32, %c0_i32_0 : i32, i32
  }
}

module attributes {stable_mosaic.version = 14 : i64} {
  func.func @_tcbn_body(%arg0: i32, %arg1: memref<2000x128xf32, #tpu.memory_space<vmem>>, %arg2: memref<2x128xf32, #tpu.memory_space<vmem>>, %arg3: memref<1x128xf32, #tpu.memory_space<vmem>>, %arg4: memref<1x128xf32, #tpu.memory_space<vmem>>, %arg5: memref<2000x128xf32, #tpu.memory_space<vmem>>) attributes {dimension_semantics = [#tpu.dimension_semantics<arbitrary>], iteration_bounds = array<i64: 5>, scalar_prefetch = 0 : i64, scratch_operands = 0 : i64, tpu.core_type = #tpu.core_type<tc>, window_params = [{transform_indices = @transform_0, window_bounds = array<i64: 2000, 128>}, {pipeline_mode = #tpu.pipeline_mode<synchronous>, transform_indices = @transform_1, window_bounds = array<i64: 2, 128>}, {pipeline_mode = #tpu.pipeline_mode<synchronous>, transform_indices = @transform_2, window_bounds = array<i64: 1, 128>}, {pipeline_mode = #tpu.pipeline_mode<synchronous>, transform_indices = @transform_3, window_bounds = array<i64: 1, 128>}, {transform_indices = @transform_4, window_bounds = array<i64: 2000, 128>}]} {
    %get3A = arith.constant 0 : index
    %get3A_0 = arith.constant 0 : index
    %get3A_1 = vector.load %arg2[%get3A, %get3A_0] : memref<2x128xf32, #tpu.memory_space<vmem>>, vector<1x128xf32>
    %mul3A = arith.constant 9.99999974E-5 : f32
    %mul3A_2 = vector.broadcast %mul3A : f32 to vector<1x128xf32>
    %mul3A_3 = arith.mulf %get3A_1, %mul3A_2 : vector<1x128xf32>
    %get3A_4 = arith.constant 1 : index
    %get3A_5 = arith.constant 0 : index
    %get3A_6 = vector.load %arg2[%get3A_4, %get3A_5] : memref<2x128xf32, #tpu.memory_space<vmem>>, vector<1x128xf32>
    %mul3A_7 = arith.constant 9.99999974E-5 : f32
    %mul3A_8 = vector.broadcast %mul3A_7 : f32 to vector<1x128xf32>
    %mul3A_9 = arith.mulf %get3A_6, %mul3A_8 : vector<1x128xf32>
    %mul3A_10 = arith.mulf %mul3A_3, %mul3A_3 : vector<1x128xf32>
    %sub3A = arith.subf %mul3A_9, %mul3A_10 : vector<1x128xf32>
    %get3A_11 = arith.constant 0 : index
    %get3A_12 = arith.constant 0 : index
    %get3A_13 = vector.load %arg3[%get3A_11, %get3A_12] : memref<1x128xf32, #tpu.memory_space<vmem>>, vector<1x128xf32>
    %add3A = arith.constant 9.99999974E-6 : f32
    %add3A_14 = vector.broadcast %add3A : f32 to vector<1x128xf32>
    %add3A_15 = arith.addf %sub3A, %add3A_14 : vector<1x128xf32>
    %rsqrt3A = math.rsqrt %add3A_15 : vector<1x128xf32>
    %mul3A_16 = arith.mulf %get3A_13, %rsqrt3A : vector<1x128xf32>
    %get3A_17 = arith.constant 0 : index
    %get3A_18 = arith.constant 0 : index
    %get3A_19 = vector.load %arg4[%get3A_17, %get3A_18] : memref<1x128xf32, #tpu.memory_space<vmem>>, vector<1x128xf32>
    %mul3A_20 = arith.mulf %mul3A_3, %mul3A_16 : vector<1x128xf32>
    %sub3A_21 = arith.subf %get3A_19, %mul3A_20 : vector<1x128xf32>
    %get3A_22 = arith.constant 0 : index
    %get3A_23 = arith.constant 0 : index
    %get3A_24 = vector.load %arg1[%get3A_22, %get3A_23] : memref<2000x128xf32, #tpu.memory_space<vmem>>, vector<2000x128xf32>
    %max3A = arith.constant 0.000000e+00 : f32
    %max3A_25 = vector.broadcast %max3A : f32 to vector<2000x128xf32>
    %max3A_26 = arith.maximumf %get3A_24, %max3A_25 : vector<2000x128xf32>
    %mul3A_27 = vector.broadcast %mul3A_16 : vector<1x128xf32> to vector<2000x128xf32>
    %mul3A_28 = arith.mulf %max3A_26, %mul3A_27 : vector<2000x128xf32>
    %add3A_29 = vector.broadcast %sub3A_21 : vector<1x128xf32> to vector<2000x128xf32>
    %add3A_30 = arith.addf %mul3A_28, %add3A_29 : vector<2000x128xf32>
    %swap3A = arith.constant 0 : index
    %swap3A_31 = arith.constant 0 : index
    %swap3A_32 = vector.load %arg5[%swap3A, %swap3A_31] : memref<2000x128xf32, #tpu.memory_space<vmem>>, vector<2000x128xf32>
    tpu.vector_store %arg5[%swap3A, %swap3A_31], %add3A_30 {strides = array<i32>} : memref<2000x128xf32, #tpu.memory_space<vmem>>, vector<2000x128xf32>,
    return
  }
  func.func @transform_0(%arg0: i32) -> (i32, i32) {
    %c0_i32 = arith.constant 0 : i32
    %c0_i32_0 = arith.constant 0 : i32
    return %arg0, %c0_i32 : i32, i32
  }
  func.func @transform_1(%arg0: i32) -> (i32, i32) {
    %c0_i32 = arith.constant 0 : i32
    %c0_i32_0 = arith.constant 0 : i32
    %c0_i32_1 = arith.constant 0 : i32
    return %c0_i32, %c0_i32_0 : i32, i32
  }
  func.func @transform_2(%arg0: i32) -> (i32, i32) {
    %c0_i32 = arith.constant 0 : i32
    %c0_i32_0 = arith.constant 0 : i32
    %c0_i32_1 = arith.constant 0 : i32
    return %c0_i32, %c0_i32_0 : i32, i32
  }
  func.func @transform_3(%arg0: i32) -> (i32, i32) {
    %c0_i32 = arith.constant 0 : i32
    %c0_i32_0 = arith.constant 0 : i32
    %c0_i32_1 = arith.constant 0 : i32
    return %c0_i32, %c0_i32_0 : i32, i32
  }
  func.func @transform_4(%arg0: i32) -> (i32, i32) {
    %c0_i32 = arith.constant 0 : i32
    %c0_i32_0 = arith.constant 0 : i32
    return %arg0, %c0_i32 : i32, i32
  }
}

module attributes {stable_mosaic.version = 14 : i64} {
  func.func @_tc3_body(%arg0: i32, %arg1: memref<2000x128xf32, #tpu.memory_space<vmem>>, %arg2: memref<2x2000x128xf32, #tpu.memory_space<vmem>>, %arg3: memref<128x128xf32, #tpu.memory_space<vmem>>, %arg4: memref<2000x128xf32, #tpu.memory_space<vmem>>, %arg5: memref<2000x128xf32, #tpu.memory_space<vmem>>) attributes {dimension_semantics = [#tpu.dimension_semantics<arbitrary>], iteration_bounds = array<i64: 5>, scalar_prefetch = 0 : i64, scratch_operands = 0 : i64, tpu.core_type = #tpu.core_type<tc>, window_params = [{transform_indices = @transform_0, window_bounds = array<i64: 2000, 128>}, {transform_indices = @transform_1, window_bounds = array<i64: 2, 2000, 128>}, {pipeline_mode = #tpu.pipeline_mode<synchronous>, transform_indices = @transform_2, window_bounds = array<i64: 128, 128>}, {transform_indices = @transform_3, window_bounds = array<i64: 2000, 128>}, {transform_indices = @transform_4, window_bounds = array<i64: 2000, 128>}]} {
    %get3A = arith.constant 0 : index
    %get3A_0 = arith.constant 0 : index
    %get3A_1 = vector.load %arg1[%get3A, %get3A_0] : memref<2000x128xf32, #tpu.memory_space<vmem>>, vector<2000x128xf32>
    %get3A_2 = arith.constant 0 : index
    %get3A_3 = arith.constant 0 : index
    %get3A_4 = arith.constant 0 : index
    %get3A_5 = vector.load %arg2[%get3A_2, %get3A_3, %get3A_4] : memref<2x2000x128xf32, #tpu.memory_space<vmem>>, vector<1x2000x128xf32>
    %get3A_6 = vector.shape_cast %get3A_5 : vector<1x2000x128xf32> to vector<2000x128xf32>
    %add3A = arith.addf %get3A_1, %get3A_6 : vector<2000x128xf32>
    %get3A_7 = arith.constant 1 : index
    %get3A_8 = arith.constant 0 : index
    %get3A_9 = arith.constant 0 : index
    %get3A_10 = vector.load %arg2[%get3A_7, %get3A_8, %get3A_9] : memref<2x2000x128xf32, #tpu.memory_space<vmem>>, vector<1x2000x128xf32>
    %get3A_11 = vector.shape_cast %get3A_10 : vector<1x2000x128xf32> to vector<2000x128xf32>
    %add3A_12 = arith.addf %add3A, %get3A_11 : vector<2000x128xf32>
    %get3A_13 = arith.constant 0 : index
    %get3A_14 = arith.constant 0 : index
    %get3A_15 = vector.load %arg3[%get3A_13, %get3A_14] : memref<128x128xf32, #tpu.memory_space<vmem>>, vector<128x128xf32>
    %dot_general3A = arith.constant dense<0.000000e+00> : vector<2000x128xf32>
    %dot_general3A_16 = tpu.matmul %add3A_12, %get3A_15, %dot_general3A {dimension_numbers = #tpu.dot_dimension_numbers<[1], [0], [0], [1], [0, 0, 1, 1], [], []>, precision = #tpu.contract_precision<fp32>, transpose_lhs_hint = false} : vector<2000x128xf32>, vector<128x128xf32>, vector<2000x128xf32> -> vector<2000x128xf32>
    %get3A_17 = arith.constant 0 : index
    %get3A_18 = arith.constant 0 : index
    %get3A_19 = vector.load %arg4[%get3A_17, %get3A_18] : memref<2000x128xf32, #tpu.memory_space<vmem>>, vector<2000x128xf32>
    %add3A_20 = arith.addf %dot_general3A_16, %get3A_19 : vector<2000x128xf32>
    %max3A = arith.constant 0.000000e+00 : f32
    %max3A_21 = vector.broadcast %max3A : f32 to vector<2000x128xf32>
    %max3A_22 = arith.maximumf %add3A_20, %max3A_21 : vector<2000x128xf32>
    %swap3A = arith.constant 0 : index
    %swap3A_23 = arith.constant 0 : index
    %swap3A_24 = vector.load %arg5[%swap3A, %swap3A_23] : memref<2000x128xf32, #tpu.memory_space<vmem>>, vector<2000x128xf32>
    tpu.vector_store %arg5[%swap3A, %swap3A_23], %max3A_22 {strides = array<i32>} : memref<2000x128xf32, #tpu.memory_space<vmem>>, vector<2000x128xf32>,
    return
  }
  func.func @transform_0(%arg0: i32) -> (i32, i32) {
    %c0_i32 = arith.constant 0 : i32
    %c0_i32_0 = arith.constant 0 : i32
    return %arg0, %c0_i32 : i32, i32
  }
  func.func @transform_1(%arg0: i32) -> (i32, i32, i32) {
    %c0_i32 = arith.constant 0 : i32
    %c0_i32_0 = arith.constant 0 : i32
    %c0_i32_1 = arith.constant 0 : i32
    return %c0_i32, %arg0, %c0_i32_0 : i32, i32, i32
  }
  func.func @transform_2(%arg0: i32) -> (i32, i32) {
    %c0_i32 = arith.constant 0 : i32
    %c0_i32_0 = arith.constant 0 : i32
    %c0_i32_1 = arith.constant 0 : i32
    return %c0_i32, %c0_i32_0 : i32, i32
  }
  func.func @transform_3(%arg0: i32) -> (i32, i32) {
    %c0_i32 = arith.constant 0 : i32
    %c0_i32_0 = arith.constant 0 : i32
    return %arg0, %c0_i32 : i32, i32
  }
  func.func @transform_4(%arg0: i32) -> (i32, i32) {
    %c0_i32 = arith.constant 0 : i32
    %c0_i32_0 = arith.constant 0 : i32
    return %arg0, %c0_i32 : i32, i32
  }
}

</mosaic_0001>

<sc_bundles>
// kernel: kernel.10.cloned.1.call-start
scs
__scs_entry_jumppad:
0x0: {  	(pc) =	sbr.rel $0x88, $3  }
0x1: {  	(tag) =	ssettag $0x0;
	lr =	simm.s32 $0x1  }
0x2: {  	[smem:$0x3F9B] =	sst lr;
	_ =	strace $0xD0000000  }
0x3: {  	_ = 	snop  }
0x4: {  	_ = 	snop  }
0x5: {  	_ = 	snop  }
0x6: {  	_ = 	snop  }
0x7: {  	_ = 	snop  }
__scs_overlays_trampoline_lowered:
0x8: {  	[smem:$0x3FAA] =	sst s0  }
0x9: {  	[smem:$0x3FAB] =	sst s1  }
0xa: {  	[smem:$0x3FAC] =	sst s2  }
0xb: {  	[smem:$0x3FAD] =	sst s3  }
0xc: {  	[smem:$0x3FAE] =	sst s4  }
0xd: {  	[smem:$0x3FAF] =	sst s5  }
0xe: {  	[smem:$0x3FB0] =	sst s6  }
0xf: {  	[smem:$0x3FB1] =	sst s7  }
0x10: {  	[smem:$0x3FB2] =	sst s8  }
0x11: {  	[smem:$0x3FB3] =	sst s9;
	s0 =	simm.s32 @!p0 $0x0  }
0x12: {  	s1 =	sld [smem:$0x3F99];
	s0 =	simm.s32 @p0 $0x1  }
0x13: {  	[smem:$0x3FB4] =	sst s0;
	s0 =	simm.s32 @!p1 $0x0  }
0x14: {  	s2 =	sld [smem:$0x3F98];
	s0 =	simm.s32 @p1 $0x1  }
0x15: {  	[smem:$0x3FB5] =	sst s0;
	s0 =	simm.s32 @!p2 $0x0  }
0x16: {  	s3 =	sld [smem:$0x3FDB];
	s0 =	simm.s32 @p2 $0x1  }
0x17: {  	s4 =	simm.s32 $0x1BF5;
	[smem:$0x3FB7] =	sst s0  }
0x18: {  	s0 =	sld [smem:$0x3F9A];
	_ =	swait.ge [sflag:s4], $0x0  }
0x19: {  	s7 =	sld [smem:$0x3F9B]  }
0x1a: {  	s8 =	sadd.s32 $0xFFFFE003, lr  }
0x1b: {  	s9 =	sadd.s32 $0xFFFFFEF7, lr;
	s5 =	simm.s32 $0xFFFFFFFF;
	p2 =	slt.u32 s8, $0xFFFFF086  }
0x1c: {  	p1 =	slt.u32 s9, $0xF7A;
	s5 =	simm.s32 @!p2 $0x0  }
0x1d: {  	s5 =	simm.s32 @p1 $0x1;
	p0 =	seq.s32 s7, s2  }
0x1e: {  	s7 =	smul.u32 @!p0 $0xF7A, s2;
	p2 =	seq.s32 @!p0 s5, $0x0  }
0x1f: {  	s9 =	smul.u32 $0xF7A, s1;
	s8 =	simm.s32 @!p0 $0x1BF5;
	p2 =	por !p2, p0  }
0x20: {  	[sflag:s8] =	ssyncset.s32 @!p0 $0xFFFFF086;
	s6 =	sadd.s32 @!p0 s3, s7;
	s7 =	simm.s32 @!p0 $0x108  }
0x21: {  	s3 =	sadd.s32 s3, s9;
	s6 =	sadd.s32 @!p0 $0x88, s6;
	s7 =	simm.s32 @p2 $0x1082  }
0x22: {  	[simem:s7], [sflag:s8] =	dma.local @!p0 [hbm:s6], $0xF7A  }
0x23: {  	s9 =	sor.u32 $0xD0000000, s2;
	s6 =	simm.s32 $0x108;
	_ =	swait.ge @!p0 [sflag:s8], $0x0  }
0x24: {  	s3 =	sadd.s32 $0x88, s3;
	s6 =	simm.s32 @!p1 $0x1082;
	[sflag:s4] =	ssyncset.s32 $0xFFFFF086  }
0x25: {  	[simem:s6], [sflag:s4] =	dma.local [hbm:s3], $0xF7A  }
0x26: {  	[smem:$0x3F9B] =	sst s1;
	(tag) =	ssettag s2;
	_ =	strace s9  }
0x27: {  	s1 =	sld [smem:$0x3FAB]  }
0x28: {  	s2 =	sld [smem:$0x3FAC]  }
0x29: {  	s4 =	sld [smem:$0x3FAE]  }
0x2a: {  	p0 =	seq.s32 s5, $0x0;
	s5 =	sld [smem:$0x3FAF]  }
0x2b: {  	s6 =	sld [smem:$0x3FB0]  }
0x2c: {  	s7 =	sld [smem:$0x3FB1]  }
0x2d: {  	s3 =	simm.s32 $0x108;
	s8 =	sld [smem:$0x3FB2]  }
0x2e: {  	s3 =	simm.s32 @!p0 $0x1082;
	s9 =	sld [smem:$0x3FB3]  }
0x2f: {  	lr =	sadd.s32 s0, s3;
	s0 =	sld [smem:$0x3FAA]  }
0x30: {  	s3 =	sld [smem:$0x3FAD]  }
0x31: {  	[smem:$0x3FB6] =	sst s10  }
0x32: {  	s10 =	sld [smem:$0x3FB4];
	_ =	sdelay $0x3  }
0x33: {  	p0 =	seq.s32 s10, $0x1;
	s10 =	sld [smem:$0x3FB6];
	_ =	sdelay $0x3  }
0x34: {  	[smem:$0x3FB6] =	sst s10  }
0x35: {  	s10 =	sld [smem:$0x3FB5];
	_ =	sdelay $0x3  }
0x36: {  	p1 =	seq.s32 s10, $0x1;
	s10 =	sld [smem:$0x3FB6];
	_ =	sdelay $0x3  }
0x37: {  	[smem:$0x3FB6] =	sst s10  }
0x38: {  	s10 =	sld [smem:$0x3FB7]  }
0x39: {  	_ = 	snop;
	(pc) =	sbr.ind lr, $3  }
0x3a: {  	_ = 	snop  }
0x3b: {  	_ = 	snop  }
0x3c: {  	p2 =	seq.s32 s10, $0x1;
	s10 =	sld [smem:$0x3FB6]  }
0x3d: {  	_ =	shalt  }
0x3e: {  	_ =	shalt  }
0x3f: {  	_ =	shalt  }
0x40: {  	_ =	shalt  }
0x41: {  	_ =	shalt  }
0x42: {  	_ =	shalt  }
0x43: {  	_ =	shalt  }
0x44: {  	_ =	shalt  }
0x45: {  	_ =	shalt  }
0x46: {  	_ =	shalt  }
0x47: {  	_ =	shalt  }
0x48: {  	_ =	shalt  }
0x49: {  	_ =	shalt  }
0x4a: {  	_ =	shalt  }
0x4b: {  	_ =	shalt  }
0x4c: {  	_ =	shalt  }
0x4d: {  	_ =	shalt  }
0x4e: {  	_ =	shalt  }
0x4f: {  	_ =	shalt  }
0x50: {  	_ =	shalt  }
0x51: {  	_ =	shalt  }
0x52: {  	_ =	shalt  }
0x53: {  	_ =	shalt  }
0x54: {  	_ =	shalt  }
0x55: {  	_ =	shalt  }
0x56: {  	_ =	shalt  }
0x57: {  	_ =	shalt  }
0x58: {  	_ =	shalt  }
0x59: {  	_ =	shalt  }
0x5a: {  	_ =	shalt  }
0x5b: {  	_ =	shalt  }
0x5c: {  	_ =	shalt  }
0x5d: {  	_ =	shalt  }
0x5e: {  	_ =	shalt  }
0x5f: {  	_ =	shalt  }
0x60: {  	_ =	shalt  }
0x61: {  	_ =	shalt  }
0x62: {  	_ =	shalt  }
0x63: {  	_ =	shalt  }
0x64: {  	_ =	shalt  }
0x65: {  	_ =	shalt  }
0x66: {  	_ =	shalt  }
0x67: {  	_ =	shalt  }
0x68: {  	_ =	shalt  }
0x69: {  	_ =	shalt  }
0x6a: {  	_ =	shalt  }
0x6b: {  	_ =	shalt  }
0x6c: {  	_ =	shalt  }
0x6d: {  	_ =	shalt  }
0x6e: {  	_ =	shalt  }
0x6f: {  	_ =	shalt  }
0x70: {  	_ =	shalt  }
0x71: {  	_ =	shalt  }
0x72: {  	_ =	shalt  }
0x73: {  	_ =	shalt  }
0x74: {  	_ =	shalt  }
0x75: {  	_ =	shalt  }
0x76: {  	_ =	shalt  }
0x77: {  	_ =	shalt  }
0x78: {  	_ =	shalt  }
0x79: {  	_ =	shalt  }
0x7a: {  	_ =	shalt  }
0x7b: {  	_ =	shalt  }
0x7c: {  	_ =	shalt  }
0x7d: {  	_ =	shalt  }
0x7e: {  	_ =	shalt  }
0x7f: {  	_ =	shalt  }
0x80: {  	_ =	shalt  }
0x81: {  	_ =	shalt  }
0x82: {  	_ =	shalt  }
0x83: {  	_ =	shalt  }
0x84: {  	_ =	shalt  }
0x85: {  	_ =	shalt  }
0x86: {  	_ =	shalt  }
0x87: {  	_ =	shalt  }
.Lfunc_end0:
.L_simem_size_0:
called_computation.1_lowered:
.L_overlay_start_0:
0x88: {  	s2 =	sld [smem:$0x3FD9]  }
0x89: {  	s3 =	sld [smem:$0x3FFE];
	_ =	sdelay $0x1  }
0x8a: {  	s1 =	srdreg.scid  }
0x8b: {  	s0 =	sand.u32 $0x1, s1  }
0x8c: {  	s17 =	sshll.u32 s0, $0xA;
	s2 =	sadd.s32 s3, s2  }
0x8d: {  	s2 =	sadd.s32 s2, s17  }
0x8e: {  	[smem:$0x3FC2] =	sst s2  }
0x8f: {  	_ = 	snop  }
0x90: {  	s2 =	sld [smem:$0x3FD0];
	(tm) =	ssettm $0x1  }
0x91: {  	s18 =	sld [smem:$0x3FFB];
	_ =	sdelay $0x3  }
0x92: {  	_ =	strace s18  }
0x93: {  	s3 =	sld [smem:$0x3FFC];
	_ =	sdelay $0x3  }
0x94: {  	_ =	strace s3  }
0x95: {  	s3 =	sld [smem:$0x3FFD];
	_ =	sdelay $0x3  }
0x96: {  	_ =	strace s3  }
0x97: {  	_ =	strace $0x8FFFFFFF  }
0x98: {  	s19 =	sld [smem:$0x3FDB];
	_ =	sdelay $0x1  }
0x99: {  	s4 =	simm.s32 $_scs_section_size  }
0x9a: {  	s5 =	simm.s32 $_size__tile_overlayer_lowered;
	s6 =	simm.s32 $_tile_overlayer_lowered  }
0x9b: {  	s22 =	simm.s32 $0x1BFF;
	s21 =	sshll.u32 s6, $0x1;
	s3 =	sadd.s32 s4, s19  }
0x9c: {  	s7 =	simm.s32 $0x0;
	s20 =	sshll.u32 s5, $0x1;
	s5 =	sadd.s32 s21, s3  }
0x9d: {  	[timem:s7], [sflag:s22] =	dma.local [hbm:s5], s20  }
0x9e: {  	_ =	swait.ge [sflag:s22], s20  }
0x9f: {  	s4 =	ssub.s32 $0x0, s20;
	[sflag:s22] =	ssyncset.done $0x0  }
0xa0: {  	[sflag:s22] =	ssyncadd.s32 s4;
	_ =	sdelay $0x1  }
0xa1: {  	s23 =	simm.s32 $0x1B8B  }
0xa2: {  	_ =	swait.ge [sflag:s23], $0x1  }
0xa3: {  	[sflag:s23] =	ssyncset.done $0x0  }
0xa4: {  	s25 =	simm.s32 $0x1B8E;
	s24 =	sld [smem:$0x3FFE];
	[sflag:s23] =	ssyncadd.s32 $0xFFFFFFFF  }
0xa5: {  	s26 =	simm.s32 $execute0_lowered;
	[smem:$0x3FD2] =	sst s25  }
0xa6: {  	s5 =	sshll.u32 s26, $0x1;
	_ =	strace $0x80000049;
	[dreg:$0x1] =	wrdreg $0xFFFFFFFF  }
0xa7: {  	s28 =	simm.s32 $_size_execute0_lowered;
	s3 =	sadd.s32 s3, s5;
	[dreg:$0x0] =	wrdreg $0x0  }
0xa8: {  	s5 =	sshll.u32 s28, $0x1;
	[dreg:$0x2] =	wrdreg s3  }
0xa9: {  	[dreg:$0x3] =	wrdreg s5  }
0xaa: {  	[dreg:$0x4] =	wrdreg $0xC0  }
0xab: {  	_ =	task [dreg:s7], $0x5FFFF  }
0xac: {  	[dreg:$0x1] =	wrdreg $0xFFFFFFFF  }
0xad: {  	[dreg:$0x0] =	wrdreg $0x60  }
0xae: {  	[dreg:$0x2] =	wrdreg s2  }
0xaf: {  	[dreg:$0x3] =	wrdreg s24  }
0xb0: {  	[dreg:$0x4] =	wrdreg $0x0  }
0xb1: {  	[dreg:$0x5] =	wrdreg $0x9  }
0xb2: {  	_ =	task.clear_ibuf [dreg:s7], $0x6FFFF;
	_ =	strace $0x90000049  }
0xb3: {  	s29 =	simm.s32 $0x9;
	_ =	strace $0x8000004B  }
0xb4: {  	_ =	swait.ge [sflag:s29], $0x1  }
0xb5: {  	[sflag:s29] =	ssyncadd.s32 $0xFFFFFFFF  }
0xb6: {  	_ =	strace $0x9000004B  }
0xb7: {  	_ =	sfence  }
0xb8: {  	s30 =	sld [smem:$0x0];
	_ =	sdelay $0x2  }
0xb9: {  	s31 =	sshll.u32 s1, $0xD;
	s1 =	sshrl.u32 s1, $0x2  }
0xba: {  	s3 =	sand.u32 $0x4000, s31;
	s1 =	sadd.s32 s1, s30  }
0xbb: {  	s0 =	sor.u32 s3, s0;
	s1 =	sshll.u32 s1, $0x11  }
0xbc: {  	s0 =	sor.u32 s1, s0  }
0xbd: {  	s0 =	sadd.s32 $0x8F2B, s0  }
0xbe: {  	[sflag:s0] =	ssyncadd.remote.s32 $0x1  }
0xbf: {  	_ =	sfence.sel $0xFFFF  }
0xc0: {  	[dreg:$0x0] =	wrdreg $0xFFFFFFFF;
	(pc) =	sbr.abs _section_cstart, $3  }
0xc1: {  	[dreg:$0x1] =	wrdreg $0xFFFFFFFF  }
0xc2: {  	_ =	task.clear_ibuf [dreg:s7], $0x2FFFF;
	_ =	strace $0x9FFFFFFF  }
0xc3: {  	(tm) =	ssettm $0x7FFFFFFF  }
tec
execute0_lowered:
.L_overlay_start_1:
0x0: {  	(tag) =	ssettag $0x1  }
0x1: {  	s2 =	rddreg [dreg:$0x0]  }
0x2: {  	s0 =	rddreg [dreg:$0x1]  }
0x3: {  	s3 =	rddreg [dreg:$0x2];
	s10 =	stileid.u32  }
0x4: {  	s4 =	simm.s32 $0x0;
	s1 =	srdreg.scid;
	s12 =	simm.s32 $0x14580  }
0x5: {  	s14 =	simm.s32 $0x14600;
	s16 =	simm.s32 $0x14680;
	[smem:$0x7FF] =	sst s4  }
0x6: {  	s18 =	simm.s32 $0x14700;
	_ =	strace $0x8000004A;
	[dreg:$0x6] =	wrdreg s12  }
0x7: {  	s20 =	simm.s32 $0x14780;
	s5 =	smul.u32 $0x50, s10;
	[dreg:$0x7] =	wrdreg s14  }
0x8: {  	s23 =	simm.s32 $0x14880;
	s9 =	smul.u32 $0x2780, s10;
	[dreg:$0x8] =	wrdreg s16  }
0x9: {  	s1 =	sand.u32 $0x1, s1;
	s7 =	smul.u32 $0x4F000, s10;
	[dreg:$0x9] =	wrdreg s18  }
0xa: {  	s22 =	sshll.u32 s10, $0x6;
	p0 =	seq.s32 s1, $0x0;
	[dreg:$0xa] =	wrdreg s20  }
0xb: {  	s24 =	smul.u32 $0x27100, s1;
	s1 =	ssub.s32 $0x2, s1;
	[dreg:$0xb] =	wrdreg s23  }
0xc: {  	s22 =	sor.u32 $0x1C07, s22;
	[dreg:$0x14] =	wrdreg s9;
	s9 =	sadd.s32 s9, s0  }
0xd: {  	s25 =	sshrl.u32 s1, $0x1;
	[smem:$0x7FD] =	sst s22;
	s30 =	sadd.s32 $0x15A00, s9  }
0xe: {  	s26 =	sshrl.u32 s7, $0x2;
	s9 =	simm.s32 $0x14500;
	[dreg:$0x16] =	wrdreg s30  }
0xf: {  	s1 =	ssub.s32 s1, s25;
	s25 =	simm.s32 $0x14980;
	[dreg:$0x5] =	wrdreg s9  }
0x10: {  	s21 =	sadd.s32 s26, s3;
	s26 =	simm.s32 $0x14A00;
	[dreg:$0xd] =	wrdreg s25  }
0x11: {  	s6 =	sadd.s32 $0x500, s5;
	[dreg:$0xe] =	wrdreg s26  }
0x12: {  	s6 =	smov.u32 @p0 s5;
	s1 =	smax.u32 s1, $0x1;
	[dreg:$0x15] =	wrdreg s21  }
0x13: {  	s6 =	sshll.u32 s6, $0x4;
	s30 =	simm.s32 $0x14B80;
	[dreg:$0x18] =	wrdreg s1  }
0x14: {  	s8 =	sadd.s32 s6, s0;
	s6 =	simm.s32 $0x14480;
	[dreg:$0x11] =	wrdreg s30  }
0x15: {  	s0 =	sadd.s32 s24, s0;
	s24 =	simm.s32 $0x14900;
	[dreg:$0x4] =	wrdreg s6  }
0x16: {  	s28 =	sadd.s32 $0xBA00, s8;
	[dreg:$0xc] =	wrdreg s24  }
0x17: {  	s29 =	sadd.s32 $0x1A00, s8;
	[dreg:$0x12] =	wrdreg s28  }
0x18: {  	s0 =	sadd.s32 $0x3D200, s0;
	[dreg:$0x13] =	wrdreg s29  }
0x19: {  	s5 =	sadd.s32 $0xBA10, s8;
	[dreg:$0x17] =	wrdreg s0  }
0x1a: {  	s7 =	sadd.s32 $0xBA20, s8;
	[dreg:$0x19] =	wrdreg s5  }
0x1b: {  	s31 =	simm.s32 $0x1;
	s11 =	sadd.s32 $0xBA30, s8;
	[dreg:$0x1a] =	wrdreg s7  }
0x1c: {  	s18 =	simm.s32 $0x14C00;
	s13 =	sadd.s32 $0xBA40, s8;
	[dreg:$0x1b] =	wrdreg s11  }
0x1d: {  	p0 =	seq.s32 s10, $0xF;
	s15 =	sadd.s32 $0xBA50, s8;
	[dreg:$0x1c] =	wrdreg s13  }
0x1e: {  	s10 =	simm.s32 $0x2;
	s17 =	sadd.s32 $0xBA60, s8;
	[dreg:$0x1d] =	wrdreg s15  }
0x1f: {  	s25 =	simm.s32 $0x18C00;
	s19 =	sadd.s32 $0xBA70, s8;
	[dreg:$0x1e] =	wrdreg s17  }
0x20: {  	s8 =	simm.s32 $0x3;
	[dreg:$0x1f] =	wrdreg s19;
	s28 =	simm.s32 $0x14A80  }
0x21: {  	s0 =	sadd.s32 $0x128400, s3;
	s29 =	simm.s32 $0x14B00;
	[dreg:$0xf] =	wrdreg s28  }
0x22: {  	s17 =	simm.s32 $0x80;
	[dreg:$0x10] =	wrdreg s29;
	s0 =	sshrl.u32 @p0 s0, $0x3  }
0x23: {  	s19 =	simm.s32 $0x4;
	s5 =	simm.s32 $0x0;
	[smem:$0x7FC] =	sst s0  }
.LBB2_1:
0x24: {  	[smem:$0x7FB] =	sst s5  }
0x25: {  	s15 =	rddreg [dreg:$0x12]  }
0x26: {  	s24 =	simm.s32 $0x13C00;
	s0 =	rddreg [dreg:$0x19]  }
0x27: {  	[tilespmem:s24], [sflag:$0x5] =	stream.linear.gather [hbm4b:s15+s4], $0x80, $0x38;
	[tilespmem:$0x1CC00] =	vst v63  }
0x28: {  	s23 =	simm.s32 $0x13D00;
	s7 =	rddreg [dreg:$0x1a]  }
0x29: {  	[tilespmem:s23], [sflag:$0x5] =	stream.linear.gather [hbm4b:s0+s4], $0x80, $0x38;
	[tilespmem:$0x1CC00] =	vst v63  }
0x2a: {  	s26 =	simm.s32 $0x13E00;
	s9 =	rddreg [dreg:$0x1b]  }
0x2b: {  	[tilespmem:s26], [sflag:$0x5] =	stream.linear.gather [hbm4b:s7+s4], $0x80, $0x38;
	[tilespmem:$0x1CC00] =	vst v63  }
0x2c: {  	s28 =	simm.s32 $0x13F00;
	s11 =	rddreg [dreg:$0x1c]  }
0x2d: {  	[tilespmem:s28], [sflag:$0x5] =	stream.linear.gather [hbm4b:s9+s4], $0x80, $0x38;
	[tilespmem:$0x1CC00] =	vst v63  }
0x2e: {  	s29 =	simm.s32 $0x14000;
	s12 =	rddreg [dreg:$0x1d]  }
0x2f: {  	[tilespmem:s29], [sflag:$0x5] =	stream.linear.gather [hbm4b:s11+s4], $0x80, $0x38;
	[tilespmem:$0x1CC00] =	vst v63  }
0x30: {  	s30 =	simm.s32 $0x14100;
	s13 =	rddreg [dreg:$0x1e]  }
0x31: {  	[tilespmem:s30], [sflag:$0x5] =	stream.linear.gather [hbm4b:s12+s4], $0x80, $0x38;
	[tilespmem:$0x1CC00] =	vst v63  }
0x32: {  	s1 =	simm.s32 $0x14200;
	s14 =	rddreg [dreg:$0x1f]  }
0x33: {  	[tilespmem:s1], [sflag:$0x5] =	stream.linear.gather [hbm4b:s13+s4], $0x80, $0x38;
	[tilespmem:$0x1CC00] =	vst v63  }
0x34: {  	s16 =	simm.s32 $0x14300;
	s20 =	rddreg [dreg:$0x16]  }
0x35: {  	[tilespmem:s16], [sflag:$0x5] =	stream.linear.gather [hbm4b:s14+s4], $0x80, $0x38;
	[tilespmem:$0x1CC00] =	vst v63  }
0x36: {  	s21 =	sshrl.u32 s21, $0x3;
	s7 =	rddreg [dreg:$0x13];
	s1 =	simm.s32 $0x14400  }
0x37: {  	[tilespmem:s1], [sflag:$0x5] =	stream.linear.gather [hbm4b:s7+s4], $0x400, $0x38;
	[tilespmem:$0x1CC00] =	vst v63  }
0x38: {  	[spmem:s21], [sflag:s22] =	dma.local [hbm:s20], $0x2780  }
0x39: {  	s22 =	simm.s32 $0x7  }
0x3a: {  	_ =	swait.ge [sflag:s22], $0x2780  }
0x3b: {  	[sflag:s22] =	ssyncset.done $0x0  }
0x3c: {  	s21 =	sadd.s32 $0x0, s15;
	[sflag:s22] =	ssyncadd.s32 $0xFFFFD880  }
0x3d: {  	s0 =	simm.s32 $0x13C80;
	s9 =	sadd.s32 $0x80, s21;
	[bflag:$0x0] =	sbarrier.arrive $0xFFFF  }
0x3e: {  	[tilespmem:s0], [sflag:$0x6] =	stream.linear.gather [hbm4b:s9+s4], $0x80, $0x38;
	[tilespmem:$0x1CC00] =	vst v63  }
0x3f: {  	s11 =	sadd.s32 $0x90, s21;
	s9 =	simm.s32 $0x13D80  }
0x40: {  	[tilespmem:s9], [sflag:$0x6] =	stream.linear.gather [hbm4b:s11+s4], $0x80, $0x38;
	[tilespmem:$0x1CC00] =	vst v63  }
0x41: {  	s12 =	sadd.s32 $0xA0, s21;
	s11 =	simm.s32 $0x13E80  }
0x42: {  	[tilespmem:s11], [sflag:$0x6] =	stream.linear.gather [hbm4b:s12+s4], $0x80, $0x38;
	[tilespmem:$0x1CC00] =	vst v63  }
0x43: {  	s13 =	sadd.s32 $0xB0, s21;
	s12 =	simm.s32 $0x13F80  }
0x44: {  	[tilespmem:s12], [sflag:$0x6] =	stream.linear.gather [hbm4b:s13+s4], $0x80, $0x38;
	[tilespmem:$0x1CC00] =	vst v63  }
0x45: {  	s14 =	sadd.s32 $0xC0, s21;
	s13 =	simm.s32 $0x14080  }
0x46: {  	[tilespmem:s13], [sflag:$0x6] =	stream.linear.gather [hbm4b:s14+s4], $0x80, $0x38;
	[tilespmem:$0x1CC00] =	vst v63  }
0x47: {  	s16 =	sadd.s32 $0xD0, s21;
	s14 =	simm.s32 $0x14180  }
0x48: {  	[tilespmem:s14], [sflag:$0x6] =	stream.linear.gather [hbm4b:s16+s4], $0x80, $0x38;
	[tilespmem:$0x1CC00] =	vst v63  }
0x49: {  	s20 =	sadd.s32 $0xE0, s21;
	s16 =	simm.s32 $0x14280  }
0x4a: {  	[tilespmem:s16], [sflag:$0x6] =	stream.linear.gather [hbm4b:s20+s4], $0x80, $0x38;
	[tilespmem:$0x1CC00] =	vst v63  }
0x4b: {  	s21 =	sadd.s32 $0xF0, s21;
	s22 =	sadd.s32 $0x0, s7;
	s20 =	simm.s32 $0x14380  }
0x4c: {  	[tilespmem:s20], [sflag:$0x6] =	stream.linear.gather [hbm4b:s21+s4], $0x80, $0x38;
	[tilespmem:$0x1CC00] =	vst v63  }
0x4d: {  	s22 =	sadd.s32 $0x80, s22;
	s16 =	simm.s32 $0x14800;
	s20 =	simm.s32 $0x5  }
0x4e: {  	[tilespmem:s16], [sflag:$0x6] =	stream.linear.gather [hbm4b:s22+s4], $0x400, $0x38;
	[tilespmem:$0x1CC00] =	vst v63  }
0x4f: {  	_ =	swait.ge [sflag:s20], $0x400  }
0x50: {  	[sflag:s20] =	ssyncset.done $0x0  }
0x51: {  	[sflag:s20] =	ssyncadd.s32 $0xFFFFFC00  }
0x52: {  	_ =	swait.ge [sflag:s20], $0x400  }
0x53: {  	[sflag:s20] =	ssyncset.done $0x0  }
0x54: {  	[sflag:s20] =	ssyncadd.s32 $0xFFFFFC00  }
0x55: {  	[tilespmem:s18], [sflag:$0x1] =	stream.indirect.gather [hbm4b:s2+s17], $0x80, s24, s17, $0xb8;
	[tilespmem:$0x1CC00] =	vst v63  }
0x56: {  	_ = 	snop  }
0x57: {  	[tilespmem:s25], [sflag:$0x2] =	stream.indirect.gather [hbm4b:s2+s17], $0x80, s23, s17, $0xb8;
	[tilespmem:$0x1CC00] =	vst v63  }
0x58: {  	_ =	swait.ge [sflag:s31], $0x4000  }
0x59: {  	[sflag:s31] =	ssyncset.done $0x0  }
0x5a: {  	[sflag:s31] =	ssyncadd.s32 $0xFFFFC000  }
0x5b: {  	[spmem:s3] =	stream.indirect.scatter.add.f32 [tilespmem:s18], [sflag:$0x3], $0x80, s1, s17, $0xb8;
	[tilespmem:$0x1CC00] =	vst v63  }
0x5c: {  	_ =	swait.ge [sflag:s8], $0x4000  }
0x5d: {  	[sflag:s8] =	ssyncset.done $0x0  }
0x5e: {  	[sflag:s8] =	ssyncadd.s32 $0xFFFFC000  }
0x5f: {  	[tilespmem:s18], [sflag:$0x1] =	stream.indirect.gather [hbm4b:s2+s17], $0x80, s26, s17, $0xb8;
	[tilespmem:$0x1CC00] =	vst v63  }
0x60: {  	_ =	swait.ge [sflag:s10], $0x4000  }
0x61: {  	[sflag:s10] =	ssyncset.done $0x0  }
0x62: {  	s26 =	rddreg [dreg:$0x4];
	[sflag:s10] =	ssyncadd.s32 $0xFFFFC000  }
0x63: {  	[spmem:s3] =	stream.indirect.scatter.add.f32 [tilespmem:s25], [sflag:$0x4], $0x80, s26, s17, $0xb8;
	[tilespmem:$0x1CC00] =	vst v63  }
0x64: {  	_ =	swait.ge [sflag:s19], $0x4000  }
0x65: {  	[sflag:s19] =	ssyncset.done $0x0  }
0x66: {  	[sflag:s19] =	ssyncadd.s32 $0xFFFFC000  }
0x67: {  	[tilespmem:s25], [sflag:$0x2] =	stream.indirect.gather [hbm4b:s2+s17], $0x80, s28, s17, $0xb8;
	[tilespmem:$0x1CC00] =	vst v63  }
0x68: {  	_ =	swait.ge [sflag:s31], $0x4000  }
0x69: {  	[sflag:s31] =	ssyncset.done $0x0  }
0x6a: {  	s28 =	rddreg [dreg:$0x5];
	[sflag:s31] =	ssyncadd.s32 $0xFFFFC000  }
0x6b: {  	[spmem:s3] =	stream.indirect.scatter.add.f32 [tilespmem:s18], [sflag:$0x3], $0x80, s28, s17, $0xb8;
	[tilespmem:$0x1CC00] =	vst v63  }
0x6c: {  	_ =	swait.ge [sflag:s8], $0x4000  }
0x6d: {  	[sflag:s8] =	ssyncset.done $0x0  }
0x6e: {  	[sflag:s8] =	ssyncadd.s32 $0xFFFFC000  }
0x6f: {  	[tilespmem:s18], [sflag:$0x1] =	stream.indirect.gather [hbm4b:s2+s17], $0x80, s29, s17, $0xb8;
	[tilespmem:$0x1CC00] =	vst v63  }
0x70: {  	_ =	swait.ge [sflag:s10], $0x4000  }
0x71: {  	[sflag:s10] =	ssyncset.done $0x0  }
0x72: {  	s29 =	rddreg [dreg:$0x6];
	[sflag:s10] =	ssyncadd.s32 $0xFFFFC000  }
0x73: {  	[spmem:s3] =	stream.indirect.scatter.add.f32 [tilespmem:s25], [sflag:$0x4], $0x80, s29, s17, $0xb8;
	[tilespmem:$0x1CC00] =	vst v63  }
0x74: {  	_ =	swait.ge [sflag:s19], $0x4000  }
0x75: {  	[sflag:s19] =	ssyncset.done $0x0  }
0x76: {  	[sflag:s19] =	ssyncadd.s32 $0xFFFFC000  }
0x77: {  	[tilespmem:s25], [sflag:$0x2] =	stream.indirect.gather [hbm4b:s2+s17], $0x80, s30, s17, $0xb8;
	[tilespmem:$0x1CC00] =	vst v63  }
0x78: {  	_ =	swait.ge [sflag:s31], $0x4000  }
0x79: {  	[sflag:s31] =	ssyncset.done $0x0  }
0x7a: {  	s30 =	rddreg [dreg:$0x7];
	[sflag:s31] =	ssyncadd.s32 $0xFFFFC000  }
0x7b: {  	[spmem:s3] =	stream.indirect.scatter.add.f32 [tilespmem:s18], [sflag:$0x3], $0x80, s30, s17, $0xb8;
	[tilespmem:$0x1CC00] =	vst v63  }
0x7c: {  	_ =	swait.ge [sflag:s8], $0x4000  }
0x7d: {  	[sflag:s8] =	ssyncset.done $0x0  }
0x7e: {  	s5 =	simm.s32 $0x14200;
	[sflag:s8] =	ssyncadd.s32 $0xFFFFC000  }
0x7f: {  	[tilespmem:s18], [sflag:$0x1] =	stream.indirect.gather [hbm4b:s2+s17], $0x80, s5, s17, $0xb8;
	[tilespmem:$0x1CC00] =	vst v63  }
0x80: {  	_ =	swait.ge [sflag:s10], $0x4000  }
0x81: {  	[sflag:s10] =	ssyncset.done $0x0  }
0x82: {  	s1 =	rddreg [dreg:$0x8];
	[sflag:s10] =	ssyncadd.s32 $0xFFFFC000  }
0x83: {  	[spmem:s3] =	stream.indirect.scatter.add.f32 [tilespmem:s25], [sflag:$0x4], $0x80, s1, s17, $0xb8;
	[tilespmem:$0x1CC00] =	vst v63  }
0x84: {  	_ =	swait.ge [sflag:s19], $0x4000  }
0x85: {  	[sflag:s19] =	ssyncset.done $0x0  }
0x86: {  	s6 =	simm.s32 $0x14300;
	[sflag:s19] =	ssyncadd.s32 $0xFFFFC000  }
0x87: {  	[tilespmem:s25], [sflag:$0x2] =	stream.indirect.gather [hbm4b:s2+s17], $0x80, s6, s17, $0xb8;
	[tilespmem:$0x1CC00] =	vst v63  }
0x88: {  	_ =	swait.ge [sflag:s31], $0x4000  }
0x89: {  	[sflag:s31] =	ssyncset.done $0x0  }
0x8a: {  	s5 =	rddreg [dreg:$0x9];
	[sflag:s31] =	ssyncadd.s32 $0xFFFFC000  }
0x8b: {  	[spmem:s3] =	stream.indirect.scatter.add.f32 [tilespmem:s18], [sflag:$0x3], $0x80, s5, s17, $0xb8;
	[tilespmem:$0x1CC00] =	vst v63  }
0x8c: {  	_ =	swait.ge [sflag:s10], $0x4000  }
0x8d: {  	[sflag:s10] =	ssyncset.done $0x0  }
0x8e: {  	s6 =	rddreg [dreg:$0xa];
	[sflag:s10] =	ssyncadd.s32 $0xFFFFC000  }
0x8f: {  	[spmem:s3] =	stream.indirect.scatter.add.f32 [tilespmem:s25], [sflag:$0x4], $0x80, s6, s17, $0xb8;
	[tilespmem:$0x1CC00] =	vst v63  }
0x90: {  	_ =	swait.ge [sflag:s8], $0x4000  }
0x91: {  	[sflag:s8] =	ssyncset.done $0x0  }
0x92: {  	[sflag:s8] =	ssyncadd.s32 $0xFFFFC000  }
0x93: {  	p1 =	por $0x0, $0x0;
	_ =	swait.ge [sflag:s19], $0x4000  }
0x94: {  	s21 =	sadd.s32 @!p1 $0x0, s15;
	s22 =	simm.s32 @!p1 $0x13C00;
	[sflag:s19] =	ssyncset.done $0x0  }
0x95: {  	s24 =	simm.s32 @!p1 $0x0;
	s23 =	sadd.s32 @!p1 $0x100, s21;
	[sflag:s19] =	ssyncadd.s32 $0xFFFFC000  }
0x96: {  	[tilespmem:s22], [sflag:$0x5] =	stream.linear.gather @!p1 [hbm4b:s23+s24], $0x80, $0x38;
	[tilespmem:$0x1CC00] =	vst v63  }
0x97: {  	s22 =	sadd.s32 @!p1 $0x110, s21;
	s23 =	simm.s32 @!p1 $0x13D00  }
0x98: {  	[tilespmem:s23], [sflag:$0x5] =	stream.linear.gather @!p1 [hbm4b:s22+s24], $0x80, $0x38;
	[tilespmem:$0x1CC00] =	vst v63  }
0x99: {  	s22 =	sadd.s32 @!p1 $0x120, s21;
	s23 =	simm.s32 @!p1 $0x13E00  }
0x9a: {  	[tilespmem:s23], [sflag:$0x5] =	stream.linear.gather @!p1 [hbm4b:s22+s24], $0x80, $0x38;
	[tilespmem:$0x1CC00] =	vst v63  }
0x9b: {  	s22 =	sadd.s32 @!p1 $0x130, s21;
	s23 =	simm.s32 @!p1 $0x13F00  }
0x9c: {  	[tilespmem:s23], [sflag:$0x5] =	stream.linear.gather @!p1 [hbm4b:s22+s24], $0x80, $0x38;
	[tilespmem:$0x1CC00] =	vst v63  }
0x9d: {  	s22 =	sadd.s32 @!p1 $0x140, s21;
	s23 =	simm.s32 @!p1 $0x14000  }
0x9e: {  	[tilespmem:s23], [sflag:$0x5] =	stream.linear.gather @!p1 [hbm4b:s22+s24], $0x80, $0x38;
	[tilespmem:$0x1CC00] =	vst v63  }
0x9f: {  	s22 =	sadd.s32 @!p1 $0x150, s21;
	s23 =	simm.s32 @!p1 $0x14100  }
0xa0: {  	[tilespmem:s23], [sflag:$0x5] =	stream.linear.gather @!p1 [hbm4b:s22+s24], $0x80, $0x38;
	[tilespmem:$0x1CC00] =	vst v63  }
0xa1: {  	s22 =	sadd.s32 @!p1 $0x160, s21;
	s23 =	simm.s32 @!p1 $0x14200  }
0xa2: {  	[tilespmem:s23], [sflag:$0x5] =	stream.linear.gather @!p1 [hbm4b:s22+s24], $0x80, $0x38;
	[tilespmem:$0x1CC00] =	vst v63  }
0xa3: {  	s21 =	sadd.s32 @!p1 $0x170, s21;
	s22 =	simm.s32 @!p1 $0x14300  }
0xa4: {  	[tilespmem:s22], [sflag:$0x5] =	stream.linear.gather @!p1 [hbm4b:s21+s24], $0x80, $0x38;
	[tilespmem:$0x1CC00] =	vst v63  }
0xa5: {  	s21 =	sadd.s32 @!p1 $0x0, s7  }
0xa6: {  	s22 =	simm.s32 @!p1 $0x14400;
	s7 =	simm.s32 $0x6;
	s21 =	sadd.s32 @!p1 $0x100, s21  }
0xa7: {  	[tilespmem:s22], [sflag:$0x5] =	stream.linear.gather @!p1 [hbm4b:s21+s24], $0x400, $0x38;
	[tilespmem:$0x1CC00] =	vst v63  }
0xa8: {  	_ =	swait.ge [sflag:s7], $0x400  }
0xa9: {  	[sflag:s7] =	ssyncset.done $0x0  }
0xaa: {  	[sflag:s7] =	ssyncadd.s32 $0xFFFFFC00  }
0xab: {  	_ =	swait.ge [sflag:s7], $0x400  }
0xac: {  	[sflag:s7] =	ssyncset.done $0x0  }
0xad: {  	[sflag:s7] =	ssyncadd.s32 $0xFFFFFC00  }
0xae: {  	[tilespmem:s18], [sflag:$0x1] =	stream.indirect.gather [hbm4b:s2+s17], $0x80, s0, s17, $0xb8;
	[tilespmem:$0x1CC00] =	vst v63  }
0xaf: {  	_ = 	snop  }
0xb0: {  	[tilespmem:s25], [sflag:$0x2] =	stream.indirect.gather [hbm4b:s2+s17], $0x80, s9, s17, $0xb8;
	[tilespmem:$0x1CC00] =	vst v63  }
0xb1: {  	_ =	swait.ge [sflag:s31], $0x4000  }
0xb2: {  	[sflag:s31] =	ssyncset.done $0x0  }
0xb3: {  	[sflag:s31] =	ssyncadd.s32 $0xFFFFC000  }
0xb4: {  	[spmem:s3] =	stream.indirect.scatter.add.f32 [tilespmem:s18], [sflag:$0x3], $0x80, s16, s17, $0xb8;
	[tilespmem:$0x1CC00] =	vst v63  }
0xb5: {  	_ =	swait.ge [sflag:s8], $0x4000  }
0xb6: {  	[sflag:s8] =	ssyncset.done $0x0  }
0xb7: {  	[sflag:s8] =	ssyncadd.s32 $0xFFFFC000  }
0xb8: {  	[tilespmem:s18], [sflag:$0x1] =	stream.indirect.gather [hbm4b:s2+s17], $0x80, s11, s17, $0xb8;
	[tilespmem:$0x1CC00] =	vst v63  }
0xb9: {  	_ =	swait.ge [sflag:s10], $0x4000  }
0xba: {  	[sflag:s10] =	ssyncset.done $0x0  }
0xbb: {  	s16 =	rddreg [dreg:$0xb];
	[sflag:s10] =	ssyncadd.s32 $0xFFFFC000  }
0xbc: {  	[spmem:s3] =	stream.indirect.scatter.add.f32 [tilespmem:s25], [sflag:$0x4], $0x80, s16, s17, $0xb8;
	[tilespmem:$0x1CC00] =	vst v63  }
0xbd: {  	_ =	swait.ge [sflag:s19], $0x4000  }
0xbe: {  	[sflag:s19] =	ssyncset.done $0x0  }
0xbf: {  	[sflag:s19] =	ssyncadd.s32 $0xFFFFC000  }
0xc0: {  	[tilespmem:s25], [sflag:$0x2] =	stream.indirect.gather [hbm4b:s2+s17], $0x80, s12, s17, $0xb8;
	[tilespmem:$0x1CC00] =	vst v63  }
0xc1: {  	_ =	swait.ge [sflag:s31], $0x4000  }
0xc2: {  	[sflag:s31] =	ssyncset.done $0x0  }
0xc3: {  	s20 =	rddreg [dreg:$0xc];
	[sflag:s31] =	ssyncadd.s32 $0xFFFFC000  }
0xc4: {  	[spmem:s3] =	stream.indirect.scatter.add.f32 [tilespmem:s18], [sflag:$0x3], $0x80, s20, s17, $0xb8;
	[tilespmem:$0x1CC00] =	vst v63  }
0xc5: {  	_ =	swait.ge [sflag:s8], $0x4000  }
0xc6: {  	[sflag:s8] =	ssyncset.done $0x0  }
0xc7: {  	[sflag:s8] =	ssyncadd.s32 $0xFFFFC000  }
0xc8: {  	[tilespmem:s18], [sflag:$0x1] =	stream.indirect.gather [hbm4b:s2+s17], $0x80, s13, s17, $0xb8;
	[tilespmem:$0x1CC00] =	vst v63  }
0xc9: {  	_ =	swait.ge [sflag:s10], $0x4000  }
0xca: {  	[sflag:s10] =	ssyncset.done $0x0  }
0xcb: {  	s22 =	rddreg [dreg:$0xd];
	[sflag:s10] =	ssyncadd.s32 $0xFFFFC000  }
0xcc: {  	[spmem:s3] =	stream.indirect.scatter.add.f32 [tilespmem:s25], [sflag:$0x4], $0x80, s22, s17, $0xb8;
	[tilespmem:$0x1CC00] =	vst v63  }
0xcd: {  	_ =	swait.ge [sflag:s19], $0x4000  }
0xce: {  	[sflag:s19] =	ssyncset.done $0x0  }
0xcf: {  	[sflag:s19] =	ssyncadd.s32 $0xFFFFC000  }
0xd0: {  	[tilespmem:s25], [sflag:$0x2] =	stream.indirect.gather [hbm4b:s2+s17], $0x80, s14, s17, $0xb8;
	[tilespmem:$0x1CC00] =	vst v63  }
0xd1: {  	_ =	swait.ge [sflag:s31], $0x4000  }
0xd2: {  	[sflag:s31] =	ssyncset.done $0x0  }
0xd3: {  	s23 =	rddreg [dreg:$0xe];
	[sflag:s31] =	ssyncadd.s32 $0xFFFFC000  }
0xd4: {  	[spmem:s3] =	stream.indirect.scatter.add.f32 [tilespmem:s18], [sflag:$0x3], $0x80, s23, s17, $0xb8;
	[tilespmem:$0x1CC00] =	vst v63  }
0xd5: {  	_ =	swait.ge [sflag:s8], $0x4000  }
0xd6: {  	[sflag:s8] =	ssyncset.done $0x0  }
0xd7: {  	s24 =	simm.s32 $0x14280;
	[sflag:s8] =	ssyncadd.s32 $0xFFFFC000  }
0xd8: {  	[tilespmem:s18], [sflag:$0x1] =	stream.indirect.gather [hbm4b:s2+s17], $0x80, s24, s17, $0xb8;
	[tilespmem:$0x1CC00] =	vst v63  }
0xd9: {  	_ =	swait.ge [sflag:s10], $0x4000  }
0xda: {  	[sflag:s10] =	ssyncset.done $0x0  }
0xdb: {  	s26 =	rddreg [dreg:$0xf];
	[sflag:s10] =	ssyncadd.s32 $0xFFFFC000  }
0xdc: {  	[spmem:s3] =	stream.indirect.scatter.add.f32 [tilespmem:s25], [sflag:$0x4], $0x80, s26, s17, $0xb8;
	[tilespmem:$0x1CC00] =	vst v63  }
0xdd: {  	_ =	swait.ge [sflag:s19], $0x4000  }
0xde: {  	[sflag:s19] =	ssyncset.done $0x0  }
0xdf: {  	s28 =	simm.s32 $0x14380;
	[sflag:s19] =	ssyncadd.s32 $0xFFFFC000  }
0xe0: {  	[tilespmem:s25], [sflag:$0x2] =	stream.indirect.gather [hbm4b:s2+s17], $0x80, s28, s17, $0xb8;
	[tilespmem:$0x1CC00] =	vst v63  }
0xe1: {  	_ =	swait.ge [sflag:s31], $0x4000  }
0xe2: {  	[sflag:s31] =	ssyncset.done $0x0  }
0xe3: {  	s29 =	rddreg [dreg:$0x10];
	[sflag:s31] =	ssyncadd.s32 $0xFFFFC000  }
0xe4: {  	[spmem:s3] =	stream.indirect.scatter.add.f32 [tilespmem:s18], [sflag:$0x3], $0x80, s29, s17, $0xb8;
	[tilespmem:$0x1CC00] =	vst v63  }
0xe5: {  	_ =	swait.ge [sflag:s10], $0x4000  }
0xe6: {  	[sflag:s10] =	ssyncset.done $0x0  }
0xe7: {  	s30 =	rddreg [dreg:$0x11];
	[sflag:s10] =	ssyncadd.s32 $0xFFFFC000  }
0xe8: {  	[spmem:s3] =	stream.indirect.scatter.add.f32 [tilespmem:s25], [sflag:$0x4], $0x80, s30, s17, $0xb8;
	[tilespmem:$0x1CC00] =	vst v63  }
0xe9: {  	_ =	swait.ge [sflag:s8], $0x4000  }
0xea: {  	[sflag:s8] =	ssyncset.done $0x0  }
0xeb: {  	[sflag:s8] =	ssyncadd.s32 $0xFFFFC000  }
0xec: {  	s21 =	simm.s32 $0x100;
	_ =	swait.ge [sflag:s19], $0x4000  }
0xed: {  	s22 =	simm.s32 $0x200;
	s24 =	sadd.s32 $0x100, s15;
	[sflag:s19] =	ssyncset.done $0x0  }
.LBB2_2:
0xee: {  	s26 =	sadd.s32 $0x80, s24;
	[sflag:s19] =	ssyncadd.s32 $0xFFFFC000;
	s9 =	simm.s32 $0x13C80  }
0xef: {  	[tilespmem:s9], [sflag:$0x6] =	stream.linear.gather [hbm4b:s26+s4], $0x80, $0x38;
	[tilespmem:$0x1CC00] =	vst v63  }
0xf0: {  	s14 =	sadd.s32 $0x90, s24;
	s11 =	simm.s32 $0x13D80  }
0xf1: {  	[tilespmem:s11], [sflag:$0x6] =	stream.linear.gather [hbm4b:s14+s4], $0x80, $0x38;
	[tilespmem:$0x1CC00] =	vst v63  }
0xf2: {  	s15 =	sadd.s32 $0xA0, s24;
	s12 =	simm.s32 $0x13E80  }
0xf3: {  	[tilespmem:s12], [sflag:$0x6] =	stream.linear.gather [hbm4b:s15+s4], $0x80, $0x38;
	[tilespmem:$0x1CC00] =	vst v63  }
0xf4: {  	s16 =	sadd.s32 $0xB0, s24;
	s13 =	simm.s32 $0x13F80  }
0xf5: {  	[tilespmem:s13], [sflag:$0x6] =	stream.linear.gather [hbm4b:s16+s4], $0x80, $0x38;
	[tilespmem:$0x1CC00] =	vst v63  }
0xf6: {  	s20 =	sadd.s32 $0xC0, s24;
	s14 =	simm.s32 $0x14080  }
0xf7: {  	[tilespmem:s14], [sflag:$0x6] =	stream.linear.gather [hbm4b:s20+s4], $0x80, $0x38;
	[tilespmem:$0x1CC00] =	vst v63  }
0xf8: {  	s28 =	sadd.s32 $0xD0, s24;
	s15 =	simm.s32 $0x14180  }
0xf9: {  	[tilespmem:s15], [sflag:$0x6] =	stream.linear.gather [hbm4b:s28+s4], $0x80, $0x38;
	[tilespmem:$0x1CC00] =	vst v63  }
0xfa: {  	s29 =	sadd.s32 $0xE0, s24;
	s5 =	simm.s32 $0x14280;
	s16 =	rddreg [dreg:$0x13]  }
0xfb: {  	[tilespmem:s5], [sflag:$0x6] =	stream.linear.gather [hbm4b:s29+s4], $0x80, $0x38;
	[tilespmem:$0x1CC00] =	vst v63  }
0xfc: {  	s30 =	sadd.s32 $0xF0, s24;
	s6 =	simm.s32 $0x14380;
	s0 =	sadd.s32 s21, s16  }
0xfd: {  	[tilespmem:s6], [sflag:$0x6] =	stream.linear.gather [hbm4b:s30+s4], $0x80, $0x38;
	[tilespmem:$0x1CC00] =	vst v63  }
0xfe: {  	s1 =	sadd.s32 $0x80, s0;
	s20 =	simm.s32 $0x14800;
	s0 =	simm.s32 $0x5  }
0xff: {  	[tilespmem:s20], [sflag:$0x6] =	stream.linear.gather [hbm4b:s1+s4], $0x400, $0x38;
	[tilespmem:$0x1CC00] =	vst v63  }
0x100: {  	_ =	swait.ge [sflag:s0], $0x400  }
0x101: {  	[sflag:s0] =	ssyncset.done $0x0  }
0x102: {  	[sflag:s0] =	ssyncadd.s32 $0xFFFFFC00  }
0x103: {  	_ =	swait.ge [sflag:s0], $0x400  }
0x104: {  	[sflag:s0] =	ssyncset.done $0x0  }
0x105: {  	s7 =	simm.s32 $0x13C00;
	[sflag:s0] =	ssyncadd.s32 $0xFFFFFC00  }
0x106: {  	[tilespmem:s18], [sflag:$0x1] =	stream.indirect.gather [hbm4b:s2+s17], $0x80, s7, s17, $0xb8;
	[tilespmem:$0x1CC00] =	vst v63  }
0x107: {  	s24 =	simm.s32 $0x13D00  }
0x108: {  	[tilespmem:s25], [sflag:$0x2] =	stream.indirect.gather [hbm4b:s2+s17], $0x80, s24, s17, $0xb8;
	[tilespmem:$0x1CC00] =	vst v63  }
0x109: {  	_ =	swait.ge [sflag:s31], $0x4000  }
0x10a: {  	[sflag:s31] =	ssyncset.done $0x0  }
0x10b: {  	s26 =	simm.s32 $0x14400;
	[sflag:s31] =	ssyncadd.s32 $0xFFFFC000  }
0x10c: {  	[spmem:s3] =	stream.indirect.scatter.add.f32 [tilespmem:s18], [sflag:$0x3], $0x80, s26, s17, $0xb8;
	[tilespmem:$0x1CC00] =	vst v63  }
0x10d: {  	_ =	swait.ge [sflag:s8], $0x4000  }
0x10e: {  	[sflag:s8] =	ssyncset.done $0x0  }
0x10f: {  	s28 =	simm.s32 $0x13E00;
	[sflag:s8] =	ssyncadd.s32 $0xFFFFC000  }
0x110: {  	[tilespmem:s18], [sflag:$0x1] =	stream.indirect.gather [hbm4b:s2+s17], $0x80, s28, s17, $0xb8;
	[tilespmem:$0x1CC00] =	vst v63  }
0x111: {  	_ =	swait.ge [sflag:s10], $0x4000  }
0x112: {  	[sflag:s10] =	ssyncset.done $0x0  }
0x113: {  	s29 =	rddreg [dreg:$0x4];
	[sflag:s10] =	ssyncadd.s32 $0xFFFFC000  }
0x114: {  	[spmem:s3] =	stream.indirect.scatter.add.f32 [tilespmem:s25], [sflag:$0x4], $0x80, s29, s17, $0xb8;
	[tilespmem:$0x1CC00] =	vst v63  }
0x115: {  	_ =	swait.ge [sflag:s19], $0x4000  }
0x116: {  	[sflag:s19] =	ssyncset.done $0x0  }
0x117: {  	s30 =	simm.s32 $0x13F00;
	[sflag:s19] =	ssyncadd.s32 $0xFFFFC000  }
0x118: {  	[tilespmem:s25], [sflag:$0x2] =	stream.indirect.gather [hbm4b:s2+s17], $0x80, s30, s17, $0xb8;
	[tilespmem:$0x1CC00] =	vst v63  }
0x119: {  	_ =	swait.ge [sflag:s31], $0x4000  }
0x11a: {  	[sflag:s31] =	ssyncset.done $0x0  }
0x11b: {  	s0 =	rddreg [dreg:$0x5];
	[sflag:s31] =	ssyncadd.s32 $0xFFFFC000  }
0x11c: {  	[spmem:s3] =	stream.indirect.scatter.add.f32 [tilespmem:s18], [sflag:$0x3], $0x80, s0, s17, $0xb8;
	[tilespmem:$0x1CC00] =	vst v63  }
0x11d: {  	_ =	swait.ge [sflag:s8], $0x4000  }
0x11e: {  	[sflag:s8] =	ssyncset.done $0x0  }
0x11f: {  	s1 =	simm.s32 $0x14000;
	[sflag:s8] =	ssyncadd.s32 $0xFFFFC000  }
0x120: {  	[tilespmem:s18], [sflag:$0x1] =	stream.indirect.gather [hbm4b:s2+s17], $0x80, s1, s17, $0xb8;
	[tilespmem:$0x1CC00] =	vst v63  }
0x121: {  	_ =	swait.ge [sflag:s10], $0x4000  }
0x122: {  	[sflag:s10] =	ssyncset.done $0x0  }
0x123: {  	s7 =	rddreg [dreg:$0x6];
	[sflag:s10] =	ssyncadd.s32 $0xFFFFC000  }
0x124: {  	[spmem:s3] =	stream.indirect.scatter.add.f32 [tilespmem:s25], [sflag:$0x4], $0x80, s7, s17, $0xb8;
	[tilespmem:$0x1CC00] =	vst v63  }
0x125: {  	_ =	swait.ge [sflag:s19], $0x4000  }
0x126: {  	[sflag:s19] =	ssyncset.done $0x0  }
0x127: {  	s24 =	simm.s32 $0x14100;
	[sflag:s19] =	ssyncadd.s32 $0xFFFFC000  }
0x128: {  	[tilespmem:s25], [sflag:$0x2] =	stream.indirect.gather [hbm4b:s2+s17], $0x80, s24, s17, $0xb8;
	[tilespmem:$0x1CC00] =	vst v63  }
0x129: {  	_ =	swait.ge [sflag:s31], $0x4000  }
0x12a: {  	[sflag:s31] =	ssyncset.done $0x0  }
0x12b: {  	s26 =	rddreg [dreg:$0x7];
	[sflag:s31] =	ssyncadd.s32 $0xFFFFC000  }
0x12c: {  	[spmem:s3] =	stream.indirect.scatter.add.f32 [tilespmem:s18], [sflag:$0x3], $0x80, s26, s17, $0xb8;
	[tilespmem:$0x1CC00] =	vst v63  }
0x12d: {  	_ =	swait.ge [sflag:s8], $0x4000  }
0x12e: {  	[sflag:s8] =	ssyncset.done $0x0  }
0x12f: {  	s28 =	simm.s32 $0x14200;
	[sflag:s8] =	ssyncadd.s32 $0xFFFFC000  }
0x130: {  	[tilespmem:s18], [sflag:$0x1] =	stream.indirect.gather [hbm4b:s2+s17], $0x80, s28, s17, $0xb8;
	[tilespmem:$0x1CC00] =	vst v63  }
0x131: {  	_ =	swait.ge [sflag:s10], $0x4000  }
0x132: {  	[sflag:s10] =	ssyncset.done $0x0  }
0x133: {  	s29 =	rddreg [dreg:$0x8];
	[sflag:s10] =	ssyncadd.s32 $0xFFFFC000  }
0x134: {  	[spmem:s3] =	stream.indirect.scatter.add.f32 [tilespmem:s25], [sflag:$0x4], $0x80, s29, s17, $0xb8;
	[tilespmem:$0x1CC00] =	vst v63  }
0x135: {  	_ =	swait.ge [sflag:s19], $0x4000  }
0x136: {  	[sflag:s19] =	ssyncset.done $0x0  }
0x137: {  	s30 =	simm.s32 $0x14300;
	[sflag:s19] =	ssyncadd.s32 $0xFFFFC000  }
0x138: {  	[tilespmem:s25], [sflag:$0x2] =	stream.indirect.gather [hbm4b:s2+s17], $0x80, s30, s17, $0xb8;
	[tilespmem:$0x1CC00] =	vst v63  }
0x139: {  	_ =	swait.ge [sflag:s31], $0x4000  }
0x13a: {  	[sflag:s31] =	ssyncset.done $0x0  }
0x13b: {  	s1 =	rddreg [dreg:$0x9];
	[sflag:s31] =	ssyncadd.s32 $0xFFFFC000  }
0x13c: {  	[spmem:s3] =	stream.indirect.scatter.add.f32 [tilespmem:s18], [sflag:$0x3], $0x80, s1, s17, $0xb8;
	[tilespmem:$0x1CC00] =	vst v63  }
0x13d: {  	_ =	swait.ge [sflag:s10], $0x4000  }
0x13e: {  	[sflag:s10] =	ssyncset.done $0x0  }
0x13f: {  	s7 =	rddreg [dreg:$0xa];
	[sflag:s10] =	ssyncadd.s32 $0xFFFFC000  }
0x140: {  	[spmem:s3] =	stream.indirect.scatter.add.f32 [tilespmem:s25], [sflag:$0x4], $0x80, s7, s17, $0xb8;
	[tilespmem:$0x1CC00] =	vst v63  }
0x141: {  	_ =	swait.ge [sflag:s8], $0x4000  }
0x142: {  	[sflag:s8] =	ssyncset.done $0x0  }
0x143: {  	[sflag:s8] =	ssyncadd.s32 $0xFFFFC000  }
0x144: {  	_ =	swait.ge [sflag:s19], $0x4000  }
0x145: {  	p2 =	seq.s32 s21, $0x400;
	s7 =	rddreg [dreg:$0x12]  }
0x146: {  	s26 =	simm.s32 @!p2 $0x13C00;
	[sflag:s19] =	ssyncset.done $0x0;
	s24 =	sadd.s32 @!p2 s21, s7  }
0x147: {  	s29 =	simm.s32 @!p2 $0x0;
	[sflag:s19] =	ssyncadd.s32 $0xFFFFC000;
	s28 =	sadd.s32 @!p2 $0x100, s24  }
0x148: {  	[tilespmem:s26], [sflag:$0x5] =	stream.linear.gather @!p2 [hbm4b:s28+s29], $0x80, $0x38;
	[tilespmem:$0x1CC00] =	vst v63  }
0x149: {  	s26 =	sadd.s32 @!p2 $0x110, s24;
	s28 =	simm.s32 @!p2 $0x13D00  }
0x14a: {  	[tilespmem:s28], [sflag:$0x5] =	stream.linear.gather @!p2 [hbm4b:s26+s29], $0x80, $0x38;
	[tilespmem:$0x1CC00] =	vst v63  }
0x14b: {  	s30 =	sadd.s32 @!p2 $0x120, s24;
	s26 =	simm.s32 @!p2 $0x13E00  }
0x14c: {  	[tilespmem:s26], [sflag:$0x5] =	stream.linear.gather @!p2 [hbm4b:s30+s29], $0x80, $0x38;
	[tilespmem:$0x1CC00] =	vst v63  }
0x14d: {  	s28 =	sadd.s32 @!p2 $0x130, s24;
	s26 =	simm.s32 @!p2 $0x13F00  }
0x14e: {  	[tilespmem:s26], [sflag:$0x5] =	stream.linear.gather @!p2 [hbm4b:s28+s29], $0x80, $0x38;
	[tilespmem:$0x1CC00] =	vst v63  }
0x14f: {  	s0 =	sadd.s32 @!p2 $0x140, s24;
	s26 =	simm.s32 @!p2 $0x14000  }
0x150: {  	[tilespmem:s26], [sflag:$0x5] =	stream.linear.gather @!p2 [hbm4b:s0+s29], $0x80, $0x38;
	[tilespmem:$0x1CC00] =	vst v63  }
0x151: {  	s30 =	sadd.s32 @!p2 $0x150, s24;
	s0 =	simm.s32 @!p2 $0x14100  }
0x152: {  	[tilespmem:s0], [sflag:$0x5] =	stream.linear.gather @!p2 [hbm4b:s30+s29], $0x80, $0x38;
	[tilespmem:$0x1CC00] =	vst v63  }
0x153: {  	s1 =	sadd.s32 @!p2 $0x160, s24;
	s0 =	simm.s32 @!p2 $0x14200  }
0x154: {  	[tilespmem:s0], [sflag:$0x5] =	stream.linear.gather @!p2 [hbm4b:s1+s29], $0x80, $0x38;
	[tilespmem:$0x1CC00] =	vst v63  }
0x155: {  	s21 =	sadd.s32 @!p2 s21, s16;
	s24 =	sadd.s32 @!p2 $0x170, s24;
	s0 =	simm.s32 @!p2 $0x14300  }
0x156: {  	[tilespmem:s0], [sflag:$0x5] =	stream.linear.gather @!p2 [hbm4b:s24+s29], $0x80, $0x38;
	[tilespmem:$0x1CC00] =	vst v63  }
0x157: {  	s16 =	simm.s32 $0x6;
	s26 =	sadd.s32 @!p2 $0x100, s21;
	s0 =	simm.s32 @!p2 $0x14400  }
0x158: {  	[tilespmem:s0], [sflag:$0x5] =	stream.linear.gather @!p2 [hbm4b:s26+s29], $0x400, $0x38;
	[tilespmem:$0x1CC00] =	vst v63  }
0x159: {  	_ =	swait.ge [sflag:s16], $0x400  }
0x15a: {  	[sflag:s16] =	ssyncset.done $0x0  }
0x15b: {  	[sflag:s16] =	ssyncadd.s32 $0xFFFFFC00  }
0x15c: {  	_ =	swait.ge [sflag:s16], $0x400  }
0x15d: {  	[sflag:s16] =	ssyncset.done $0x0  }
0x15e: {  	[sflag:s16] =	ssyncadd.s32 $0xFFFFFC00  }
0x15f: {  	[tilespmem:s18], [sflag:$0x1] =	stream.indirect.gather [hbm4b:s2+s17], $0x80, s9, s17, $0xb8;
	[tilespmem:$0x1CC00] =	vst v63  }
0x160: {  	_ = 	snop  }
0x161: {  	[tilespmem:s25], [sflag:$0x2] =	stream.indirect.gather [hbm4b:s2+s17], $0x80, s11, s17, $0xb8;
	[tilespmem:$0x1CC00] =	vst v63  }
0x162: {  	_ =	swait.ge [sflag:s31], $0x4000  }
0x163: {  	[sflag:s31] =	ssyncset.done $0x0  }
0x164: {  	[sflag:s31] =	ssyncadd.s32 $0xFFFFC000  }
0x165: {  	[spmem:s3] =	stream.indirect.scatter.add.f32 [tilespmem:s18], [sflag:$0x3], $0x80, s20, s17, $0xb8;
	[tilespmem:$0x1CC00] =	vst v63  }
0x166: {  	_ =	swait.ge [sflag:s8], $0x4000  }
0x167: {  	[sflag:s8] =	ssyncset.done $0x0  }
0x168: {  	[sflag:s8] =	ssyncadd.s32 $0xFFFFC000  }
0x169: {  	[tilespmem:s18], [sflag:$0x1] =	stream.indirect.gather [hbm4b:s2+s17], $0x80, s12, s17, $0xb8;
	[tilespmem:$0x1CC00] =	vst v63  }
0x16a: {  	_ =	swait.ge [sflag:s10], $0x4000  }
0x16b: {  	[sflag:s10] =	ssyncset.done $0x0  }
0x16c: {  	s20 =	rddreg [dreg:$0xb];
	[sflag:s10] =	ssyncadd.s32 $0xFFFFC000  }
0x16d: {  	[spmem:s3] =	stream.indirect.scatter.add.f32 [tilespmem:s25], [sflag:$0x4], $0x80, s20, s17, $0xb8;
	[tilespmem:$0x1CC00] =	vst v63  }
0x16e: {  	_ =	swait.ge [sflag:s19], $0x4000  }
0x16f: {  	[sflag:s19] =	ssyncset.done $0x0  }
0x170: {  	[sflag:s19] =	ssyncadd.s32 $0xFFFFC000  }
0x171: {  	[tilespmem:s25], [sflag:$0x2] =	stream.indirect.gather [hbm4b:s2+s17], $0x80, s13, s17, $0xb8;
	[tilespmem:$0x1CC00] =	vst v63  }
0x172: {  	_ =	swait.ge [sflag:s31], $0x4000  }
0x173: {  	s23 =	smov.u32 s22;
	[sflag:s31] =	ssyncset.done $0x0  }
0x174: {  	s21 =	smov.u32 s23;
	s23 =	rddreg [dreg:$0xc];
	[sflag:s31] =	ssyncadd.s32 $0xFFFFC000  }
0x175: {  	[spmem:s3] =	stream.indirect.scatter.add.f32 [tilespmem:s18], [sflag:$0x3], $0x80, s23, s17, $0xb8;
	[tilespmem:$0x1CC00] =	vst v63  }
0x176: {  	_ =	swait.ge [sflag:s8], $0x4000  }
0x177: {  	[sflag:s8] =	ssyncset.done $0x0  }
0x178: {  	[sflag:s8] =	ssyncadd.s32 $0xFFFFC000  }
0x179: {  	[tilespmem:s18], [sflag:$0x1] =	stream.indirect.gather [hbm4b:s2+s17], $0x80, s14, s17, $0xb8;
	[tilespmem:$0x1CC00] =	vst v63  }
0x17a: {  	_ =	swait.ge [sflag:s10], $0x4000  }
0x17b: {  	[sflag:s10] =	ssyncset.done $0x0  }
0x17c: {  	s24 =	rddreg [dreg:$0xd];
	[sflag:s10] =	ssyncadd.s32 $0xFFFFC000  }
0x17d: {  	[spmem:s3] =	stream.indirect.scatter.add.f32 [tilespmem:s25], [sflag:$0x4], $0x80, s24, s17, $0xb8;
	[tilespmem:$0x1CC00] =	vst v63  }
0x17e: {  	_ =	swait.ge [sflag:s19], $0x4000  }
0x17f: {  	[sflag:s19] =	ssyncset.done $0x0  }
0x180: {  	[sflag:s19] =	ssyncadd.s32 $0xFFFFC000  }
0x181: {  	[tilespmem:s25], [sflag:$0x2] =	stream.indirect.gather [hbm4b:s2+s17], $0x80, s15, s17, $0xb8;
	[tilespmem:$0x1CC00] =	vst v63  }
0x182: {  	_ =	swait.ge [sflag:s31], $0x4000  }
0x183: {  	[sflag:s31] =	ssyncset.done $0x0  }
0x184: {  	s26 =	rddreg [dreg:$0xe];
	[sflag:s31] =	ssyncadd.s32 $0xFFFFC000  }
0x185: {  	[spmem:s3] =	stream.indirect.scatter.add.f32 [tilespmem:s18], [sflag:$0x3], $0x80, s26, s17, $0xb8;
	[tilespmem:$0x1CC00] =	vst v63  }
0x186: {  	_ =	swait.ge [sflag:s8], $0x4000  }
0x187: {  	[sflag:s8] =	ssyncset.done $0x0  }
0x188: {  	[sflag:s8] =	ssyncadd.s32 $0xFFFFC000  }
0x189: {  	[tilespmem:s18], [sflag:$0x1] =	stream.indirect.gather [hbm4b:s2+s17], $0x80, s5, s17, $0xb8;
	[tilespmem:$0x1CC00] =	vst v63  }
0x18a: {  	_ =	swait.ge [sflag:s10], $0x4000  }
0x18b: {  	[sflag:s10] =	ssyncset.done $0x0  }
0x18c: {  	s28 =	rddreg [dreg:$0xf];
	[sflag:s10] =	ssyncadd.s32 $0xFFFFC000  }
0x18d: {  	[spmem:s3] =	stream.indirect.scatter.add.f32 [tilespmem:s25], [sflag:$0x4], $0x80, s28, s17, $0xb8;
	[tilespmem:$0x1CC00] =	vst v63  }
0x18e: {  	_ =	swait.ge [sflag:s19], $0x4000  }
0x18f: {  	[sflag:s19] =	ssyncset.done $0x0  }
0x190: {  	[sflag:s19] =	ssyncadd.s32 $0xFFFFC000  }
0x191: {  	[tilespmem:s25], [sflag:$0x2] =	stream.indirect.gather [hbm4b:s2+s17], $0x80, s6, s17, $0xb8;
	[tilespmem:$0x1CC00] =	vst v63  }
0x192: {  	_ =	swait.ge [sflag:s31], $0x4000  }
0x193: {  	[sflag:s31] =	ssyncset.done $0x0  }
0x194: {  	s29 =	rddreg [dreg:$0x10];
	[sflag:s31] =	ssyncadd.s32 $0xFFFFC000  }
0x195: {  	[spmem:s3] =	stream.indirect.scatter.add.f32 [tilespmem:s18], [sflag:$0x3], $0x80, s29, s17, $0xb8;
	[tilespmem:$0x1CC00] =	vst v63  }
0x196: {  	_ =	swait.ge [sflag:s10], $0x4000  }
0x197: {  	s22 =	sadd.s32 $0x100, s22;
	[sflag:s10] =	ssyncset.done $0x0  }
0x198: {  	p1 =	sne.s32 s22, $0x500;
	s30 =	rddreg [dreg:$0x11];
	[sflag:s10] =	ssyncadd.s32 $0xFFFFC000  }
0x199: {  	[spmem:s3] =	stream.indirect.scatter.add.f32 [tilespmem:s25], [sflag:$0x4], $0x80, s30, s17, $0xb8;
	[tilespmem:$0x1CC00] =	vst v63  }
.Ltmp0:
0x19a: {  	_ =	swait.ge [sflag:s8], $0x4000;
	(pc) =	sbr.rel @p1 .LBB2_2-.Ltmp0, $4  }
0x19b: {  	[sflag:s8] =	ssyncset.done $0x0  }
0x19c: {  	[sflag:s8] =	ssyncadd.s32 $0xFFFFC000  }
0x19d: {  	_ =	swait.ge [sflag:s19], $0x4000  }
0x19e: {  	s24 =	sadd.s32 s21, s7;
	[sflag:s19] =	ssyncset.done $0x0  }
0x19f: {  	s0 =	sadd.s32 $0x80, s24;
	[sflag:s19] =	ssyncadd.s32 $0xFFFFC000;
	s9 =	simm.s32 $0x13C80  }
0x1a0: {  	[tilespmem:s9], [sflag:$0x6] =	stream.linear.gather [hbm4b:s0+s4], $0x80, $0x38;
	[tilespmem:$0x1CC00] =	vst v63  }
0x1a1: {  	s29 =	sadd.s32 $0x90, s24;
	s11 =	simm.s32 $0x13D80  }
0x1a2: {  	[tilespmem:s11], [sflag:$0x6] =	stream.linear.gather [hbm4b:s29+s4], $0x80, $0x38;
	[tilespmem:$0x1CC00] =	vst v63  }
0x1a3: {  	s30 =	sadd.s32 $0xA0, s24;
	s12 =	simm.s32 $0x13E80  }
0x1a4: {  	[tilespmem:s12], [sflag:$0x6] =	stream.linear.gather [hbm4b:s30+s4], $0x80, $0x38;
	[tilespmem:$0x1CC00] =	vst v63  }
0x1a5: {  	s1 =	sadd.s32 $0xB0, s24;
	s13 =	simm.s32 $0x13F80  }
0x1a6: {  	[tilespmem:s13], [sflag:$0x6] =	stream.linear.gather [hbm4b:s1+s4], $0x80, $0x38;
	[tilespmem:$0x1CC00] =	vst v63  }
0x1a7: {  	s5 =	sadd.s32 $0xC0, s24;
	s14 =	simm.s32 $0x14080  }
0x1a8: {  	[tilespmem:s14], [sflag:$0x6] =	stream.linear.gather [hbm4b:s5+s4], $0x80, $0x38;
	[tilespmem:$0x1CC00] =	vst v63  }
0x1a9: {  	s6 =	sadd.s32 $0xD0, s24;
	s15 =	simm.s32 $0x14180  }
0x1aa: {  	[tilespmem:s15], [sflag:$0x6] =	stream.linear.gather [hbm4b:s6+s4], $0x80, $0x38;
	[tilespmem:$0x1CC00] =	vst v63  }
0x1ab: {  	s7 =	sadd.s32 $0xE0, s24;
	s5 =	simm.s32 $0x14280  }
0x1ac: {  	[tilespmem:s5], [sflag:$0x6] =	stream.linear.gather [hbm4b:s7+s4], $0x80, $0x38;
	[tilespmem:$0x1CC00] =	vst v63  }
0x1ad: {  	s7 =	rddreg [dreg:$0x13]  }
0x1ae: {  	s16 =	sadd.s32 $0xF0, s24;
	s6 =	simm.s32 $0x14380;
	s1 =	sadd.s32 s21, s7  }
0x1af: {  	[tilespmem:s6], [sflag:$0x6] =	stream.linear.gather [hbm4b:s16+s4], $0x80, $0x38;
	[tilespmem:$0x1CC00] =	vst v63  }
0x1b0: {  	s22 =	simm.s32 $0x5;
	s20 =	sadd.s32 $0x80, s1;
	s16 =	simm.s32 $0x14800  }
0x1b1: {  	[tilespmem:s16], [sflag:$0x6] =	stream.linear.gather [hbm4b:s20+s4], $0x400, $0x38;
	[tilespmem:$0x1CC00] =	vst v63  }
0x1b2: {  	_ =	swait.ge [sflag:s22], $0x400  }
0x1b3: {  	[sflag:s22] =	ssyncset.done $0x0  }
0x1b4: {  	[sflag:s22] =	ssyncadd.s32 $0xFFFFFC00  }
0x1b5: {  	_ =	swait.ge [sflag:s22], $0x400  }
0x1b6: {  	[sflag:s22] =	ssyncset.done $0x0  }
0x1b7: {  	s23 =	simm.s32 $0x13C00;
	[sflag:s22] =	ssyncadd.s32 $0xFFFFFC00  }
0x1b8: {  	[tilespmem:s18], [sflag:$0x1] =	stream.indirect.gather [hbm4b:s2+s17], $0x80, s23, s17, $0xb8;
	[tilespmem:$0x1CC00] =	vst v63  }
0x1b9: {  	s24 =	simm.s32 $0x13D00  }
0x1ba: {  	[tilespmem:s25], [sflag:$0x2] =	stream.indirect.gather [hbm4b:s2+s17], $0x80, s24, s17, $0xb8;
	[tilespmem:$0x1CC00] =	vst v63  }
0x1bb: {  	_ =	swait.ge [sflag:s31], $0x4000  }
0x1bc: {  	[sflag:s31] =	ssyncset.done $0x0  }
0x1bd: {  	s26 =	simm.s32 $0x14400;
	[sflag:s31] =	ssyncadd.s32 $0xFFFFC000  }
0x1be: {  	[spmem:s3] =	stream.indirect.scatter.add.f32 [tilespmem:s18], [sflag:$0x3], $0x80, s26, s17, $0xb8;
	[tilespmem:$0x1CC00] =	vst v63  }
0x1bf: {  	_ =	swait.ge [sflag:s8], $0x4000  }
0x1c0: {  	[sflag:s8] =	ssyncset.done $0x0  }
0x1c1: {  	s28 =	simm.s32 $0x13E00;
	[sflag:s8] =	ssyncadd.s32 $0xFFFFC000  }
0x1c2: {  	[tilespmem:s18], [sflag:$0x1] =	stream.indirect.gather [hbm4b:s2+s17], $0x80, s28, s17, $0xb8;
	[tilespmem:$0x1CC00] =	vst v63  }
0x1c3: {  	_ =	swait.ge [sflag:s10], $0x4000  }
0x1c4: {  	[sflag:s10] =	ssyncset.done $0x0  }
0x1c5: {  	s29 =	rddreg [dreg:$0x4];
	[sflag:s10] =	ssyncadd.s32 $0xFFFFC000  }
0x1c6: {  	[spmem:s3] =	stream.indirect.scatter.add.f32 [tilespmem:s25], [sflag:$0x4], $0x80, s29, s17, $0xb8;
	[tilespmem:$0x1CC00] =	vst v63  }
0x1c7: {  	_ =	swait.ge [sflag:s19], $0x4000  }
0x1c8: {  	[sflag:s19] =	ssyncset.done $0x0  }
0x1c9: {  	s30 =	simm.s32 $0x13F00;
	[sflag:s19] =	ssyncadd.s32 $0xFFFFC000  }
0x1ca: {  	[tilespmem:s25], [sflag:$0x2] =	stream.indirect.gather [hbm4b:s2+s17], $0x80, s30, s17, $0xb8;
	[tilespmem:$0x1CC00] =	vst v63  }
0x1cb: {  	_ =	swait.ge [sflag:s31], $0x4000  }
0x1cc: {  	[sflag:s31] =	ssyncset.done $0x0  }
0x1cd: {  	s1 =	rddreg [dreg:$0x5];
	[sflag:s31] =	ssyncadd.s32 $0xFFFFC000  }
0x1ce: {  	[spmem:s3] =	stream.indirect.scatter.add.f32 [tilespmem:s18], [sflag:$0x3], $0x80, s1, s17, $0xb8;
	[tilespmem:$0x1CC00] =	vst v63  }
0x1cf: {  	_ =	swait.ge [sflag:s8], $0x4000  }
0x1d0: {  	[sflag:s8] =	ssyncset.done $0x0  }
0x1d1: {  	s20 =	simm.s32 $0x14000;
	[sflag:s8] =	ssyncadd.s32 $0xFFFFC000  }
0x1d2: {  	[tilespmem:s18], [sflag:$0x1] =	stream.indirect.gather [hbm4b:s2+s17], $0x80, s20, s17, $0xb8;
	[tilespmem:$0x1CC00] =	vst v63  }
0x1d3: {  	_ =	swait.ge [sflag:s10], $0x4000  }
0x1d4: {  	[sflag:s10] =	ssyncset.done $0x0  }
0x1d5: {  	s22 =	rddreg [dreg:$0x6];
	[sflag:s10] =	ssyncadd.s32 $0xFFFFC000  }
0x1d6: {  	[spmem:s3] =	stream.indirect.scatter.add.f32 [tilespmem:s25], [sflag:$0x4], $0x80, s22, s17, $0xb8;
	[tilespmem:$0x1CC00] =	vst v63  }
0x1d7: {  	_ =	swait.ge [sflag:s19], $0x4000  }
0x1d8: {  	[sflag:s19] =	ssyncset.done $0x0  }
0x1d9: {  	s23 =	simm.s32 $0x14100;
	[sflag:s19] =	ssyncadd.s32 $0xFFFFC000  }
0x1da: {  	[tilespmem:s25], [sflag:$0x2] =	stream.indirect.gather [hbm4b:s2+s17], $0x80, s23, s17, $0xb8;
	[tilespmem:$0x1CC00] =	vst v63  }
0x1db: {  	_ =	swait.ge [sflag:s31], $0x4000  }
0x1dc: {  	[sflag:s31] =	ssyncset.done $0x0  }
0x1dd: {  	s24 =	rddreg [dreg:$0x7];
	[sflag:s31] =	ssyncadd.s32 $0xFFFFC000  }
0x1de: {  	[spmem:s3] =	stream.indirect.scatter.add.f32 [tilespmem:s18], [sflag:$0x3], $0x80, s24, s17, $0xb8;
	[tilespmem:$0x1CC00] =	vst v63  }
0x1df: {  	_ =	swait.ge [sflag:s8], $0x4000  }
0x1e0: {  	[sflag:s8] =	ssyncset.done $0x0  }
0x1e1: {  	s26 =	simm.s32 $0x14200;
	[sflag:s8] =	ssyncadd.s32 $0xFFFFC000  }
0x1e2: {  	[tilespmem:s18], [sflag:$0x1] =	stream.indirect.gather [hbm4b:s2+s17], $0x80, s26, s17, $0xb8;
	[tilespmem:$0x1CC00] =	vst v63  }
0x1e3: {  	_ =	swait.ge [sflag:s10], $0x4000  }
0x1e4: {  	[sflag:s10] =	ssyncset.done $0x0  }
0x1e5: {  	s28 =	rddreg [dreg:$0x8];
	[sflag:s10] =	ssyncadd.s32 $0xFFFFC000  }
0x1e6: {  	[spmem:s3] =	stream.indirect.scatter.add.f32 [tilespmem:s25], [sflag:$0x4], $0x80, s28, s17, $0xb8;
	[tilespmem:$0x1CC00] =	vst v63  }
0x1e7: {  	_ =	swait.ge [sflag:s19], $0x4000  }
0x1e8: {  	[sflag:s19] =	ssyncset.done $0x0  }
0x1e9: {  	s29 =	simm.s32 $0x14300;
	[sflag:s19] =	ssyncadd.s32 $0xFFFFC000  }
0x1ea: {  	[tilespmem:s25], [sflag:$0x2] =	stream.indirect.gather [hbm4b:s2+s17], $0x80, s29, s17, $0xb8;
	[tilespmem:$0x1CC00] =	vst v63  }
0x1eb: {  	_ =	swait.ge [sflag:s31], $0x4000  }
0x1ec: {  	[sflag:s31] =	ssyncset.done $0x0  }
0x1ed: {  	s30 =	rddreg [dreg:$0x9];
	[sflag:s31] =	ssyncadd.s32 $0xFFFFC000  }
0x1ee: {  	[spmem:s3] =	stream.indirect.scatter.add.f32 [tilespmem:s18], [sflag:$0x3], $0x80, s30, s17, $0xb8;
	[tilespmem:$0x1CC00] =	vst v63  }
0x1ef: {  	_ =	swait.ge [sflag:s10], $0x4000  }
0x1f0: {  	[sflag:s10] =	ssyncset.done $0x0  }
0x1f1: {  	s1 =	rddreg [dreg:$0xa];
	[sflag:s10] =	ssyncadd.s32 $0xFFFFC000  }
0x1f2: {  	[spmem:s3] =	stream.indirect.scatter.add.f32 [tilespmem:s25], [sflag:$0x4], $0x80, s1, s17, $0xb8;
	[tilespmem:$0x1CC00] =	vst v63  }
0x1f3: {  	_ =	swait.ge [sflag:s8], $0x4000  }
0x1f4: {  	[sflag:s8] =	ssyncset.done $0x0  }
0x1f5: {  	[sflag:s8] =	ssyncadd.s32 $0xFFFFC000  }
0x1f6: {  	_ =	swait.ge [sflag:s19], $0x4000  }
0x1f7: {  	p1 =	seq.s32 s21, $0x400;
	s0 =	rddreg [dreg:$0x12]  }
0x1f8: {  	s23 =	simm.s32 @!p1 $0x0;
	[sflag:s19] =	ssyncset.done $0x0;
	s0 =	sadd.s32 @!p1 s21, s0  }
0x1f9: {  	s1 =	simm.s32 @!p1 $0x13C00;
	[sflag:s19] =	ssyncadd.s32 $0xFFFFC000;
	s22 =	sadd.s32 @!p1 $0x100, s0  }
0x1fa: {  	[tilespmem:s1], [sflag:$0x5] =	stream.linear.gather @!p1 [hbm4b:s22+s23], $0x80, $0x38;
	[tilespmem:$0x1CC00] =	vst v63  }
0x1fb: {  	s1 =	sadd.s32 @!p1 $0x110, s0;
	s22 =	simm.s32 @!p1 $0x13D00  }
0x1fc: {  	[tilespmem:s22], [sflag:$0x5] =	stream.linear.gather @!p1 [hbm4b:s1+s23], $0x80, $0x38;
	[tilespmem:$0x1CC00] =	vst v63  }
0x1fd: {  	s1 =	sadd.s32 @!p1 $0x120, s0;
	s22 =	simm.s32 @!p1 $0x13E00  }
0x1fe: {  	[tilespmem:s22], [sflag:$0x5] =	stream.linear.gather @!p1 [hbm4b:s1+s23], $0x80, $0x38;
	[tilespmem:$0x1CC00] =	vst v63  }
0x1ff: {  	s1 =	sadd.s32 @!p1 $0x130, s0;
	s22 =	simm.s32 @!p1 $0x13F00  }
0x200: {  	[tilespmem:s22], [sflag:$0x5] =	stream.linear.gather @!p1 [hbm4b:s1+s23], $0x80, $0x38;
	[tilespmem:$0x1CC00] =	vst v63  }
0x201: {  	s1 =	sadd.s32 @!p1 $0x140, s0;
	s22 =	simm.s32 @!p1 $0x14000  }
0x202: {  	[tilespmem:s22], [sflag:$0x5] =	stream.linear.gather @!p1 [hbm4b:s1+s23], $0x80, $0x38;
	[tilespmem:$0x1CC00] =	vst v63  }
0x203: {  	s1 =	sadd.s32 @!p1 $0x150, s0;
	s22 =	simm.s32 @!p1 $0x14100  }
0x204: {  	[tilespmem:s22], [sflag:$0x5] =	stream.linear.gather @!p1 [hbm4b:s1+s23], $0x80, $0x38;
	[tilespmem:$0x1CC00] =	vst v63  }
0x205: {  	s1 =	sadd.s32 @!p1 $0x160, s0;
	s22 =	simm.s32 @!p1 $0x14200  }
0x206: {  	[tilespmem:s22], [sflag:$0x5] =	stream.linear.gather @!p1 [hbm4b:s1+s23], $0x80, $0x38;
	[tilespmem:$0x1CC00] =	vst v63  }
0x207: {  	s0 =	sadd.s32 @!p1 $0x170, s0;
	s1 =	simm.s32 @!p1 $0x14300  }
0x208: {  	[tilespmem:s1], [sflag:$0x5] =	stream.linear.gather @!p1 [hbm4b:s0+s23], $0x80, $0x38;
	[tilespmem:$0x1CC00] =	vst v63  }
0x209: {  	s0 =	sadd.s32 @!p1 s21, s7  }
0x20a: {  	s1 =	simm.s32 @!p1 $0x14400;
	s7 =	simm.s32 $0x6;
	s0 =	sadd.s32 @!p1 $0x100, s0  }
0x20b: {  	[tilespmem:s1], [sflag:$0x5] =	stream.linear.gather @!p1 [hbm4b:s0+s23], $0x400, $0x38;
	[tilespmem:$0x1CC00] =	vst v63  }
0x20c: {  	_ =	swait.ge [sflag:s7], $0x400  }
0x20d: {  	[sflag:s7] =	ssyncset.done $0x0  }
0x20e: {  	[sflag:s7] =	ssyncadd.s32 $0xFFFFFC00  }
0x20f: {  	_ =	swait.ge [sflag:s7], $0x400  }
0x210: {  	[sflag:s7] =	ssyncset.done $0x0  }
0x211: {  	[sflag:s7] =	ssyncadd.s32 $0xFFFFFC00  }
0x212: {  	[tilespmem:s18], [sflag:$0x1] =	stream.indirect.gather [hbm4b:s2+s17], $0x80, s9, s17, $0xb8;
	[tilespmem:$0x1CC00] =	vst v63  }
0x213: {  	_ = 	snop  }
0x214: {  	[tilespmem:s25], [sflag:$0x2] =	stream.indirect.gather [hbm4b:s2+s17], $0x80, s11, s17, $0xb8;
	[tilespmem:$0x1CC00] =	vst v63  }
0x215: {  	_ =	swait.ge [sflag:s31], $0x4000  }
0x216: {  	[sflag:s31] =	ssyncset.done $0x0  }
0x217: {  	[sflag:s31] =	ssyncadd.s32 $0xFFFFC000  }
0x218: {  	[spmem:s3] =	stream.indirect.scatter.add.f32 [tilespmem:s18], [sflag:$0x3], $0x80, s16, s17, $0xb8;
	[tilespmem:$0x1CC00] =	vst v63  }
0x219: {  	_ =	swait.ge [sflag:s8], $0x4000  }
0x21a: {  	[sflag:s8] =	ssyncset.done $0x0  }
0x21b: {  	[sflag:s8] =	ssyncadd.s32 $0xFFFFC000  }
0x21c: {  	[tilespmem:s18], [sflag:$0x1] =	stream.indirect.gather [hbm4b:s2+s17], $0x80, s12, s17, $0xb8;
	[tilespmem:$0x1CC00] =	vst v63  }
0x21d: {  	_ =	swait.ge [sflag:s10], $0x4000  }
0x21e: {  	[sflag:s10] =	ssyncset.done $0x0  }
0x21f: {  	s20 =	rddreg [dreg:$0xb];
	[sflag:s10] =	ssyncadd.s32 $0xFFFFC000  }
0x220: {  	[spmem:s3] =	stream.indirect.scatter.add.f32 [tilespmem:s25], [sflag:$0x4], $0x80, s20, s17, $0xb8;
	[tilespmem:$0x1CC00] =	vst v63  }
0x221: {  	_ =	swait.ge [sflag:s19], $0x4000  }
0x222: {  	[sflag:s19] =	ssyncset.done $0x0  }
0x223: {  	[sflag:s19] =	ssyncadd.s32 $0xFFFFC000  }
0x224: {  	[tilespmem:s25], [sflag:$0x2] =	stream.indirect.gather [hbm4b:s2+s17], $0x80, s13, s17, $0xb8;
	[tilespmem:$0x1CC00] =	vst v63  }
0x225: {  	_ =	swait.ge [sflag:s31], $0x4000  }
0x226: {  	[sflag:s31] =	ssyncset.done $0x0  }
0x227: {  	s21 =	rddreg [dreg:$0xc];
	[sflag:s31] =	ssyncadd.s32 $0xFFFFC000  }
0x228: {  	[spmem:s3] =	stream.indirect.scatter.add.f32 [tilespmem:s18], [sflag:$0x3], $0x80, s21, s17, $0xb8;
	[tilespmem:$0x1CC00] =	vst v63  }
0x229: {  	_ =	swait.ge [sflag:s8], $0x4000  }
0x22a: {  	[sflag:s8] =	ssyncset.done $0x0  }
0x22b: {  	[sflag:s8] =	ssyncadd.s32 $0xFFFFC000  }
0x22c: {  	[tilespmem:s18], [sflag:$0x1] =	stream.indirect.gather [hbm4b:s2+s17], $0x80, s14, s17, $0xb8;
	[tilespmem:$0x1CC00] =	vst v63  }
0x22d: {  	_ =	swait.ge [sflag:s10], $0x4000  }
0x22e: {  	[sflag:s10] =	ssyncset.done $0x0  }
0x22f: {  	s22 =	rddreg [dreg:$0xd];
	[sflag:s10] =	ssyncadd.s32 $0xFFFFC000  }
0x230: {  	[spmem:s3] =	stream.indirect.scatter.add.f32 [tilespmem:s25], [sflag:$0x4], $0x80, s22, s17, $0xb8;
	[tilespmem:$0x1CC00] =	vst v63  }
0x231: {  	_ =	swait.ge [sflag:s19], $0x4000  }
0x232: {  	[sflag:s19] =	ssyncset.done $0x0  }
0x233: {  	[sflag:s19] =	ssyncadd.s32 $0xFFFFC000  }
0x234: {  	[tilespmem:s25], [sflag:$0x2] =	stream.indirect.gather [hbm4b:s2+s17], $0x80, s15, s17, $0xb8;
	[tilespmem:$0x1CC00] =	vst v63  }
0x235: {  	_ =	swait.ge [sflag:s31], $0x4000  }
0x236: {  	[sflag:s31] =	ssyncset.done $0x0  }
0x237: {  	s23 =	rddreg [dreg:$0xe];
	[sflag:s31] =	ssyncadd.s32 $0xFFFFC000  }
0x238: {  	[spmem:s3] =	stream.indirect.scatter.add.f32 [tilespmem:s18], [sflag:$0x3], $0x80, s23, s17, $0xb8;
	[tilespmem:$0x1CC00] =	vst v63  }
0x239: {  	_ =	swait.ge [sflag:s8], $0x4000  }
0x23a: {  	[sflag:s8] =	ssyncset.done $0x0  }
0x23b: {  	[sflag:s8] =	ssyncadd.s32 $0xFFFFC000  }
0x23c: {  	[tilespmem:s18], [sflag:$0x1] =	stream.indirect.gather [hbm4b:s2+s17], $0x80, s5, s17, $0xb8;
	[tilespmem:$0x1CC00] =	vst v63  }
0x23d: {  	_ =	swait.ge [sflag:s10], $0x4000  }
0x23e: {  	[sflag:s10] =	ssyncset.done $0x0  }
0x23f: {  	s24 =	rddreg [dreg:$0xf];
	[sflag:s10] =	ssyncadd.s32 $0xFFFFC000  }
0x240: {  	[spmem:s3] =	stream.indirect.scatter.add.f32 [tilespmem:s25], [sflag:$0x4], $0x80, s24, s17, $0xb8;
	[tilespmem:$0x1CC00] =	vst v63  }
0x241: {  	_ =	swait.ge [sflag:s19], $0x4000  }
0x242: {  	[sflag:s19] =	ssyncset.done $0x0  }
0x243: {  	[sflag:s19] =	ssyncadd.s32 $0xFFFFC000  }
0x244: {  	[tilespmem:s25], [sflag:$0x2] =	stream.indirect.gather [hbm4b:s2+s17], $0x80, s6, s17, $0xb8;
	[tilespmem:$0x1CC00] =	vst v63  }
0x245: {  	_ =	swait.ge [sflag:s31], $0x4000  }
0x246: {  	[sflag:s31] =	ssyncset.done $0x0  }
0x247: {  	s26 =	rddreg [dreg:$0x10];
	[sflag:s31] =	ssyncadd.s32 $0xFFFFC000  }
0x248: {  	[spmem:s3] =	stream.indirect.scatter.add.f32 [tilespmem:s18], [sflag:$0x3], $0x80, s26, s17, $0xb8;
	[tilespmem:$0x1CC00] =	vst v63  }
0x249: {  	_ =	swait.ge [sflag:s10], $0x4000  }
0x24a: {  	[sflag:s10] =	ssyncset.done $0x0  }
0x24b: {  	s28 =	rddreg [dreg:$0x11];
	[sflag:s10] =	ssyncadd.s32 $0xFFFFC000  }
0x24c: {  	[spmem:s3] =	stream.indirect.scatter.add.f32 [tilespmem:s25], [sflag:$0x4], $0x80, s28, s17, $0xb8;
	[tilespmem:$0x1CC00] =	vst v63  }
0x24d: {  	_ =	swait.ge [sflag:s8], $0x4000  }
0x24e: {  	[sflag:s8] =	ssyncset.done $0x0  }
0x24f: {  	[sflag:s8] =	ssyncadd.s32 $0xFFFFC000  }
0x250: {  	_ =	swait.ge [sflag:s19], $0x4000  }
0x251: {  	[sflag:s19] =	ssyncset.done $0x0  }
0x252: {  	[sflag:s19] =	ssyncadd.s32 $0xFFFFC000  }
0x253: {  	[bflag:$0x0] =	sbarrier.arrive $0xFFFF  }
0x254: {  	s22 =	sld [smem:$0x7FD]  }
0x255: {  	s21 =	sld [smem:$0x7FC]  }
0x256: {  	s1 =	rddreg [dreg:$0x17]  }
0x257: {  	s0 =	sadd.s32 @p0 $0x25080, s1  }
0x258: {  	[hbm:s0], [sflag:s22] =	dma.local @p0 [spmem:s21], $0x2080  }
0x259: {  	s0 =	simm.s32 @p0 $0x7  }
0x25a: {  	_ =	swait.ge @p0 [sflag:s0], $0x2080  }
0x25b: {  	[sflag:s0] =	ssyncset.done @p0 $0x0;
	s21 =	rddreg [dreg:$0x15]  }
0x25c: {  	[sflag:s0] =	ssyncadd.s32 @p0 $0xFFFFDF80;
	s0 =	rddreg [dreg:$0x14]  }
0x25d: {  	s0 =	sadd.s32 @!p0 s0, s1;
	s1 =	sshrl.u32 @!p0 s21, $0x3  }
0x25e: {  	[hbm:s0], [sflag:s22] =	dma.local @!p0 [spmem:s1], $0x2780  }
0x25f: {  	s0 =	simm.s32 @!p0 $0x7  }
0x260: {  	_ =	swait.ge @!p0 [sflag:s0], $0x2780  }
0x261: {  	s29 =	sld [smem:$0x7FB];
	_ =	sdelay $0x2  }
0x262: {  	s30 =	rddreg [dreg:$0x18];
	s5 =	sadd.s32 $0x1, s29  }
0x263: {  	p1 =	sne.s32 s5, s30  }
.Ltmp1:
0x264: {  	_ = 	snop;
	(pc) =	sbr.rel @p1 .LBB2_1-.Ltmp1, $3  }
0x265: {  	_ =	sdelay $0x1  }
0x266: {  	[sflag:s0] =	ssyncset.done @!p0 $0x0  }
0x267: {  	[sflag:s0] =	ssyncadd.s32 @!p0 $0xFFFFD880  }
0x268: {  	_ =	sfence.sel $0x180000  }
0x269: {  	[bflag:$0x0] =	sbarrier.arrive $0xFFFF  }
0x26a: {  	_ =	strace $0x9000004A  }
0x26b: {  	s0 =	stileid.u32;
	[bflag:$0x2] =	sbarrier.arrive $0xFFFF  }
0x26c: {  	p0 =	sne.s32 s0, $0x0;
	s0 =	rddreg [dreg:$0x3]  }
0x26d: {  	s0 =	sadd.s32 @!p0 $0x100000, s0  }
0x26e: {  	[sflag:s0] =	ssyncadd.tile.s32 @!p0 $0x1;
	_ =	shalt  }
.Lfunc_end2:
_tile_overlayer_lowered:
.L_overlay_start_2:
0x26f: {  	(tag) =	ssettag $0x2  }
0x270: {  	s0 =	rddreg [dreg:$0x0];
	s2 =	stileid.u32  }
0x271: {  	s1 =	rddreg [dreg:$0x1];
	p0 =	sne.s32 s2, $0x0  }
0x272: {  	s3 =	rddreg [dreg:$0x2];
	[bflag:$0x3] =	sbarrier.arrive $0xFFFF;
	s2 =	simm.s32 @!p0 $0x1C07  }
0x273: {  	[timem:s3], [sflag:s2] =	dma.local @!p0 [hbm:s0], s1  }
0x274: {  	s0 =	simm.s32 @!p0 $0x7  }
0x275: {  	_ =	swait.ge @!p0 [sflag:s0], s1  }
0x276: {  	s1 =	ssub.s32 @!p0 $0x0, s1;
	[sflag:s0] =	ssyncset.done @!p0 $0x0  }
0x277: {  	[sflag:s0] =	ssyncadd.s32 @!p0 s1  }
0x278: {  	[bflag:$0x3] =	sbarrier.arrive $0xFFFF  }
0x279: {  	_ =	shalt  }

// kernel: kernel.7.cloned.1.call-start
scs
__scs_entry_jumppad:
0x0: {  	(pc) =	sbr.rel $0x88, $3  }
0x1: {  	(tag) =	ssettag $0x0;
	lr =	simm.s32 $0x1  }
0x2: {  	[smem:$0x3F9B] =	sst lr;
	_ =	strace $0xD0000000  }
0x3: {  	_ = 	snop  }
0x4: {  	_ = 	snop  }
0x5: {  	_ = 	snop  }
0x6: {  	_ = 	snop  }
0x7: {  	_ = 	snop  }
__scs_overlays_trampoline_lowered:
0x8: {  	[smem:$0x3FAA] =	sst s0  }
0x9: {  	[smem:$0x3FAB] =	sst s1  }
0xa: {  	[smem:$0x3FAC] =	sst s2  }
0xb: {  	[smem:$0x3FAD] =	sst s3  }
0xc: {  	[smem:$0x3FAE] =	sst s4  }
0xd: {  	[smem:$0x3FAF] =	sst s5  }
0xe: {  	[smem:$0x3FB0] =	sst s6  }
0xf: {  	[smem:$0x3FB1] =	sst s7  }
0x10: {  	[smem:$0x3FB2] =	sst s8  }
0x11: {  	[smem:$0x3FB3] =	sst s9;
	s0 =	simm.s32 @!p0 $0x0  }
0x12: {  	s1 =	sld [smem:$0x3F99];
	s0 =	simm.s32 @p0 $0x1  }
0x13: {  	[smem:$0x3FB4] =	sst s0;
	s0 =	simm.s32 @!p1 $0x0  }
0x14: {  	s2 =	sld [smem:$0x3F98];
	s0 =	simm.s32 @p1 $0x1  }
0x15: {  	[smem:$0x3FB5] =	sst s0;
	s0 =	simm.s32 @!p2 $0x0  }
0x16: {  	s3 =	sld [smem:$0x3FDB];
	s0 =	simm.s32 @p2 $0x1  }
0x17: {  	s4 =	simm.s32 $0x1BF5;
	[smem:$0x3FB7] =	sst s0  }
0x18: {  	s0 =	sld [smem:$0x3F9A];
	_ =	swait.ge [sflag:s4], $0x0  }
0x19: {  	s7 =	sld [smem:$0x3F9B]  }
0x1a: {  	s8 =	sadd.s32 $0xFFFFE003, lr  }
0x1b: {  	s9 =	sadd.s32 $0xFFFFFEF7, lr;
	s5 =	simm.s32 $0xFFFFFFFF;
	p2 =	slt.u32 s8, $0xFFFFF086  }
0x1c: {  	p1 =	slt.u32 s9, $0xF7A;
	s5 =	simm.s32 @!p2 $0x0  }
0x1d: {  	s5 =	simm.s32 @p1 $0x1;
	p0 =	seq.s32 s7, s2  }
0x1e: {  	s7 =	smul.u32 @!p0 $0xF7A, s2;
	p2 =	seq.s32 @!p0 s5, $0x0  }
0x1f: {  	s9 =	smul.u32 $0xF7A, s1;
	s8 =	simm.s32 @!p0 $0x1BF5;
	p2 =	por !p2, p0  }
0x20: {  	[sflag:s8] =	ssyncset.s32 @!p0 $0xFFFFF086;
	s6 =	sadd.s32 @!p0 s3, s7;
	s7 =	simm.s32 @!p0 $0x108  }
0x21: {  	s3 =	sadd.s32 s3, s9;
	s6 =	sadd.s32 @!p0 $0x88, s6;
	s7 =	simm.s32 @p2 $0x1082  }
0x22: {  	[simem:s7], [sflag:s8] =	dma.local @!p0 [hbm:s6], $0xF7A  }
0x23: {  	s9 =	sor.u32 $0xD0000000, s2;
	s6 =	simm.s32 $0x108;
	_ =	swait.ge @!p0 [sflag:s8], $0x0  }
0x24: {  	s3 =	sadd.s32 $0x88, s3;
	s6 =	simm.s32 @!p1 $0x1082;
	[sflag:s4] =	ssyncset.s32 $0xFFFFF086  }
0x25: {  	[simem:s6], [sflag:s4] =	dma.local [hbm:s3], $0xF7A  }
0x26: {  	[smem:$0x3F9B] =	sst s1;
	(tag) =	ssettag s2;
	_ =	strace s9  }
0x27: {  	s1 =	sld [smem:$0x3FAB]  }
0x28: {  	s2 =	sld [smem:$0x3FAC]  }
0x29: {  	s4 =	sld [smem:$0x3FAE]  }
0x2a: {  	p0 =	seq.s32 s5, $0x0;
	s5 =	sld [smem:$0x3FAF]  }
0x2b: {  	s6 =	sld [smem:$0x3FB0]  }
0x2c: {  	s7 =	sld [smem:$0x3FB1]  }
0x2d: {  	s3 =	simm.s32 $0x108;
	s8 =	sld [smem:$0x3FB2]  }
0x2e: {  	s3 =	simm.s32 @!p0 $0x1082;
	s9 =	sld [smem:$0x3FB3]  }
0x2f: {  	lr =	sadd.s32 s0, s3;
	s0 =	sld [smem:$0x3FAA]  }
0x30: {  	s3 =	sld [smem:$0x3FAD]  }
0x31: {  	[smem:$0x3FB6] =	sst s10  }
0x32: {  	s10 =	sld [smem:$0x3FB4];
	_ =	sdelay $0x3  }
0x33: {  	p0 =	seq.s32 s10, $0x1;
	s10 =	sld [smem:$0x3FB6];
	_ =	sdelay $0x3  }
0x34: {  	[smem:$0x3FB6] =	sst s10  }
0x35: {  	s10 =	sld [smem:$0x3FB5];
	_ =	sdelay $0x3  }
0x36: {  	p1 =	seq.s32 s10, $0x1;
	s10 =	sld [smem:$0x3FB6];
	_ =	sdelay $0x3  }
0x37: {  	[smem:$0x3FB6] =	sst s10  }
0x38: {  	s10 =	sld [smem:$0x3FB7]  }
0x39: {  	_ = 	snop;
	(pc) =	sbr.ind lr, $3  }
0x3a: {  	_ = 	snop  }
0x3b: {  	_ = 	snop  }
0x3c: {  	p2 =	seq.s32 s10, $0x1;
	s10 =	sld [smem:$0x3FB6]  }
0x3d: {  	_ =	shalt  }
0x3e: {  	_ =	shalt  }
0x3f: {  	_ =	shalt  }
0x40: {  	_ =	shalt  }
0x41: {  	_ =	shalt  }
0x42: {  	_ =	shalt  }
0x43: {  	_ =	shalt  }
0x44: {  	_ =	shalt  }
0x45: {  	_ =	shalt  }
0x46: {  	_ =	shalt  }
0x47: {  	_ =	shalt  }
0x48: {  	_ =	shalt  }
0x49: {  	_ =	shalt  }
0x4a: {  	_ =	shalt  }
0x4b: {  	_ =	shalt  }
0x4c: {  	_ =	shalt  }
0x4d: {  	_ =	shalt  }
0x4e: {  	_ =	shalt  }
0x4f: {  	_ =	shalt  }
0x50: {  	_ =	shalt  }
0x51: {  	_ =	shalt  }
0x52: {  	_ =	shalt  }
0x53: {  	_ =	shalt  }
0x54: {  	_ =	shalt  }
0x55: {  	_ =	shalt  }
0x56: {  	_ =	shalt  }
0x57: {  	_ =	shalt  }
0x58: {  	_ =	shalt  }
0x59: {  	_ =	shalt  }
0x5a: {  	_ =	shalt  }
0x5b: {  	_ =	shalt  }
0x5c: {  	_ =	shalt  }
0x5d: {  	_ =	shalt  }
0x5e: {  	_ =	shalt  }
0x5f: {  	_ =	shalt  }
0x60: {  	_ =	shalt  }
0x61: {  	_ =	shalt  }
0x62: {  	_ =	shalt  }
0x63: {  	_ =	shalt  }
0x64: {  	_ =	shalt  }
0x65: {  	_ =	shalt  }
0x66: {  	_ =	shalt  }
0x67: {  	_ =	shalt  }
0x68: {  	_ =	shalt  }
0x69: {  	_ =	shalt  }
0x6a: {  	_ =	shalt  }
0x6b: {  	_ =	shalt  }
0x6c: {  	_ =	shalt  }
0x6d: {  	_ =	shalt  }
0x6e: {  	_ =	shalt  }
0x6f: {  	_ =	shalt  }
0x70: {  	_ =	shalt  }
0x71: {  	_ =	shalt  }
0x72: {  	_ =	shalt  }
0x73: {  	_ =	shalt  }
0x74: {  	_ =	shalt  }
0x75: {  	_ =	shalt  }
0x76: {  	_ =	shalt  }
0x77: {  	_ =	shalt  }
0x78: {  	_ =	shalt  }
0x79: {  	_ =	shalt  }
0x7a: {  	_ =	shalt  }
0x7b: {  	_ =	shalt  }
0x7c: {  	_ =	shalt  }
0x7d: {  	_ =	shalt  }
0x7e: {  	_ =	shalt  }
0x7f: {  	_ =	shalt  }
0x80: {  	_ =	shalt  }
0x81: {  	_ =	shalt  }
0x82: {  	_ =	shalt  }
0x83: {  	_ =	shalt  }
0x84: {  	_ =	shalt  }
0x85: {  	_ =	shalt  }
0x86: {  	_ =	shalt  }
0x87: {  	_ =	shalt  }
.Lfunc_end0:
.L_simem_size_0:
called_computation_lowered:
.L_overlay_start_0:
0x88: {  	s2 =	sld [smem:$0x3FD9]  }
0x89: {  	s3 =	sld [smem:$0x3FFE];
	_ =	sdelay $0x1  }
0x8a: {  	s1 =	srdreg.scid  }
0x8b: {  	s0 =	sand.u32 $0x1, s1  }
0x8c: {  	s17 =	sshll.u32 s0, $0xA;
	s2 =	sadd.s32 s3, s2  }
0x8d: {  	s2 =	sadd.s32 s2, s17  }
0x8e: {  	[smem:$0x3FC2] =	sst s2  }
0x8f: {  	_ = 	snop  }
0x90: {  	s2 =	sld [smem:$0x3FC9];
	(tm) =	ssettm $0x1  }
0x91: {  	s18 =	sld [smem:$0x3FFB];
	_ =	sdelay $0x3  }
0x92: {  	_ =	strace s18  }
0x93: {  	s3 =	sld [smem:$0x3FFC];
	_ =	sdelay $0x3  }
0x94: {  	_ =	strace s3  }
0x95: {  	s3 =	sld [smem:$0x3FFD];
	_ =	sdelay $0x3  }
0x96: {  	_ =	strace s3  }
0x97: {  	_ =	strace $0x8FFFFFFF  }
0x98: {  	s19 =	sld [smem:$0x3FDB];
	_ =	sdelay $0x1  }
0x99: {  	s4 =	simm.s32 $_scs_section_size  }
0x9a: {  	s5 =	simm.s32 $_size__tile_overlayer_lowered;
	s6 =	simm.s32 $_tile_overlayer_lowered  }
0x9b: {  	s22 =	simm.s32 $0x1BFF;
	s21 =	sshll.u32 s6, $0x1;
	s3 =	sadd.s32 s4, s19  }
0x9c: {  	s7 =	simm.s32 $0x0;
	s20 =	sshll.u32 s5, $0x1;
	s5 =	sadd.s32 s21, s3  }
0x9d: {  	[timem:s7], [sflag:s22] =	dma.local [hbm:s5], s20  }
0x9e: {  	_ =	swait.ge [sflag:s22], s20  }
0x9f: {  	s4 =	ssub.s32 $0x0, s20;
	[sflag:s22] =	ssyncset.done $0x0  }
0xa0: {  	[sflag:s22] =	ssyncadd.s32 s4;
	_ =	sdelay $0x1  }
0xa1: {  	s23 =	simm.s32 $0x1B8B  }
0xa2: {  	_ =	swait.ge [sflag:s23], $0x1  }
0xa3: {  	[sflag:s23] =	ssyncset.done $0x0  }
0xa4: {  	s25 =	simm.s32 $0x1B8E;
	s24 =	sld [smem:$0x3FFE];
	[sflag:s23] =	ssyncadd.s32 $0xFFFFFFFF  }
0xa5: {  	s26 =	simm.s32 $execute0_lowered;
	[smem:$0x3FD2] =	sst s25  }
0xa6: {  	s5 =	sshll.u32 s26, $0x1;
	_ =	strace $0x80000046;
	[dreg:$0x1] =	wrdreg $0xFFFFFFFF  }
0xa7: {  	s28 =	simm.s32 $_size_execute0_lowered;
	s3 =	sadd.s32 s3, s5;
	[dreg:$0x0] =	wrdreg $0x0  }
0xa8: {  	s5 =	sshll.u32 s28, $0x1;
	[dreg:$0x2] =	wrdreg s3  }
0xa9: {  	[dreg:$0x3] =	wrdreg s5  }
0xaa: {  	[dreg:$0x4] =	wrdreg $0xC0  }
0xab: {  	_ =	task [dreg:s7], $0x5FFFF  }
0xac: {  	[dreg:$0x1] =	wrdreg $0xFFFFFFFF  }
0xad: {  	[dreg:$0x0] =	wrdreg $0x60  }
0xae: {  	[dreg:$0x2] =	wrdreg s2  }
0xaf: {  	[dreg:$0x3] =	wrdreg s24  }
0xb0: {  	[dreg:$0x4] =	wrdreg $0x0  }
0xb1: {  	[dreg:$0x5] =	wrdreg $0x9  }
0xb2: {  	_ =	task.clear_ibuf [dreg:s7], $0x6FFFF;
	_ =	strace $0x90000046  }
0xb3: {  	s29 =	simm.s32 $0x9;
	_ =	strace $0x80000048  }
0xb4: {  	_ =	swait.ge [sflag:s29], $0x1  }
0xb5: {  	[sflag:s29] =	ssyncadd.s32 $0xFFFFFFFF  }
0xb6: {  	_ =	strace $0x90000048  }
0xb7: {  	_ =	sfence  }
0xb8: {  	s30 =	sld [smem:$0x0];
	_ =	sdelay $0x2  }
0xb9: {  	s31 =	sshll.u32 s1, $0xD;
	s1 =	sshrl.u32 s1, $0x2  }
0xba: {  	s3 =	sand.u32 $0x4000, s31;
	s1 =	sadd.s32 s1, s30  }
0xbb: {  	s0 =	sor.u32 s3, s0;
	s1 =	sshll.u32 s1, $0x11  }
0xbc: {  	s0 =	sor.u32 s1, s0  }
0xbd: {  	s0 =	sadd.s32 $0x8F2B, s0  }
0xbe: {  	[sflag:s0] =	ssyncadd.remote.s32 $0x1  }
0xbf: {  	_ =	sfence.sel $0xFFFF  }
0xc0: {  	[dreg:$0x0] =	wrdreg $0xFFFFFFFF;
	(pc) =	sbr.abs _section_cstart, $3  }
0xc1: {  	[dreg:$0x1] =	wrdreg $0xFFFFFFFF  }
0xc2: {  	_ =	task.clear_ibuf [dreg:s7], $0x2FFFF;
	_ =	strace $0x9FFFFFFF  }
0xc3: {  	(tm) =	ssettm $0x7FFFFFFF  }
tec
execute0_lowered:
.L_overlay_start_1:
0x0: {  	(tag) =	ssettag $0x1  }
0x1: {  	s2 =	rddreg [dreg:$0x0]  }
0x2: {  	s0 =	rddreg [dreg:$0x1]  }
0x3: {  	s3 =	rddreg [dreg:$0x2];
	s10 =	stileid.u32  }
0x4: {  	s4 =	simm.s32 $0x0;
	s1 =	srdreg.scid;
	s12 =	simm.s32 $0x14580  }
0x5: {  	s14 =	simm.s32 $0x14600;
	s16 =	simm.s32 $0x14680;
	[smem:$0x7FF] =	sst s4  }
0x6: {  	s18 =	simm.s32 $0x14700;
	_ =	strace $0x80000047;
	[dreg:$0x6] =	wrdreg s12  }
0x7: {  	s20 =	simm.s32 $0x14780;
	s5 =	smul.u32 $0x50, s10;
	[dreg:$0x7] =	wrdreg s14  }
0x8: {  	s23 =	simm.s32 $0x14880;
	s9 =	smul.u32 $0x2780, s10;
	[dreg:$0x8] =	wrdreg s16  }
0x9: {  	s1 =	sand.u32 $0x1, s1;
	s7 =	smul.u32 $0x4F000, s10;
	[dreg:$0x9] =	wrdreg s18  }
0xa: {  	s22 =	sshll.u32 s10, $0x6;
	p0 =	seq.s32 s1, $0x0;
	[dreg:$0xa] =	wrdreg s20  }
0xb: {  	s24 =	smul.u32 $0x27100, s1;
	s1 =	ssub.s32 $0x2, s1;
	[dreg:$0xb] =	wrdreg s23  }
0xc: {  	s22 =	sor.u32 $0x1C07, s22;
	[dreg:$0x14] =	wrdreg s9;
	s9 =	sadd.s32 s9, s0  }
0xd: {  	s25 =	sshrl.u32 s1, $0x1;
	[smem:$0x7FD] =	sst s22;
	s30 =	sadd.s32 $0x15A00, s9  }
0xe: {  	s26 =	sshrl.u32 s7, $0x2;
	s9 =	simm.s32 $0x14500;
	[dreg:$0x16] =	wrdreg s30  }
0xf: {  	s1 =	ssub.s32 s1, s25;
	s25 =	simm.s32 $0x14980;
	[dreg:$0x5] =	wrdreg s9  }
0x10: {  	s21 =	sadd.s32 s26, s3;
	s26 =	simm.s32 $0x14A00;
	[dreg:$0xd] =	wrdreg s25  }
0x11: {  	s6 =	sadd.s32 $0x500, s5;
	[dreg:$0xe] =	wrdreg s26  }
0x12: {  	s6 =	smov.u32 @p0 s5;
	s1 =	smax.u32 s1, $0x1;
	[dreg:$0x15] =	wrdreg s21  }
0x13: {  	s6 =	sshll.u32 s6, $0x4;
	s30 =	simm.s32 $0x14B80;
	[dreg:$0x18] =	wrdreg s1  }
0x14: {  	s8 =	sadd.s32 s6, s0;
	s6 =	simm.s32 $0x14480;
	[dreg:$0x11] =	wrdreg s30  }
0x15: {  	s0 =	sadd.s32 s24, s0;
	s24 =	simm.s32 $0x14900;
	[dreg:$0x4] =	wrdreg s6  }
0x16: {  	s28 =	sadd.s32 $0xBA00, s8;
	[dreg:$0xc] =	wrdreg s24  }
0x17: {  	s29 =	sadd.s32 $0x1A00, s8;
	[dreg:$0x12] =	wrdreg s28  }
0x18: {  	s0 =	sadd.s32 $0x3D200, s0;
	[dreg:$0x13] =	wrdreg s29  }
0x19: {  	s5 =	sadd.s32 $0xBA10, s8;
	[dreg:$0x17] =	wrdreg s0  }
0x1a: {  	s7 =	sadd.s32 $0xBA20, s8;
	[dreg:$0x19] =	wrdreg s5  }
0x1b: {  	s31 =	simm.s32 $0x1;
	s11 =	sadd.s32 $0xBA30, s8;
	[dreg:$0x1a] =	wrdreg s7  }
0x1c: {  	s18 =	simm.s32 $0x14C00;
	s13 =	sadd.s32 $0xBA40, s8;
	[dreg:$0x1b] =	wrdreg s11  }
0x1d: {  	p0 =	seq.s32 s10, $0xF;
	s15 =	sadd.s32 $0xBA50, s8;
	[dreg:$0x1c] =	wrdreg s13  }
0x1e: {  	s10 =	simm.s32 $0x2;
	s17 =	sadd.s32 $0xBA60, s8;
	[dreg:$0x1d] =	wrdreg s15  }
0x1f: {  	s25 =	simm.s32 $0x18C00;
	s19 =	sadd.s32 $0xBA70, s8;
	[dreg:$0x1e] =	wrdreg s17  }
0x20: {  	s8 =	simm.s32 $0x3;
	[dreg:$0x1f] =	wrdreg s19;
	s28 =	simm.s32 $0x14A80  }
0x21: {  	s0 =	sadd.s32 $0x128400, s3;
	s29 =	simm.s32 $0x14B00;
	[dreg:$0xf] =	wrdreg s28  }
0x22: {  	s17 =	simm.s32 $0x80;
	[dreg:$0x10] =	wrdreg s29;
	s0 =	sshrl.u32 @p0 s0, $0x3  }
0x23: {  	s19 =	simm.s32 $0x4;
	s5 =	simm.s32 $0x0;
	[smem:$0x7FC] =	sst s0  }
.LBB2_1:
0x24: {  	[smem:$0x7FB] =	sst s5  }
0x25: {  	s15 =	rddreg [dreg:$0x12]  }
0x26: {  	s24 =	simm.s32 $0x13C00;
	s0 =	rddreg [dreg:$0x19]  }
0x27: {  	[tilespmem:s24], [sflag:$0x5] =	stream.linear.gather [hbm4b:s15+s4], $0x80, $0x38;
	[tilespmem:$0x1CC00] =	vst v63  }
0x28: {  	s23 =	simm.s32 $0x13D00;
	s7 =	rddreg [dreg:$0x1a]  }
0x29: {  	[tilespmem:s23], [sflag:$0x5] =	stream.linear.gather [hbm4b:s0+s4], $0x80, $0x38;
	[tilespmem:$0x1CC00] =	vst v63  }
0x2a: {  	s26 =	simm.s32 $0x13E00;
	s9 =	rddreg [dreg:$0x1b]  }
0x2b: {  	[tilespmem:s26], [sflag:$0x5] =	stream.linear.gather [hbm4b:s7+s4], $0x80, $0x38;
	[tilespmem:$0x1CC00] =	vst v63  }
0x2c: {  	s28 =	simm.s32 $0x13F00;
	s11 =	rddreg [dreg:$0x1c]  }
0x2d: {  	[tilespmem:s28], [sflag:$0x5] =	stream.linear.gather [hbm4b:s9+s4], $0x80, $0x38;
	[tilespmem:$0x1CC00] =	vst v63  }
0x2e: {  	s29 =	simm.s32 $0x14000;
	s12 =	rddreg [dreg:$0x1d]  }
0x2f: {  	[tilespmem:s29], [sflag:$0x5] =	stream.linear.gather [hbm4b:s11+s4], $0x80, $0x38;
	[tilespmem:$0x1CC00] =	vst v63  }
0x30: {  	s30 =	simm.s32 $0x14100;
	s13 =	rddreg [dreg:$0x1e]  }
0x31: {  	[tilespmem:s30], [sflag:$0x5] =	stream.linear.gather [hbm4b:s12+s4], $0x80, $0x38;
	[tilespmem:$0x1CC00] =	vst v63  }
0x32: {  	s1 =	simm.s32 $0x14200;
	s14 =	rddreg [dreg:$0x1f]  }
0x33: {  	[tilespmem:s1], [sflag:$0x5] =	stream.linear.gather [hbm4b:s13+s4], $0x80, $0x38;
	[tilespmem:$0x1CC00] =	vst v63  }
0x34: {  	s16 =	simm.s32 $0x14300;
	s20 =	rddreg [dreg:$0x16]  }
0x35: {  	[tilespmem:s16], [sflag:$0x5] =	stream.linear.gather [hbm4b:s14+s4], $0x80, $0x38;
	[tilespmem:$0x1CC00] =	vst v63  }
0x36: {  	s21 =	sshrl.u32 s21, $0x3;
	s7 =	rddreg [dreg:$0x13];
	s1 =	simm.s32 $0x14400  }
0x37: {  	[tilespmem:s1], [sflag:$0x5] =	stream.linear.gather [hbm4b:s7+s4], $0x400, $0x38;
	[tilespmem:$0x1CC00] =	vst v63  }
0x38: {  	[spmem:s21], [sflag:s22] =	dma.local [hbm:s20], $0x2780  }
0x39: {  	s22 =	simm.s32 $0x7  }
0x3a: {  	_ =	swait.ge [sflag:s22], $0x2780  }
0x3b: {  	[sflag:s22] =	ssyncset.done $0x0  }
0x3c: {  	s21 =	sadd.s32 $0x0, s15;
	[sflag:s22] =	ssyncadd.s32 $0xFFFFD880  }
0x3d: {  	s0 =	simm.s32 $0x13C80;
	s9 =	sadd.s32 $0x80, s21;
	[bflag:$0x0] =	sbarrier.arrive $0xFFFF  }
0x3e: {  	[tilespmem:s0], [sflag:$0x6] =	stream.linear.gather [hbm4b:s9+s4], $0x80, $0x38;
	[tilespmem:$0x1CC00] =	vst v63  }
0x3f: {  	s11 =	sadd.s32 $0x90, s21;
	s9 =	simm.s32 $0x13D80  }
0x40: {  	[tilespmem:s9], [sflag:$0x6] =	stream.linear.gather [hbm4b:s11+s4], $0x80, $0x38;
	[tilespmem:$0x1CC00] =	vst v63  }
0x41: {  	s12 =	sadd.s32 $0xA0, s21;
	s11 =	simm.s32 $0x13E80  }
0x42: {  	[tilespmem:s11], [sflag:$0x6] =	stream.linear.gather [hbm4b:s12+s4], $0x80, $0x38;
	[tilespmem:$0x1CC00] =	vst v63  }
0x43: {  	s13 =	sadd.s32 $0xB0, s21;
	s12 =	simm.s32 $0x13F80  }
0x44: {  	[tilespmem:s12], [sflag:$0x6] =	stream.linear.gather [hbm4b:s13+s4], $0x80, $0x38;
	[tilespmem:$0x1CC00] =	vst v63  }
0x45: {  	s14 =	sadd.s32 $0xC0, s21;
	s13 =	simm.s32 $0x14080  }
0x46: {  	[tilespmem:s13], [sflag:$0x6] =	stream.linear.gather [hbm4b:s14+s4], $0x80, $0x38;
	[tilespmem:$0x1CC00] =	vst v63  }
0x47: {  	s16 =	sadd.s32 $0xD0, s21;
	s14 =	simm.s32 $0x14180  }
0x48: {  	[tilespmem:s14], [sflag:$0x6] =	stream.linear.gather [hbm4b:s16+s4], $0x80, $0x38;
	[tilespmem:$0x1CC00] =	vst v63  }
0x49: {  	s20 =	sadd.s32 $0xE0, s21;
	s16 =	simm.s32 $0x14280  }
0x4a: {  	[tilespmem:s16], [sflag:$0x6] =	stream.linear.gather [hbm4b:s20+s4], $0x80, $0x38;
	[tilespmem:$0x1CC00] =	vst v63  }
0x4b: {  	s21 =	sadd.s32 $0xF0, s21;
	s22 =	sadd.s32 $0x0, s7;
	s20 =	simm.s32 $0x14380  }
0x4c: {  	[tilespmem:s20], [sflag:$0x6] =	stream.linear.gather [hbm4b:s21+s4], $0x80, $0x38;
	[tilespmem:$0x1CC00] =	vst v63  }
0x4d: {  	s22 =	sadd.s32 $0x80, s22;
	s16 =	simm.s32 $0x14800;
	s20 =	simm.s32 $0x5  }
0x4e: {  	[tilespmem:s16], [sflag:$0x6] =	stream.linear.gather [hbm4b:s22+s4], $0x400, $0x38;
	[tilespmem:$0x1CC00] =	vst v63  }
0x4f: {  	_ =	swait.ge [sflag:s20], $0x400  }
0x50: {  	[sflag:s20] =	ssyncset.done $0x0  }
0x51: {  	[sflag:s20] =	ssyncadd.s32 $0xFFFFFC00  }
0x52: {  	_ =	swait.ge [sflag:s20], $0x400  }
0x53: {  	[sflag:s20] =	ssyncset.done $0x0  }
0x54: {  	[sflag:s20] =	ssyncadd.s32 $0xFFFFFC00  }
0x55: {  	[tilespmem:s18], [sflag:$0x1] =	stream.indirect.gather [hbm4b:s2+s17], $0x80, s24, s17, $0xb8;
	[tilespmem:$0x1CC00] =	vst v63  }
0x56: {  	_ = 	snop  }
0x57: {  	[tilespmem:s25], [sflag:$0x2] =	stream.indirect.gather [hbm4b:s2+s17], $0x80, s23, s17, $0xb8;
	[tilespmem:$0x1CC00] =	vst v63  }
0x58: {  	_ =	swait.ge [sflag:s31], $0x4000  }
0x59: {  	[sflag:s31] =	ssyncset.done $0x0  }
0x5a: {  	[sflag:s31] =	ssyncadd.s32 $0xFFFFC000  }
0x5b: {  	[spmem:s3] =	stream.indirect.scatter.add.f32 [tilespmem:s18], [sflag:$0x3], $0x80, s1, s17, $0xb8;
	[tilespmem:$0x1CC00] =	vst v63  }
0x5c: {  	_ =	swait.ge [sflag:s8], $0x4000  }
0x5d: {  	[sflag:s8] =	ssyncset.done $0x0  }
0x5e: {  	[sflag:s8] =	ssyncadd.s32 $0xFFFFC000  }
0x5f: {  	[tilespmem:s18], [sflag:$0x1] =	stream.indirect.gather [hbm4b:s2+s17], $0x80, s26, s17, $0xb8;
	[tilespmem:$0x1CC00] =	vst v63  }
0x60: {  	_ =	swait.ge [sflag:s10], $0x4000  }
0x61: {  	[sflag:s10] =	ssyncset.done $0x0  }
0x62: {  	s26 =	rddreg [dreg:$0x4];
	[sflag:s10] =	ssyncadd.s32 $0xFFFFC000  }
0x63: {  	[spmem:s3] =	stream.indirect.scatter.add.f32 [tilespmem:s25], [sflag:$0x4], $0x80, s26, s17, $0xb8;
	[tilespmem:$0x1CC00] =	vst v63  }
0x64: {  	_ =	swait.ge [sflag:s19], $0x4000  }
0x65: {  	[sflag:s19] =	ssyncset.done $0x0  }
0x66: {  	[sflag:s19] =	ssyncadd.s32 $0xFFFFC000  }
0x67: {  	[tilespmem:s25], [sflag:$0x2] =	stream.indirect.gather [hbm4b:s2+s17], $0x80, s28, s17, $0xb8;
	[tilespmem:$0x1CC00] =	vst v63  }
0x68: {  	_ =	swait.ge [sflag:s31], $0x4000  }
0x69: {  	[sflag:s31] =	ssyncset.done $0x0  }
0x6a: {  	s28 =	rddreg [dreg:$0x5];
	[sflag:s31] =	ssyncadd.s32 $0xFFFFC000  }
0x6b: {  	[spmem:s3] =	stream.indirect.scatter.add.f32 [tilespmem:s18], [sflag:$0x3], $0x80, s28, s17, $0xb8;
	[tilespmem:$0x1CC00] =	vst v63  }
0x6c: {  	_ =	swait.ge [sflag:s8], $0x4000  }
0x6d: {  	[sflag:s8] =	ssyncset.done $0x0  }
0x6e: {  	[sflag:s8] =	ssyncadd.s32 $0xFFFFC000  }
0x6f: {  	[tilespmem:s18], [sflag:$0x1] =	stream.indirect.gather [hbm4b:s2+s17], $0x80, s29, s17, $0xb8;
	[tilespmem:$0x1CC00] =	vst v63  }
0x70: {  	_ =	swait.ge [sflag:s10], $0x4000  }
0x71: {  	[sflag:s10] =	ssyncset.done $0x0  }
0x72: {  	s29 =	rddreg [dreg:$0x6];
	[sflag:s10] =	ssyncadd.s32 $0xFFFFC000  }
0x73: {  	[spmem:s3] =	stream.indirect.scatter.add.f32 [tilespmem:s25], [sflag:$0x4], $0x80, s29, s17, $0xb8;
	[tilespmem:$0x1CC00] =	vst v63  }
0x74: {  	_ =	swait.ge [sflag:s19], $0x4000  }
0x75: {  	[sflag:s19] =	ssyncset.done $0x0  }
0x76: {  	[sflag:s19] =	ssyncadd.s32 $0xFFFFC000  }
0x77: {  	[tilespmem:s25], [sflag:$0x2] =	stream.indirect.gather [hbm4b:s2+s17], $0x80, s30, s17, $0xb8;
	[tilespmem:$0x1CC00] =	vst v63  }
0x78: {  	_ =	swait.ge [sflag:s31], $0x4000  }
0x79: {  	[sflag:s31] =	ssyncset.done $0x0  }
0x7a: {  	s30 =	rddreg [dreg:$0x7];
	[sflag:s31] =	ssyncadd.s32 $0xFFFFC000  }
0x7b: {  	[spmem:s3] =	stream.indirect.scatter.add.f32 [tilespmem:s18], [sflag:$0x3], $0x80, s30, s17, $0xb8;
	[tilespmem:$0x1CC00] =	vst v63  }
0x7c: {  	_ =	swait.ge [sflag:s8], $0x4000  }
0x7d: {  	[sflag:s8] =	ssyncset.done $0x0  }
0x7e: {  	s5 =	simm.s32 $0x14200;
	[sflag:s8] =	ssyncadd.s32 $0xFFFFC000  }
0x7f: {  	[tilespmem:s18], [sflag:$0x1] =	stream.indirect.gather [hbm4b:s2+s17], $0x80, s5, s17, $0xb8;
	[tilespmem:$0x1CC00] =	vst v63  }
0x80: {  	_ =	swait.ge [sflag:s10], $0x4000  }
0x81: {  	[sflag:s10] =	ssyncset.done $0x0  }
0x82: {  	s1 =	rddreg [dreg:$0x8];
	[sflag:s10] =	ssyncadd.s32 $0xFFFFC000  }
0x83: {  	[spmem:s3] =	stream.indirect.scatter.add.f32 [tilespmem:s25], [sflag:$0x4], $0x80, s1, s17, $0xb8;
	[tilespmem:$0x1CC00] =	vst v63  }
0x84: {  	_ =	swait.ge [sflag:s19], $0x4000  }
0x85: {  	[sflag:s19] =	ssyncset.done $0x0  }
0x86: {  	s6 =	simm.s32 $0x14300;
	[sflag:s19] =	ssyncadd.s32 $0xFFFFC000  }
0x87: {  	[tilespmem:s25], [sflag:$0x2] =	stream.indirect.gather [hbm4b:s2+s17], $0x80, s6, s17, $0xb8;
	[tilespmem:$0x1CC00] =	vst v63  }
0x88: {  	_ =	swait.ge [sflag:s31], $0x4000  }
0x89: {  	[sflag:s31] =	ssyncset.done $0x0  }
0x8a: {  	s5 =	rddreg [dreg:$0x9];
	[sflag:s31] =	ssyncadd.s32 $0xFFFFC000  }
0x8b: {  	[spmem:s3] =	stream.indirect.scatter.add.f32 [tilespmem:s18], [sflag:$0x3], $0x80, s5, s17, $0xb8;
	[tilespmem:$0x1CC00] =	vst v63  }
0x8c: {  	_ =	swait.ge [sflag:s10], $0x4000  }
0x8d: {  	[sflag:s10] =	ssyncset.done $0x0  }
0x8e: {  	s6 =	rddreg [dreg:$0xa];
	[sflag:s10] =	ssyncadd.s32 $0xFFFFC000  }
0x8f: {  	[spmem:s3] =	stream.indirect.scatter.add.f32 [tilespmem:s25], [sflag:$0x4], $0x80, s6, s17, $0xb8;
	[tilespmem:$0x1CC00] =	vst v63  }
0x90: {  	_ =	swait.ge [sflag:s8], $0x4000  }
0x91: {  	[sflag:s8] =	ssyncset.done $0x0  }
0x92: {  	[sflag:s8] =	ssyncadd.s32 $0xFFFFC000  }
0x93: {  	p1 =	por $0x0, $0x0;
	_ =	swait.ge [sflag:s19], $0x4000  }
0x94: {  	s21 =	sadd.s32 @!p1 $0x0, s15;
	s22 =	simm.s32 @!p1 $0x13C00;
	[sflag:s19] =	ssyncset.done $0x0  }
0x95: {  	s24 =	simm.s32 @!p1 $0x0;
	s23 =	sadd.s32 @!p1 $0x100, s21;
	[sflag:s19] =	ssyncadd.s32 $0xFFFFC000  }
0x96: {  	[tilespmem:s22], [sflag:$0x5] =	stream.linear.gather @!p1 [hbm4b:s23+s24], $0x80, $0x38;
	[tilespmem:$0x1CC00] =	vst v63  }
0x97: {  	s22 =	sadd.s32 @!p1 $0x110, s21;
	s23 =	simm.s32 @!p1 $0x13D00  }
0x98: {  	[tilespmem:s23], [sflag:$0x5] =	stream.linear.gather @!p1 [hbm4b:s22+s24], $0x80, $0x38;
	[tilespmem:$0x1CC00] =	vst v63  }
0x99: {  	s22 =	sadd.s32 @!p1 $0x120, s21;
	s23 =	simm.s32 @!p1 $0x13E00  }
0x9a: {  	[tilespmem:s23], [sflag:$0x5] =	stream.linear.gather @!p1 [hbm4b:s22+s24], $0x80, $0x38;
	[tilespmem:$0x1CC00] =	vst v63  }
0x9b: {  	s22 =	sadd.s32 @!p1 $0x130, s21;
	s23 =	simm.s32 @!p1 $0x13F00  }
0x9c: {  	[tilespmem:s23], [sflag:$0x5] =	stream.linear.gather @!p1 [hbm4b:s22+s24], $0x80, $0x38;
	[tilespmem:$0x1CC00] =	vst v63  }
0x9d: {  	s22 =	sadd.s32 @!p1 $0x140, s21;
	s23 =	simm.s32 @!p1 $0x14000  }
0x9e: {  	[tilespmem:s23], [sflag:$0x5] =	stream.linear.gather @!p1 [hbm4b:s22+s24], $0x80, $0x38;
	[tilespmem:$0x1CC00] =	vst v63  }
0x9f: {  	s22 =	sadd.s32 @!p1 $0x150, s21;
	s23 =	simm.s32 @!p1 $0x14100  }
0xa0: {  	[tilespmem:s23], [sflag:$0x5] =	stream.linear.gather @!p1 [hbm4b:s22+s24], $0x80, $0x38;
	[tilespmem:$0x1CC00] =	vst v63  }
0xa1: {  	s22 =	sadd.s32 @!p1 $0x160, s21;
	s23 =	simm.s32 @!p1 $0x14200  }
0xa2: {  	[tilespmem:s23], [sflag:$0x5] =	stream.linear.gather @!p1 [hbm4b:s22+s24], $0x80, $0x38;
	[tilespmem:$0x1CC00] =	vst v63  }
0xa3: {  	s21 =	sadd.s32 @!p1 $0x170, s21;
	s22 =	simm.s32 @!p1 $0x14300  }
0xa4: {  	[tilespmem:s22], [sflag:$0x5] =	stream.linear.gather @!p1 [hbm4b:s21+s24], $0x80, $0x38;
	[tilespmem:$0x1CC00] =	vst v63  }
0xa5: {  	s21 =	sadd.s32 @!p1 $0x0, s7  }
0xa6: {  	s22 =	simm.s32 @!p1 $0x14400;
	s7 =	simm.s32 $0x6;
	s21 =	sadd.s32 @!p1 $0x100, s21  }
0xa7: {  	[tilespmem:s22], [sflag:$0x5] =	stream.linear.gather @!p1 [hbm4b:s21+s24], $0x400, $0x38;
	[tilespmem:$0x1CC00] =	vst v63  }
0xa8: {  	_ =	swait.ge [sflag:s7], $0x400  }
0xa9: {  	[sflag:s7] =	ssyncset.done $0x0  }
0xaa: {  	[sflag:s7] =	ssyncadd.s32 $0xFFFFFC00  }
0xab: {  	_ =	swait.ge [sflag:s7], $0x400  }
0xac: {  	[sflag:s7] =	ssyncset.done $0x0  }
0xad: {  	[sflag:s7] =	ssyncadd.s32 $0xFFFFFC00  }
0xae: {  	[tilespmem:s18], [sflag:$0x1] =	stream.indirect.gather [hbm4b:s2+s17], $0x80, s0, s17, $0xb8;
	[tilespmem:$0x1CC00] =	vst v63  }
0xaf: {  	_ = 	snop  }
0xb0: {  	[tilespmem:s25], [sflag:$0x2] =	stream.indirect.gather [hbm4b:s2+s17], $0x80, s9, s17, $0xb8;
	[tilespmem:$0x1CC00] =	vst v63  }
0xb1: {  	_ =	swait.ge [sflag:s31], $0x4000  }
0xb2: {  	[sflag:s31] =	ssyncset.done $0x0  }
0xb3: {  	[sflag:s31] =	ssyncadd.s32 $0xFFFFC000  }
0xb4: {  	[spmem:s3] =	stream.indirect.scatter.add.f32 [tilespmem:s18], [sflag:$0x3], $0x80, s16, s17, $0xb8;
	[tilespmem:$0x1CC00] =	vst v63  }
0xb5: {  	_ =	swait.ge [sflag:s8], $0x4000  }
0xb6: {  	[sflag:s8] =	ssyncset.done $0x0  }
0xb7: {  	[sflag:s8] =	ssyncadd.s32 $0xFFFFC000  }
0xb8: {  	[tilespmem:s18], [sflag:$0x1] =	stream.indirect.gather [hbm4b:s2+s17], $0x80, s11, s17, $0xb8;
	[tilespmem:$0x1CC00] =	vst v63  }
0xb9: {  	_ =	swait.ge [sflag:s10], $0x4000  }
0xba: {  	[sflag:s10] =	ssyncset.done $0x0  }
0xbb: {  	s16 =	rddreg [dreg:$0xb];
	[sflag:s10] =	ssyncadd.s32 $0xFFFFC000  }
0xbc: {  	[spmem:s3] =	stream.indirect.scatter.add.f32 [tilespmem:s25], [sflag:$0x4], $0x80, s16, s17, $0xb8;
	[tilespmem:$0x1CC00] =	vst v63  }
0xbd: {  	_ =	swait.ge [sflag:s19], $0x4000  }
0xbe: {  	[sflag:s19] =	ssyncset.done $0x0  }
0xbf: {  	[sflag:s19] =	ssyncadd.s32 $0xFFFFC000  }
0xc0: {  	[tilespmem:s25], [sflag:$0x2] =	stream.indirect.gather [hbm4b:s2+s17], $0x80, s12, s17, $0xb8;
	[tilespmem:$0x1CC00] =	vst v63  }
0xc1: {  	_ =	swait.ge [sflag:s31], $0x4000  }
0xc2: {  	[sflag:s31] =	ssyncset.done $0x0  }
0xc3: {  	s20 =	rddreg [dreg:$0xc];
	[sflag:s31] =	ssyncadd.s32 $0xFFFFC000  }
0xc4: {  	[spmem:s3] =	stream.indirect.scatter.add.f32 [tilespmem:s18], [sflag:$0x3], $0x80, s20, s17, $0xb8;
	[tilespmem:$0x1CC00] =	vst v63  }
0xc5: {  	_ =	swait.ge [sflag:s8], $0x4000  }
0xc6: {  	[sflag:s8] =	ssyncset.done $0x0  }
0xc7: {  	[sflag:s8] =	ssyncadd.s32 $0xFFFFC000  }
0xc8: {  	[tilespmem:s18], [sflag:$0x1] =	stream.indirect.gather [hbm4b:s2+s17], $0x80, s13, s17, $0xb8;
	[tilespmem:$0x1CC00] =	vst v63  }
0xc9: {  	_ =	swait.ge [sflag:s10], $0x4000  }
0xca: {  	[sflag:s10] =	ssyncset.done $0x0  }
0xcb: {  	s22 =	rddreg [dreg:$0xd];
	[sflag:s10] =	ssyncadd.s32 $0xFFFFC000  }
0xcc: {  	[spmem:s3] =	stream.indirect.scatter.add.f32 [tilespmem:s25], [sflag:$0x4], $0x80, s22, s17, $0xb8;
	[tilespmem:$0x1CC00] =	vst v63  }
0xcd: {  	_ =	swait.ge [sflag:s19], $0x4000  }
0xce: {  	[sflag:s19] =	ssyncset.done $0x0  }
0xcf: {  	[sflag:s19] =	ssyncadd.s32 $0xFFFFC000  }
0xd0: {  	[tilespmem:s25], [sflag:$0x2] =	stream.indirect.gather [hbm4b:s2+s17], $0x80, s14, s17, $0xb8;
	[tilespmem:$0x1CC00] =	vst v63  }
0xd1: {  	_ =	swait.ge [sflag:s31], $0x4000  }
0xd2: {  	[sflag:s31] =	ssyncset.done $0x0  }
0xd3: {  	s23 =	rddreg [dreg:$0xe];
	[sflag:s31] =	ssyncadd.s32 $0xFFFFC000  }
0xd4: {  	[spmem:s3] =	stream.indirect.scatter.add.f32 [tilespmem:s18], [sflag:$0x3], $0x80, s23, s17, $0xb8;
	[tilespmem:$0x1CC00] =	vst v63  }
0xd5: {  	_ =	swait.ge [sflag:s8], $0x4000  }
0xd6: {  	[sflag:s8] =	ssyncset.done $0x0  }
0xd7: {  	s24 =	simm.s32 $0x14280;
	[sflag:s8] =	ssyncadd.s32 $0xFFFFC000  }
0xd8: {  	[tilespmem:s18], [sflag:$0x1] =	stream.indirect.gather [hbm4b:s2+s17], $0x80, s24, s17, $0xb8;
	[tilespmem:$0x1CC00] =	vst v63  }
0xd9: {  	_ =	swait.ge [sflag:s10], $0x4000  }
0xda: {  	[sflag:s10] =	ssyncset.done $0x0  }
0xdb: {  	s26 =	rddreg [dreg:$0xf];
	[sflag:s10] =	ssyncadd.s32 $0xFFFFC000  }
0xdc: {  	[spmem:s3] =	stream.indirect.scatter.add.f32 [tilespmem:s25], [sflag:$0x4], $0x80, s26, s17, $0xb8;
	[tilespmem:$0x1CC00] =	vst v63  }
0xdd: {  	_ =	swait.ge [sflag:s19], $0x4000  }
0xde: {  	[sflag:s19] =	ssyncset.done $0x0  }
0xdf: {  	s28 =	simm.s32 $0x14380;
	[sflag:s19] =	ssyncadd.s32 $0xFFFFC000  }
0xe0: {  	[tilespmem:s25], [sflag:$0x2] =	stream.indirect.gather [hbm4b:s2+s17], $0x80, s28, s17, $0xb8;
	[tilespmem:$0x1CC00] =	vst v63  }
0xe1: {  	_ =	swait.ge [sflag:s31], $0x4000  }
0xe2: {  	[sflag:s31] =	ssyncset.done $0x0  }
0xe3: {  	s29 =	rddreg [dreg:$0x10];
	[sflag:s31] =	ssyncadd.s32 $0xFFFFC000  }
0xe4: {  	[spmem:s3] =	stream.indirect.scatter.add.f32 [tilespmem:s18], [sflag:$0x3], $0x80, s29, s17, $0xb8;
	[tilespmem:$0x1CC00] =	vst v63  }
0xe5: {  	_ =	swait.ge [sflag:s10], $0x4000  }
0xe6: {  	[sflag:s10] =	ssyncset.done $0x0  }
0xe7: {  	s30 =	rddreg [dreg:$0x11];
	[sflag:s10] =	ssyncadd.s32 $0xFFFFC000  }
0xe8: {  	[spmem:s3] =	stream.indirect.scatter.add.f32 [tilespmem:s25], [sflag:$0x4], $0x80, s30, s17, $0xb8;
	[tilespmem:$0x1CC00] =	vst v63  }
0xe9: {  	_ =	swait.ge [sflag:s8], $0x4000  }
0xea: {  	[sflag:s8] =	ssyncset.done $0x0  }
0xeb: {  	[sflag:s8] =	ssyncadd.s32 $0xFFFFC000  }
0xec: {  	s21 =	simm.s32 $0x100;
	_ =	swait.ge [sflag:s19], $0x4000  }
0xed: {  	s22 =	simm.s32 $0x200;
	s24 =	sadd.s32 $0x100, s15;
	[sflag:s19] =	ssyncset.done $0x0  }
.LBB2_2:
0xee: {  	s26 =	sadd.s32 $0x80, s24;
	[sflag:s19] =	ssyncadd.s32 $0xFFFFC000;
	s9 =	simm.s32 $0x13C80  }
0xef: {  	[tilespmem:s9], [sflag:$0x6] =	stream.linear.gather [hbm4b:s26+s4], $0x80, $0x38;
	[tilespmem:$0x1CC00] =	vst v63  }
0xf0: {  	s14 =	sadd.s32 $0x90, s24;
	s11 =	simm.s32 $0x13D80  }
0xf1: {  	[tilespmem:s11], [sflag:$0x6] =	stream.linear.gather [hbm4b:s14+s4], $0x80, $0x38;
	[tilespmem:$0x1CC00] =	vst v63  }
0xf2: {  	s15 =	sadd.s32 $0xA0, s24;
	s12 =	simm.s32 $0x13E80  }
0xf3: {  	[tilespmem:s12], [sflag:$0x6] =	stream.linear.gather [hbm4b:s15+s4], $0x80, $0x38;
	[tilespmem:$0x1CC00] =	vst v63  }
0xf4: {  	s16 =	sadd.s32 $0xB0, s24;
	s13 =	simm.s32 $0x13F80  }
0xf5: {  	[tilespmem:s13], [sflag:$0x6] =	stream.linear.gather [hbm4b:s16+s4], $0x80, $0x38;
	[tilespmem:$0x1CC00] =	vst v63  }
0xf6: {  	s20 =	sadd.s32 $0xC0, s24;
	s14 =	simm.s32 $0x14080  }
0xf7: {  	[tilespmem:s14], [sflag:$0x6] =	stream.linear.gather [hbm4b:s20+s4], $0x80, $0x38;
	[tilespmem:$0x1CC00] =	vst v63  }
0xf8: {  	s28 =	sadd.s32 $0xD0, s24;
	s15 =	simm.s32 $0x14180  }
0xf9: {  	[tilespmem:s15], [sflag:$0x6] =	stream.linear.gather [hbm4b:s28+s4], $0x80, $0x38;
	[tilespmem:$0x1CC00] =	vst v63  }
0xfa: {  	s29 =	sadd.s32 $0xE0, s24;
	s5 =	simm.s32 $0x14280;
	s16 =	rddreg [dreg:$0x13]  }
0xfb: {  	[tilespmem:s5], [sflag:$0x6] =	stream.linear.gather [hbm4b:s29+s4], $0x80, $0x38;
	[tilespmem:$0x1CC00] =	vst v63  }
0xfc: {  	s30 =	sadd.s32 $0xF0, s24;
	s6 =	simm.s32 $0x14380;
	s0 =	sadd.s32 s21, s16  }
0xfd: {  	[tilespmem:s6], [sflag:$0x6] =	stream.linear.gather [hbm4b:s30+s4], $0x80, $0x38;
	[tilespmem:$0x1CC00] =	vst v63  }
0xfe: {  	s1 =	sadd.s32 $0x80, s0;
	s20 =	simm.s32 $0x14800;
	s0 =	simm.s32 $0x5  }
0xff: {  	[tilespmem:s20], [sflag:$0x6] =	stream.linear.gather [hbm4b:s1+s4], $0x400, $0x38;
	[tilespmem:$0x1CC00] =	vst v63  }
0x100: {  	_ =	swait.ge [sflag:s0], $0x400  }
0x101: {  	[sflag:s0] =	ssyncset.done $0x0  }
0x102: {  	[sflag:s0] =	ssyncadd.s32 $0xFFFFFC00  }
0x103: {  	_ =	swait.ge [sflag:s0], $0x400  }
0x104: {  	[sflag:s0] =	ssyncset.done $0x0  }
0x105: {  	s7 =	simm.s32 $0x13C00;
	[sflag:s0] =	ssyncadd.s32 $0xFFFFFC00  }
0x106: {  	[tilespmem:s18], [sflag:$0x1] =	stream.indirect.gather [hbm4b:s2+s17], $0x80, s7, s17, $0xb8;
	[tilespmem:$0x1CC00] =	vst v63  }
0x107: {  	s24 =	simm.s32 $0x13D00  }
0x108: {  	[tilespmem:s25], [sflag:$0x2] =	stream.indirect.gather [hbm4b:s2+s17], $0x80, s24, s17, $0xb8;
	[tilespmem:$0x1CC00] =	vst v63  }
0x109: {  	_ =	swait.ge [sflag:s31], $0x4000  }
0x10a: {  	[sflag:s31] =	ssyncset.done $0x0  }
0x10b: {  	s26 =	simm.s32 $0x14400;
	[sflag:s31] =	ssyncadd.s32 $0xFFFFC000  }
0x10c: {  	[spmem:s3] =	stream.indirect.scatter.add.f32 [tilespmem:s18], [sflag:$0x3], $0x80, s26, s17, $0xb8;
	[tilespmem:$0x1CC00] =	vst v63  }
0x10d: {  	_ =	swait.ge [sflag:s8], $0x4000  }
0x10e: {  	[sflag:s8] =	ssyncset.done $0x0  }
0x10f: {  	s28 =	simm.s32 $0x13E00;
	[sflag:s8] =	ssyncadd.s32 $0xFFFFC000  }
0x110: {  	[tilespmem:s18], [sflag:$0x1] =	stream.indirect.gather [hbm4b:s2+s17], $0x80, s28, s17, $0xb8;
	[tilespmem:$0x1CC00] =	vst v63  }
0x111: {  	_ =	swait.ge [sflag:s10], $0x4000  }
0x112: {  	[sflag:s10] =	ssyncset.done $0x0  }
0x113: {  	s29 =	rddreg [dreg:$0x4];
	[sflag:s10] =	ssyncadd.s32 $0xFFFFC000  }
0x114: {  	[spmem:s3] =	stream.indirect.scatter.add.f32 [tilespmem:s25], [sflag:$0x4], $0x80, s29, s17, $0xb8;
	[tilespmem:$0x1CC00] =	vst v63  }
0x115: {  	_ =	swait.ge [sflag:s19], $0x4000  }
0x116: {  	[sflag:s19] =	ssyncset.done $0x0  }
0x117: {  	s30 =	simm.s32 $0x13F00;
	[sflag:s19] =	ssyncadd.s32 $0xFFFFC000  }
0x118: {  	[tilespmem:s25], [sflag:$0x2] =	stream.indirect.gather [hbm4b:s2+s17], $0x80, s30, s17, $0xb8;
	[tilespmem:$0x1CC00] =	vst v63  }
0x119: {  	_ =	swait.ge [sflag:s31], $0x4000  }
0x11a: {  	[sflag:s31] =	ssyncset.done $0x0  }
0x11b: {  	s0 =	rddreg [dreg:$0x5];
	[sflag:s31] =	ssyncadd.s32 $0xFFFFC000  }
0x11c: {  	[spmem:s3] =	stream.indirect.scatter.add.f32 [tilespmem:s18], [sflag:$0x3], $0x80, s0, s17, $0xb8;
	[tilespmem:$0x1CC00] =	vst v63  }
0x11d: {  	_ =	swait.ge [sflag:s8], $0x4000  }
0x11e: {  	[sflag:s8] =	ssyncset.done $0x0  }
0x11f: {  	s1 =	simm.s32 $0x14000;
	[sflag:s8] =	ssyncadd.s32 $0xFFFFC000  }
0x120: {  	[tilespmem:s18], [sflag:$0x1] =	stream.indirect.gather [hbm4b:s2+s17], $0x80, s1, s17, $0xb8;
	[tilespmem:$0x1CC00] =	vst v63  }
0x121: {  	_ =	swait.ge [sflag:s10], $0x4000  }
0x122: {  	[sflag:s10] =	ssyncset.done $0x0  }
0x123: {  	s7 =	rddreg [dreg:$0x6];
	[sflag:s10] =	ssyncadd.s32 $0xFFFFC000  }
0x124: {  	[spmem:s3] =	stream.indirect.scatter.add.f32 [tilespmem:s25], [sflag:$0x4], $0x80, s7, s17, $0xb8;
	[tilespmem:$0x1CC00] =	vst v63  }
0x125: {  	_ =	swait.ge [sflag:s19], $0x4000  }
0x126: {  	[sflag:s19] =	ssyncset.done $0x0  }
0x127: {  	s24 =	simm.s32 $0x14100;
	[sflag:s19] =	ssyncadd.s32 $0xFFFFC000  }
0x128: {  	[tilespmem:s25], [sflag:$0x2] =	stream.indirect.gather [hbm4b:s2+s17], $0x80, s24, s17, $0xb8;
	[tilespmem:$0x1CC00] =	vst v63  }
0x129: {  	_ =	swait.ge [sflag:s31], $0x4000  }
0x12a: {  	[sflag:s31] =	ssyncset.done $0x0  }
0x12b: {  	s26 =	rddreg [dreg:$0x7];
	[sflag:s31] =	ssyncadd.s32 $0xFFFFC000  }
0x12c: {  	[spmem:s3] =	stream.indirect.scatter.add.f32 [tilespmem:s18], [sflag:$0x3], $0x80, s26, s17, $0xb8;
	[tilespmem:$0x1CC00] =	vst v63  }
0x12d: {  	_ =	swait.ge [sflag:s8], $0x4000  }
0x12e: {  	[sflag:s8] =	ssyncset.done $0x0  }
0x12f: {  	s28 =	simm.s32 $0x14200;
	[sflag:s8] =	ssyncadd.s32 $0xFFFFC000  }
0x130: {  	[tilespmem:s18], [sflag:$0x1] =	stream.indirect.gather [hbm4b:s2+s17], $0x80, s28, s17, $0xb8;
	[tilespmem:$0x1CC00] =	vst v63  }
0x131: {  	_ =	swait.ge [sflag:s10], $0x4000  }
0x132: {  	[sflag:s10] =	ssyncset.done $0x0  }
0x133: {  	s29 =	rddreg [dreg:$0x8];
	[sflag:s10] =	ssyncadd.s32 $0xFFFFC000  }
0x134: {  	[spmem:s3] =	stream.indirect.scatter.add.f32 [tilespmem:s25], [sflag:$0x4], $0x80, s29, s17, $0xb8;
	[tilespmem:$0x1CC00] =	vst v63  }
0x135: {  	_ =	swait.ge [sflag:s19], $0x4000  }
0x136: {  	[sflag:s19] =	ssyncset.done $0x0  }
0x137: {  	s30 =	simm.s32 $0x14300;
	[sflag:s19] =	ssyncadd.s32 $0xFFFFC000  }
0x138: {  	[tilespmem:s25], [sflag:$0x2] =	stream.indirect.gather [hbm4b:s2+s17], $0x80, s30, s17, $0xb8;
	[tilespmem:$0x1CC00] =	vst v63  }
0x139: {  	_ =	swait.ge [sflag:s31], $0x4000  }
0x13a: {  	[sflag:s31] =	ssyncset.done $0x0  }
0x13b: {  	s1 =	rddreg [dreg:$0x9];
	[sflag:s31] =	ssyncadd.s32 $0xFFFFC000  }
0x13c: {  	[spmem:s3] =	stream.indirect.scatter.add.f32 [tilespmem:s18], [sflag:$0x3], $0x80, s1, s17, $0xb8;
	[tilespmem:$0x1CC00] =	vst v63  }
0x13d: {  	_ =	swait.ge [sflag:s10], $0x4000  }
0x13e: {  	[sflag:s10] =	ssyncset.done $0x0  }
0x13f: {  	s7 =	rddreg [dreg:$0xa];
	[sflag:s10] =	ssyncadd.s32 $0xFFFFC000  }
0x140: {  	[spmem:s3] =	stream.indirect.scatter.add.f32 [tilespmem:s25], [sflag:$0x4], $0x80, s7, s17, $0xb8;
	[tilespmem:$0x1CC00] =	vst v63  }
0x141: {  	_ =	swait.ge [sflag:s8], $0x4000  }
0x142: {  	[sflag:s8] =	ssyncset.done $0x0  }
0x143: {  	[sflag:s8] =	ssyncadd.s32 $0xFFFFC000  }
0x144: {  	_ =	swait.ge [sflag:s19], $0x4000  }
0x145: {  	p2 =	seq.s32 s21, $0x400;
	s7 =	rddreg [dreg:$0x12]  }
0x146: {  	s26 =	simm.s32 @!p2 $0x13C00;
	[sflag:s19] =	ssyncset.done $0x0;
	s24 =	sadd.s32 @!p2 s21, s7  }
0x147: {  	s29 =	simm.s32 @!p2 $0x0;
	[sflag:s19] =	ssyncadd.s32 $0xFFFFC000;
	s28 =	sadd.s32 @!p2 $0x100, s24  }
0x148: {  	[tilespmem:s26], [sflag:$0x5] =	stream.linear.gather @!p2 [hbm4b:s28+s29], $0x80, $0x38;
	[tilespmem:$0x1CC00] =	vst v63  }
0x149: {  	s26 =	sadd.s32 @!p2 $0x110, s24;
	s28 =	simm.s32 @!p2 $0x13D00  }
0x14a: {  	[tilespmem:s28], [sflag:$0x5] =	stream.linear.gather @!p2 [hbm4b:s26+s29], $0x80, $0x38;
	[tilespmem:$0x1CC00] =	vst v63  }
0x14b: {  	s30 =	sadd.s32 @!p2 $0x120, s24;
	s26 =	simm.s32 @!p2 $0x13E00  }
0x14c: {  	[tilespmem:s26], [sflag:$0x5] =	stream.linear.gather @!p2 [hbm4b:s30+s29], $0x80, $0x38;
	[tilespmem:$0x1CC00] =	vst v63  }
0x14d: {  	s28 =	sadd.s32 @!p2 $0x130, s24;
	s26 =	simm.s32 @!p2 $0x13F00  }
0x14e: {  	[tilespmem:s26], [sflag:$0x5] =	stream.linear.gather @!p2 [hbm4b:s28+s29], $0x80, $0x38;
	[tilespmem:$0x1CC00] =	vst v63  }
0x14f: {  	s0 =	sadd.s32 @!p2 $0x140, s24;
	s26 =	simm.s32 @!p2 $0x14000  }
0x150: {  	[tilespmem:s26], [sflag:$0x5] =	stream.linear.gather @!p2 [hbm4b:s0+s29], $0x80, $0x38;
	[tilespmem:$0x1CC00] =	vst v63  }
0x151: {  	s30 =	sadd.s32 @!p2 $0x150, s24;
	s0 =	simm.s32 @!p2 $0x14100  }
0x152: {  	[tilespmem:s0], [sflag:$0x5] =	stream.linear.gather @!p2 [hbm4b:s30+s29], $0x80, $0x38;
	[tilespmem:$0x1CC00] =	vst v63  }
0x153: {  	s1 =	sadd.s32 @!p2 $0x160, s24;
	s0 =	simm.s32 @!p2 $0x14200  }
0x154: {  	[tilespmem:s0], [sflag:$0x5] =	stream.linear.gather @!p2 [hbm4b:s1+s29], $0x80, $0x38;
	[tilespmem:$0x1CC00] =	vst v63  }
0x155: {  	s21 =	sadd.s32 @!p2 s21, s16;
	s24 =	sadd.s32 @!p2 $0x170, s24;
	s0 =	simm.s32 @!p2 $0x14300  }
0x156: {  	[tilespmem:s0], [sflag:$0x5] =	stream.linear.gather @!p2 [hbm4b:s24+s29], $0x80, $0x38;
	[tilespmem:$0x1CC00] =	vst v63  }
0x157: {  	s16 =	simm.s32 $0x6;
	s26 =	sadd.s32 @!p2 $0x100, s21;
	s0 =	simm.s32 @!p2 $0x14400  }
0x158: {  	[tilespmem:s0], [sflag:$0x5] =	stream.linear.gather @!p2 [hbm4b:s26+s29], $0x400, $0x38;
	[tilespmem:$0x1CC00] =	vst v63  }
0x159: {  	_ =	swait.ge [sflag:s16], $0x400  }
0x15a: {  	[sflag:s16] =	ssyncset.done $0x0  }
0x15b: {  	[sflag:s16] =	ssyncadd.s32 $0xFFFFFC00  }
0x15c: {  	_ =	swait.ge [sflag:s16], $0x400  }
0x15d: {  	[sflag:s16] =	ssyncset.done $0x0  }
0x15e: {  	[sflag:s16] =	ssyncadd.s32 $0xFFFFFC00  }
0x15f: {  	[tilespmem:s18], [sflag:$0x1] =	stream.indirect.gather [hbm4b:s2+s17], $0x80, s9, s17, $0xb8;
	[tilespmem:$0x1CC00] =	vst v63  }
0x160: {  	_ = 	snop  }
0x161: {  	[tilespmem:s25], [sflag:$0x2] =	stream.indirect.gather [hbm4b:s2+s17], $0x80, s11, s17, $0xb8;
	[tilespmem:$0x1CC00] =	vst v63  }
0x162: {  	_ =	swait.ge [sflag:s31], $0x4000  }
0x163: {  	[sflag:s31] =	ssyncset.done $0x0  }
0x164: {  	[sflag:s31] =	ssyncadd.s32 $0xFFFFC000  }
0x165: {  	[spmem:s3] =	stream.indirect.scatter.add.f32 [tilespmem:s18], [sflag:$0x3], $0x80, s20, s17, $0xb8;
	[tilespmem:$0x1CC00] =	vst v63  }
0x166: {  	_ =	swait.ge [sflag:s8], $0x4000  }
0x167: {  	[sflag:s8] =	ssyncset.done $0x0  }
0x168: {  	[sflag:s8] =	ssyncadd.s32 $0xFFFFC000  }
0x169: {  	[tilespmem:s18], [sflag:$0x1] =	stream.indirect.gather [hbm4b:s2+s17], $0x80, s12, s17, $0xb8;
	[tilespmem:$0x1CC00] =	vst v63  }
0x16a: {  	_ =	swait.ge [sflag:s10], $0x4000  }
0x16b: {  	[sflag:s10] =	ssyncset.done $0x0  }
0x16c: {  	s20 =	rddreg [dreg:$0xb];
	[sflag:s10] =	ssyncadd.s32 $0xFFFFC000  }
0x16d: {  	[spmem:s3] =	stream.indirect.scatter.add.f32 [tilespmem:s25], [sflag:$0x4], $0x80, s20, s17, $0xb8;
	[tilespmem:$0x1CC00] =	vst v63  }
0x16e: {  	_ =	swait.ge [sflag:s19], $0x4000  }
0x16f: {  	[sflag:s19] =	ssyncset.done $0x0  }
0x170: {  	[sflag:s19] =	ssyncadd.s32 $0xFFFFC000  }
0x171: {  	[tilespmem:s25], [sflag:$0x2] =	stream.indirect.gather [hbm4b:s2+s17], $0x80, s13, s17, $0xb8;
	[tilespmem:$0x1CC00] =	vst v63  }
0x172: {  	_ =	swait.ge [sflag:s31], $0x4000  }
0x173: {  	s23 =	smov.u32 s22;
	[sflag:s31] =	ssyncset.done $0x0  }
0x174: {  	s21 =	smov.u32 s23;
	s23 =	rddreg [dreg:$0xc];
	[sflag:s31] =	ssyncadd.s32 $0xFFFFC000  }
0x175: {  	[spmem:s3] =	stream.indirect.scatter.add.f32 [tilespmem:s18], [sflag:$0x3], $0x80, s23, s17, $0xb8;
	[tilespmem:$0x1CC00] =	vst v63  }
0x176: {  	_ =	swait.ge [sflag:s8], $0x4000  }
0x177: {  	[sflag:s8] =	ssyncset.done $0x0  }
0x178: {  	[sflag:s8] =	ssyncadd.s32 $0xFFFFC000  }
0x179: {  	[tilespmem:s18], [sflag:$0x1] =	stream.indirect.gather [hbm4b:s2+s17], $0x80, s14, s17, $0xb8;
	[tilespmem:$0x1CC00] =	vst v63  }
0x17a: {  	_ =	swait.ge [sflag:s10], $0x4000  }
0x17b: {  	[sflag:s10] =	ssyncset.done $0x0  }
0x17c: {  	s24 =	rddreg [dreg:$0xd];
	[sflag:s10] =	ssyncadd.s32 $0xFFFFC000  }
0x17d: {  	[spmem:s3] =	stream.indirect.scatter.add.f32 [tilespmem:s25], [sflag:$0x4], $0x80, s24, s17, $0xb8;
	[tilespmem:$0x1CC00] =	vst v63  }
0x17e: {  	_ =	swait.ge [sflag:s19], $0x4000  }
0x17f: {  	[sflag:s19] =	ssyncset.done $0x0  }
0x180: {  	[sflag:s19] =	ssyncadd.s32 $0xFFFFC000  }
0x181: {  	[tilespmem:s25], [sflag:$0x2] =	stream.indirect.gather [hbm4b:s2+s17], $0x80, s15, s17, $0xb8;
	[tilespmem:$0x1CC00] =	vst v63  }
0x182: {  	_ =	swait.ge [sflag:s31], $0x4000  }
0x183: {  	[sflag:s31] =	ssyncset.done $0x0  }
0x184: {  	s26 =	rddreg [dreg:$0xe];
	[sflag:s31] =	ssyncadd.s32 $0xFFFFC000  }
0x185: {  	[spmem:s3] =	stream.indirect.scatter.add.f32 [tilespmem:s18], [sflag:$0x3], $0x80, s26, s17, $0xb8;
	[tilespmem:$0x1CC00] =	vst v63  }
0x186: {  	_ =	swait.ge [sflag:s8], $0x4000  }
0x187: {  	[sflag:s8] =	ssyncset.done $0x0  }
0x188: {  	[sflag:s8] =	ssyncadd.s32 $0xFFFFC000  }
0x189: {  	[tilespmem:s18], [sflag:$0x1] =	stream.indirect.gather [hbm4b:s2+s17], $0x80, s5, s17, $0xb8;
	[tilespmem:$0x1CC00] =	vst v63  }
0x18a: {  	_ =	swait.ge [sflag:s10], $0x4000  }
0x18b: {  	[sflag:s10] =	ssyncset.done $0x0  }
0x18c: {  	s28 =	rddreg [dreg:$0xf];
	[sflag:s10] =	ssyncadd.s32 $0xFFFFC000  }
0x18d: {  	[spmem:s3] =	stream.indirect.scatter.add.f32 [tilespmem:s25], [sflag:$0x4], $0x80, s28, s17, $0xb8;
	[tilespmem:$0x1CC00] =	vst v63  }
0x18e: {  	_ =	swait.ge [sflag:s19], $0x4000  }
0x18f: {  	[sflag:s19] =	ssyncset.done $0x0  }
0x190: {  	[sflag:s19] =	ssyncadd.s32 $0xFFFFC000  }
0x191: {  	[tilespmem:s25], [sflag:$0x2] =	stream.indirect.gather [hbm4b:s2+s17], $0x80, s6, s17, $0xb8;
	[tilespmem:$0x1CC00] =	vst v63  }
0x192: {  	_ =	swait.ge [sflag:s31], $0x4000  }
0x193: {  	[sflag:s31] =	ssyncset.done $0x0  }
0x194: {  	s29 =	rddreg [dreg:$0x10];
	[sflag:s31] =	ssyncadd.s32 $0xFFFFC000  }
0x195: {  	[spmem:s3] =	stream.indirect.scatter.add.f32 [tilespmem:s18], [sflag:$0x3], $0x80, s29, s17, $0xb8;
	[tilespmem:$0x1CC00] =	vst v63  }
0x196: {  	_ =	swait.ge [sflag:s10], $0x4000  }
0x197: {  	s22 =	sadd.s32 $0x100, s22;
	[sflag:s10] =	ssyncset.done $0x0  }
0x198: {  	p1 =	sne.s32 s22, $0x500;
	s30 =	rddreg [dreg:$0x11];
	[sflag:s10] =	ssyncadd.s32 $0xFFFFC000  }
0x199: {  	[spmem:s3] =	stream.indirect.scatter.add.f32 [tilespmem:s25], [sflag:$0x4], $0x80, s30, s17, $0xb8;
	[tilespmem:$0x1CC00] =	vst v63  }
.Ltmp0:
0x19a: {  	_ =	swait.ge [sflag:s8], $0x4000;
	(pc) =	sbr.rel @p1 .LBB2_2-.Ltmp0, $4  }
0x19b: {  	[sflag:s8] =	ssyncset.done $0x0  }
0x19c: {  	[sflag:s8] =	ssyncadd.s32 $0xFFFFC000  }
0x19d: {  	_ =	swait.ge [sflag:s19], $0x4000  }
0x19e: {  	s24 =	sadd.s32 s21, s7;
	[sflag:s19] =	ssyncset.done $0x0  }
0x19f: {  	s0 =	sadd.s32 $0x80, s24;
	[sflag:s19] =	ssyncadd.s32 $0xFFFFC000;
	s9 =	simm.s32 $0x13C80  }
0x1a0: {  	[tilespmem:s9], [sflag:$0x6] =	stream.linear.gather [hbm4b:s0+s4], $0x80, $0x38;
	[tilespmem:$0x1CC00] =	vst v63  }
0x1a1: {  	s29 =	sadd.s32 $0x90, s24;
	s11 =	simm.s32 $0x13D80  }
0x1a2: {  	[tilespmem:s11], [sflag:$0x6] =	stream.linear.gather [hbm4b:s29+s4], $0x80, $0x38;
	[tilespmem:$0x1CC00] =	vst v63  }
0x1a3: {  	s30 =	sadd.s32 $0xA0, s24;
	s12 =	simm.s32 $0x13E80  }
0x1a4: {  	[tilespmem:s12], [sflag:$0x6] =	stream.linear.gather [hbm4b:s30+s4], $0x80, $0x38;
	[tilespmem:$0x1CC00] =	vst v63  }
0x1a5: {  	s1 =	sadd.s32 $0xB0, s24;
	s13 =	simm.s32 $0x13F80  }
0x1a6: {  	[tilespmem:s13], [sflag:$0x6] =	stream.linear.gather [hbm4b:s1+s4], $0x80, $0x38;
	[tilespmem:$0x1CC00] =	vst v63  }
0x1a7: {  	s5 =	sadd.s32 $0xC0, s24;
	s14 =	simm.s32 $0x14080  }
0x1a8: {  	[tilespmem:s14], [sflag:$0x6] =	stream.linear.gather [hbm4b:s5+s4], $0x80, $0x38;
	[tilespmem:$0x1CC00] =	vst v63  }
0x1a9: {  	s6 =	sadd.s32 $0xD0, s24;
	s15 =	simm.s32 $0x14180  }
0x1aa: {  	[tilespmem:s15], [sflag:$0x6] =	stream.linear.gather [hbm4b:s6+s4], $0x80, $0x38;
	[tilespmem:$0x1CC00] =	vst v63  }
0x1ab: {  	s7 =	sadd.s32 $0xE0, s24;
	s5 =	simm.s32 $0x14280  }
0x1ac: {  	[tilespmem:s5], [sflag:$0x6] =	stream.linear.gather [hbm4b:s7+s4], $0x80, $0x38;
	[tilespmem:$0x1CC00] =	vst v63  }
0x1ad: {  	s7 =	rddreg [dreg:$0x13]  }
0x1ae: {  	s16 =	sadd.s32 $0xF0, s24;
	s6 =	simm.s32 $0x14380;
	s1 =	sadd.s32 s21, s7  }
0x1af: {  	[tilespmem:s6], [sflag:$0x6] =	stream.linear.gather [hbm4b:s16+s4], $0x80, $0x38;
	[tilespmem:$0x1CC00] =	vst v63  }
0x1b0: {  	s22 =	simm.s32 $0x5;
	s20 =	sadd.s32 $0x80, s1;
	s16 =	simm.s32 $0x14800  }
0x1b1: {  	[tilespmem:s16], [sflag:$0x6] =	stream.linear.gather [hbm4b:s20+s4], $0x400, $0x38;
	[tilespmem:$0x1CC00] =	vst v63  }
0x1b2: {  	_ =	swait.ge [sflag:s22], $0x400  }
0x1b3: {  	[sflag:s22] =	ssyncset.done $0x0  }
0x1b4: {  	[sflag:s22] =	ssyncadd.s32 $0xFFFFFC00  }
0x1b5: {  	_ =	swait.ge [sflag:s22], $0x400  }
0x1b6: {  	[sflag:s22] =	ssyncset.done $0x0  }
0x1b7: {  	s23 =	simm.s32 $0x13C00;
	[sflag:s22] =	ssyncadd.s32 $0xFFFFFC00  }
0x1b8: {  	[tilespmem:s18], [sflag:$0x1] =	stream.indirect.gather [hbm4b:s2+s17], $0x80, s23, s17, $0xb8;
	[tilespmem:$0x1CC00] =	vst v63  }
0x1b9: {  	s24 =	simm.s32 $0x13D00  }
0x1ba: {  	[tilespmem:s25], [sflag:$0x2] =	stream.indirect.gather [hbm4b:s2+s17], $0x80, s24, s17, $0xb8;
	[tilespmem:$0x1CC00] =	vst v63  }
0x1bb: {  	_ =	swait.ge [sflag:s31], $0x4000  }
0x1bc: {  	[sflag:s31] =	ssyncset.done $0x0  }
0x1bd: {  	s26 =	simm.s32 $0x14400;
	[sflag:s31] =	ssyncadd.s32 $0xFFFFC000  }
0x1be: {  	[spmem:s3] =	stream.indirect.scatter.add.f32 [tilespmem:s18], [sflag:$0x3], $0x80, s26, s17, $0xb8;
	[tilespmem:$0x1CC00] =	vst v63  }
0x1bf: {  	_ =	swait.ge [sflag:s8], $0x4000  }
0x1c0: {  	[sflag:s8] =	ssyncset.done $0x0  }
0x1c1: {  	s28 =	simm.s32 $0x13E00;
	[sflag:s8] =	ssyncadd.s32 $0xFFFFC000  }
0x1c2: {  	[tilespmem:s18], [sflag:$0x1] =	stream.indirect.gather [hbm4b:s2+s17], $0x80, s28, s17, $0xb8;
	[tilespmem:$0x1CC00] =	vst v63  }
0x1c3: {  	_ =	swait.ge [sflag:s10], $0x4000  }
0x1c4: {  	[sflag:s10] =	ssyncset.done $0x0  }
0x1c5: {  	s29 =	rddreg [dreg:$0x4];
	[sflag:s10] =	ssyncadd.s32 $0xFFFFC000  }
0x1c6: {  	[spmem:s3] =	stream.indirect.scatter.add.f32 [tilespmem:s25], [sflag:$0x4], $0x80, s29, s17, $0xb8;
	[tilespmem:$0x1CC00] =	vst v63  }
0x1c7: {  	_ =	swait.ge [sflag:s19], $0x4000  }
0x1c8: {  	[sflag:s19] =	ssyncset.done $0x0  }
0x1c9: {  	s30 =	simm.s32 $0x13F00;
	[sflag:s19] =	ssyncadd.s32 $0xFFFFC000  }
0x1ca: {  	[tilespmem:s25], [sflag:$0x2] =	stream.indirect.gather [hbm4b:s2+s17], $0x80, s30, s17, $0xb8;
	[tilespmem:$0x1CC00] =	vst v63  }
0x1cb: {  	_ =	swait.ge [sflag:s31], $0x4000  }
0x1cc: {  	[sflag:s31] =	ssyncset.done $0x0  }
0x1cd: {  	s1 =	rddreg [dreg:$0x5];
	[sflag:s31] =	ssyncadd.s32 $0xFFFFC000  }
0x1ce: {  	[spmem:s3] =	stream.indirect.scatter.add.f32 [tilespmem:s18], [sflag:$0x3], $0x80, s1, s17, $0xb8;
	[tilespmem:$0x1CC00] =	vst v63  }
0x1cf: {  	_ =	swait.ge [sflag:s8], $0x4000  }
0x1d0: {  	[sflag:s8] =	ssyncset.done $0x0  }
0x1d1: {  	s20 =	simm.s32 $0x14000;
	[sflag:s8] =	ssyncadd.s32 $0xFFFFC000  }
0x1d2: {  	[tilespmem:s18], [sflag:$0x1] =	stream.indirect.gather [hbm4b:s2+s17], $0x80, s20, s17, $0xb8;
	[tilespmem:$0x1CC00] =	vst v63  }
0x1d3: {  	_ =	swait.ge [sflag:s10], $0x4000  }
0x1d4: {  	[sflag:s10] =	ssyncset.done $0x0  }
0x1d5: {  	s22 =	rddreg [dreg:$0x6];
	[sflag:s10] =	ssyncadd.s32 $0xFFFFC000  }
0x1d6: {  	[spmem:s3] =	stream.indirect.scatter.add.f32 [tilespmem:s25], [sflag:$0x4], $0x80, s22, s17, $0xb8;
	[tilespmem:$0x1CC00] =	vst v63  }
0x1d7: {  	_ =	swait.ge [sflag:s19], $0x4000  }
0x1d8: {  	[sflag:s19] =	ssyncset.done $0x0  }
0x1d9: {  	s23 =	simm.s32 $0x14100;
	[sflag:s19] =	ssyncadd.s32 $0xFFFFC000  }
0x1da: {  	[tilespmem:s25], [sflag:$0x2] =	stream.indirect.gather [hbm4b:s2+s17], $0x80, s23, s17, $0xb8;
	[tilespmem:$0x1CC00] =	vst v63  }
0x1db: {  	_ =	swait.ge [sflag:s31], $0x4000  }
0x1dc: {  	[sflag:s31] =	ssyncset.done $0x0  }
0x1dd: {  	s24 =	rddreg [dreg:$0x7];
	[sflag:s31] =	ssyncadd.s32 $0xFFFFC000  }
0x1de: {  	[spmem:s3] =	stream.indirect.scatter.add.f32 [tilespmem:s18], [sflag:$0x3], $0x80, s24, s17, $0xb8;
	[tilespmem:$0x1CC00] =	vst v63  }
0x1df: {  	_ =	swait.ge [sflag:s8], $0x4000  }
0x1e0: {  	[sflag:s8] =	ssyncset.done $0x0  }
0x1e1: {  	s26 =	simm.s32 $0x14200;
	[sflag:s8] =	ssyncadd.s32 $0xFFFFC000  }
0x1e2: {  	[tilespmem:s18], [sflag:$0x1] =	stream.indirect.gather [hbm4b:s2+s17], $0x80, s26, s17, $0xb8;
	[tilespmem:$0x1CC00] =	vst v63  }
0x1e3: {  	_ =	swait.ge [sflag:s10], $0x4000  }
0x1e4: {  	[sflag:s10] =	ssyncset.done $0x0  }
0x1e5: {  	s28 =	rddreg [dreg:$0x8];
	[sflag:s10] =	ssyncadd.s32 $0xFFFFC000  }
0x1e6: {  	[spmem:s3] =	stream.indirect.scatter.add.f32 [tilespmem:s25], [sflag:$0x4], $0x80, s28, s17, $0xb8;
	[tilespmem:$0x1CC00] =	vst v63  }
0x1e7: {  	_ =	swait.ge [sflag:s19], $0x4000  }
0x1e8: {  	[sflag:s19] =	ssyncset.done $0x0  }
0x1e9: {  	s29 =	simm.s32 $0x14300;
	[sflag:s19] =	ssyncadd.s32 $0xFFFFC000  }
0x1ea: {  	[tilespmem:s25], [sflag:$0x2] =	stream.indirect.gather [hbm4b:s2+s17], $0x80, s29, s17, $0xb8;
	[tilespmem:$0x1CC00] =	vst v63  }
0x1eb: {  	_ =	swait.ge [sflag:s31], $0x4000  }
0x1ec: {  	[sflag:s31] =	ssyncset.done $0x0  }
0x1ed: {  	s30 =	rddreg [dreg:$0x9];
	[sflag:s31] =	ssyncadd.s32 $0xFFFFC000  }
0x1ee: {  	[spmem:s3] =	stream.indirect.scatter.add.f32 [tilespmem:s18], [sflag:$0x3], $0x80, s30, s17, $0xb8;
	[tilespmem:$0x1CC00] =	vst v63  }
0x1ef: {  	_ =	swait.ge [sflag:s10], $0x4000  }
0x1f0: {  	[sflag:s10] =	ssyncset.done $0x0  }
0x1f1: {  	s1 =	rddreg [dreg:$0xa];
	[sflag:s10] =	ssyncadd.s32 $0xFFFFC000  }
0x1f2: {  	[spmem:s3] =	stream.indirect.scatter.add.f32 [tilespmem:s25], [sflag:$0x4], $0x80, s1, s17, $0xb8;
	[tilespmem:$0x1CC00] =	vst v63  }
0x1f3: {  	_ =	swait.ge [sflag:s8], $0x4000  }
0x1f4: {  	[sflag:s8] =	ssyncset.done $0x0  }
0x1f5: {  	[sflag:s8] =	ssyncadd.s32 $0xFFFFC000  }
0x1f6: {  	_ =	swait.ge [sflag:s19], $0x4000  }
0x1f7: {  	p1 =	seq.s32 s21, $0x400;
	s0 =	rddreg [dreg:$0x12]  }
0x1f8: {  	s23 =	simm.s32 @!p1 $0x0;
	[sflag:s19] =	ssyncset.done $0x0;
	s0 =	sadd.s32 @!p1 s21, s0  }
0x1f9: {  	s1 =	simm.s32 @!p1 $0x13C00;
	[sflag:s19] =	ssyncadd.s32 $0xFFFFC000;
	s22 =	sadd.s32 @!p1 $0x100, s0  }
0x1fa: {  	[tilespmem:s1], [sflag:$0x5] =	stream.linear.gather @!p1 [hbm4b:s22+s23], $0x80, $0x38;
	[tilespmem:$0x1CC00] =	vst v63  }
0x1fb: {  	s1 =	sadd.s32 @!p1 $0x110, s0;
	s22 =	simm.s32 @!p1 $0x13D00  }
0x1fc: {  	[tilespmem:s22], [sflag:$0x5] =	stream.linear.gather @!p1 [hbm4b:s1+s23], $0x80, $0x38;
	[tilespmem:$0x1CC00] =	vst v63  }
0x1fd: {  	s1 =	sadd.s32 @!p1 $0x120, s0;
	s22 =	simm.s32 @!p1 $0x13E00  }
0x1fe: {  	[tilespmem:s22], [sflag:$0x5] =	stream.linear.gather @!p1 [hbm4b:s1+s23], $0x80, $0x38;
	[tilespmem:$0x1CC00] =	vst v63  }
0x1ff: {  	s1 =	sadd.s32 @!p1 $0x130, s0;
	s22 =	simm.s32 @!p1 $0x13F00  }
0x200: {  	[tilespmem:s22], [sflag:$0x5] =	stream.linear.gather @!p1 [hbm4b:s1+s23], $0x80, $0x38;
	[tilespmem:$0x1CC00] =	vst v63  }
0x201: {  	s1 =	sadd.s32 @!p1 $0x140, s0;
	s22 =	simm.s32 @!p1 $0x14000  }
0x202: {  	[tilespmem:s22], [sflag:$0x5] =	stream.linear.gather @!p1 [hbm4b:s1+s23], $0x80, $0x38;
	[tilespmem:$0x1CC00] =	vst v63  }
0x203: {  	s1 =	sadd.s32 @!p1 $0x150, s0;
	s22 =	simm.s32 @!p1 $0x14100  }
0x204: {  	[tilespmem:s22], [sflag:$0x5] =	stream.linear.gather @!p1 [hbm4b:s1+s23], $0x80, $0x38;
	[tilespmem:$0x1CC00] =	vst v63  }
0x205: {  	s1 =	sadd.s32 @!p1 $0x160, s0;
	s22 =	simm.s32 @!p1 $0x14200  }
0x206: {  	[tilespmem:s22], [sflag:$0x5] =	stream.linear.gather @!p1 [hbm4b:s1+s23], $0x80, $0x38;
	[tilespmem:$0x1CC00] =	vst v63  }
0x207: {  	s0 =	sadd.s32 @!p1 $0x170, s0;
	s1 =	simm.s32 @!p1 $0x14300  }
0x208: {  	[tilespmem:s1], [sflag:$0x5] =	stream.linear.gather @!p1 [hbm4b:s0+s23], $0x80, $0x38;
	[tilespmem:$0x1CC00] =	vst v63  }
0x209: {  	s0 =	sadd.s32 @!p1 s21, s7  }
0x20a: {  	s1 =	simm.s32 @!p1 $0x14400;
	s7 =	simm.s32 $0x6;
	s0 =	sadd.s32 @!p1 $0x100, s0  }
0x20b: {  	[tilespmem:s1], [sflag:$0x5] =	stream.linear.gather @!p1 [hbm4b:s0+s23], $0x400, $0x38;
	[tilespmem:$0x1CC00] =	vst v63  }
0x20c: {  	_ =	swait.ge [sflag:s7], $0x400  }
0x20d: {  	[sflag:s7] =	ssyncset.done $0x0  }
0x20e: {  	[sflag:s7] =	ssyncadd.s32 $0xFFFFFC00  }
0x20f: {  	_ =	swait.ge [sflag:s7], $0x400  }
0x210: {  	[sflag:s7] =	ssyncset.done $0x0  }
0x211: {  	[sflag:s7] =	ssyncadd.s32 $0xFFFFFC00  }
0x212: {  	[tilespmem:s18], [sflag:$0x1] =	stream.indirect.gather [hbm4b:s2+s17], $0x80, s9, s17, $0xb8;
	[tilespmem:$0x1CC00] =	vst v63  }
0x213: {  	_ = 	snop  }
0x214: {  	[tilespmem:s25], [sflag:$0x2] =	stream.indirect.gather [hbm4b:s2+s17], $0x80, s11, s17, $0xb8;
	[tilespmem:$0x1CC00] =	vst v63  }
0x215: {  	_ =	swait.ge [sflag:s31], $0x4000  }
0x216: {  	[sflag:s31] =	ssyncset.done $0x0  }
0x217: {  	[sflag:s31] =	ssyncadd.s32 $0xFFFFC000  }
0x218: {  	[spmem:s3] =	stream.indirect.scatter.add.f32 [tilespmem:s18], [sflag:$0x3], $0x80, s16, s17, $0xb8;
	[tilespmem:$0x1CC00] =	vst v63  }
0x219: {  	_ =	swait.ge [sflag:s8], $0x4000  }
0x21a: {  	[sflag:s8] =	ssyncset.done $0x0  }
0x21b: {  	[sflag:s8] =	ssyncadd.s32 $0xFFFFC000  }
0x21c: {  	[tilespmem:s18], [sflag:$0x1] =	stream.indirect.gather [hbm4b:s2+s17], $0x80, s12, s17, $0xb8;
	[tilespmem:$0x1CC00] =	vst v63  }
0x21d: {  	_ =	swait.ge [sflag:s10], $0x4000  }
0x21e: {  	[sflag:s10] =	ssyncset.done $0x0  }
0x21f: {  	s20 =	rddreg [dreg:$0xb];
	[sflag:s10] =	ssyncadd.s32 $0xFFFFC000  }
0x220: {  	[spmem:s3] =	stream.indirect.scatter.add.f32 [tilespmem:s25], [sflag:$0x4], $0x80, s20, s17, $0xb8;
	[tilespmem:$0x1CC00] =	vst v63  }
0x221: {  	_ =	swait.ge [sflag:s19], $0x4000  }
0x222: {  	[sflag:s19] =	ssyncset.done $0x0  }
0x223: {  	[sflag:s19] =	ssyncadd.s32 $0xFFFFC000  }
0x224: {  	[tilespmem:s25], [sflag:$0x2] =	stream.indirect.gather [hbm4b:s2+s17], $0x80, s13, s17, $0xb8;
	[tilespmem:$0x1CC00] =	vst v63  }
0x225: {  	_ =	swait.ge [sflag:s31], $0x4000  }
0x226: {  	[sflag:s31] =	ssyncset.done $0x0  }
0x227: {  	s21 =	rddreg [dreg:$0xc];
	[sflag:s31] =	ssyncadd.s32 $0xFFFFC000  }
0x228: {  	[spmem:s3] =	stream.indirect.scatter.add.f32 [tilespmem:s18], [sflag:$0x3], $0x80, s21, s17, $0xb8;
	[tilespmem:$0x1CC00] =	vst v63  }
0x229: {  	_ =	swait.ge [sflag:s8], $0x4000  }
0x22a: {  	[sflag:s8] =	ssyncset.done $0x0  }
0x22b: {  	[sflag:s8] =	ssyncadd.s32 $0xFFFFC000  }
0x22c: {  	[tilespmem:s18], [sflag:$0x1] =	stream.indirect.gather [hbm4b:s2+s17], $0x80, s14, s17, $0xb8;
	[tilespmem:$0x1CC00] =	vst v63  }
0x22d: {  	_ =	swait.ge [sflag:s10], $0x4000  }
0x22e: {  	[sflag:s10] =	ssyncset.done $0x0  }
0x22f: {  	s22 =	rddreg [dreg:$0xd];
	[sflag:s10] =	ssyncadd.s32 $0xFFFFC000  }
0x230: {  	[spmem:s3] =	stream.indirect.scatter.add.f32 [tilespmem:s25], [sflag:$0x4], $0x80, s22, s17, $0xb8;
	[tilespmem:$0x1CC00] =	vst v63  }
0x231: {  	_ =	swait.ge [sflag:s19], $0x4000  }
0x232: {  	[sflag:s19] =	ssyncset.done $0x0  }
0x233: {  	[sflag:s19] =	ssyncadd.s32 $0xFFFFC000  }
0x234: {  	[tilespmem:s25], [sflag:$0x2] =	stream.indirect.gather [hbm4b:s2+s17], $0x80, s15, s17, $0xb8;
	[tilespmem:$0x1CC00] =	vst v63  }
0x235: {  	_ =	swait.ge [sflag:s31], $0x4000  }
0x236: {  	[sflag:s31] =	ssyncset.done $0x0  }
0x237: {  	s23 =	rddreg [dreg:$0xe];
	[sflag:s31] =	ssyncadd.s32 $0xFFFFC000  }
0x238: {  	[spmem:s3] =	stream.indirect.scatter.add.f32 [tilespmem:s18], [sflag:$0x3], $0x80, s23, s17, $0xb8;
	[tilespmem:$0x1CC00] =	vst v63  }
0x239: {  	_ =	swait.ge [sflag:s8], $0x4000  }
0x23a: {  	[sflag:s8] =	ssyncset.done $0x0  }
0x23b: {  	[sflag:s8] =	ssyncadd.s32 $0xFFFFC000  }
0x23c: {  	[tilespmem:s18], [sflag:$0x1] =	stream.indirect.gather [hbm4b:s2+s17], $0x80, s5, s17, $0xb8;
	[tilespmem:$0x1CC00] =	vst v63  }
0x23d: {  	_ =	swait.ge [sflag:s10], $0x4000  }
0x23e: {  	[sflag:s10] =	ssyncset.done $0x0  }
0x23f: {  	s24 =	rddreg [dreg:$0xf];
	[sflag:s10] =	ssyncadd.s32 $0xFFFFC000  }
0x240: {  	[spmem:s3] =	stream.indirect.scatter.add.f32 [tilespmem:s25], [sflag:$0x4], $0x80, s24, s17, $0xb8;
	[tilespmem:$0x1CC00] =	vst v63  }
0x241: {  	_ =	swait.ge [sflag:s19], $0x4000  }
0x242: {  	[sflag:s19] =	ssyncset.done $0x0  }
0x243: {  	[sflag:s19] =	ssyncadd.s32 $0xFFFFC000  }
0x244: {  	[tilespmem:s25], [sflag:$0x2] =	stream.indirect.gather [hbm4b:s2+s17], $0x80, s6, s17, $0xb8;
	[tilespmem:$0x1CC00] =	vst v63  }
0x245: {  	_ =	swait.ge [sflag:s31], $0x4000  }
0x246: {  	[sflag:s31] =	ssyncset.done $0x0  }
0x247: {  	s26 =	rddreg [dreg:$0x10];
	[sflag:s31] =	ssyncadd.s32 $0xFFFFC000  }
0x248: {  	[spmem:s3] =	stream.indirect.scatter.add.f32 [tilespmem:s18], [sflag:$0x3], $0x80, s26, s17, $0xb8;
	[tilespmem:$0x1CC00] =	vst v63  }
0x249: {  	_ =	swait.ge [sflag:s10], $0x4000  }
0x24a: {  	[sflag:s10] =	ssyncset.done $0x0  }
0x24b: {  	s28 =	rddreg [dreg:$0x11];
	[sflag:s10] =	ssyncadd.s32 $0xFFFFC000  }
0x24c: {  	[spmem:s3] =	stream.indirect.scatter.add.f32 [tilespmem:s25], [sflag:$0x4], $0x80, s28, s17, $0xb8;
	[tilespmem:$0x1CC00] =	vst v63  }
0x24d: {  	_ =	swait.ge [sflag:s8], $0x4000  }
0x24e: {  	[sflag:s8] =	ssyncset.done $0x0  }
0x24f: {  	[sflag:s8] =	ssyncadd.s32 $0xFFFFC000  }
0x250: {  	_ =	swait.ge [sflag:s19], $0x4000  }
0x251: {  	[sflag:s19] =	ssyncset.done $0x0  }
0x252: {  	[sflag:s19] =	ssyncadd.s32 $0xFFFFC000  }
0x253: {  	[bflag:$0x0] =	sbarrier.arrive $0xFFFF  }
0x254: {  	s22 =	sld [smem:$0x7FD]  }
0x255: {  	s21 =	sld [smem:$0x7FC]  }
0x256: {  	s1 =	rddreg [dreg:$0x17]  }
0x257: {  	s0 =	sadd.s32 @p0 $0x25080, s1  }
0x258: {  	[hbm:s0], [sflag:s22] =	dma.local @p0 [spmem:s21], $0x2080  }
0x259: {  	s0 =	simm.s32 @p0 $0x7  }
0x25a: {  	_ =	swait.ge @p0 [sflag:s0], $0x2080  }
0x25b: {  	[sflag:s0] =	ssyncset.done @p0 $0x0;
	s21 =	rddreg [dreg:$0x15]  }
0x25c: {  	[sflag:s0] =	ssyncadd.s32 @p0 $0xFFFFDF80;
	s0 =	rddreg [dreg:$0x14]  }
0x25d: {  	s0 =	sadd.s32 @!p0 s0, s1;
	s1 =	sshrl.u32 @!p0 s21, $0x3  }
0x25e: {  	[hbm:s0], [sflag:s22] =	dma.local @!p0 [spmem:s1], $0x2780  }
0x25f: {  	s0 =	simm.s32 @!p0 $0x7  }
0x260: {  	_ =	swait.ge @!p0 [sflag:s0], $0x2780  }
0x261: {  	s29 =	sld [smem:$0x7FB];
	_ =	sdelay $0x2  }
0x262: {  	s30 =	rddreg [dreg:$0x18];
	s5 =	sadd.s32 $0x1, s29  }
0x263: {  	p1 =	sne.s32 s5, s30  }
.Ltmp1:
0x264: {  	_ = 	snop;
	(pc) =	sbr.rel @p1 .LBB2_1-.Ltmp1, $3  }
0x265: {  	_ =	sdelay $0x1  }
0x266: {  	[sflag:s0] =	ssyncset.done @!p0 $0x0  }
0x267: {  	[sflag:s0] =	ssyncadd.s32 @!p0 $0xFFFFD880  }
0x268: {  	_ =	sfence.sel $0x180000  }
0x269: {  	[bflag:$0x0] =	sbarrier.arrive $0xFFFF  }
0x26a: {  	_ =	strace $0x90000047  }
0x26b: {  	s0 =	stileid.u32;
	[bflag:$0x2] =	sbarrier.arrive $0xFFFF  }
0x26c: {  	p0 =	sne.s32 s0, $0x0;
	s0 =	rddreg [dreg:$0x3]  }
0x26d: {  	s0 =	sadd.s32 @!p0 $0x100000, s0  }
0x26e: {  	[sflag:s0] =	ssyncadd.tile.s32 @!p0 $0x1;
	_ =	shalt  }
.Lfunc_end2:
_tile_overlayer_lowered:
.L_overlay_start_2:
0x26f: {  	(tag) =	ssettag $0x2  }
0x270: {  	s0 =	rddreg [dreg:$0x0];
	s2 =	stileid.u32  }
0x271: {  	s1 =	rddreg [dreg:$0x1];
	p0 =	sne.s32 s2, $0x0  }
0x272: {  	s3 =	rddreg [dreg:$0x2];
	[bflag:$0x3] =	sbarrier.arrive $0xFFFF;
	s2 =	simm.s32 @!p0 $0x1C07  }
0x273: {  	[timem:s3], [sflag:s2] =	dma.local @!p0 [hbm:s0], s1  }
0x274: {  	s0 =	simm.s32 @!p0 $0x7  }
0x275: {  	_ =	swait.ge @!p0 [sflag:s0], s1  }
0x276: {  	s1 =	ssub.s32 @!p0 $0x0, s1;
	[sflag:s0] =	ssyncset.done @!p0 $0x0  }
0x277: {  	[sflag:s0] =	ssyncadd.s32 @!p0 s1  }
0x278: {  	[bflag:$0x3] =	sbarrier.arrive $0xFFFF  }
0x279: {  	_ =	shalt  }

</sc_bundles>
